<compile_context>
chip_gen: v7x
topology: tpu7x:2x2x1
jax: 0.10.2.dev20260603
libtpu: 0.0.44.dev20260713+nightly
codegen_flags: <defaults>
</compile_context>

<pallas_src>
import functools

import jax
import jax.numpy as jnp
from jax import lax
from jax.experimental import pallas as pl
from jax.experimental.pallas import tpu as pltpu
from jax.experimental.pallas import tpu_sc as plsc

N = 100000
E = 1600000
F_IN = 128
NHID = 32
NH = 16
NGRAPH = 128
NCLASS = 10
EPS = 1e-5

NTILES = 16
CHUNK = 128
CPB = 8
E_PAD = 1638400
EPT = E_PAD // NTILES
BLKS = EPT // (CHUNK * CPB)
ACC_ROWS = 100352
ZBLK = 128
ZPT = ACC_ROWS // NTILES // ZBLK
WBR = 6272
WBR_LAST = N - 15 * WBR

TILE = 2000
GRID = N // TILE


def _f32(*shape):
    return jax.ShapeDtypeStruct(shape, jnp.float32)


def _sc_segment_sum(h2, src_flat, dst2d):
    mesh = plsc.VectorSubcoreMesh(core_axis_name="c", subcore_axis_name="s")

    @functools.partial(
        pl.kernel,
        out_type=_f32(2 * N, NH),
        mesh=mesh,
        scratch_types=[
            pltpu.VMEM((CPB * CHUNK,), jnp.int32),
            pltpu.VMEM((CPB, CHUNK), jnp.int32),
            pltpu.VMEM((CPB, CHUNK, NH), jnp.float32),
            pltpu.VMEM((ZBLK, NH), jnp.float32),
            pltpu.VMEM_SHARED((ACC_ROWS, NH), jnp.float32),
            pltpu.SemaphoreType.DMA,
        ],
        compiler_params=pltpu.CompilerParams(use_tc_tiling_on_sc=False),
    )
    def k(h2_hbm, src_hbm, dst_hbm, out_hbm, sidx, didx, rows, zrow, acc, sem):
        c = lax.axis_index("c")
        s = lax.axis_index("s")
        off = (c * N).astype(jnp.int32)

        def zrow_body(i, _):
            zrow[i] = jnp.zeros((NH,), jnp.float32)
            return _

        lax.fori_loop(0, ZBLK, zrow_body, None)

        def zacc_body(i, _):
            pltpu.sync_copy(zrow, acc.at[pl.ds((s * ZPT + i) * ZBLK, ZBLK)])
            return _

        lax.fori_loop(0, ZPT, zacc_body, None)
        plsc.subcore_barrier()

        def blk_body(b, _):
            e0 = s * EPT + b * (CPB * CHUNK)
            pltpu.sync_copy(src_hbm.at[pl.ds(e0, CPB * CHUNK)], sidx)
            pltpu.sync_copy(
                dst_hbm.at[pl.ds(s * (EPT // CHUNK) + b * CPB, CPB)], didx)

            def add_body(i, _):
                sl = pl.ds(i * 16, 16)
                sidx[sl] = sidx[sl] + off
                return _

            lax.fori_loop(0, (CPB * CHUNK) // 16, add_body, None)
            copies = [
                pltpu.async_copy(
                    h2_hbm.at[sidx.at[pl.ds(j * CHUNK, CHUNK)]],
                    rows.at[j], sem)
                for j in range(CPB)
            ]
            for cp in copies:
                cp.wait()
            for j in range(CPB):
                pltpu.sync_copy(rows.at[j], acc.at[didx.at[j]], add=True)
            return _

        lax.fori_loop(0, BLKS, blk_body, None)
        plsc.subcore_barrier()

        @pl.when(s < NTILES - 1)
        def _():
            pltpu.sync_copy(acc.at[pl.ds(s * WBR, WBR)],
                            out_hbm.at[pl.ds(c * N + s * WBR, WBR)])

        @pl.when(s == NTILES - 1)
        def _():
            pltpu.sync_copy(acc.at[pl.ds(15 * WBR, WBR_LAST)],
                            out_hbm.at[pl.ds(c * N + 15 * WBR, WBR_LAST)])

        def rdback_body(i, _):
            pltpu.sync_copy(
                out_hbm.at[pl.ds(c * N + s * WBR + i * ZBLK, ZBLK)], zrow)
            return _

        @pl.when(s < NTILES - 1)
        def _():
            lax.fori_loop(0, WBR // ZBLK, rdback_body, None)

        @pl.when(s == NTILES - 1)
        def _():
            lax.fori_loop(0, WBR_LAST // ZBLK, rdback_body, None)
            pltpu.sync_copy(
                out_hbm.at[pl.ds(c * N + 15 * WBR
                                 + (WBR_LAST // ZBLK) * ZBLK,
                                 WBR_LAST % ZBLK)],
                zrow.at[pl.ds(0, WBR_LAST % ZBLK)])

    return k(h2, src_flat, dst2d)


def _stats_update(t, sacc_ref, qacc_ref):
    @pl.when(pl.program_id(0) == 0)
    def _():
        sacc_ref[...] = jnp.zeros_like(sacc_ref)
        qacc_ref[...] = jnp.zeros_like(qacc_ref)

    ps = jnp.sum(t, axis=0, keepdims=True)
    pq = jnp.sum(t * t, axis=0, keepdims=True)
    sacc_ref[...] += jnp.broadcast_to(ps, sacc_ref.shape)
    qacc_ref[...] += jnp.broadcast_to(pq, qacc_ref.shape)


def _affine(sa, qa, g, b, n):
    mean = sa[0] / n
    var = qa[0] / n - mean * mean
    s = g / jnp.sqrt(var + EPS)
    return s.reshape(1, -1), (b - mean * s).reshape(1, -1)


def _pre_body(x_ref, w_ref, b_ref, out_ref, sacc_ref, qacc_ref):
    t = jnp.dot(x_ref[...], w_ref[...],
                preferred_element_type=jnp.float32) + b_ref[...]
    out_ref[...] = t
    _stats_update(t, sacc_ref, qacc_ref)


def _pre(x, w, b):
    return pl.pallas_call(
        _pre_body,
        grid=(GRID,),
        in_specs=[pl.BlockSpec((TILE, F_IN), lambda i: (i, 0)),
                  pl.BlockSpec((F_IN, NHID), lambda i: (0, 0)),
                  pl.BlockSpec((1, NHID), lambda i: (0, 0))],
        out_specs=[pl.BlockSpec((TILE, NHID), lambda i: (i, 0)),
                   pl.BlockSpec((8, NHID), lambda i: (0, 0)),
                   pl.BlockSpec((8, NHID), lambda i: (0, 0))],
        out_shape=[_f32(N, NHID), _f32(8, NHID), _f32(8, NHID)],
    )(x, w, b.reshape(1, NHID))


def _norm_body(raw_ref, sc_ref, sh_ref, out_ref):
    h = jnp.maximum(raw_ref[...] * sc_ref[...] + sh_ref[...], 0.0)
    out_ref[...] = jnp.stack([h[:, :NH], h[:, NH:]])


def _norm_split(raw, scale, shift):
    return pl.pallas_call(
        _norm_body,
        grid=(GRID,),
        in_specs=[pl.BlockSpec((TILE, NHID), lambda i: (i, 0)),
                  pl.BlockSpec((1, NHID), lambda i: (0, 0)),
                  pl.BlockSpec((1, NHID), lambda i: (0, 0))],
        out_specs=pl.BlockSpec((2, TILE, NH), lambda i: (0, i, 0)),
        out_shape=_f32(2, N, NH),
    )(raw, scale, shift)


def _gin0_body(ha, hb, aa, ab, w1, b1, w2, b2, out_ref, sacc, qacc):
    za = ha[0] + aa[0]
    zb = hb[0] + ab[0]
    t = (jnp.dot(za, w1[:NH], preferred_element_type=jnp.float32)
         + jnp.dot(zb, w1[NH:], preferred_element_type=jnp.float32)
         + b1[...])
    t = jnp.maximum(t, 0.0)
    u = jnp.dot(t, w2[...], preferred_element_type=jnp.float32) + b2[...]
    out_ref[...] = u
    _stats_update(u, sacc, qacc)


def _mm1_body(ha, hb, aa, ab, w1, b1, out_ref, sacc, qacc):
    za = ha[0] + aa[0]
    zb = hb[0] + ab[0]
    t = (jnp.dot(za, w1[:NH], preferred_element_type=jnp.float32)
         + jnp.dot(zb, w1[NH:], preferred_element_type=jnp.float32)
         + b1[...])
    out_ref[...] = t
    _stats_update(t, sacc, qacc)


def _split_specs():
    return [pl.BlockSpec((1, TILE, NH), lambda i: (0, i, 0)),
            pl.BlockSpec((1, TILE, NH), lambda i: (1, i, 0)),
            pl.BlockSpec((1, TILE, NH), lambda i: (0, i, 0)),
            pl.BlockSpec((1, TILE, NH), lambda i: (1, i, 0))]


def _gin0(h3, a3, w1, b1, w2, b2):
    return pl.pallas_call(
        _gin0_body,
        grid=(GRID,),
        in_specs=_split_specs() + [
            pl.BlockSpec((NHID, NHID), lambda i: (0, 0)),
            pl.BlockSpec((1, NHID), lambda i: (0, 0)),
            pl.BlockSpec((NHID, NHID), lambda i: (0, 0)),
            pl.BlockSpec((1, NHID), lambda i: (0, 0))],
        out_specs=[pl.BlockSpec((TILE, NHID), lambda i: (i, 0)),
                   pl.BlockSpec((8, NHID), lambda i: (0, 0)),
                   pl.BlockSpec((8, NHID), lambda i: (0, 0))],
        out_shape=[_f32(N, NHID), _f32(8, NHID), _f32(8, NHID)],
    )(h3, h3, a3, a3, w1, b1.reshape(1, NHID), w2, b2.reshape(1, NHID))


def _mm1(h3, a3, w1, b1):
    return pl.pallas_call(
        _mm1_body,
        grid=(GRID,),
        in_specs=_split_specs() + [
            pl.BlockSpec((NHID, NHID), lambda i: (0, 0)),
            pl.BlockSpec((1, NHID), lambda i: (0, 0))],
        out_specs=[pl.BlockSpec((TILE, NHID), lambda i: (i, 0)),
                   pl.BlockSpec((8, NHID), lambda i: (0, 0)),
                   pl.BlockSpec((8, NHID), lambda i: (0, 0))],
        out_shape=[_f32(N, NHID), _f32(8, NHID), _f32(8, NHID)],
    )(h3, h3, a3, a3, w1, b1.reshape(1, NHID))


def _mm2_body(t_ref, sc_ref, sh_ref, w2, b2, out_ref, sacc, qacc):
    t = jnp.maximum(t_ref[...] * sc_ref[...] + sh_ref[...], 0.0)
    u = jnp.dot(t, w2[...], preferred_element_type=jnp.float32) + b2[...]
    out_ref[...] = u
    _stats_update(u, sacc, qacc)


def _mm2(t_raw, scale, shift, w2, b2):
    return pl.pallas_call(
        _mm2_body,
        grid=(GRID,),
        in_specs=[pl.BlockSpec((TILE, NHID), lambda i: (i, 0)),
                  pl.BlockSpec((1, NHID), lambda i: (0, 0)),
                  pl.BlockSpec((1, NHID), lambda i: (0, 0)),
                  pl.BlockSpec((NHID, NHID), lambda i: (0, 0)),
                  pl.BlockSpec((1, NHID), lambda i: (0, 0))],
        out_specs=[pl.BlockSpec((TILE, NHID), lambda i: (i, 0)),
                   pl.BlockSpec((8, NHID), lambda i: (0, 0)),
                   pl.BlockSpec((8, NHID), lambda i: (0, 0))],
        out_shape=[_f32(N, NHID), _f32(8, NHID), _f32(8, NHID)],
    )(t_raw, scale, shift, w2, b2.reshape(1, NHID))


def _pool_body(ha, hb, bt, ga_ref, gb_ref):
    oh = (bt[...] == lax.broadcasted_iota(
        jnp.int32, (TILE, NGRAPH), 1)).astype(jnp.float32)
    dn = (((0,), (0,)), ((), ()))
    pa = lax.dot_general(oh, ha[0], dn, preferred_element_type=jnp.float32)
    pb = lax.dot_general(oh, hb[0], dn, preferred_element_type=jnp.float32)

    @pl.when(pl.program_id(0) == 0)
    def _():
        ga_ref[...] = jnp.zeros_like(ga_ref)
        gb_ref[...] = jnp.zeros_like(gb_ref)

    ga_ref[...] += pa
    gb_ref[...] += pb


def _pool(h3, batch2):
    return pl.pallas_call(
        _pool_body,
        grid=(GRID,),
        in_specs=[pl.BlockSpec((1, TILE, NH), lambda i: (0, i, 0)),
                  pl.BlockSpec((1, TILE, NH), lambda i: (1, i, 0)),
                  pl.BlockSpec((TILE, 1), lambda i: (i, 0))],
        out_specs=[pl.BlockSpec((NGRAPH, NH), lambda i: (0, 0)),
                   pl.BlockSpec((NGRAPH, NH), lambda i: (0, 0))],
        out_shape=[_f32(NGRAPH, NH), _f32(NGRAPH, NH)],
    )(h3, h3, batch2)


def _head_body(ga, gb, pw, pb, bg, bb, rw, rb, out_ref):
    p = (jnp.dot(ga[...], pw[:NH], preferred_element_type=jnp.float32)
         + jnp.dot(gb[...], pw[NH:], preferred_element_type=jnp.float32)
         + pb[...])
    m = jnp.mean(p, axis=0, keepdims=True)
    v = jnp.mean(p * p, axis=0, keepdims=True) - m * m
    p = bg[...] * (p - m) / jnp.sqrt(v + EPS) + bb[...]
    p = jnp.maximum(p, 0.0)
    out_ref[...] = jnp.dot(p, rw[...],
                           preferred_element_type=jnp.float32) + rb[...]


def _head(ga, gb, pw, pb, bg, bb, rw, rb):
    return pl.pallas_call(
        _head_body,
        out_shape=_f32(NGRAPH, NCLASS),
    )(ga, gb, pw, pb.reshape(1, NHID), bg.reshape(1, NHID),
      bb.reshape(1, NHID), rw, rb.reshape(1, NCLASS))


def kernel(x, edge_index, batch, params):
    src = edge_index[0]
    dst = edge_index[1]
    pad = E_PAD - E
    src_flat = jnp.concatenate([src, jnp.zeros((pad,), jnp.int32)])
    dst2d = jnp.concatenate(
        [dst, jnp.full((pad,), N, jnp.int32)]).reshape(E_PAD // CHUNK, CHUNK)
    batch2 = batch.reshape(N, 1)

    raw, sa, qa = _pre(x, params['pre_W'], params['pre_b'])
    scale, shift = _affine(sa, qa, params['bn_pre_g'], params['bn_pre_b'], N)
    h3 = _norm_split(raw, scale, shift)

    for i in range(4):
        p = params['convs'][i]
        agg2 = _sc_segment_sum(h3.reshape(2 * N, NH), src_flat, dst2d)
        a3 = jnp.stack([agg2[:N], agg2[N:]])
        if i == 0:
            u, sa, qa = _gin0(h3, a3, p['W1'], p['b1'], p['W2'], p['b2'])
        else:
            t_raw, sa, qa = _mm1(h3, a3, p['W1'], p['b1'])
            s1, t1 = _affine(sa, qa, p['bn_g'], p['bn_b'], N)
            u, sa, qa = _mm2(t_raw, s1, t1, p['W2'], p['b2'])
        s2, t2 = _affine(sa, qa, params['bn_convs_g'][i],
                         params['bn_convs_b'][i], N)
        h3 = _norm_split(u, s2, t2)

    ga, gb = _pool(h3, batch2)
    return _head(ga, gb, params['post_W'], params['post_b'],
                 params['bn_post_g'], params['bn_post_b'],
                 params['ro_W'], params['ro_b'])

# --- scband reference (transcript-rebuilt; emitter-appended) ---
"""Pipeline reference for scband-gin-small-49160195670360 (READ-ONLY COPY).

The authoritative reference and input builder live on the scoring server;
editing this copy changes nothing except your own understanding.
"""

import jax, jax.numpy as jnp
import numpy as np

N = 100000
E = 1600000
F_IN = 128
NHID = 32
NCLASS = 10
NGRAPH = 128

def _bn(x, g, b, eps=1e-5):
    m = jnp.mean(x, axis=0)
    v = jnp.var(x, axis=0)
    return g * (x - m) / jnp.sqrt(v + eps) + b

def _init_params():
    keys = jax.random.split(jax.random.key(1), 16)
    ki = iter(keys)
    def lin(i, o):
        return jax.random.normal(next(ki), (i, o), dtype=jnp.float32) * 0.05
    params = {
        'pre_W': lin(F_IN, NHID), 'pre_b': jnp.zeros(NHID, jnp.float32),
        'bn_pre_g': jnp.ones(NHID, jnp.float32), 'bn_pre_b': jnp.zeros(NHID, jnp.float32),
        'bn_convs_g': [jnp.ones(NHID, jnp.float32) for _ in range(4)],
        'bn_convs_b': [jnp.zeros(NHID, jnp.float32) for _ in range(4)],
        'post_W': lin(NHID, NHID), 'post_b': jnp.zeros(NHID, jnp.float32),
        'bn_post_g': jnp.ones(NHID, jnp.float32), 'bn_post_b': jnp.zeros(NHID, jnp.float32),
        'ro_W': lin(NHID, NCLASS), 'ro_b': jnp.zeros(NCLASS, jnp.float32),
    }
    convs = []
    convs.append({'W1': lin(NHID, NHID), 'b1': jnp.zeros(NHID, jnp.float32),
                  'W2': lin(NHID, NHID), 'b2': jnp.zeros(NHID, jnp.float32)})
    for _ in range(3):
        convs.append({'W1': lin(NHID, NHID), 'b1': jnp.zeros(NHID, jnp.float32),
                      'bn_g': jnp.ones(NHID, jnp.float32), 'bn_b': jnp.zeros(NHID, jnp.float32),
                      'W2': lin(NHID, NHID), 'b2': jnp.zeros(NHID, jnp.float32)})
    params['convs'] = convs
    return params

def setup_inputs(seed: int = 0):
    key = jax.random.key(seed)
    k1, k2, k3 = jax.random.split(key, 3)
    x = jax.random.normal(k1, (N, F_IN), dtype=jnp.float32)
    edge_index = jax.random.randint(k2, (2, E), 0, N, dtype=jnp.int32)
    batch = jnp.sort(jax.random.randint(k3, (N,), 0, NGRAPH, dtype=jnp.int32))
    return {'x': x, 'edge_index': edge_index, 'batch': batch, 'params': _init_params()}

def reference(x, edge_index, batch, params):
    src = edge_index[0]
    dst = edge_index[1]
    # pre MLP + BN + relu (BN in training mode: batch statistics; dropout is identity in eval)
    h = x @ params['pre_W'] + params['pre_b']
    h = _bn(h, params['bn_pre_g'], params['bn_pre_b'])
    h = jax.nn.relu(h)
    for i in range(4):
        p = params['convs'][i]
        # GINConv: nn((1+eps)*x + sum_{j->i} x_j), eps=0
        agg = jax.ops.segment_sum(h[src], dst, num_segments=N)
        z = h + agg
        z = z @ p['W1'] + p['b1']
        if 'bn_g' in p:
            z = _bn(z, p['bn_g'], p['bn_b'])
        z = jax.nn.relu(z)
        z = z @ p['W2'] + p['b2']
        h = _bn(z, params['bn_convs_g'][i], params['bn_convs_b'][i])
        h = jax.nn.relu(h)
    # global add pool over graphs
    g = jax.ops.segment_sum(h, batch, num_segments=NGRAPH)
    g = g @ params['post_W'] + params['post_b']
    g = _bn(g, params['bn_post_g'], params['bn_post_b'])
    g = jax.nn.relu(g)
    out = g @ params['ro_W'] + params['ro_b']
    return out

if __name__ == "__main__":
    import jax
    _d = setup_inputs()
    print(jax.jit(kernel)(*tuple(_d.values())))

</pallas_src>

<mosaic_0001>
#map = affine_map<(d0, d1) -> (0, 0)>
#map1 = affine_map<(d0, d1) -> (0)>
module attributes {stable_mosaic.version = 14 : i64} {
  func.func @k(%arg0: i32, %arg1: i32, %arg2: memref<200000x16xf32, #tpu.memory_space<hbm>>, %arg3: memref<1638400xi32, #tpu.memory_space<hbm>>, %arg4: memref<12800x128xi32, #tpu.memory_space<hbm>>, %arg5: memref<200000x16xf32, #tpu.memory_space<hbm>>, %arg6: memref<1024xi32, #tpu.memory_space<vmem>>, %arg7: memref<8x128xi32, #tpu.memory_space<vmem>>, %arg8: memref<8x128x16xf32, #tpu.memory_space<vmem>>, %arg9: memref<128x16xf32, #tpu.memory_space<vmem>>, %arg10: memref<100352x16xf32, #tpu.memory_space<vmem_shared>>, %arg11: memref<!tpu.dma_semaphore, #tpu.memory_space<semaphore_mem>>) attributes {dimension_semantics = [#tpu.dimension_semantics<core_parallel>, #tpu.dimension_semantics<subcore_parallel>], iteration_bounds = array<i64: 2, 16>, scalar_prefetch = 0 : i64, scratch_operands = 6 : i64, tpu.core_type = #tpu.core_type<sc_vector_subcore>, window_params = [{transform_indices = #map}, {transform_indices = #map1}, {transform_indices = #map}, {transform_indices = #map}]} {
    %mul3A = arith.constant 100000 : i32
    %mul3A_0 = arith.muli %arg0, %mul3A : i32
    %scan3A = arith.constant 0 : i32
    %scan3A_1 = arith.constant 128 : i32
    %scan3A_2 = arith.addi %scan3A, %scan3A_1 : i32
    %scan3A_3 = arith.constant 1 : i32
    scf.for %scan3A_32 = %scan3A to %scan3A_2 step %scan3A_3  : i32 {
      %broadcast_in_dim3A = arith.constant 0.000000e+00 : f32
      %broadcast_in_dim3A_33 = vector.broadcast %broadcast_in_dim3A : f32 to vector<16xf32>
      %swap3A = arith.index_cast %scan3A_32 : i32 to index
      %swap3A_34 = arith.constant 0 : index
      %swap3A_35 = tpu.vector_load %arg9[%swap3A, %swap3A_34] {strides = array<i32>} : memref<128x16xf32, #tpu.memory_space<vmem>>, vector<1x16xf32>,
      %swap3A_36 = vector.shape_cast %swap3A_35 : vector<1x16xf32> to vector<16xf32>
      %swap3A_37 = vector.shape_cast %broadcast_in_dim3A_33 : vector<16xf32> to vector<1x16xf32>
      tpu.vector_store %arg9[%swap3A, %swap3A_34], %swap3A_37 {strides = array<i32>} : memref<128x16xf32, #tpu.memory_space<vmem>>, vector<1x16xf32>,
    }
    %scan3A_4 = arith.constant 128 : i32
    %scan3A_5 = arith.constant 0 : i32
    %scan3A_6 = arith.constant 49 : i32
    %scan3A_7 = arith.addi %scan3A_5, %scan3A_6 : i32
    %scan3A_8 = arith.constant 1 : i32
    scf.for %scan3A_32 = %scan3A_5 to %scan3A_7 step %scan3A_8  : i32 {
      %mul3A_33 = arith.constant 49 : i32
      %mul3A_34 = arith.muli %arg1, %mul3A_33 : i32
      %add3A = arith.addi %mul3A_34, %scan3A_32 : i32
      %mul3A_35 = arith.constant 128 : i32
      %mul3A_36 = arith.muli %add3A, %mul3A_35 : i32
      "tpu.region"() ({
        %run_scoped3A = tpu.sem_alloc : memref<!tpu.dma_semaphore, #tpu.memory_space<semaphore_mem>>
        %dma_start3A = arith.constant 0 : i32
        %dma_start3A_37 = tpu.memref_slice %arg10[%mul3A_36, %dma_start3A] : memref<100352x16xf32, #tpu.memory_space<vmem_shared>> -> memref<128x16xf32, #tpu.memory_space<vmem_shared>>
        %dma_start3A_38 = arith.constant 0 : i32
        %dma_start3A_39 = tpu.memref_slice %arg10[%mul3A_36, %dma_start3A_38] : memref<100352x16xf32, #tpu.memory_space<vmem_shared>> -> memref<128x16xf32, #tpu.memory_space<vmem_shared>>
        tpu.enqueue_dma source(%arg9 : memref<128x16xf32, #tpu.memory_space<vmem>>) target(%dma_start3A_39 : memref<128x16xf32, #tpu.memory_space<vmem_shared>>) target_semaphore(%run_scoped3A : memref<!tpu.dma_semaphore, #tpu.memory_space<semaphore_mem>>)
        %dma_wait3A = arith.constant 0 : i32
        %dma_wait3A_40 = tpu.memref_slice %arg10[%mul3A_36, %dma_wait3A] : memref<100352x16xf32, #tpu.memory_space<vmem_shared>> -> memref<128x16xf32, #tpu.memory_space<vmem_shared>>
        %dma_wait3A_41 = arith.constant 0 : i32
        %dma_wait3A_42 = tpu.memref_slice %arg10[%mul3A_36, %dma_wait3A_41] : memref<100352x16xf32, #tpu.memory_space<vmem_shared>> -> memref<128x16xf32, #tpu.memory_space<vmem_shared>>
        tpu.wait_dma2 semaphore(%run_scoped3A : memref<!tpu.dma_semaphore, #tpu.memory_space<semaphore_mem>>) src(%arg9 : memref<128x16xf32, #tpu.memory_space<vmem>>) dst(%dma_wait3A_42 : memref<128x16xf32, #tpu.memory_space<vmem_shared>>)
        tpu.yield
      }) : () -> ()
    }
    %scan3A_9 = arith.constant 49 : i32
    %barrier3A = arith.constant 0 : index
    tpu.barrier barrier_id(%barrier3A)
    %scan3A_10 = arith.constant 0 : i32
    %scan3A_11 = arith.constant 100 : i32
    %scan3A_12 = arith.addi %scan3A_10, %scan3A_11 : i32
    %scan3A_13 = arith.constant 1 : i32
    scf.for %scan3A_32 = %scan3A_10 to %scan3A_12 step %scan3A_13  : i32 {
      %mul3A_33 = arith.constant 102400 : i32
      %mul3A_34 = arith.muli %arg1, %mul3A_33 : i32
      %mul3A_35 = arith.constant 1024 : i32
      %mul3A_36 = arith.muli %scan3A_32, %mul3A_35 : i32
      %add3A = arith.addi %mul3A_34, %mul3A_36 : i32
      "tpu.region"() ({
        %run_scoped3A_220 = tpu.sem_alloc : memref<!tpu.dma_semaphore, #tpu.memory_space<semaphore_mem>>
        %dma_start3A_221 = tpu.memref_slice %arg3[%add3A] : memref<1638400xi32, #tpu.memory_space<hbm>> -> memref<1024xi32, #tpu.memory_space<hbm>>
        %dma_start3A_222 = tpu.memref_slice %arg3[%add3A] : memref<1638400xi32, #tpu.memory_space<hbm>> -> memref<1024xi32, #tpu.memory_space<hbm>>
        tpu.enqueue_dma source(%dma_start3A_222 : memref<1024xi32, #tpu.memory_space<hbm>>) target(%arg6 : memref<1024xi32, #tpu.memory_space<vmem>>) target_semaphore(%run_scoped3A_220 : memref<!tpu.dma_semaphore, #tpu.memory_space<semaphore_mem>>)
        %dma_wait3A_223 = tpu.memref_slice %arg3[%add3A] : memref<1638400xi32, #tpu.memory_space<hbm>> -> memref<1024xi32, #tpu.memory_space<hbm>>
        %dma_wait3A_224 = tpu.memref_slice %arg3[%add3A] : memref<1638400xi32, #tpu.memory_space<hbm>> -> memref<1024xi32, #tpu.memory_space<hbm>>
        tpu.wait_dma2 semaphore(%run_scoped3A_220 : memref<!tpu.dma_semaphore, #tpu.memory_space<semaphore_mem>>) src(%dma_wait3A_224 : memref<1024xi32, #tpu.memory_space<hbm>>) dst(%arg6 : memref<1024xi32, #tpu.memory_space<vmem>>)
        tpu.yield
      }) : () -> ()
      %mul3A_37 = arith.constant 800 : i32
      %mul3A_38 = arith.muli %arg1, %mul3A_37 : i32
      %mul3A_39 = arith.constant 8 : i32
      %mul3A_40 = arith.muli %scan3A_32, %mul3A_39 : i32
      %add3A_41 = arith.addi %mul3A_38, %mul3A_40 : i32
      "tpu.region"() ({
        %run_scoped3A_220 = tpu.sem_alloc : memref<!tpu.dma_semaphore, #tpu.memory_space<semaphore_mem>>
        %dma_start3A_221 = arith.constant 0 : i32
        %dma_start3A_222 = tpu.memref_slice %arg4[%add3A_41, %dma_start3A_221] : memref<12800x128xi32, #tpu.memory_space<hbm>> -> memref<8x128xi32, #tpu.memory_space<hbm>>
        %dma_start3A_223 = arith.constant 0 : i32
        %dma_start3A_224 = tpu.memref_slice %arg4[%add3A_41, %dma_start3A_223] : memref<12800x128xi32, #tpu.memory_space<hbm>> -> memref<8x128xi32, #tpu.memory_space<hbm>>
        tpu.enqueue_dma source(%dma_start3A_224 : memref<8x128xi32, #tpu.memory_space<hbm>>) target(%arg7 : memref<8x128xi32, #tpu.memory_space<vmem>>) target_semaphore(%run_scoped3A_220 : memref<!tpu.dma_semaphore, #tpu.memory_space<semaphore_mem>>)
        %dma_wait3A_225 = arith.constant 0 : i32
        %dma_wait3A_226 = tpu.memref_slice %arg4[%add3A_41, %dma_wait3A_225] : memref<12800x128xi32, #tpu.memory_space<hbm>> -> memref<8x128xi32, #tpu.memory_space<hbm>>
        %dma_wait3A_227 = arith.constant 0 : i32
        %dma_wait3A_228 = tpu.memref_slice %arg4[%add3A_41, %dma_wait3A_227] : memref<12800x128xi32, #tpu.memory_space<hbm>> -> memref<8x128xi32, #tpu.memory_space<hbm>>
        tpu.wait_dma2 semaphore(%run_scoped3A_220 : memref<!tpu.dma_semaphore, #tpu.memory_space<semaphore_mem>>) src(%dma_wait3A_228 : memref<8x128xi32, #tpu.memory_space<hbm>>) dst(%arg7 : memref<8x128xi32, #tpu.memory_space<vmem>>)
        tpu.yield
      }) : () -> ()
      %scan3A_42 = arith.constant 0 : i32
      %scan3A_43 = arith.constant 64 : i32
      %scan3A_44 = arith.addi %scan3A_42, %scan3A_43 : i32
      %scan3A_45 = arith.constant 1 : i32
      scf.for %scan3A_220 = %scan3A_42 to %scan3A_44 step %scan3A_45  : i32 {
        %mul3A_221 = arith.constant 16 : i32
        %mul3A_222 = arith.muli %scan3A_220, %mul3A_221 : i32
        %get3A = arith.index_cast %mul3A_222 : i32 to index
        %get3A_223 = tpu.vector_load %arg6[%get3A] {strides = array<i32>} : memref<1024xi32, #tpu.memory_space<vmem>>, vector<16xi32>,
        %get3A_224 = vector.shape_cast %get3A_223 : vector<16xi32> to vector<16xi32>
        %add3A_225 = vector.broadcast %mul3A_0 : i32 to vector<16xi32>
        %add3A_226 = arith.addi %get3A_224, %add3A_225 : vector<16xi32>
        %swap3A = arith.index_cast %mul3A_222 : i32 to index
        %swap3A_227 = tpu.vector_load %arg6[%swap3A] {strides = array<i32>} : memref<1024xi32, #tpu.memory_space<vmem>>, vector<16xi32>,
        %swap3A_228 = vector.shape_cast %swap3A_227 : vector<16xi32> to vector<16xi32>
        %swap3A_229 = vector.shape_cast %add3A_226 : vector<16xi32> to vector<16xi32>
        tpu.vector_store %arg6[%swap3A], %swap3A_229 {strides = array<i32>} : memref<1024xi32, #tpu.memory_space<vmem>>, vector<16xi32>,
      }
      %scan3A_46 = arith.constant 64 : i32
      %dma_start3A = arith.constant 0 : i32
      %dma_start3A_47 = arith.constant 0 : i32
      %dma_start3A_48 = arith.constant 0 : i32
      %dma_start3A_49 = tpu.memref_slice %arg8[%dma_start3A, %dma_start3A_47, %dma_start3A_48] : memref<8x128x16xf32, #tpu.memory_space<vmem>> -> memref<1x128x16xf32, #tpu.memory_space<vmem>>
      %dma_start3A_50 = tpu.memref_squeeze %dma_start3A_49 : memref<1x128x16xf32, #tpu.memory_space<vmem>> -> memref<128x16xf32, #tpu.memory_space<vmem>>
      %dma_start3A_51 = arith.constant 0 : i32
      %dma_start3A_52 = tpu.memref_slice %arg6[%dma_start3A_51] : memref<1024xi32, #tpu.memory_space<vmem>> -> memref<128xi32, #tpu.memory_space<vmem>>
      %dma_start3A_53 = arith.constant 0 : i32
      %dma_start3A_54 = arith.constant 0 : i32
      %dma_start3A_55 = tpu.memref_slice %arg2[%dma_start3A_53, %dma_start3A_54] : memref<200000x16xf32, #tpu.memory_space<hbm>> -> memref<200000x16xf32, #tpu.memory_space<hbm>>
      tpu.enqueue_indirect_dma source(%dma_start3A_55 : memref<200000x16xf32, #tpu.memory_space<hbm>>) target(%dma_start3A_50 : memref<128x16xf32, #tpu.memory_space<vmem>>) offsets(%dma_start3A_52 : memref<128xi32, #tpu.memory_space<vmem>>) semaphore(%arg11 : memref<!tpu.dma_semaphore, #tpu.memory_space<semaphore_mem>>)
      %dma_start3A_56 = arith.constant 1 : i32
      %dma_start3A_57 = arith.constant 0 : i32
      %dma_start3A_58 = arith.constant 0 : i32
      %dma_start3A_59 = tpu.memref_slice %arg8[%dma_start3A_56, %dma_start3A_57, %dma_start3A_58] : memref<8x128x16xf32, #tpu.memory_space<vmem>> -> memref<1x128x16xf32, #tpu.memory_space<vmem>>
      %dma_start3A_60 = tpu.memref_squeeze %dma_start3A_59 : memref<1x128x16xf32, #tpu.memory_space<vmem>> -> memref<128x16xf32, #tpu.memory_space<vmem>>
      %dma_start3A_61 = arith.constant 128 : i32
      %dma_start3A_62 = tpu.memref_slice %arg6[%dma_start3A_61] : memref<1024xi32, #tpu.memory_space<vmem>> -> memref<128xi32, #tpu.memory_space<vmem>>
      %dma_start3A_63 = arith.constant 0 : i32
      %dma_start3A_64 = arith.constant 0 : i32
      %dma_start3A_65 = tpu.memref_slice %arg2[%dma_start3A_63, %dma_start3A_64] : memref<200000x16xf32, #tpu.memory_space<hbm>> -> memref<200000x16xf32, #tpu.memory_space<hbm>>
      tpu.enqueue_indirect_dma source(%dma_start3A_65 : memref<200000x16xf32, #tpu.memory_space<hbm>>) target(%dma_start3A_60 : memref<128x16xf32, #tpu.memory_space<vmem>>) offsets(%dma_start3A_62 : memref<128xi32, #tpu.memory_space<vmem>>) semaphore(%arg11 : memref<!tpu.dma_semaphore, #tpu.memory_space<semaphore_mem>>)
      %dma_start3A_66 = arith.constant 2 : i32
      %dma_start3A_67 = arith.constant 0 : i32
      %dma_start3A_68 = arith.constant 0 : i32
      %dma_start3A_69 = tpu.memref_slice %arg8[%dma_start3A_66, %dma_start3A_67, %dma_start3A_68] : memref<8x128x16xf32, #tpu.memory_space<vmem>> -> memref<1x128x16xf32, #tpu.memory_space<vmem>>
      %dma_start3A_70 = tpu.memref_squeeze %dma_start3A_69 : memref<1x128x16xf32, #tpu.memory_space<vmem>> -> memref<128x16xf32, #tpu.memory_space<vmem>>
      %dma_start3A_71 = arith.constant 256 : i32
      %dma_start3A_72 = tpu.memref_slice %arg6[%dma_start3A_71] : memref<1024xi32, #tpu.memory_space<vmem>> -> memref<128xi32, #tpu.memory_space<vmem>>
      %dma_start3A_73 = arith.constant 0 : i32
      %dma_start3A_74 = arith.constant 0 : i32
      %dma_start3A_75 = tpu.memref_slice %arg2[%dma_start3A_73, %dma_start3A_74] : memref<200000x16xf32, #tpu.memory_space<hbm>> -> memref<200000x16xf32, #tpu.memory_space<hbm>>
      tpu.enqueue_indirect_dma source(%dma_start3A_75 : memref<200000x16xf32, #tpu.memory_space<hbm>>) target(%dma_start3A_70 : memref<128x16xf32, #tpu.memory_space<vmem>>) offsets(%dma_start3A_72 : memref<128xi32, #tpu.memory_space<vmem>>) semaphore(%arg11 : memref<!tpu.dma_semaphore, #tpu.memory_space<semaphore_mem>>)
      %dma_start3A_76 = arith.constant 3 : i32
      %dma_start3A_77 = arith.constant 0 : i32
      %dma_start3A_78 = arith.constant 0 : i32
      %dma_start3A_79 = tpu.memref_slice %arg8[%dma_start3A_76, %dma_start3A_77, %dma_start3A_78] : memref<8x128x16xf32, #tpu.memory_space<vmem>> -> memref<1x128x16xf32, #tpu.memory_space<vmem>>
      %dma_start3A_80 = tpu.memref_squeeze %dma_start3A_79 : memref<1x128x16xf32, #tpu.memory_space<vmem>> -> memref<128x16xf32, #tpu.memory_space<vmem>>
      %dma_start3A_81 = arith.constant 384 : i32
      %dma_start3A_82 = tpu.memref_slice %arg6[%dma_start3A_81] : memref<1024xi32, #tpu.memory_space<vmem>> -> memref<128xi32, #tpu.memory_space<vmem>>
      %dma_start3A_83 = arith.constant 0 : i32
      %dma_start3A_84 = arith.constant 0 : i32
      %dma_start3A_85 = tpu.memref_slice %arg2[%dma_start3A_83, %dma_start3A_84] : memref<200000x16xf32, #tpu.memory_space<hbm>> -> memref<200000x16xf32, #tpu.memory_space<hbm>>
      tpu.enqueue_indirect_dma source(%dma_start3A_85 : memref<200000x16xf32, #tpu.memory_space<hbm>>) target(%dma_start3A_80 : memref<128x16xf32, #tpu.memory_space<vmem>>) offsets(%dma_start3A_82 : memref<128xi32, #tpu.memory_space<vmem>>) semaphore(%arg11 : memref<!tpu.dma_semaphore, #tpu.memory_space<semaphore_mem>>)
      %dma_start3A_86 = arith.constant 4 : i32
      %dma_start3A_87 = arith.constant 0 : i32
      %dma_start3A_88 = arith.constant 0 : i32
      %dma_start3A_89 = tpu.memref_slice %arg8[%dma_start3A_86, %dma_start3A_87, %dma_start3A_88] : memref<8x128x16xf32, #tpu.memory_space<vmem>> -> memref<1x128x16xf32, #tpu.memory_space<vmem>>
      %dma_start3A_90 = tpu.memref_squeeze %dma_start3A_89 : memref<1x128x16xf32, #tpu.memory_space<vmem>> -> memref<128x16xf32, #tpu.memory_space<vmem>>
      %dma_start3A_91 = arith.constant 512 : i32
      %dma_start3A_92 = tpu.memref_slice %arg6[%dma_start3A_91] : memref<1024xi32, #tpu.memory_space<vmem>> -> memref<128xi32, #tpu.memory_space<vmem>>
      %dma_start3A_93 = arith.constant 0 : i32
      %dma_start3A_94 = arith.constant 0 : i32
      %dma_start3A_95 = tpu.memref_slice %arg2[%dma_start3A_93, %dma_start3A_94] : memref<200000x16xf32, #tpu.memory_space<hbm>> -> memref<200000x16xf32, #tpu.memory_space<hbm>>
      tpu.enqueue_indirect_dma source(%dma_start3A_95 : memref<200000x16xf32, #tpu.memory_space<hbm>>) target(%dma_start3A_90 : memref<128x16xf32, #tpu.memory_space<vmem>>) offsets(%dma_start3A_92 : memref<128xi32, #tpu.memory_space<vmem>>) semaphore(%arg11 : memref<!tpu.dma_semaphore, #tpu.memory_space<semaphore_mem>>)
      %dma_start3A_96 = arith.constant 5 : i32
      %dma_start3A_97 = arith.constant 0 : i32
      %dma_start3A_98 = arith.constant 0 : i32
      %dma_start3A_99 = tpu.memref_slice %arg8[%dma_start3A_96, %dma_start3A_97, %dma_start3A_98] : memref<8x128x16xf32, #tpu.memory_space<vmem>> -> memref<1x128x16xf32, #tpu.memory_space<vmem>>
      %dma_start3A_100 = tpu.memref_squeeze %dma_start3A_99 : memref<1x128x16xf32, #tpu.memory_space<vmem>> -> memref<128x16xf32, #tpu.memory_space<vmem>>
      %dma_start3A_101 = arith.constant 640 : i32
      %dma_start3A_102 = tpu.memref_slice %arg6[%dma_start3A_101] : memref<1024xi32, #tpu.memory_space<vmem>> -> memref<128xi32, #tpu.memory_space<vmem>>
      %dma_start3A_103 = arith.constant 0 : i32
      %dma_start3A_104 = arith.constant 0 : i32
      %dma_start3A_105 = tpu.memref_slice %arg2[%dma_start3A_103, %dma_start3A_104] : memref<200000x16xf32, #tpu.memory_space<hbm>> -> memref<200000x16xf32, #tpu.memory_space<hbm>>
      tpu.enqueue_indirect_dma source(%dma_start3A_105 : memref<200000x16xf32, #tpu.memory_space<hbm>>) target(%dma_start3A_100 : memref<128x16xf32, #tpu.memory_space<vmem>>) offsets(%dma_start3A_102 : memref<128xi32, #tpu.memory_space<vmem>>) semaphore(%arg11 : memref<!tpu.dma_semaphore, #tpu.memory_space<semaphore_mem>>)
      %dma_start3A_106 = arith.constant 6 : i32
      %dma_start3A_107 = arith.constant 0 : i32
      %dma_start3A_108 = arith.constant 0 : i32
      %dma_start3A_109 = tpu.memref_slice %arg8[%dma_start3A_106, %dma_start3A_107, %dma_start3A_108] : memref<8x128x16xf32, #tpu.memory_space<vmem>> -> memref<1x128x16xf32, #tpu.memory_space<vmem>>
      %dma_start3A_110 = tpu.memref_squeeze %dma_start3A_109 : memref<1x128x16xf32, #tpu.memory_space<vmem>> -> memref<128x16xf32, #tpu.memory_space<vmem>>
      %dma_start3A_111 = arith.constant 768 : i32
      %dma_start3A_112 = tpu.memref_slice %arg6[%dma_start3A_111] : memref<1024xi32, #tpu.memory_space<vmem>> -> memref<128xi32, #tpu.memory_space<vmem>>
      %dma_start3A_113 = arith.constant 0 : i32
      %dma_start3A_114 = arith.constant 0 : i32
      %dma_start3A_115 = tpu.memref_slice %arg2[%dma_start3A_113, %dma_start3A_114] : memref<200000x16xf32, #tpu.memory_space<hbm>> -> memref<200000x16xf32, #tpu.memory_space<hbm>>
      tpu.enqueue_indirect_dma source(%dma_start3A_115 : memref<200000x16xf32, #tpu.memory_space<hbm>>) target(%dma_start3A_110 : memref<128x16xf32, #tpu.memory_space<vmem>>) offsets(%dma_start3A_112 : memref<128xi32, #tpu.memory_space<vmem>>) semaphore(%arg11 : memref<!tpu.dma_semaphore, #tpu.memory_space<semaphore_mem>>)
      %dma_start3A_116 = arith.constant 7 : i32
      %dma_start3A_117 = arith.constant 0 : i32
      %dma_start3A_118 = arith.constant 0 : i32
      %dma_start3A_119 = tpu.memref_slice %arg8[%dma_start3A_116, %dma_start3A_117, %dma_start3A_118] : memref<8x128x16xf32, #tpu.memory_space<vmem>> -> memref<1x128x16xf32, #tpu.memory_space<vmem>>
      %dma_start3A_120 = tpu.memref_squeeze %dma_start3A_119 : memref<1x128x16xf32, #tpu.memory_space<vmem>> -> memref<128x16xf32, #tpu.memory_space<vmem>>
      %dma_start3A_121 = arith.constant 896 : i32
      %dma_start3A_122 = tpu.memref_slice %arg6[%dma_start3A_121] : memref<1024xi32, #tpu.memory_space<vmem>> -> memref<128xi32, #tpu.memory_space<vmem>>
      %dma_start3A_123 = arith.constant 0 : i32
      %dma_start3A_124 = arith.constant 0 : i32
      %dma_start3A_125 = tpu.memref_slice %arg2[%dma_start3A_123, %dma_start3A_124] : memref<200000x16xf32, #tpu.memory_space<hbm>> -> memref<200000x16xf32, #tpu.memory_space<hbm>>
      tpu.enqueue_indirect_dma source(%dma_start3A_125 : memref<200000x16xf32, #tpu.memory_space<hbm>>) target(%dma_start3A_120 : memref<128x16xf32, #tpu.memory_space<vmem>>) offsets(%dma_start3A_122 : memref<128xi32, #tpu.memory_space<vmem>>) semaphore(%arg11 : memref<!tpu.dma_semaphore, #tpu.memory_space<semaphore_mem>>)
      %dma_wait3A = arith.constant 0 : i32
      %dma_wait3A_126 = arith.constant 0 : i32
      %dma_wait3A_127 = arith.constant 0 : i32
      %dma_wait3A_128 = tpu.memref_slice %arg8[%dma_wait3A, %dma_wait3A_126, %dma_wait3A_127] : memref<8x128x16xf32, #tpu.memory_space<vmem>> -> memref<1x128x16xf32, #tpu.memory_space<vmem>>
      %dma_wait3A_129 = tpu.memref_squeeze %dma_wait3A_128 : memref<1x128x16xf32, #tpu.memory_space<vmem>> -> memref<128x16xf32, #tpu.memory_space<vmem>>
      %dma_wait3A_130 = arith.constant 0 : i32
      %dma_wait3A_131 = tpu.memref_slice %arg6[%dma_wait3A_130] : memref<1024xi32, #tpu.memory_space<vmem>> -> memref<128xi32, #tpu.memory_space<vmem>>
      %dma_wait3A_132 = arith.constant 0 : i32
      %dma_wait3A_133 = arith.constant 0 : i32
      %dma_wait3A_134 = tpu.memref_slice %arg2[%dma_wait3A_132, %dma_wait3A_133] : memref<200000x16xf32, #tpu.memory_space<hbm>> -> memref<200000x16xf32, #tpu.memory_space<hbm>>
      tpu.wait_indirect_dma semaphore(%arg11 : memref<!tpu.dma_semaphore, #tpu.memory_space<semaphore_mem>>) src(%dma_wait3A_134 : memref<200000x16xf32, #tpu.memory_space<hbm>>) dst(%dma_wait3A_129 : memref<128x16xf32, #tpu.memory_space<vmem>>)
      %dma_wait3A_135 = arith.constant 1 : i32
      %dma_wait3A_136 = arith.constant 0 : i32
      %dma_wait3A_137 = arith.constant 0 : i32
      %dma_wait3A_138 = tpu.memref_slice %arg8[%dma_wait3A_135, %dma_wait3A_136, %dma_wait3A_137] : memref<8x128x16xf32, #tpu.memory_space<vmem>> -> memref<1x128x16xf32, #tpu.memory_space<vmem>>
      %dma_wait3A_139 = tpu.memref_squeeze %dma_wait3A_138 : memref<1x128x16xf32, #tpu.memory_space<vmem>> -> memref<128x16xf32, #tpu.memory_space<vmem>>
      %dma_wait3A_140 = arith.constant 128 : i32
      %dma_wait3A_141 = tpu.memref_slice %arg6[%dma_wait3A_140] : memref<1024xi32, #tpu.memory_space<vmem>> -> memref<128xi32, #tpu.memory_space<vmem>>
      %dma_wait3A_142 = arith.constant 0 : i32
      %dma_wait3A_143 = arith.constant 0 : i32
      %dma_wait3A_144 = tpu.memref_slice %arg2[%dma_wait3A_142, %dma_wait3A_143] : memref<200000x16xf32, #tpu.memory_space<hbm>> -> memref<200000x16xf32, #tpu.memory_space<hbm>>
      tpu.wait_indirect_dma semaphore(%arg11 : memref<!tpu.dma_semaphore, #tpu.memory_space<semaphore_mem>>) src(%dma_wait3A_144 : memref<200000x16xf32, #tpu.memory_space<hbm>>) dst(%dma_wait3A_139 : memref<128x16xf32, #tpu.memory_space<vmem>>)
      %dma_wait3A_145 = arith.constant 2 : i32
      %dma_wait3A_146 = arith.constant 0 : i32
      %dma_wait3A_147 = arith.constant 0 : i32
      %dma_wait3A_148 = tpu.memref_slice %arg8[%dma_wait3A_145, %dma_wait3A_146, %dma_wait3A_147] : memref<8x128x16xf32, #tpu.memory_space<vmem>> -> memref<1x128x16xf32, #tpu.memory_space<vmem>>
      %dma_wait3A_149 = tpu.memref_squeeze %dma_wait3A_148 : memref<1x128x16xf32, #tpu.memory_space<vmem>> -> memref<128x16xf32, #tpu.memory_space<vmem>>
      %dma_wait3A_150 = arith.constant 256 : i32
      %dma_wait3A_151 = tpu.memref_slice %arg6[%dma_wait3A_150] : memref<1024xi32, #tpu.memory_space<vmem>> -> memref<128xi32, #tpu.memory_space<vmem>>
      %dma_wait3A_152 = arith.constant 0 : i32
      %dma_wait3A_153 = arith.constant 0 : i32
      %dma_wait3A_154 = tpu.memref_slice %arg2[%dma_wait3A_152, %dma_wait3A_153] : memref<200000x16xf32, #tpu.memory_space<hbm>> -> memref<200000x16xf32, #tpu.memory_space<hbm>>
      tpu.wait_indirect_dma semaphore(%arg11 : memref<!tpu.dma_semaphore, #tpu.memory_space<semaphore_mem>>) src(%dma_wait3A_154 : memref<200000x16xf32, #tpu.memory_space<hbm>>) dst(%dma_wait3A_149 : memref<128x16xf32, #tpu.memory_space<vmem>>)
      %dma_wait3A_155 = arith.constant 3 : i32
      %dma_wait3A_156 = arith.constant 0 : i32
      %dma_wait3A_157 = arith.constant 0 : i32
      %dma_wait3A_158 = tpu.memref_slice %arg8[%dma_wait3A_155, %dma_wait3A_156, %dma_wait3A_157] : memref<8x128x16xf32, #tpu.memory_space<vmem>> -> memref<1x128x16xf32, #tpu.memory_space<vmem>>
      %dma_wait3A_159 = tpu.memref_squeeze %dma_wait3A_158 : memref<1x128x16xf32, #tpu.memory_space<vmem>> -> memref<128x16xf32, #tpu.memory_space<vmem>>
      %dma_wait3A_160 = arith.constant 384 : i32
      %dma_wait3A_161 = tpu.memref_slice %arg6[%dma_wait3A_160] : memref<1024xi32, #tpu.memory_space<vmem>> -> memref<128xi32, #tpu.memory_space<vmem>>
      %dma_wait3A_162 = arith.constant 0 : i32
      %dma_wait3A_163 = arith.constant 0 : i32
      %dma_wait3A_164 = tpu.memref_slice %arg2[%dma_wait3A_162, %dma_wait3A_163] : memref<200000x16xf32, #tpu.memory_space<hbm>> -> memref<200000x16xf32, #tpu.memory_space<hbm>>
      tpu.wait_indirect_dma semaphore(%arg11 : memref<!tpu.dma_semaphore, #tpu.memory_space<semaphore_mem>>) src(%dma_wait3A_164 : memref<200000x16xf32, #tpu.memory_space<hbm>>) dst(%dma_wait3A_159 : memref<128x16xf32, #tpu.memory_space<vmem>>)
      %dma_wait3A_165 = arith.constant 4 : i32
      %dma_wait3A_166 = arith.constant 0 : i32
      %dma_wait3A_167 = arith.constant 0 : i32
      %dma_wait3A_168 = tpu.memref_slice %arg8[%dma_wait3A_165, %dma_wait3A_166, %dma_wait3A_167] : memref<8x128x16xf32, #tpu.memory_space<vmem>> -> memref<1x128x16xf32, #tpu.memory_space<vmem>>
      %dma_wait3A_169 = tpu.memref_squeeze %dma_wait3A_168 : memref<1x128x16xf32, #tpu.memory_space<vmem>> -> memref<128x16xf32, #tpu.memory_space<vmem>>
      %dma_wait3A_170 = arith.constant 512 : i32
      %dma_wait3A_171 = tpu.memref_slice %arg6[%dma_wait3A_170] : memref<1024xi32, #tpu.memory_space<vmem>> -> memref<128xi32, #tpu.memory_space<vmem>>
      %dma_wait3A_172 = arith.constant 0 : i32
      %dma_wait3A_173 = arith.constant 0 : i32
      %dma_wait3A_174 = tpu.memref_slice %arg2[%dma_wait3A_172, %dma_wait3A_173] : memref<200000x16xf32, #tpu.memory_space<hbm>> -> memref<200000x16xf32, #tpu.memory_space<hbm>>
      tpu.wait_indirect_dma semaphore(%arg11 : memref<!tpu.dma_semaphore, #tpu.memory_space<semaphore_mem>>) src(%dma_wait3A_174 : memref<200000x16xf32, #tpu.memory_space<hbm>>) dst(%dma_wait3A_169 : memref<128x16xf32, #tpu.memory_space<vmem>>)
      %dma_wait3A_175 = arith.constant 5 : i32
      %dma_wait3A_176 = arith.constant 0 : i32
      %dma_wait3A_177 = arith.constant 0 : i32
      %dma_wait3A_178 = tpu.memref_slice %arg8[%dma_wait3A_175, %dma_wait3A_176, %dma_wait3A_177] : memref<8x128x16xf32, #tpu.memory_space<vmem>> -> memref<1x128x16xf32, #tpu.memory_space<vmem>>
      %dma_wait3A_179 = tpu.memref_squeeze %dma_wait3A_178 : memref<1x128x16xf32, #tpu.memory_space<vmem>> -> memref<128x16xf32, #tpu.memory_space<vmem>>
      %dma_wait3A_180 = arith.constant 640 : i32
      %dma_wait3A_181 = tpu.memref_slice %arg6[%dma_wait3A_180] : memref<1024xi32, #tpu.memory_space<vmem>> -> memref<128xi32, #tpu.memory_space<vmem>>
      %dma_wait3A_182 = arith.constant 0 : i32
      %dma_wait3A_183 = arith.constant 0 : i32
      %dma_wait3A_184 = tpu.memref_slice %arg2[%dma_wait3A_182, %dma_wait3A_183] : memref<200000x16xf32, #tpu.memory_space<hbm>> -> memref<200000x16xf32, #tpu.memory_space<hbm>>
      tpu.wait_indirect_dma semaphore(%arg11 : memref<!tpu.dma_semaphore, #tpu.memory_space<semaphore_mem>>) src(%dma_wait3A_184 : memref<200000x16xf32, #tpu.memory_space<hbm>>) dst(%dma_wait3A_179 : memref<128x16xf32, #tpu.memory_space<vmem>>)
      %dma_wait3A_185 = arith.constant 6 : i32
      %dma_wait3A_186 = arith.constant 0 : i32
      %dma_wait3A_187 = arith.constant 0 : i32
      %dma_wait3A_188 = tpu.memref_slice %arg8[%dma_wait3A_185, %dma_wait3A_186, %dma_wait3A_187] : memref<8x128x16xf32, #tpu.memory_space<vmem>> -> memref<1x128x16xf32, #tpu.memory_space<vmem>>
      %dma_wait3A_189 = tpu.memref_squeeze %dma_wait3A_188 : memref<1x128x16xf32, #tpu.memory_space<vmem>> -> memref<128x16xf32, #tpu.memory_space<vmem>>
      %dma_wait3A_190 = arith.constant 768 : i32
      %dma_wait3A_191 = tpu.memref_slice %arg6[%dma_wait3A_190] : memref<1024xi32, #tpu.memory_space<vmem>> -> memref<128xi32, #tpu.memory_space<vmem>>
      %dma_wait3A_192 = arith.constant 0 : i32
      %dma_wait3A_193 = arith.constant 0 : i32
      %dma_wait3A_194 = tpu.memref_slice %arg2[%dma_wait3A_192, %dma_wait3A_193] : memref<200000x16xf32, #tpu.memory_space<hbm>> -> memref<200000x16xf32, #tpu.memory_space<hbm>>
      tpu.wait_indirect_dma semaphore(%arg11 : memref<!tpu.dma_semaphore, #tpu.memory_space<semaphore_mem>>) src(%dma_wait3A_194 : memref<200000x16xf32, #tpu.memory_space<hbm>>) dst(%dma_wait3A_189 : memref<128x16xf32, #tpu.memory_space<vmem>>)
      %dma_wait3A_195 = arith.constant 7 : i32
      %dma_wait3A_196 = arith.constant 0 : i32
      %dma_wait3A_197 = arith.constant 0 : i32
      %dma_wait3A_198 = tpu.memref_slice %arg8[%dma_wait3A_195, %dma_wait3A_196, %dma_wait3A_197] : memref<8x128x16xf32, #tpu.memory_space<vmem>> -> memref<1x128x16xf32, #tpu.memory_space<vmem>>
      %dma_wait3A_199 = tpu.memref_squeeze %dma_wait3A_198 : memref<1x128x16xf32, #tpu.memory_space<vmem>> -> memref<128x16xf32, #tpu.memory_space<vmem>>
      %dma_wait3A_200 = arith.constant 896 : i32
      %dma_wait3A_201 = tpu.memref_slice %arg6[%dma_wait3A_200] : memref<1024xi32, #tpu.memory_space<vmem>> -> memref<128xi32, #tpu.memory_space<vmem>>
      %dma_wait3A_202 = arith.constant 0 : i32
      %dma_wait3A_203 = arith.constant 0 : i32
      %dma_wait3A_204 = tpu.memref_slice %arg2[%dma_wait3A_202, %dma_wait3A_203] : memref<200000x16xf32, #tpu.memory_space<hbm>> -> memref<200000x16xf32, #tpu.memory_space<hbm>>
      tpu.wait_indirect_dma semaphore(%arg11 : memref<!tpu.dma_semaphore, #tpu.memory_space<semaphore_mem>>) src(%dma_wait3A_204 : memref<200000x16xf32, #tpu.memory_space<hbm>>) dst(%dma_wait3A_199 : memref<128x16xf32, #tpu.memory_space<vmem>>)
      %run_scoped3A = arith.constant 0 : i32
      %run_scoped3A_205 = arith.constant 0 : i32
      "tpu.region"() ({
        %run_scoped3A_220 = tpu.sem_alloc : memref<!tpu.dma_semaphore, #tpu.memory_space<semaphore_mem>>
        %dma_start3A_221 = arith.constant 0 : i32
        %dma_start3A_222 = arith.constant 0 : i32
        %dma_start3A_223 = tpu.memref_slice %arg8[%run_scoped3A, %dma_start3A_221, %dma_start3A_222] : memref<8x128x16xf32, #tpu.memory_space<vmem>> -> memref<1x128x16xf32, #tpu.memory_space<vmem>>
        %dma_start3A_224 = tpu.memref_squeeze %dma_start3A_223 : memref<1x128x16xf32, #tpu.memory_space<vmem>> -> memref<128x16xf32, #tpu.memory_space<vmem>>
        %dma_start3A_225 = arith.constant 0 : i32
        %dma_start3A_226 = tpu.memref_slice %arg7[%run_scoped3A_205, %dma_start3A_225] : memref<8x128xi32, #tpu.memory_space<vmem>> -> memref<1x128xi32, #tpu.memory_space<vmem>>
        %dma_start3A_227 = tpu.memref_squeeze %dma_start3A_226 : memref<1x128xi32, #tpu.memory_space<vmem>> -> memref<128xi32, #tpu.memory_space<vmem>>
        %dma_start3A_228 = arith.constant 0 : i32
        %dma_start3A_229 = arith.constant 0 : i32
        %dma_start3A_230 = tpu.memref_slice %arg10[%dma_start3A_228, %dma_start3A_229] : memref<100352x16xf32, #tpu.memory_space<vmem_shared>> -> memref<100352x16xf32, #tpu.memory_space<vmem_shared>>
        tpu.enqueue_indirect_dma source(%dma_start3A_224 : memref<128x16xf32, #tpu.memory_space<vmem>>) target(%dma_start3A_230 : memref<100352x16xf32, #tpu.memory_space<vmem_shared>>) offsets(%dma_start3A_227 : memref<128xi32, #tpu.memory_space<vmem>>) semaphore(%run_scoped3A_220 : memref<!tpu.dma_semaphore, #tpu.memory_space<semaphore_mem>>) {add = true}
        %dma_wait3A_231 = arith.constant 0 : i32
        %dma_wait3A_232 = arith.constant 0 : i32
        %dma_wait3A_233 = tpu.memref_slice %arg8[%run_scoped3A, %dma_wait3A_231, %dma_wait3A_232] : memref<8x128x16xf32, #tpu.memory_space<vmem>> -> memref<1x128x16xf32, #tpu.memory_space<vmem>>
        %dma_wait3A_234 = tpu.memref_squeeze %dma_wait3A_233 : memref<1x128x16xf32, #tpu.memory_space<vmem>> -> memref<128x16xf32, #tpu.memory_space<vmem>>
        %dma_wait3A_235 = arith.constant 0 : i32
        %dma_wait3A_236 = tpu.memref_slice %arg7[%run_scoped3A_205, %dma_wait3A_235] : memref<8x128xi32, #tpu.memory_space<vmem>> -> memref<1x128xi32, #tpu.memory_space<vmem>>
        %dma_wait3A_237 = tpu.memref_squeeze %dma_wait3A_236 : memref<1x128xi32, #tpu.memory_space<vmem>> -> memref<128xi32, #tpu.memory_space<vmem>>
        %dma_wait3A_238 = arith.constant 0 : i32
        %dma_wait3A_239 = arith.constant 0 : i32
        %dma_wait3A_240 = tpu.memref_slice %arg10[%dma_wait3A_238, %dma_wait3A_239] : memref<100352x16xf32, #tpu.memory_space<vmem_shared>> -> memref<100352x16xf32, #tpu.memory_space<vmem_shared>>
        tpu.wait_indirect_dma semaphore(%run_scoped3A_220 : memref<!tpu.dma_semaphore, #tpu.memory_space<semaphore_mem>>) src(%dma_wait3A_234 : memref<128x16xf32, #tpu.memory_space<vmem>>) dst(%dma_wait3A_240 : memref<100352x16xf32, #tpu.memory_space<vmem_shared>>)
        tpu.yield
      }) : () -> ()
      %run_scoped3A_206 = arith.constant 1 : i32
      %run_scoped3A_207 = arith.constant 1 : i32
      "tpu.region"() ({
        %run_scoped3A_220 = tpu.sem_alloc : memref<!tpu.dma_semaphore, #tpu.memory_space<semaphore_mem>>
        %dma_start3A_221 = arith.constant 0 : i32
        %dma_start3A_222 = arith.constant 0 : i32
        %dma_start3A_223 = tpu.memref_slice %arg8[%run_scoped3A_206, %dma_start3A_221, %dma_start3A_222] : memref<8x128x16xf32, #tpu.memory_space<vmem>> -> memref<1x128x16xf32, #tpu.memory_space<vmem>>
        %dma_start3A_224 = tpu.memref_squeeze %dma_start3A_223 : memref<1x128x16xf32, #tpu.memory_space<vmem>> -> memref<128x16xf32, #tpu.memory_space<vmem>>
        %dma_start3A_225 = arith.constant 0 : i32
        %dma_start3A_226 = tpu.memref_slice %arg7[%run_scoped3A_207, %dma_start3A_225] : memref<8x128xi32, #tpu.memory_space<vmem>> -> memref<1x128xi32, #tpu.memory_space<vmem>>
        %dma_start3A_227 = tpu.memref_squeeze %dma_start3A_226 : memref<1x128xi32, #tpu.memory_space<vmem>> -> memref<128xi32, #tpu.memory_space<vmem>>
        %dma_start3A_228 = arith.constant 0 : i32
        %dma_start3A_229 = arith.constant 0 : i32
        %dma_start3A_230 = tpu.memref_slice %arg10[%dma_start3A_228, %dma_start3A_229] : memref<100352x16xf32, #tpu.memory_space<vmem_shared>> -> memref<100352x16xf32, #tpu.memory_space<vmem_shared>>
        tpu.enqueue_indirect_dma source(%dma_start3A_224 : memref<128x16xf32, #tpu.memory_space<vmem>>) target(%dma_start3A_230 : memref<100352x16xf32, #tpu.memory_space<vmem_shared>>) offsets(%dma_start3A_227 : memref<128xi32, #tpu.memory_space<vmem>>) semaphore(%run_scoped3A_220 : memref<!tpu.dma_semaphore, #tpu.memory_space<semaphore_mem>>) {add = true}
        %dma_wait3A_231 = arith.constant 0 : i32
        %dma_wait3A_232 = arith.constant 0 : i32
        %dma_wait3A_233 = tpu.memref_slice %arg8[%run_scoped3A_206, %dma_wait3A_231, %dma_wait3A_232] : memref<8x128x16xf32, #tpu.memory_space<vmem>> -> memref<1x128x16xf32, #tpu.memory_space<vmem>>
        %dma_wait3A_234 = tpu.memref_squeeze %dma_wait3A_233 : memref<1x128x16xf32, #tpu.memory_space<vmem>> -> memref<128x16xf32, #tpu.memory_space<vmem>>
        %dma_wait3A_235 = arith.constant 0 : i32
        %dma_wait3A_236 = tpu.memref_slice %arg7[%run_scoped3A_207, %dma_wait3A_235] : memref<8x128xi32, #tpu.memory_space<vmem>> -> memref<1x128xi32, #tpu.memory_space<vmem>>
        %dma_wait3A_237 = tpu.memref_squeeze %dma_wait3A_236 : memref<1x128xi32, #tpu.memory_space<vmem>> -> memref<128xi32, #tpu.memory_space<vmem>>
        %dma_wait3A_238 = arith.constant 0 : i32
        %dma_wait3A_239 = arith.constant 0 : i32
        %dma_wait3A_240 = tpu.memref_slice %arg10[%dma_wait3A_238, %dma_wait3A_239] : memref<100352x16xf32, #tpu.memory_space<vmem_shared>> -> memref<100352x16xf32, #tpu.memory_space<vmem_shared>>
        tpu.wait_indirect_dma semaphore(%run_scoped3A_220 : memref<!tpu.dma_semaphore, #tpu.memory_space<semaphore_mem>>) src(%dma_wait3A_234 : memref<128x16xf32, #tpu.memory_space<vmem>>) dst(%dma_wait3A_240 : memref<100352x16xf32, #tpu.memory_space<vmem_shared>>)
        tpu.yield
      }) : () -> ()
      %run_scoped3A_208 = arith.constant 2 : i32
      %run_scoped3A_209 = arith.constant 2 : i32
      "tpu.region"() ({
        %run_scoped3A_220 = tpu.sem_alloc : memref<!tpu.dma_semaphore, #tpu.memory_space<semaphore_mem>>
        %dma_start3A_221 = arith.constant 0 : i32
        %dma_start3A_222 = arith.constant 0 : i32
        %dma_start3A_223 = tpu.memref_slice %arg8[%run_scoped3A_208, %dma_start3A_221, %dma_start3A_222] : memref<8x128x16xf32, #tpu.memory_space<vmem>> -> memref<1x128x16xf32, #tpu.memory_space<vmem>>
        %dma_start3A_224 = tpu.memref_squeeze %dma_start3A_223 : memref<1x128x16xf32, #tpu.memory_space<vmem>> -> memref<128x16xf32, #tpu.memory_space<vmem>>
        %dma_start3A_225 = arith.constant 0 : i32
        %dma_start3A_226 = tpu.memref_slice %arg7[%run_scoped3A_209, %dma_start3A_225] : memref<8x128xi32, #tpu.memory_space<vmem>> -> memref<1x128xi32, #tpu.memory_space<vmem>>
        %dma_start3A_227 = tpu.memref_squeeze %dma_start3A_226 : memref<1x128xi32, #tpu.memory_space<vmem>> -> memref<128xi32, #tpu.memory_space<vmem>>
        %dma_start3A_228 = arith.constant 0 : i32
        %dma_start3A_229 = arith.constant 0 : i32
        %dma_start3A_230 = tpu.memref_slice %arg10[%dma_start3A_228, %dma_start3A_229] : memref<100352x16xf32, #tpu.memory_space<vmem_shared>> -> memref<100352x16xf32, #tpu.memory_space<vmem_shared>>
        tpu.enqueue_indirect_dma source(%dma_start3A_224 : memref<128x16xf32, #tpu.memory_space<vmem>>) target(%dma_start3A_230 : memref<100352x16xf32, #tpu.memory_space<vmem_shared>>) offsets(%dma_start3A_227 : memref<128xi32, #tpu.memory_space<vmem>>) semaphore(%run_scoped3A_220 : memref<!tpu.dma_semaphore, #tpu.memory_space<semaphore_mem>>) {add = true}
        %dma_wait3A_231 = arith.constant 0 : i32
        %dma_wait3A_232 = arith.constant 0 : i32
        %dma_wait3A_233 = tpu.memref_slice %arg8[%run_scoped3A_208, %dma_wait3A_231, %dma_wait3A_232] : memref<8x128x16xf32, #tpu.memory_space<vmem>> -> memref<1x128x16xf32, #tpu.memory_space<vmem>>
        %dma_wait3A_234 = tpu.memref_squeeze %dma_wait3A_233 : memref<1x128x16xf32, #tpu.memory_space<vmem>> -> memref<128x16xf32, #tpu.memory_space<vmem>>
        %dma_wait3A_235 = arith.constant 0 : i32
        %dma_wait3A_236 = tpu.memref_slice %arg7[%run_scoped3A_209, %dma_wait3A_235] : memref<8x128xi32, #tpu.memory_space<vmem>> -> memref<1x128xi32, #tpu.memory_space<vmem>>
        %dma_wait3A_237 = tpu.memref_squeeze %dma_wait3A_236 : memref<1x128xi32, #tpu.memory_space<vmem>> -> memref<128xi32, #tpu.memory_space<vmem>>
        %dma_wait3A_238 = arith.constant 0 : i32
        %dma_wait3A_239 = arith.constant 0 : i32
        %dma_wait3A_240 = tpu.memref_slice %arg10[%dma_wait3A_238, %dma_wait3A_239] : memref<100352x16xf32, #tpu.memory_space<vmem_shared>> -> memref<100352x16xf32, #tpu.memory_space<vmem_shared>>
        tpu.wait_indirect_dma semaphore(%run_scoped3A_220 : memref<!tpu.dma_semaphore, #tpu.memory_space<semaphore_mem>>) src(%dma_wait3A_234 : memref<128x16xf32, #tpu.memory_space<vmem>>) dst(%dma_wait3A_240 : memref<100352x16xf32, #tpu.memory_space<vmem_shared>>)
        tpu.yield
      }) : () -> ()
      %run_scoped3A_210 = arith.constant 3 : i32
      %run_scoped3A_211 = arith.constant 3 : i32
      "tpu.region"() ({
        %run_scoped3A_220 = tpu.sem_alloc : memref<!tpu.dma_semaphore, #tpu.memory_space<semaphore_mem>>
        %dma_start3A_221 = arith.constant 0 : i32
        %dma_start3A_222 = arith.constant 0 : i32
        %dma_start3A_223 = tpu.memref_slice %arg8[%run_scoped3A_210, %dma_start3A_221, %dma_start3A_222] : memref<8x128x16xf32, #tpu.memory_space<vmem>> -> memref<1x128x16xf32, #tpu.memory_space<vmem>>
        %dma_start3A_224 = tpu.memref_squeeze %dma_start3A_223 : memref<1x128x16xf32, #tpu.memory_space<vmem>> -> memref<128x16xf32, #tpu.memory_space<vmem>>
        %dma_start3A_225 = arith.constant 0 : i32
        %dma_start3A_226 = tpu.memref_slice %arg7[%run_scoped3A_211, %dma_start3A_225] : memref<8x128xi32, #tpu.memory_space<vmem>> -> memref<1x128xi32, #tpu.memory_space<vmem>>
        %dma_start3A_227 = tpu.memref_squeeze %dma_start3A_226 : memref<1x128xi32, #tpu.memory_space<vmem>> -> memref<128xi32, #tpu.memory_space<vmem>>
        %dma_start3A_228 = arith.constant 0 : i32
        %dma_start3A_229 = arith.constant 0 : i32
        %dma_start3A_230 = tpu.memref_slice %arg10[%dma_start3A_228, %dma_start3A_229] : memref<100352x16xf32, #tpu.memory_space<vmem_shared>> -> memref<100352x16xf32, #tpu.memory_space<vmem_shared>>
        tpu.enqueue_indirect_dma source(%dma_start3A_224 : memref<128x16xf32, #tpu.memory_space<vmem>>) target(%dma_start3A_230 : memref<100352x16xf32, #tpu.memory_space<vmem_shared>>) offsets(%dma_start3A_227 : memref<128xi32, #tpu.memory_space<vmem>>) semaphore(%run_scoped3A_220 : memref<!tpu.dma_semaphore, #tpu.memory_space<semaphore_mem>>) {add = true}
        %dma_wait3A_231 = arith.constant 0 : i32
        %dma_wait3A_232 = arith.constant 0 : i32
        %dma_wait3A_233 = tpu.memref_slice %arg8[%run_scoped3A_210, %dma_wait3A_231, %dma_wait3A_232] : memref<8x128x16xf32, #tpu.memory_space<vmem>> -> memref<1x128x16xf32, #tpu.memory_space<vmem>>
        %dma_wait3A_234 = tpu.memref_squeeze %dma_wait3A_233 : memref<1x128x16xf32, #tpu.memory_space<vmem>> -> memref<128x16xf32, #tpu.memory_space<vmem>>
        %dma_wait3A_235 = arith.constant 0 : i32
        %dma_wait3A_236 = tpu.memref_slice %arg7[%run_scoped3A_211, %dma_wait3A_235] : memref<8x128xi32, #tpu.memory_space<vmem>> -> memref<1x128xi32, #tpu.memory_space<vmem>>
        %dma_wait3A_237 = tpu.memref_squeeze %dma_wait3A_236 : memref<1x128xi32, #tpu.memory_space<vmem>> -> memref<128xi32, #tpu.memory_space<vmem>>
        %dma_wait3A_238 = arith.constant 0 : i32
        %dma_wait3A_239 = arith.constant 0 : i32
        %dma_wait3A_240 = tpu.memref_slice %arg10[%dma_wait3A_238, %dma_wait3A_239] : memref<100352x16xf32, #tpu.memory_space<vmem_shared>> -> memref<100352x16xf32, #tpu.memory_space<vmem_shared>>
        tpu.wait_indirect_dma semaphore(%run_scoped3A_220 : memref<!tpu.dma_semaphore, #tpu.memory_space<semaphore_mem>>) src(%dma_wait3A_234 : memref<128x16xf32, #tpu.memory_space<vmem>>) dst(%dma_wait3A_240 : memref<100352x16xf32, #tpu.memory_space<vmem_shared>>)
        tpu.yield
      }) : () -> ()
      %run_scoped3A_212 = arith.constant 4 : i32
      %run_scoped3A_213 = arith.constant 4 : i32
      "tpu.region"() ({
        %run_scoped3A_220 = tpu.sem_alloc : memref<!tpu.dma_semaphore, #tpu.memory_space<semaphore_mem>>
        %dma_start3A_221 = arith.constant 0 : i32
        %dma_start3A_222 = arith.constant 0 : i32
        %dma_start3A_223 = tpu.memref_slice %arg8[%run_scoped3A_212, %dma_start3A_221, %dma_start3A_222] : memref<8x128x16xf32, #tpu.memory_space<vmem>> -> memref<1x128x16xf32, #tpu.memory_space<vmem>>
        %dma_start3A_224 = tpu.memref_squeeze %dma_start3A_223 : memref<1x128x16xf32, #tpu.memory_space<vmem>> -> memref<128x16xf32, #tpu.memory_space<vmem>>
        %dma_start3A_225 = arith.constant 0 : i32
        %dma_start3A_226 = tpu.memref_slice %arg7[%run_scoped3A_213, %dma_start3A_225] : memref<8x128xi32, #tpu.memory_space<vmem>> -> memref<1x128xi32, #tpu.memory_space<vmem>>
        %dma_start3A_227 = tpu.memref_squeeze %dma_start3A_226 : memref<1x128xi32, #tpu.memory_space<vmem>> -> memref<128xi32, #tpu.memory_space<vmem>>
        %dma_start3A_228 = arith.constant 0 : i32
        %dma_start3A_229 = arith.constant 0 : i32
        %dma_start3A_230 = tpu.memref_slice %arg10[%dma_start3A_228, %dma_start3A_229] : memref<100352x16xf32, #tpu.memory_space<vmem_shared>> -> memref<100352x16xf32, #tpu.memory_space<vmem_shared>>
        tpu.enqueue_indirect_dma source(%dma_start3A_224 : memref<128x16xf32, #tpu.memory_space<vmem>>) target(%dma_start3A_230 : memref<100352x16xf32, #tpu.memory_space<vmem_shared>>) offsets(%dma_start3A_227 : memref<128xi32, #tpu.memory_space<vmem>>) semaphore(%run_scoped3A_220 : memref<!tpu.dma_semaphore, #tpu.memory_space<semaphore_mem>>) {add = true}
        %dma_wait3A_231 = arith.constant 0 : i32
        %dma_wait3A_232 = arith.constant 0 : i32
        %dma_wait3A_233 = tpu.memref_slice %arg8[%run_scoped3A_212, %dma_wait3A_231, %dma_wait3A_232] : memref<8x128x16xf32, #tpu.memory_space<vmem>> -> memref<1x128x16xf32, #tpu.memory_space<vmem>>
        %dma_wait3A_234 = tpu.memref_squeeze %dma_wait3A_233 : memref<1x128x16xf32, #tpu.memory_space<vmem>> -> memref<128x16xf32, #tpu.memory_space<vmem>>
        %dma_wait3A_235 = arith.constant 0 : i32
        %dma_wait3A_236 = tpu.memref_slice %arg7[%run_scoped3A_213, %dma_wait3A_235] : memref<8x128xi32, #tpu.memory_space<vmem>> -> memref<1x128xi32, #tpu.memory_space<vmem>>
        %dma_wait3A_237 = tpu.memref_squeeze %dma_wait3A_236 : memref<1x128xi32, #tpu.memory_space<vmem>> -> memref<128xi32, #tpu.memory_space<vmem>>
        %dma_wait3A_238 = arith.constant 0 : i32
        %dma_wait3A_239 = arith.constant 0 : i32
        %dma_wait3A_240 = tpu.memref_slice %arg10[%dma_wait3A_238, %dma_wait3A_239] : memref<100352x16xf32, #tpu.memory_space<vmem_shared>> -> memref<100352x16xf32, #tpu.memory_space<vmem_shared>>
        tpu.wait_indirect_dma semaphore(%run_scoped3A_220 : memref<!tpu.dma_semaphore, #tpu.memory_space<semaphore_mem>>) src(%dma_wait3A_234 : memref<128x16xf32, #tpu.memory_space<vmem>>) dst(%dma_wait3A_240 : memref<100352x16xf32, #tpu.memory_space<vmem_shared>>)
        tpu.yield
      }) : () -> ()
      %run_scoped3A_214 = arith.constant 5 : i32
      %run_scoped3A_215 = arith.constant 5 : i32
      "tpu.region"() ({
        %run_scoped3A_220 = tpu.sem_alloc : memref<!tpu.dma_semaphore, #tpu.memory_space<semaphore_mem>>
        %dma_start3A_221 = arith.constant 0 : i32
        %dma_start3A_222 = arith.constant 0 : i32
        %dma_start3A_223 = tpu.memref_slice %arg8[%run_scoped3A_214, %dma_start3A_221, %dma_start3A_222] : memref<8x128x16xf32, #tpu.memory_space<vmem>> -> memref<1x128x16xf32, #tpu.memory_space<vmem>>
        %dma_start3A_224 = tpu.memref_squeeze %dma_start3A_223 : memref<1x128x16xf32, #tpu.memory_space<vmem>> -> memref<128x16xf32, #tpu.memory_space<vmem>>
        %dma_start3A_225 = arith.constant 0 : i32
        %dma_start3A_226 = tpu.memref_slice %arg7[%run_scoped3A_215, %dma_start3A_225] : memref<8x128xi32, #tpu.memory_space<vmem>> -> memref<1x128xi32, #tpu.memory_space<vmem>>
        %dma_start3A_227 = tpu.memref_squeeze %dma_start3A_226 : memref<1x128xi32, #tpu.memory_space<vmem>> -> memref<128xi32, #tpu.memory_space<vmem>>
        %dma_start3A_228 = arith.constant 0 : i32
        %dma_start3A_229 = arith.constant 0 : i32
        %dma_start3A_230 = tpu.memref_slice %arg10[%dma_start3A_228, %dma_start3A_229] : memref<100352x16xf32, #tpu.memory_space<vmem_shared>> -> memref<100352x16xf32, #tpu.memory_space<vmem_shared>>
        tpu.enqueue_indirect_dma source(%dma_start3A_224 : memref<128x16xf32, #tpu.memory_space<vmem>>) target(%dma_start3A_230 : memref<100352x16xf32, #tpu.memory_space<vmem_shared>>) offsets(%dma_start3A_227 : memref<128xi32, #tpu.memory_space<vmem>>) semaphore(%run_scoped3A_220 : memref<!tpu.dma_semaphore, #tpu.memory_space<semaphore_mem>>) {add = true}
        %dma_wait3A_231 = arith.constant 0 : i32
        %dma_wait3A_232 = arith.constant 0 : i32
        %dma_wait3A_233 = tpu.memref_slice %arg8[%run_scoped3A_214, %dma_wait3A_231, %dma_wait3A_232] : memref<8x128x16xf32, #tpu.memory_space<vmem>> -> memref<1x128x16xf32, #tpu.memory_space<vmem>>
        %dma_wait3A_234 = tpu.memref_squeeze %dma_wait3A_233 : memref<1x128x16xf32, #tpu.memory_space<vmem>> -> memref<128x16xf32, #tpu.memory_space<vmem>>
        %dma_wait3A_235 = arith.constant 0 : i32
        %dma_wait3A_236 = tpu.memref_slice %arg7[%run_scoped3A_215, %dma_wait3A_235] : memref<8x128xi32, #tpu.memory_space<vmem>> -> memref<1x128xi32, #tpu.memory_space<vmem>>
        %dma_wait3A_237 = tpu.memref_squeeze %dma_wait3A_236 : memref<1x128xi32, #tpu.memory_space<vmem>> -> memref<128xi32, #tpu.memory_space<vmem>>
        %dma_wait3A_238 = arith.constant 0 : i32
        %dma_wait3A_239 = arith.constant 0 : i32
        %dma_wait3A_240 = tpu.memref_slice %arg10[%dma_wait3A_238, %dma_wait3A_239] : memref<100352x16xf32, #tpu.memory_space<vmem_shared>> -> memref<100352x16xf32, #tpu.memory_space<vmem_shared>>
        tpu.wait_indirect_dma semaphore(%run_scoped3A_220 : memref<!tpu.dma_semaphore, #tpu.memory_space<semaphore_mem>>) src(%dma_wait3A_234 : memref<128x16xf32, #tpu.memory_space<vmem>>) dst(%dma_wait3A_240 : memref<100352x16xf32, #tpu.memory_space<vmem_shared>>)
        tpu.yield
      }) : () -> ()
      %run_scoped3A_216 = arith.constant 6 : i32
      %run_scoped3A_217 = arith.constant 6 : i32
      "tpu.region"() ({
        %run_scoped3A_220 = tpu.sem_alloc : memref<!tpu.dma_semaphore, #tpu.memory_space<semaphore_mem>>
        %dma_start3A_221 = arith.constant 0 : i32
        %dma_start3A_222 = arith.constant 0 : i32
        %dma_start3A_223 = tpu.memref_slice %arg8[%run_scoped3A_216, %dma_start3A_221, %dma_start3A_222] : memref<8x128x16xf32, #tpu.memory_space<vmem>> -> memref<1x128x16xf32, #tpu.memory_space<vmem>>
        %dma_start3A_224 = tpu.memref_squeeze %dma_start3A_223 : memref<1x128x16xf32, #tpu.memory_space<vmem>> -> memref<128x16xf32, #tpu.memory_space<vmem>>
        %dma_start3A_225 = arith.constant 0 : i32
        %dma_start3A_226 = tpu.memref_slice %arg7[%run_scoped3A_217, %dma_start3A_225] : memref<8x128xi32, #tpu.memory_space<vmem>> -> memref<1x128xi32, #tpu.memory_space<vmem>>
        %dma_start3A_227 = tpu.memref_squeeze %dma_start3A_226 : memref<1x128xi32, #tpu.memory_space<vmem>> -> memref<128xi32, #tpu.memory_space<vmem>>
        %dma_start3A_228 = arith.constant 0 : i32
        %dma_start3A_229 = arith.constant 0 : i32
        %dma_start3A_230 = tpu.memref_slice %arg10[%dma_start3A_228, %dma_start3A_229] : memref<100352x16xf32, #tpu.memory_space<vmem_shared>> -> memref<100352x16xf32, #tpu.memory_space<vmem_shared>>
        tpu.enqueue_indirect_dma source(%dma_start3A_224 : memref<128x16xf32, #tpu.memory_space<vmem>>) target(%dma_start3A_230 : memref<100352x16xf32, #tpu.memory_space<vmem_shared>>) offsets(%dma_start3A_227 : memref<128xi32, #tpu.memory_space<vmem>>) semaphore(%run_scoped3A_220 : memref<!tpu.dma_semaphore, #tpu.memory_space<semaphore_mem>>) {add = true}
        %dma_wait3A_231 = arith.constant 0 : i32
        %dma_wait3A_232 = arith.constant 0 : i32
        %dma_wait3A_233 = tpu.memref_slice %arg8[%run_scoped3A_216, %dma_wait3A_231, %dma_wait3A_232] : memref<8x128x16xf32, #tpu.memory_space<vmem>> -> memref<1x128x16xf32, #tpu.memory_space<vmem>>
        %dma_wait3A_234 = tpu.memref_squeeze %dma_wait3A_233 : memref<1x128x16xf32, #tpu.memory_space<vmem>> -> memref<128x16xf32, #tpu.memory_space<vmem>>
        %dma_wait3A_235 = arith.constant 0 : i32
        %dma_wait3A_236 = tpu.memref_slice %arg7[%run_scoped3A_217, %dma_wait3A_235] : memref<8x128xi32, #tpu.memory_space<vmem>> -> memref<1x128xi32, #tpu.memory_space<vmem>>
        %dma_wait3A_237 = tpu.memref_squeeze %dma_wait3A_236 : memref<1x128xi32, #tpu.memory_space<vmem>> -> memref<128xi32, #tpu.memory_space<vmem>>
        %dma_wait3A_238 = arith.constant 0 : i32
        %dma_wait3A_239 = arith.constant 0 : i32
        %dma_wait3A_240 = tpu.memref_slice %arg10[%dma_wait3A_238, %dma_wait3A_239] : memref<100352x16xf32, #tpu.memory_space<vmem_shared>> -> memref<100352x16xf32, #tpu.memory_space<vmem_shared>>
        tpu.wait_indirect_dma semaphore(%run_scoped3A_220 : memref<!tpu.dma_semaphore, #tpu.memory_space<semaphore_mem>>) src(%dma_wait3A_234 : memref<128x16xf32, #tpu.memory_space<vmem>>) dst(%dma_wait3A_240 : memref<100352x16xf32, #tpu.memory_space<vmem_shared>>)
        tpu.yield
      }) : () -> ()
      %run_scoped3A_218 = arith.constant 7 : i32
      %run_scoped3A_219 = arith.constant 7 : i32
      "tpu.region"() ({
        %run_scoped3A_220 = tpu.sem_alloc : memref<!tpu.dma_semaphore, #tpu.memory_space<semaphore_mem>>
        %dma_start3A_221 = arith.constant 0 : i32
        %dma_start3A_222 = arith.constant 0 : i32
        %dma_start3A_223 = tpu.memref_slice %arg8[%run_scoped3A_218, %dma_start3A_221, %dma_start3A_222] : memref<8x128x16xf32, #tpu.memory_space<vmem>> -> memref<1x128x16xf32, #tpu.memory_space<vmem>>
        %dma_start3A_224 = tpu.memref_squeeze %dma_start3A_223 : memref<1x128x16xf32, #tpu.memory_space<vmem>> -> memref<128x16xf32, #tpu.memory_space<vmem>>
        %dma_start3A_225 = arith.constant 0 : i32
        %dma_start3A_226 = tpu.memref_slice %arg7[%run_scoped3A_219, %dma_start3A_225] : memref<8x128xi32, #tpu.memory_space<vmem>> -> memref<1x128xi32, #tpu.memory_space<vmem>>
        %dma_start3A_227 = tpu.memref_squeeze %dma_start3A_226 : memref<1x128xi32, #tpu.memory_space<vmem>> -> memref<128xi32, #tpu.memory_space<vmem>>
        %dma_start3A_228 = arith.constant 0 : i32
        %dma_start3A_229 = arith.constant 0 : i32
        %dma_start3A_230 = tpu.memref_slice %arg10[%dma_start3A_228, %dma_start3A_229] : memref<100352x16xf32, #tpu.memory_space<vmem_shared>> -> memref<100352x16xf32, #tpu.memory_space<vmem_shared>>
        tpu.enqueue_indirect_dma source(%dma_start3A_224 : memref<128x16xf32, #tpu.memory_space<vmem>>) target(%dma_start3A_230 : memref<100352x16xf32, #tpu.memory_space<vmem_shared>>) offsets(%dma_start3A_227 : memref<128xi32, #tpu.memory_space<vmem>>) semaphore(%run_scoped3A_220 : memref<!tpu.dma_semaphore, #tpu.memory_space<semaphore_mem>>) {add = true}
        %dma_wait3A_231 = arith.constant 0 : i32
        %dma_wait3A_232 = arith.constant 0 : i32
        %dma_wait3A_233 = tpu.memref_slice %arg8[%run_scoped3A_218, %dma_wait3A_231, %dma_wait3A_232] : memref<8x128x16xf32, #tpu.memory_space<vmem>> -> memref<1x128x16xf32, #tpu.memory_space<vmem>>
        %dma_wait3A_234 = tpu.memref_squeeze %dma_wait3A_233 : memref<1x128x16xf32, #tpu.memory_space<vmem>> -> memref<128x16xf32, #tpu.memory_space<vmem>>
        %dma_wait3A_235 = arith.constant 0 : i32
        %dma_wait3A_236 = tpu.memref_slice %arg7[%run_scoped3A_219, %dma_wait3A_235] : memref<8x128xi32, #tpu.memory_space<vmem>> -> memref<1x128xi32, #tpu.memory_space<vmem>>
        %dma_wait3A_237 = tpu.memref_squeeze %dma_wait3A_236 : memref<1x128xi32, #tpu.memory_space<vmem>> -> memref<128xi32, #tpu.memory_space<vmem>>
        %dma_wait3A_238 = arith.constant 0 : i32
        %dma_wait3A_239 = arith.constant 0 : i32
        %dma_wait3A_240 = tpu.memref_slice %arg10[%dma_wait3A_238, %dma_wait3A_239] : memref<100352x16xf32, #tpu.memory_space<vmem_shared>> -> memref<100352x16xf32, #tpu.memory_space<vmem_shared>>
        tpu.wait_indirect_dma semaphore(%run_scoped3A_220 : memref<!tpu.dma_semaphore, #tpu.memory_space<semaphore_mem>>) src(%dma_wait3A_234 : memref<128x16xf32, #tpu.memory_space<vmem>>) dst(%dma_wait3A_240 : memref<100352x16xf32, #tpu.memory_space<vmem_shared>>)
        tpu.yield
      }) : () -> ()
    }
    %scan3A_14 = arith.constant 100 : i32
    %barrier3A_15 = arith.constant 0 : index
    tpu.barrier barrier_id(%barrier3A_15)
    %lt3A = arith.constant 15 : i32
    %lt3A_16 = arith.cmpi slt, %arg1, %lt3A : i32
    %convert_element_type3A = arith.extui %lt3A_16 : i1 to i32
    %cond3A = arith.constant 0 : i32
    %cond3A_17 = arith.cmpi ne, %convert_element_type3A, %cond3A : i32
    scf.if %cond3A_17 {
      %mul3A_32 = arith.constant 6272 : i32
      %mul3A_33 = arith.muli %arg1, %mul3A_32 : i32
      %mul3A_34 = arith.constant 100000 : i32
      %mul3A_35 = arith.muli %arg0, %mul3A_34 : i32
      %mul3A_36 = arith.constant 6272 : i32
      %mul3A_37 = arith.muli %arg1, %mul3A_36 : i32
      %add3A = arith.addi %mul3A_35, %mul3A_37 : i32
      "tpu.region"() ({
        %run_scoped3A = tpu.sem_alloc : memref<!tpu.dma_semaphore, #tpu.memory_space<semaphore_mem>>
        %dma_start3A = arith.constant 0 : i32
        %dma_start3A_38 = tpu.memref_slice %arg5[%add3A, %dma_start3A] : memref<200000x16xf32, #tpu.memory_space<hbm>> -> memref<6272x16xf32, #tpu.memory_space<hbm>>
        %dma_start3A_39 = arith.constant 0 : i32
        %dma_start3A_40 = tpu.memref_slice %arg10[%mul3A_33, %dma_start3A_39] : memref<100352x16xf32, #tpu.memory_space<vmem_shared>> -> memref<6272x16xf32, #tpu.memory_space<vmem_shared>>
        tpu.enqueue_dma source(%dma_start3A_40 : memref<6272x16xf32, #tpu.memory_space<vmem_shared>>) target(%dma_start3A_38 : memref<6272x16xf32, #tpu.memory_space<hbm>>) target_semaphore(%run_scoped3A : memref<!tpu.dma_semaphore, #tpu.memory_space<semaphore_mem>>)
        %dma_wait3A = arith.constant 0 : i32
        %dma_wait3A_41 = tpu.memref_slice %arg5[%add3A, %dma_wait3A] : memref<200000x16xf32, #tpu.memory_space<hbm>> -> memref<6272x16xf32, #tpu.memory_space<hbm>>
        %dma_wait3A_42 = arith.constant 0 : i32
        %dma_wait3A_43 = tpu.memref_slice %arg10[%mul3A_33, %dma_wait3A_42] : memref<100352x16xf32, #tpu.memory_space<vmem_shared>> -> memref<6272x16xf32, #tpu.memory_space<vmem_shared>>
        tpu.wait_dma2 semaphore(%run_scoped3A : memref<!tpu.dma_semaphore, #tpu.memory_space<semaphore_mem>>) src(%dma_wait3A_43 : memref<6272x16xf32, #tpu.memory_space<vmem_shared>>) dst(%dma_wait3A_41 : memref<6272x16xf32, #tpu.memory_space<hbm>>)
        tpu.yield
      }) : () -> ()
    } else {
    }
    %eq3A = arith.constant 15 : i32
    %eq3A_18 = arith.cmpi eq, %arg1, %eq3A : i32
    %convert_element_type3A_19 = arith.extui %eq3A_18 : i1 to i32
    %cond3A_20 = arith.constant 0 : i32
    %cond3A_21 = arith.cmpi ne, %convert_element_type3A_19, %cond3A_20 : i32
    scf.if %cond3A_21 {
      %mul3A_32 = arith.constant 100000 : i32
      %mul3A_33 = arith.muli %arg0, %mul3A_32 : i32
      %add3A = arith.constant 94080 : i32
      %add3A_34 = arith.addi %mul3A_33, %add3A : i32
      "tpu.region"() ({
        %run_scoped3A = tpu.sem_alloc : memref<!tpu.dma_semaphore, #tpu.memory_space<semaphore_mem>>
        %dma_start3A = arith.constant 0 : i32
        %dma_start3A_35 = tpu.memref_slice %arg5[%add3A_34, %dma_start3A] : memref<200000x16xf32, #tpu.memory_space<hbm>> -> memref<5920x16xf32, #tpu.memory_space<hbm>>
        %dma_start3A_36 = arith.constant 94080 : i32
        %dma_start3A_37 = arith.constant 0 : i32
        %dma_start3A_38 = tpu.memref_slice %arg10[%dma_start3A_36, %dma_start3A_37] : memref<100352x16xf32, #tpu.memory_space<vmem_shared>> -> memref<5920x16xf32, #tpu.memory_space<vmem_shared>>
        tpu.enqueue_dma source(%dma_start3A_38 : memref<5920x16xf32, #tpu.memory_space<vmem_shared>>) target(%dma_start3A_35 : memref<5920x16xf32, #tpu.memory_space<hbm>>) target_semaphore(%run_scoped3A : memref<!tpu.dma_semaphore, #tpu.memory_space<semaphore_mem>>)
        %dma_wait3A = arith.constant 0 : i32
        %dma_wait3A_39 = tpu.memref_slice %arg5[%add3A_34, %dma_wait3A] : memref<200000x16xf32, #tpu.memory_space<hbm>> -> memref<5920x16xf32, #tpu.memory_space<hbm>>
        %dma_wait3A_40 = arith.constant 94080 : i32
        %dma_wait3A_41 = arith.constant 0 : i32
        %dma_wait3A_42 = tpu.memref_slice %arg10[%dma_wait3A_40, %dma_wait3A_41] : memref<100352x16xf32, #tpu.memory_space<vmem_shared>> -> memref<5920x16xf32, #tpu.memory_space<vmem_shared>>
        tpu.wait_dma2 semaphore(%run_scoped3A : memref<!tpu.dma_semaphore, #tpu.memory_space<semaphore_mem>>) src(%dma_wait3A_42 : memref<5920x16xf32, #tpu.memory_space<vmem_shared>>) dst(%dma_wait3A_39 : memref<5920x16xf32, #tpu.memory_space<hbm>>)
        tpu.yield
      }) : () -> ()
    } else {
    }
    %lt3A_22 = arith.constant 15 : i32
    %lt3A_23 = arith.cmpi slt, %arg1, %lt3A_22 : i32
    %convert_element_type3A_24 = arith.extui %lt3A_23 : i1 to i32
    %cond3A_25 = arith.constant 0 : i32
    %cond3A_26 = arith.cmpi ne, %convert_element_type3A_24, %cond3A_25 : i32
    scf.if %cond3A_26 {
      %scan3A_32 = arith.constant 0 : i32
      %scan3A_33 = arith.constant 49 : i32
      %scan3A_34 = arith.addi %scan3A_32, %scan3A_33 : i32
      %scan3A_35 = arith.constant 1 : i32
      scf.for %scan3A_37 = %scan3A_32 to %scan3A_34 step %scan3A_35  : i32 {
        %mul3A_38 = arith.constant 100000 : i32
        %mul3A_39 = arith.muli %arg0, %mul3A_38 : i32
        %mul3A_40 = arith.constant 6272 : i32
        %mul3A_41 = arith.muli %arg1, %mul3A_40 : i32
        %add3A = arith.addi %mul3A_39, %mul3A_41 : i32
        %mul3A_42 = arith.constant 128 : i32
        %mul3A_43 = arith.muli %scan3A_37, %mul3A_42 : i32
        %add3A_44 = arith.addi %add3A, %mul3A_43 : i32
        "tpu.region"() ({
          %run_scoped3A = tpu.sem_alloc : memref<!tpu.dma_semaphore, #tpu.memory_space<semaphore_mem>>
          %dma_start3A = arith.constant 0 : i32
          %dma_start3A_45 = tpu.memref_slice %arg5[%add3A_44, %dma_start3A] : memref<200000x16xf32, #tpu.memory_space<hbm>> -> memref<128x16xf32, #tpu.memory_space<hbm>>
          %dma_start3A_46 = arith.constant 0 : i32
          %dma_start3A_47 = tpu.memref_slice %arg5[%add3A_44, %dma_start3A_46] : memref<200000x16xf32, #tpu.memory_space<hbm>> -> memref<128x16xf32, #tpu.memory_space<hbm>>
          tpu.enqueue_dma source(%dma_start3A_47 : memref<128x16xf32, #tpu.memory_space<hbm>>) target(%arg9 : memref<128x16xf32, #tpu.memory_space<vmem>>) target_semaphore(%run_scoped3A : memref<!tpu.dma_semaphore, #tpu.memory_space<semaphore_mem>>)
          %dma_wait3A = arith.constant 0 : i32
          %dma_wait3A_48 = tpu.memref_slice %arg5[%add3A_44, %dma_wait3A] : memref<200000x16xf32, #tpu.memory_space<hbm>> -> memref<128x16xf32, #tpu.memory_space<hbm>>
          %dma_wait3A_49 = arith.constant 0 : i32
          %dma_wait3A_50 = tpu.memref_slice %arg5[%add3A_44, %dma_wait3A_49] : memref<200000x16xf32, #tpu.memory_space<hbm>> -> memref<128x16xf32, #tpu.memory_space<hbm>>
          tpu.wait_dma2 semaphore(%run_scoped3A : memref<!tpu.dma_semaphore, #tpu.memory_space<semaphore_mem>>) src(%dma_wait3A_50 : memref<128x16xf32, #tpu.memory_space<hbm>>) dst(%arg9 : memref<128x16xf32, #tpu.memory_space<vmem>>)
          tpu.yield
        }) : () -> ()
      }
      %scan3A_36 = arith.constant 49 : i32
    } else {
    }
    %eq3A_27 = arith.constant 15 : i32
    %eq3A_28 = arith.cmpi eq, %arg1, %eq3A_27 : i32
    %convert_element_type3A_29 = arith.extui %eq3A_28 : i1 to i32
    %cond3A_30 = arith.constant 0 : i32
    %cond3A_31 = arith.cmpi ne, %convert_element_type3A_29, %cond3A_30 : i32
    scf.if %cond3A_31 {
      %scan3A_32 = arith.constant 0 : i32
      %scan3A_33 = arith.constant 46 : i32
      %scan3A_34 = arith.addi %scan3A_32, %scan3A_33 : i32
      %scan3A_35 = arith.constant 1 : i32
      scf.for %scan3A_42 = %scan3A_32 to %scan3A_34 step %scan3A_35  : i32 {
        %mul3A_43 = arith.constant 100000 : i32
        %mul3A_44 = arith.muli %arg0, %mul3A_43 : i32
        %mul3A_45 = arith.constant 6272 : i32
        %mul3A_46 = arith.muli %arg1, %mul3A_45 : i32
        %add3A_47 = arith.addi %mul3A_44, %mul3A_46 : i32
        %mul3A_48 = arith.constant 128 : i32
        %mul3A_49 = arith.muli %scan3A_42, %mul3A_48 : i32
        %add3A_50 = arith.addi %add3A_47, %mul3A_49 : i32
        "tpu.region"() ({
          %run_scoped3A = tpu.sem_alloc : memref<!tpu.dma_semaphore, #tpu.memory_space<semaphore_mem>>
          %dma_start3A = arith.constant 0 : i32
          %dma_start3A_51 = tpu.memref_slice %arg5[%add3A_50, %dma_start3A] : memref<200000x16xf32, #tpu.memory_space<hbm>> -> memref<128x16xf32, #tpu.memory_space<hbm>>
          %dma_start3A_52 = arith.constant 0 : i32
          %dma_start3A_53 = tpu.memref_slice %arg5[%add3A_50, %dma_start3A_52] : memref<200000x16xf32, #tpu.memory_space<hbm>> -> memref<128x16xf32, #tpu.memory_space<hbm>>
          tpu.enqueue_dma source(%dma_start3A_53 : memref<128x16xf32, #tpu.memory_space<hbm>>) target(%arg9 : memref<128x16xf32, #tpu.memory_space<vmem>>) target_semaphore(%run_scoped3A : memref<!tpu.dma_semaphore, #tpu.memory_space<semaphore_mem>>)
          %dma_wait3A = arith.constant 0 : i32
          %dma_wait3A_54 = tpu.memref_slice %arg5[%add3A_50, %dma_wait3A] : memref<200000x16xf32, #tpu.memory_space<hbm>> -> memref<128x16xf32, #tpu.memory_space<hbm>>
          %dma_wait3A_55 = arith.constant 0 : i32
          %dma_wait3A_56 = tpu.memref_slice %arg5[%add3A_50, %dma_wait3A_55] : memref<200000x16xf32, #tpu.memory_space<hbm>> -> memref<128x16xf32, #tpu.memory_space<hbm>>
          tpu.wait_dma2 semaphore(%run_scoped3A : memref<!tpu.dma_semaphore, #tpu.memory_space<semaphore_mem>>) src(%dma_wait3A_56 : memref<128x16xf32, #tpu.memory_space<hbm>>) dst(%arg9 : memref<128x16xf32, #tpu.memory_space<vmem>>)
          tpu.yield
        }) : () -> ()
      }
      %scan3A_36 = arith.constant 46 : i32
      %mul3A_37 = arith.constant 100000 : i32
      %mul3A_38 = arith.muli %arg0, %mul3A_37 : i32
      %add3A = arith.constant 94080 : i32
      %add3A_39 = arith.addi %mul3A_38, %add3A : i32
      %add3A_40 = arith.constant 5888 : i32
      %add3A_41 = arith.addi %add3A_39, %add3A_40 : i32
      "tpu.region"() ({
        %run_scoped3A = tpu.sem_alloc : memref<!tpu.dma_semaphore, #tpu.memory_space<semaphore_mem>>
        %dma_start3A = arith.constant 0 : i32
        %dma_start3A_42 = arith.constant 0 : i32
        %dma_start3A_43 = tpu.memref_slice %arg9[%dma_start3A, %dma_start3A_42] : memref<128x16xf32, #tpu.memory_space<vmem>> -> memref<32x16xf32, #tpu.memory_space<vmem>>
        %dma_start3A_44 = arith.constant 0 : i32
        %dma_start3A_45 = tpu.memref_slice %arg5[%add3A_41, %dma_start3A_44] : memref<200000x16xf32, #tpu.memory_space<hbm>> -> memref<32x16xf32, #tpu.memory_space<hbm>>
        %dma_start3A_46 = arith.constant 0 : i32
        %dma_start3A_47 = arith.constant 0 : i32
        %dma_start3A_48 = tpu.memref_slice %arg9[%dma_start3A_46, %dma_start3A_47] : memref<128x16xf32, #tpu.memory_space<vmem>> -> memref<32x16xf32, #tpu.memory_space<vmem>>
        %dma_start3A_49 = arith.constant 0 : i32
        %dma_start3A_50 = tpu.memref_slice %arg5[%add3A_41, %dma_start3A_49] : memref<200000x16xf32, #tpu.memory_space<hbm>> -> memref<32x16xf32, #tpu.memory_space<hbm>>
        tpu.enqueue_dma source(%dma_start3A_50 : memref<32x16xf32, #tpu.memory_space<hbm>>) target(%dma_start3A_48 : memref<32x16xf32, #tpu.memory_space<vmem>>) target_semaphore(%run_scoped3A : memref<!tpu.dma_semaphore, #tpu.memory_space<semaphore_mem>>)
        %dma_wait3A = arith.constant 0 : i32
        %dma_wait3A_51 = arith.constant 0 : i32
        %dma_wait3A_52 = tpu.memref_slice %arg9[%dma_wait3A, %dma_wait3A_51] : memref<128x16xf32, #tpu.memory_space<vmem>> -> memref<32x16xf32, #tpu.memory_space<vmem>>
        %dma_wait3A_53 = arith.constant 0 : i32
        %dma_wait3A_54 = tpu.memref_slice %arg5[%add3A_41, %dma_wait3A_53] : memref<200000x16xf32, #tpu.memory_space<hbm>> -> memref<32x16xf32, #tpu.memory_space<hbm>>
        %dma_wait3A_55 = arith.constant 0 : i32
        %dma_wait3A_56 = arith.constant 0 : i32
        %dma_wait3A_57 = tpu.memref_slice %arg9[%dma_wait3A_55, %dma_wait3A_56] : memref<128x16xf32, #tpu.memory_space<vmem>> -> memref<32x16xf32, #tpu.memory_space<vmem>>
        %dma_wait3A_58 = arith.constant 0 : i32
        %dma_wait3A_59 = tpu.memref_slice %arg5[%add3A_41, %dma_wait3A_58] : memref<200000x16xf32, #tpu.memory_space<hbm>> -> memref<32x16xf32, #tpu.memory_space<hbm>>
        tpu.wait_dma2 semaphore(%run_scoped3A : memref<!tpu.dma_semaphore, #tpu.memory_space<semaphore_mem>>) src(%dma_wait3A_59 : memref<32x16xf32, #tpu.memory_space<hbm>>) dst(%dma_wait3A_57 : memref<32x16xf32, #tpu.memory_space<vmem>>)
        tpu.yield
      }) : () -> ()
    } else {
    }
    return
  }
}

#map = affine_map<(d0, d1) -> (0, 0)>
#map1 = affine_map<(d0, d1) -> (0)>
module attributes {stable_mosaic.version = 14 : i64} {
  func.func @k(%arg0: i32, %arg1: i32, %arg2: memref<200000x16xf32, #tpu.memory_space<hbm>>, %arg3: memref<1638400xi32, #tpu.memory_space<hbm>>, %arg4: memref<12800x128xi32, #tpu.memory_space<hbm>>, %arg5: memref<200000x16xf32, #tpu.memory_space<hbm>>, %arg6: memref<1024xi32, #tpu.memory_space<vmem>>, %arg7: memref<8x128xi32, #tpu.memory_space<vmem>>, %arg8: memref<8x128x16xf32, #tpu.memory_space<vmem>>, %arg9: memref<128x16xf32, #tpu.memory_space<vmem>>, %arg10: memref<100352x16xf32, #tpu.memory_space<vmem_shared>>, %arg11: memref<!tpu.dma_semaphore, #tpu.memory_space<semaphore_mem>>) attributes {dimension_semantics = [#tpu.dimension_semantics<core_parallel>, #tpu.dimension_semantics<subcore_parallel>], iteration_bounds = array<i64: 2, 16>, scalar_prefetch = 0 : i64, scratch_operands = 6 : i64, tpu.core_type = #tpu.core_type<sc_vector_subcore>, window_params = [{transform_indices = #map}, {transform_indices = #map1}, {transform_indices = #map}, {transform_indices = #map}]} {
    %mul3A = arith.constant 100000 : i32
    %mul3A_0 = arith.muli %arg0, %mul3A : i32
    %scan3A = arith.constant 0 : i32
    %scan3A_1 = arith.constant 128 : i32
    %scan3A_2 = arith.addi %scan3A, %scan3A_1 : i32
    %scan3A_3 = arith.constant 1 : i32
    scf.for %scan3A_32 = %scan3A to %scan3A_2 step %scan3A_3  : i32 {
      %broadcast_in_dim3A = arith.constant 0.000000e+00 : f32
      %broadcast_in_dim3A_33 = vector.broadcast %broadcast_in_dim3A : f32 to vector<16xf32>
      %swap3A = arith.index_cast %scan3A_32 : i32 to index
      %swap3A_34 = arith.constant 0 : index
      %swap3A_35 = tpu.vector_load %arg9[%swap3A, %swap3A_34] {strides = array<i32>} : memref<128x16xf32, #tpu.memory_space<vmem>>, vector<1x16xf32>,
      %swap3A_36 = vector.shape_cast %swap3A_35 : vector<1x16xf32> to vector<16xf32>
      %swap3A_37 = vector.shape_cast %broadcast_in_dim3A_33 : vector<16xf32> to vector<1x16xf32>
      tpu.vector_store %arg9[%swap3A, %swap3A_34], %swap3A_37 {strides = array<i32>} : memref<128x16xf32, #tpu.memory_space<vmem>>, vector<1x16xf32>,
    }
    %scan3A_4 = arith.constant 128 : i32
    %scan3A_5 = arith.constant 0 : i32
    %scan3A_6 = arith.constant 49 : i32
    %scan3A_7 = arith.addi %scan3A_5, %scan3A_6 : i32
    %scan3A_8 = arith.constant 1 : i32
    scf.for %scan3A_32 = %scan3A_5 to %scan3A_7 step %scan3A_8  : i32 {
      %mul3A_33 = arith.constant 49 : i32
      %mul3A_34 = arith.muli %arg1, %mul3A_33 : i32
      %add3A = arith.addi %mul3A_34, %scan3A_32 : i32
      %mul3A_35 = arith.constant 128 : i32
      %mul3A_36 = arith.muli %add3A, %mul3A_35 : i32
      "tpu.region"() ({
        %run_scoped3A = tpu.sem_alloc : memref<!tpu.dma_semaphore, #tpu.memory_space<semaphore_mem>>
        %dma_start3A = arith.constant 0 : i32
        %dma_start3A_37 = tpu.memref_slice %arg10[%mul3A_36, %dma_start3A] : memref<100352x16xf32, #tpu.memory_space<vmem_shared>> -> memref<128x16xf32, #tpu.memory_space<vmem_shared>>
        %dma_start3A_38 = arith.constant 0 : i32
        %dma_start3A_39 = tpu.memref_slice %arg10[%mul3A_36, %dma_start3A_38] : memref<100352x16xf32, #tpu.memory_space<vmem_shared>> -> memref<128x16xf32, #tpu.memory_space<vmem_shared>>
        tpu.enqueue_dma source(%arg9 : memref<128x16xf32, #tpu.memory_space<vmem>>) target(%dma_start3A_39 : memref<128x16xf32, #tpu.memory_space<vmem_shared>>) target_semaphore(%run_scoped3A : memref<!tpu.dma_semaphore, #tpu.memory_space<semaphore_mem>>)
        %dma_wait3A = arith.constant 0 : i32
        %dma_wait3A_40 = tpu.memref_slice %arg10[%mul3A_36, %dma_wait3A] : memref<100352x16xf32, #tpu.memory_space<vmem_shared>> -> memref<128x16xf32, #tpu.memory_space<vmem_shared>>
        %dma_wait3A_41 = arith.constant 0 : i32
        %dma_wait3A_42 = tpu.memref_slice %arg10[%mul3A_36, %dma_wait3A_41] : memref<100352x16xf32, #tpu.memory_space<vmem_shared>> -> memref<128x16xf32, #tpu.memory_space<vmem_shared>>
        tpu.wait_dma2 semaphore(%run_scoped3A : memref<!tpu.dma_semaphore, #tpu.memory_space<semaphore_mem>>) src(%arg9 : memref<128x16xf32, #tpu.memory_space<vmem>>) dst(%dma_wait3A_42 : memref<128x16xf32, #tpu.memory_space<vmem_shared>>)
        tpu.yield
      }) : () -> ()
    }
    %scan3A_9 = arith.constant 49 : i32
    %barrier3A = arith.constant 0 : index
    tpu.barrier barrier_id(%barrier3A)
    %scan3A_10 = arith.constant 0 : i32
    %scan3A_11 = arith.constant 100 : i32
    %scan3A_12 = arith.addi %scan3A_10, %scan3A_11 : i32
    %scan3A_13 = arith.constant 1 : i32
    scf.for %scan3A_32 = %scan3A_10 to %scan3A_12 step %scan3A_13  : i32 {
      %mul3A_33 = arith.constant 102400 : i32
      %mul3A_34 = arith.muli %arg1, %mul3A_33 : i32
      %mul3A_35 = arith.constant 1024 : i32
      %mul3A_36 = arith.muli %scan3A_32, %mul3A_35 : i32
      %add3A = arith.addi %mul3A_34, %mul3A_36 : i32
      "tpu.region"() ({
        %run_scoped3A_220 = tpu.sem_alloc : memref<!tpu.dma_semaphore, #tpu.memory_space<semaphore_mem>>
        %dma_start3A_221 = tpu.memref_slice %arg3[%add3A] : memref<1638400xi32, #tpu.memory_space<hbm>> -> memref<1024xi32, #tpu.memory_space<hbm>>
        %dma_start3A_222 = tpu.memref_slice %arg3[%add3A] : memref<1638400xi32, #tpu.memory_space<hbm>> -> memref<1024xi32, #tpu.memory_space<hbm>>
        tpu.enqueue_dma source(%dma_start3A_222 : memref<1024xi32, #tpu.memory_space<hbm>>) target(%arg6 : memref<1024xi32, #tpu.memory_space<vmem>>) target_semaphore(%run_scoped3A_220 : memref<!tpu.dma_semaphore, #tpu.memory_space<semaphore_mem>>)
        %dma_wait3A_223 = tpu.memref_slice %arg3[%add3A] : memref<1638400xi32, #tpu.memory_space<hbm>> -> memref<1024xi32, #tpu.memory_space<hbm>>
        %dma_wait3A_224 = tpu.memref_slice %arg3[%add3A] : memref<1638400xi32, #tpu.memory_space<hbm>> -> memref<1024xi32, #tpu.memory_space<hbm>>
        tpu.wait_dma2 semaphore(%run_scoped3A_220 : memref<!tpu.dma_semaphore, #tpu.memory_space<semaphore_mem>>) src(%dma_wait3A_224 : memref<1024xi32, #tpu.memory_space<hbm>>) dst(%arg6 : memref<1024xi32, #tpu.memory_space<vmem>>)
        tpu.yield
      }) : () -> ()
      %mul3A_37 = arith.constant 800 : i32
      %mul3A_38 = arith.muli %arg1, %mul3A_37 : i32
      %mul3A_39 = arith.constant 8 : i32
      %mul3A_40 = arith.muli %scan3A_32, %mul3A_39 : i32
      %add3A_41 = arith.addi %mul3A_38, %mul3A_40 : i32
      "tpu.region"() ({
        %run_scoped3A_220 = tpu.sem_alloc : memref<!tpu.dma_semaphore, #tpu.memory_space<semaphore_mem>>
        %dma_start3A_221 = arith.constant 0 : i32
        %dma_start3A_222 = tpu.memref_slice %arg4[%add3A_41, %dma_start3A_221] : memref<12800x128xi32, #tpu.memory_space<hbm>> -> memref<8x128xi32, #tpu.memory_space<hbm>>
        %dma_start3A_223 = arith.constant 0 : i32
        %dma_start3A_224 = tpu.memref_slice %arg4[%add3A_41, %dma_start3A_223] : memref<12800x128xi32, #tpu.memory_space<hbm>> -> memref<8x128xi32, #tpu.memory_space<hbm>>
        tpu.enqueue_dma source(%dma_start3A_224 : memref<8x128xi32, #tpu.memory_space<hbm>>) target(%arg7 : memref<8x128xi32, #tpu.memory_space<vmem>>) target_semaphore(%run_scoped3A_220 : memref<!tpu.dma_semaphore, #tpu.memory_space<semaphore_mem>>)
        %dma_wait3A_225 = arith.constant 0 : i32
        %dma_wait3A_226 = tpu.memref_slice %arg4[%add3A_41, %dma_wait3A_225] : memref<12800x128xi32, #tpu.memory_space<hbm>> -> memref<8x128xi32, #tpu.memory_space<hbm>>
        %dma_wait3A_227 = arith.constant 0 : i32
        %dma_wait3A_228 = tpu.memref_slice %arg4[%add3A_41, %dma_wait3A_227] : memref<12800x128xi32, #tpu.memory_space<hbm>> -> memref<8x128xi32, #tpu.memory_space<hbm>>
        tpu.wait_dma2 semaphore(%run_scoped3A_220 : memref<!tpu.dma_semaphore, #tpu.memory_space<semaphore_mem>>) src(%dma_wait3A_228 : memref<8x128xi32, #tpu.memory_space<hbm>>) dst(%arg7 : memref<8x128xi32, #tpu.memory_space<vmem>>)
        tpu.yield
      }) : () -> ()
      %scan3A_42 = arith.constant 0 : i32
      %scan3A_43 = arith.constant 64 : i32
      %scan3A_44 = arith.addi %scan3A_42, %scan3A_43 : i32
      %scan3A_45 = arith.constant 1 : i32
      scf.for %scan3A_220 = %scan3A_42 to %scan3A_44 step %scan3A_45  : i32 {
        %mul3A_221 = arith.constant 16 : i32
        %mul3A_222 = arith.muli %scan3A_220, %mul3A_221 : i32
        %get3A = arith.index_cast %mul3A_222 : i32 to index
        %get3A_223 = tpu.vector_load %arg6[%get3A] {strides = array<i32>} : memref<1024xi32, #tpu.memory_space<vmem>>, vector<16xi32>,
        %get3A_224 = vector.shape_cast %get3A_223 : vector<16xi32> to vector<16xi32>
        %add3A_225 = vector.broadcast %mul3A_0 : i32 to vector<16xi32>
        %add3A_226 = arith.addi %get3A_224, %add3A_225 : vector<16xi32>
        %swap3A = arith.index_cast %mul3A_222 : i32 to index
        %swap3A_227 = tpu.vector_load %arg6[%swap3A] {strides = array<i32>} : memref<1024xi32, #tpu.memory_space<vmem>>, vector<16xi32>,
        %swap3A_228 = vector.shape_cast %swap3A_227 : vector<16xi32> to vector<16xi32>
        %swap3A_229 = vector.shape_cast %add3A_226 : vector<16xi32> to vector<16xi32>
        tpu.vector_store %arg6[%swap3A], %swap3A_229 {strides = array<i32>} : memref<1024xi32, #tpu.memory_space<vmem>>, vector<16xi32>,
      }
      %scan3A_46 = arith.constant 64 : i32
      %dma_start3A = arith.constant 0 : i32
      %dma_start3A_47 = arith.constant 0 : i32
      %dma_start3A_48 = arith.constant 0 : i32
      %dma_start3A_49 = tpu.memref_slice %arg8[%dma_start3A, %dma_start3A_47, %dma_start3A_48] : memref<8x128x16xf32, #tpu.memory_space<vmem>> -> memref<1x128x16xf32, #tpu.memory_space<vmem>>
      %dma_start3A_50 = tpu.memref_squeeze %dma_start3A_49 : memref<1x128x16xf32, #tpu.memory_space<vmem>> -> memref<128x16xf32, #tpu.memory_space<vmem>>
      %dma_start3A_51 = arith.constant 0 : i32
      %dma_start3A_52 = tpu.memref_slice %arg6[%dma_start3A_51] : memref<1024xi32, #tpu.memory_space<vmem>> -> memref<128xi32, #tpu.memory_space<vmem>>
      %dma_start3A_53 = arith.constant 0 : i32
      %dma_start3A_54 = arith.constant 0 : i32
      %dma_start3A_55 = tpu.memref_slice %arg2[%dma_start3A_53, %dma_start3A_54] : memref<200000x16xf32, #tpu.memory_space<hbm>> -> memref<200000x16xf32, #tpu.memory_space<hbm>>
      tpu.enqueue_indirect_dma source(%dma_start3A_55 : memref<200000x16xf32, #tpu.memory_space<hbm>>) target(%dma_start3A_50 : memref<128x16xf32, #tpu.memory_space<vmem>>) offsets(%dma_start3A_52 : memref<128xi32, #tpu.memory_space<vmem>>) semaphore(%arg11 : memref<!tpu.dma_semaphore, #tpu.memory_space<semaphore_mem>>)
      %dma_start3A_56 = arith.constant 1 : i32
      %dma_start3A_57 = arith.constant 0 : i32
      %dma_start3A_58 = arith.constant 0 : i32
      %dma_start3A_59 = tpu.memref_slice %arg8[%dma_start3A_56, %dma_start3A_57, %dma_start3A_58] : memref<8x128x16xf32, #tpu.memory_space<vmem>> -> memref<1x128x16xf32, #tpu.memory_space<vmem>>
      %dma_start3A_60 = tpu.memref_squeeze %dma_start3A_59 : memref<1x128x16xf32, #tpu.memory_space<vmem>> -> memref<128x16xf32, #tpu.memory_space<vmem>>
      %dma_start3A_61 = arith.constant 128 : i32
      %dma_start3A_62 = tpu.memref_slice %arg6[%dma_start3A_61] : memref<1024xi32, #tpu.memory_space<vmem>> -> memref<128xi32, #tpu.memory_space<vmem>>
      %dma_start3A_63 = arith.constant 0 : i32
      %dma_start3A_64 = arith.constant 0 : i32
      %dma_start3A_65 = tpu.memref_slice %arg2[%dma_start3A_63, %dma_start3A_64] : memref<200000x16xf32, #tpu.memory_space<hbm>> -> memref<200000x16xf32, #tpu.memory_space<hbm>>
      tpu.enqueue_indirect_dma source(%dma_start3A_65 : memref<200000x16xf32, #tpu.memory_space<hbm>>) target(%dma_start3A_60 : memref<128x16xf32, #tpu.memory_space<vmem>>) offsets(%dma_start3A_62 : memref<128xi32, #tpu.memory_space<vmem>>) semaphore(%arg11 : memref<!tpu.dma_semaphore, #tpu.memory_space<semaphore_mem>>)
      %dma_start3A_66 = arith.constant 2 : i32
      %dma_start3A_67 = arith.constant 0 : i32
      %dma_start3A_68 = arith.constant 0 : i32
      %dma_start3A_69 = tpu.memref_slice %arg8[%dma_start3A_66, %dma_start3A_67, %dma_start3A_68] : memref<8x128x16xf32, #tpu.memory_space<vmem>> -> memref<1x128x16xf32, #tpu.memory_space<vmem>>
      %dma_start3A_70 = tpu.memref_squeeze %dma_start3A_69 : memref<1x128x16xf32, #tpu.memory_space<vmem>> -> memref<128x16xf32, #tpu.memory_space<vmem>>
      %dma_start3A_71 = arith.constant 256 : i32
      %dma_start3A_72 = tpu.memref_slice %arg6[%dma_start3A_71] : memref<1024xi32, #tpu.memory_space<vmem>> -> memref<128xi32, #tpu.memory_space<vmem>>
      %dma_start3A_73 = arith.constant 0 : i32
      %dma_start3A_74 = arith.constant 0 : i32
      %dma_start3A_75 = tpu.memref_slice %arg2[%dma_start3A_73, %dma_start3A_74] : memref<200000x16xf32, #tpu.memory_space<hbm>> -> memref<200000x16xf32, #tpu.memory_space<hbm>>
      tpu.enqueue_indirect_dma source(%dma_start3A_75 : memref<200000x16xf32, #tpu.memory_space<hbm>>) target(%dma_start3A_70 : memref<128x16xf32, #tpu.memory_space<vmem>>) offsets(%dma_start3A_72 : memref<128xi32, #tpu.memory_space<vmem>>) semaphore(%arg11 : memref<!tpu.dma_semaphore, #tpu.memory_space<semaphore_mem>>)
      %dma_start3A_76 = arith.constant 3 : i32
      %dma_start3A_77 = arith.constant 0 : i32
      %dma_start3A_78 = arith.constant 0 : i32
      %dma_start3A_79 = tpu.memref_slice %arg8[%dma_start3A_76, %dma_start3A_77, %dma_start3A_78] : memref<8x128x16xf32, #tpu.memory_space<vmem>> -> memref<1x128x16xf32, #tpu.memory_space<vmem>>
      %dma_start3A_80 = tpu.memref_squeeze %dma_start3A_79 : memref<1x128x16xf32, #tpu.memory_space<vmem>> -> memref<128x16xf32, #tpu.memory_space<vmem>>
      %dma_start3A_81 = arith.constant 384 : i32
      %dma_start3A_82 = tpu.memref_slice %arg6[%dma_start3A_81] : memref<1024xi32, #tpu.memory_space<vmem>> -> memref<128xi32, #tpu.memory_space<vmem>>
      %dma_start3A_83 = arith.constant 0 : i32
      %dma_start3A_84 = arith.constant 0 : i32
      %dma_start3A_85 = tpu.memref_slice %arg2[%dma_start3A_83, %dma_start3A_84] : memref<200000x16xf32, #tpu.memory_space<hbm>> -> memref<200000x16xf32, #tpu.memory_space<hbm>>
      tpu.enqueue_indirect_dma source(%dma_start3A_85 : memref<200000x16xf32, #tpu.memory_space<hbm>>) target(%dma_start3A_80 : memref<128x16xf32, #tpu.memory_space<vmem>>) offsets(%dma_start3A_82 : memref<128xi32, #tpu.memory_space<vmem>>) semaphore(%arg11 : memref<!tpu.dma_semaphore, #tpu.memory_space<semaphore_mem>>)
      %dma_start3A_86 = arith.constant 4 : i32
      %dma_start3A_87 = arith.constant 0 : i32
      %dma_start3A_88 = arith.constant 0 : i32
      %dma_start3A_89 = tpu.memref_slice %arg8[%dma_start3A_86, %dma_start3A_87, %dma_start3A_88] : memref<8x128x16xf32, #tpu.memory_space<vmem>> -> memref<1x128x16xf32, #tpu.memory_space<vmem>>
      %dma_start3A_90 = tpu.memref_squeeze %dma_start3A_89 : memref<1x128x16xf32, #tpu.memory_space<vmem>> -> memref<128x16xf32, #tpu.memory_space<vmem>>
      %dma_start3A_91 = arith.constant 512 : i32
      %dma_start3A_92 = tpu.memref_slice %arg6[%dma_start3A_91] : memref<1024xi32, #tpu.memory_space<vmem>> -> memref<128xi32, #tpu.memory_space<vmem>>
      %dma_start3A_93 = arith.constant 0 : i32
      %dma_start3A_94 = arith.constant 0 : i32
      %dma_start3A_95 = tpu.memref_slice %arg2[%dma_start3A_93, %dma_start3A_94] : memref<200000x16xf32, #tpu.memory_space<hbm>> -> memref<200000x16xf32, #tpu.memory_space<hbm>>
      tpu.enqueue_indirect_dma source(%dma_start3A_95 : memref<200000x16xf32, #tpu.memory_space<hbm>>) target(%dma_start3A_90 : memref<128x16xf32, #tpu.memory_space<vmem>>) offsets(%dma_start3A_92 : memref<128xi32, #tpu.memory_space<vmem>>) semaphore(%arg11 : memref<!tpu.dma_semaphore, #tpu.memory_space<semaphore_mem>>)
      %dma_start3A_96 = arith.constant 5 : i32
      %dma_start3A_97 = arith.constant 0 : i32
      %dma_start3A_98 = arith.constant 0 : i32
      %dma_start3A_99 = tpu.memref_slice %arg8[%dma_start3A_96, %dma_start3A_97, %dma_start3A_98] : memref<8x128x16xf32, #tpu.memory_space<vmem>> -> memref<1x128x16xf32, #tpu.memory_space<vmem>>
      %dma_start3A_100 = tpu.memref_squeeze %dma_start3A_99 : memref<1x128x16xf32, #tpu.memory_space<vmem>> -> memref<128x16xf32, #tpu.memory_space<vmem>>
      %dma_start3A_101 = arith.constant 640 : i32
      %dma_start3A_102 = tpu.memref_slice %arg6[%dma_start3A_101] : memref<1024xi32, #tpu.memory_space<vmem>> -> memref<128xi32, #tpu.memory_space<vmem>>
      %dma_start3A_103 = arith.constant 0 : i32
      %dma_start3A_104 = arith.constant 0 : i32
      %dma_start3A_105 = tpu.memref_slice %arg2[%dma_start3A_103, %dma_start3A_104] : memref<200000x16xf32, #tpu.memory_space<hbm>> -> memref<200000x16xf32, #tpu.memory_space<hbm>>
      tpu.enqueue_indirect_dma source(%dma_start3A_105 : memref<200000x16xf32, #tpu.memory_space<hbm>>) target(%dma_start3A_100 : memref<128x16xf32, #tpu.memory_space<vmem>>) offsets(%dma_start3A_102 : memref<128xi32, #tpu.memory_space<vmem>>) semaphore(%arg11 : memref<!tpu.dma_semaphore, #tpu.memory_space<semaphore_mem>>)
      %dma_start3A_106 = arith.constant 6 : i32
      %dma_start3A_107 = arith.constant 0 : i32
      %dma_start3A_108 = arith.constant 0 : i32
      %dma_start3A_109 = tpu.memref_slice %arg8[%dma_start3A_106, %dma_start3A_107, %dma_start3A_108] : memref<8x128x16xf32, #tpu.memory_space<vmem>> -> memref<1x128x16xf32, #tpu.memory_space<vmem>>
      %dma_start3A_110 = tpu.memref_squeeze %dma_start3A_109 : memref<1x128x16xf32, #tpu.memory_space<vmem>> -> memref<128x16xf32, #tpu.memory_space<vmem>>
      %dma_start3A_111 = arith.constant 768 : i32
      %dma_start3A_112 = tpu.memref_slice %arg6[%dma_start3A_111] : memref<1024xi32, #tpu.memory_space<vmem>> -> memref<128xi32, #tpu.memory_space<vmem>>
      %dma_start3A_113 = arith.constant 0 : i32
      %dma_start3A_114 = arith.constant 0 : i32
      %dma_start3A_115 = tpu.memref_slice %arg2[%dma_start3A_113, %dma_start3A_114] : memref<200000x16xf32, #tpu.memory_space<hbm>> -> memref<200000x16xf32, #tpu.memory_space<hbm>>
      tpu.enqueue_indirect_dma source(%dma_start3A_115 : memref<200000x16xf32, #tpu.memory_space<hbm>>) target(%dma_start3A_110 : memref<128x16xf32, #tpu.memory_space<vmem>>) offsets(%dma_start3A_112 : memref<128xi32, #tpu.memory_space<vmem>>) semaphore(%arg11 : memref<!tpu.dma_semaphore, #tpu.memory_space<semaphore_mem>>)
      %dma_start3A_116 = arith.constant 7 : i32
      %dma_start3A_117 = arith.constant 0 : i32
      %dma_start3A_118 = arith.constant 0 : i32
      %dma_start3A_119 = tpu.memref_slice %arg8[%dma_start3A_116, %dma_start3A_117, %dma_start3A_118] : memref<8x128x16xf32, #tpu.memory_space<vmem>> -> memref<1x128x16xf32, #tpu.memory_space<vmem>>
      %dma_start3A_120 = tpu.memref_squeeze %dma_start3A_119 : memref<1x128x16xf32, #tpu.memory_space<vmem>> -> memref<128x16xf32, #tpu.memory_space<vmem>>
      %dma_start3A_121 = arith.constant 896 : i32
      %dma_start3A_122 = tpu.memref_slice %arg6[%dma_start3A_121] : memref<1024xi32, #tpu.memory_space<vmem>> -> memref<128xi32, #tpu.memory_space<vmem>>
      %dma_start3A_123 = arith.constant 0 : i32
      %dma_start3A_124 = arith.constant 0 : i32
      %dma_start3A_125 = tpu.memref_slice %arg2[%dma_start3A_123, %dma_start3A_124] : memref<200000x16xf32, #tpu.memory_space<hbm>> -> memref<200000x16xf32, #tpu.memory_space<hbm>>
      tpu.enqueue_indirect_dma source(%dma_start3A_125 : memref<200000x16xf32, #tpu.memory_space<hbm>>) target(%dma_start3A_120 : memref<128x16xf32, #tpu.memory_space<vmem>>) offsets(%dma_start3A_122 : memref<128xi32, #tpu.memory_space<vmem>>) semaphore(%arg11 : memref<!tpu.dma_semaphore, #tpu.memory_space<semaphore_mem>>)
      %dma_wait3A = arith.constant 0 : i32
      %dma_wait3A_126 = arith.constant 0 : i32
      %dma_wait3A_127 = arith.constant 0 : i32
      %dma_wait3A_128 = tpu.memref_slice %arg8[%dma_wait3A, %dma_wait3A_126, %dma_wait3A_127] : memref<8x128x16xf32, #tpu.memory_space<vmem>> -> memref<1x128x16xf32, #tpu.memory_space<vmem>>
      %dma_wait3A_129 = tpu.memref_squeeze %dma_wait3A_128 : memref<1x128x16xf32, #tpu.memory_space<vmem>> -> memref<128x16xf32, #tpu.memory_space<vmem>>
      %dma_wait3A_130 = arith.constant 0 : i32
      %dma_wait3A_131 = tpu.memref_slice %arg6[%dma_wait3A_130] : memref<1024xi32, #tpu.memory_space<vmem>> -> memref<128xi32, #tpu.memory_space<vmem>>
      %dma_wait3A_132 = arith.constant 0 : i32
      %dma_wait3A_133 = arith.constant 0 : i32
      %dma_wait3A_134 = tpu.memref_slice %arg2[%dma_wait3A_132, %dma_wait3A_133] : memref<200000x16xf32, #tpu.memory_space<hbm>> -> memref<200000x16xf32, #tpu.memory_space<hbm>>
      tpu.wait_indirect_dma semaphore(%arg11 : memref<!tpu.dma_semaphore, #tpu.memory_space<semaphore_mem>>) src(%dma_wait3A_134 : memref<200000x16xf32, #tpu.memory_space<hbm>>) dst(%dma_wait3A_129 : memref<128x16xf32, #tpu.memory_space<vmem>>)
      %dma_wait3A_135 = arith.constant 1 : i32
      %dma_wait3A_136 = arith.constant 0 : i32
      %dma_wait3A_137 = arith.constant 0 : i32
      %dma_wait3A_138 = tpu.memref_slice %arg8[%dma_wait3A_135, %dma_wait3A_136, %dma_wait3A_137] : memref<8x128x16xf32, #tpu.memory_space<vmem>> -> memref<1x128x16xf32, #tpu.memory_space<vmem>>
      %dma_wait3A_139 = tpu.memref_squeeze %dma_wait3A_138 : memref<1x128x16xf32, #tpu.memory_space<vmem>> -> memref<128x16xf32, #tpu.memory_space<vmem>>
      %dma_wait3A_140 = arith.constant 128 : i32
      %dma_wait3A_141 = tpu.memref_slice %arg6[%dma_wait3A_140] : memref<1024xi32, #tpu.memory_space<vmem>> -> memref<128xi32, #tpu.memory_space<vmem>>
      %dma_wait3A_142 = arith.constant 0 : i32
      %dma_wait3A_143 = arith.constant 0 : i32
      %dma_wait3A_144 = tpu.memref_slice %arg2[%dma_wait3A_142, %dma_wait3A_143] : memref<200000x16xf32, #tpu.memory_space<hbm>> -> memref<200000x16xf32, #tpu.memory_space<hbm>>
      tpu.wait_indirect_dma semaphore(%arg11 : memref<!tpu.dma_semaphore, #tpu.memory_space<semaphore_mem>>) src(%dma_wait3A_144 : memref<200000x16xf32, #tpu.memory_space<hbm>>) dst(%dma_wait3A_139 : memref<128x16xf32, #tpu.memory_space<vmem>>)
      %dma_wait3A_145 = arith.constant 2 : i32
      %dma_wait3A_146 = arith.constant 0 : i32
      %dma_wait3A_147 = arith.constant 0 : i32
      %dma_wait3A_148 = tpu.memref_slice %arg8[%dma_wait3A_145, %dma_wait3A_146, %dma_wait3A_147] : memref<8x128x16xf32, #tpu.memory_space<vmem>> -> memref<1x128x16xf32, #tpu.memory_space<vmem>>
      %dma_wait3A_149 = tpu.memref_squeeze %dma_wait3A_148 : memref<1x128x16xf32, #tpu.memory_space<vmem>> -> memref<128x16xf32, #tpu.memory_space<vmem>>
      %dma_wait3A_150 = arith.constant 256 : i32
      %dma_wait3A_151 = tpu.memref_slice %arg6[%dma_wait3A_150] : memref<1024xi32, #tpu.memory_space<vmem>> -> memref<128xi32, #tpu.memory_space<vmem>>
      %dma_wait3A_152 = arith.constant 0 : i32
      %dma_wait3A_153 = arith.constant 0 : i32
      %dma_wait3A_154 = tpu.memref_slice %arg2[%dma_wait3A_152, %dma_wait3A_153] : memref<200000x16xf32, #tpu.memory_space<hbm>> -> memref<200000x16xf32, #tpu.memory_space<hbm>>
      tpu.wait_indirect_dma semaphore(%arg11 : memref<!tpu.dma_semaphore, #tpu.memory_space<semaphore_mem>>) src(%dma_wait3A_154 : memref<200000x16xf32, #tpu.memory_space<hbm>>) dst(%dma_wait3A_149 : memref<128x16xf32, #tpu.memory_space<vmem>>)
      %dma_wait3A_155 = arith.constant 3 : i32
      %dma_wait3A_156 = arith.constant 0 : i32
      %dma_wait3A_157 = arith.constant 0 : i32
      %dma_wait3A_158 = tpu.memref_slice %arg8[%dma_wait3A_155, %dma_wait3A_156, %dma_wait3A_157] : memref<8x128x16xf32, #tpu.memory_space<vmem>> -> memref<1x128x16xf32, #tpu.memory_space<vmem>>
      %dma_wait3A_159 = tpu.memref_squeeze %dma_wait3A_158 : memref<1x128x16xf32, #tpu.memory_space<vmem>> -> memref<128x16xf32, #tpu.memory_space<vmem>>
      %dma_wait3A_160 = arith.constant 384 : i32
      %dma_wait3A_161 = tpu.memref_slice %arg6[%dma_wait3A_160] : memref<1024xi32, #tpu.memory_space<vmem>> -> memref<128xi32, #tpu.memory_space<vmem>>
      %dma_wait3A_162 = arith.constant 0 : i32
      %dma_wait3A_163 = arith.constant 0 : i32
      %dma_wait3A_164 = tpu.memref_slice %arg2[%dma_wait3A_162, %dma_wait3A_163] : memref<200000x16xf32, #tpu.memory_space<hbm>> -> memref<200000x16xf32, #tpu.memory_space<hbm>>
      tpu.wait_indirect_dma semaphore(%arg11 : memref<!tpu.dma_semaphore, #tpu.memory_space<semaphore_mem>>) src(%dma_wait3A_164 : memref<200000x16xf32, #tpu.memory_space<hbm>>) dst(%dma_wait3A_159 : memref<128x16xf32, #tpu.memory_space<vmem>>)
      %dma_wait3A_165 = arith.constant 4 : i32
      %dma_wait3A_166 = arith.constant 0 : i32
      %dma_wait3A_167 = arith.constant 0 : i32
      %dma_wait3A_168 = tpu.memref_slice %arg8[%dma_wait3A_165, %dma_wait3A_166, %dma_wait3A_167] : memref<8x128x16xf32, #tpu.memory_space<vmem>> -> memref<1x128x16xf32, #tpu.memory_space<vmem>>
      %dma_wait3A_169 = tpu.memref_squeeze %dma_wait3A_168 : memref<1x128x16xf32, #tpu.memory_space<vmem>> -> memref<128x16xf32, #tpu.memory_space<vmem>>
      %dma_wait3A_170 = arith.constant 512 : i32
      %dma_wait3A_171 = tpu.memref_slice %arg6[%dma_wait3A_170] : memref<1024xi32, #tpu.memory_space<vmem>> -> memref<128xi32, #tpu.memory_space<vmem>>
      %dma_wait3A_172 = arith.constant 0 : i32
      %dma_wait3A_173 = arith.constant 0 : i32
      %dma_wait3A_174 = tpu.memref_slice %arg2[%dma_wait3A_172, %dma_wait3A_173] : memref<200000x16xf32, #tpu.memory_space<hbm>> -> memref<200000x16xf32, #tpu.memory_space<hbm>>
      tpu.wait_indirect_dma semaphore(%arg11 : memref<!tpu.dma_semaphore, #tpu.memory_space<semaphore_mem>>) src(%dma_wait3A_174 : memref<200000x16xf32, #tpu.memory_space<hbm>>) dst(%dma_wait3A_169 : memref<128x16xf32, #tpu.memory_space<vmem>>)
      %dma_wait3A_175 = arith.constant 5 : i32
      %dma_wait3A_176 = arith.constant 0 : i32
      %dma_wait3A_177 = arith.constant 0 : i32
      %dma_wait3A_178 = tpu.memref_slice %arg8[%dma_wait3A_175, %dma_wait3A_176, %dma_wait3A_177] : memref<8x128x16xf32, #tpu.memory_space<vmem>> -> memref<1x128x16xf32, #tpu.memory_space<vmem>>
      %dma_wait3A_179 = tpu.memref_squeeze %dma_wait3A_178 : memref<1x128x16xf32, #tpu.memory_space<vmem>> -> memref<128x16xf32, #tpu.memory_space<vmem>>
      %dma_wait3A_180 = arith.constant 640 : i32
      %dma_wait3A_181 = tpu.memref_slice %arg6[%dma_wait3A_180] : memref<1024xi32, #tpu.memory_space<vmem>> -> memref<128xi32, #tpu.memory_space<vmem>>
      %dma_wait3A_182 = arith.constant 0 : i32
      %dma_wait3A_183 = arith.constant 0 : i32
      %dma_wait3A_184 = tpu.memref_slice %arg2[%dma_wait3A_182, %dma_wait3A_183] : memref<200000x16xf32, #tpu.memory_space<hbm>> -> memref<200000x16xf32, #tpu.memory_space<hbm>>
      tpu.wait_indirect_dma semaphore(%arg11 : memref<!tpu.dma_semaphore, #tpu.memory_space<semaphore_mem>>) src(%dma_wait3A_184 : memref<200000x16xf32, #tpu.memory_space<hbm>>) dst(%dma_wait3A_179 : memref<128x16xf32, #tpu.memory_space<vmem>>)
      %dma_wait3A_185 = arith.constant 6 : i32
      %dma_wait3A_186 = arith.constant 0 : i32
      %dma_wait3A_187 = arith.constant 0 : i32
      %dma_wait3A_188 = tpu.memref_slice %arg8[%dma_wait3A_185, %dma_wait3A_186, %dma_wait3A_187] : memref<8x128x16xf32, #tpu.memory_space<vmem>> -> memref<1x128x16xf32, #tpu.memory_space<vmem>>
      %dma_wait3A_189 = tpu.memref_squeeze %dma_wait3A_188 : memref<1x128x16xf32, #tpu.memory_space<vmem>> -> memref<128x16xf32, #tpu.memory_space<vmem>>
      %dma_wait3A_190 = arith.constant 768 : i32
      %dma_wait3A_191 = tpu.memref_slice %arg6[%dma_wait3A_190] : memref<1024xi32, #tpu.memory_space<vmem>> -> memref<128xi32, #tpu.memory_space<vmem>>
      %dma_wait3A_192 = arith.constant 0 : i32
      %dma_wait3A_193 = arith.constant 0 : i32
      %dma_wait3A_194 = tpu.memref_slice %arg2[%dma_wait3A_192, %dma_wait3A_193] : memref<200000x16xf32, #tpu.memory_space<hbm>> -> memref<200000x16xf32, #tpu.memory_space<hbm>>
      tpu.wait_indirect_dma semaphore(%arg11 : memref<!tpu.dma_semaphore, #tpu.memory_space<semaphore_mem>>) src(%dma_wait3A_194 : memref<200000x16xf32, #tpu.memory_space<hbm>>) dst(%dma_wait3A_189 : memref<128x16xf32, #tpu.memory_space<vmem>>)
      %dma_wait3A_195 = arith.constant 7 : i32
      %dma_wait3A_196 = arith.constant 0 : i32
      %dma_wait3A_197 = arith.constant 0 : i32
      %dma_wait3A_198 = tpu.memref_slice %arg8[%dma_wait3A_195, %dma_wait3A_196, %dma_wait3A_197] : memref<8x128x16xf32, #tpu.memory_space<vmem>> -> memref<1x128x16xf32, #tpu.memory_space<vmem>>
      %dma_wait3A_199 = tpu.memref_squeeze %dma_wait3A_198 : memref<1x128x16xf32, #tpu.memory_space<vmem>> -> memref<128x16xf32, #tpu.memory_space<vmem>>
      %dma_wait3A_200 = arith.constant 896 : i32
      %dma_wait3A_201 = tpu.memref_slice %arg6[%dma_wait3A_200] : memref<1024xi32, #tpu.memory_space<vmem>> -> memref<128xi32, #tpu.memory_space<vmem>>
      %dma_wait3A_202 = arith.constant 0 : i32
      %dma_wait3A_203 = arith.constant 0 : i32
      %dma_wait3A_204 = tpu.memref_slice %arg2[%dma_wait3A_202, %dma_wait3A_203] : memref<200000x16xf32, #tpu.memory_space<hbm>> -> memref<200000x16xf32, #tpu.memory_space<hbm>>
      tpu.wait_indirect_dma semaphore(%arg11 : memref<!tpu.dma_semaphore, #tpu.memory_space<semaphore_mem>>) src(%dma_wait3A_204 : memref<200000x16xf32, #tpu.memory_space<hbm>>) dst(%dma_wait3A_199 : memref<128x16xf32, #tpu.memory_space<vmem>>)
      %run_scoped3A = arith.constant 0 : i32
      %run_scoped3A_205 = arith.constant 0 : i32
      "tpu.region"() ({
        %run_scoped3A_220 = tpu.sem_alloc : memref<!tpu.dma_semaphore, #tpu.memory_space<semaphore_mem>>
        %dma_start3A_221 = arith.constant 0 : i32
        %dma_start3A_222 = arith.constant 0 : i32
        %dma_start3A_223 = tpu.memref_slice %arg8[%run_scoped3A, %dma_start3A_221, %dma_start3A_222] : memref<8x128x16xf32, #tpu.memory_space<vmem>> -> memref<1x128x16xf32, #tpu.memory_space<vmem>>
        %dma_start3A_224 = tpu.memref_squeeze %dma_start3A_223 : memref<1x128x16xf32, #tpu.memory_space<vmem>> -> memref<128x16xf32, #tpu.memory_space<vmem>>
        %dma_start3A_225 = arith.constant 0 : i32
        %dma_start3A_226 = tpu.memref_slice %arg7[%run_scoped3A_205, %dma_start3A_225] : memref<8x128xi32, #tpu.memory_space<vmem>> -> memref<1x128xi32, #tpu.memory_space<vmem>>
        %dma_start3A_227 = tpu.memref_squeeze %dma_start3A_226 : memref<1x128xi32, #tpu.memory_space<vmem>> -> memref<128xi32, #tpu.memory_space<vmem>>
        %dma_start3A_228 = arith.constant 0 : i32
        %dma_start3A_229 = arith.constant 0 : i32
        %dma_start3A_230 = tpu.memref_slice %arg10[%dma_start3A_228, %dma_start3A_229] : memref<100352x16xf32, #tpu.memory_space<vmem_shared>> -> memref<100352x16xf32, #tpu.memory_space<vmem_shared>>
        tpu.enqueue_indirect_dma source(%dma_start3A_224 : memref<128x16xf32, #tpu.memory_space<vmem>>) target(%dma_start3A_230 : memref<100352x16xf32, #tpu.memory_space<vmem_shared>>) offsets(%dma_start3A_227 : memref<128xi32, #tpu.memory_space<vmem>>) semaphore(%run_scoped3A_220 : memref<!tpu.dma_semaphore, #tpu.memory_space<semaphore_mem>>) {add = true}
        %dma_wait3A_231 = arith.constant 0 : i32
        %dma_wait3A_232 = arith.constant 0 : i32
        %dma_wait3A_233 = tpu.memref_slice %arg8[%run_scoped3A, %dma_wait3A_231, %dma_wait3A_232] : memref<8x128x16xf32, #tpu.memory_space<vmem>> -> memref<1x128x16xf32, #tpu.memory_space<vmem>>
        %dma_wait3A_234 = tpu.memref_squeeze %dma_wait3A_233 : memref<1x128x16xf32, #tpu.memory_space<vmem>> -> memref<128x16xf32, #tpu.memory_space<vmem>>
        %dma_wait3A_235 = arith.constant 0 : i32
        %dma_wait3A_236 = tpu.memref_slice %arg7[%run_scoped3A_205, %dma_wait3A_235] : memref<8x128xi32, #tpu.memory_space<vmem>> -> memref<1x128xi32, #tpu.memory_space<vmem>>
        %dma_wait3A_237 = tpu.memref_squeeze %dma_wait3A_236 : memref<1x128xi32, #tpu.memory_space<vmem>> -> memref<128xi32, #tpu.memory_space<vmem>>
        %dma_wait3A_238 = arith.constant 0 : i32
        %dma_wait3A_239 = arith.constant 0 : i32
        %dma_wait3A_240 = tpu.memref_slice %arg10[%dma_wait3A_238, %dma_wait3A_239] : memref<100352x16xf32, #tpu.memory_space<vmem_shared>> -> memref<100352x16xf32, #tpu.memory_space<vmem_shared>>
        tpu.wait_indirect_dma semaphore(%run_scoped3A_220 : memref<!tpu.dma_semaphore, #tpu.memory_space<semaphore_mem>>) src(%dma_wait3A_234 : memref<128x16xf32, #tpu.memory_space<vmem>>) dst(%dma_wait3A_240 : memref<100352x16xf32, #tpu.memory_space<vmem_shared>>)
        tpu.yield
      }) : () -> ()
      %run_scoped3A_206 = arith.constant 1 : i32
      %run_scoped3A_207 = arith.constant 1 : i32
      "tpu.region"() ({
        %run_scoped3A_220 = tpu.sem_alloc : memref<!tpu.dma_semaphore, #tpu.memory_space<semaphore_mem>>
        %dma_start3A_221 = arith.constant 0 : i32
        %dma_start3A_222 = arith.constant 0 : i32
        %dma_start3A_223 = tpu.memref_slice %arg8[%run_scoped3A_206, %dma_start3A_221, %dma_start3A_222] : memref<8x128x16xf32, #tpu.memory_space<vmem>> -> memref<1x128x16xf32, #tpu.memory_space<vmem>>
        %dma_start3A_224 = tpu.memref_squeeze %dma_start3A_223 : memref<1x128x16xf32, #tpu.memory_space<vmem>> -> memref<128x16xf32, #tpu.memory_space<vmem>>
        %dma_start3A_225 = arith.constant 0 : i32
        %dma_start3A_226 = tpu.memref_slice %arg7[%run_scoped3A_207, %dma_start3A_225] : memref<8x128xi32, #tpu.memory_space<vmem>> -> memref<1x128xi32, #tpu.memory_space<vmem>>
        %dma_start3A_227 = tpu.memref_squeeze %dma_start3A_226 : memref<1x128xi32, #tpu.memory_space<vmem>> -> memref<128xi32, #tpu.memory_space<vmem>>
        %dma_start3A_228 = arith.constant 0 : i32
        %dma_start3A_229 = arith.constant 0 : i32
        %dma_start3A_230 = tpu.memref_slice %arg10[%dma_start3A_228, %dma_start3A_229] : memref<100352x16xf32, #tpu.memory_space<vmem_shared>> -> memref<100352x16xf32, #tpu.memory_space<vmem_shared>>
        tpu.enqueue_indirect_dma source(%dma_start3A_224 : memref<128x16xf32, #tpu.memory_space<vmem>>) target(%dma_start3A_230 : memref<100352x16xf32, #tpu.memory_space<vmem_shared>>) offsets(%dma_start3A_227 : memref<128xi32, #tpu.memory_space<vmem>>) semaphore(%run_scoped3A_220 : memref<!tpu.dma_semaphore, #tpu.memory_space<semaphore_mem>>) {add = true}
        %dma_wait3A_231 = arith.constant 0 : i32
        %dma_wait3A_232 = arith.constant 0 : i32
        %dma_wait3A_233 = tpu.memref_slice %arg8[%run_scoped3A_206, %dma_wait3A_231, %dma_wait3A_232] : memref<8x128x16xf32, #tpu.memory_space<vmem>> -> memref<1x128x16xf32, #tpu.memory_space<vmem>>
        %dma_wait3A_234 = tpu.memref_squeeze %dma_wait3A_233 : memref<1x128x16xf32, #tpu.memory_space<vmem>> -> memref<128x16xf32, #tpu.memory_space<vmem>>
        %dma_wait3A_235 = arith.constant 0 : i32
        %dma_wait3A_236 = tpu.memref_slice %arg7[%run_scoped3A_207, %dma_wait3A_235] : memref<8x128xi32, #tpu.memory_space<vmem>> -> memref<1x128xi32, #tpu.memory_space<vmem>>
        %dma_wait3A_237 = tpu.memref_squeeze %dma_wait3A_236 : memref<1x128xi32, #tpu.memory_space<vmem>> -> memref<128xi32, #tpu.memory_space<vmem>>
        %dma_wait3A_238 = arith.constant 0 : i32
        %dma_wait3A_239 = arith.constant 0 : i32
        %dma_wait3A_240 = tpu.memref_slice %arg10[%dma_wait3A_238, %dma_wait3A_239] : memref<100352x16xf32, #tpu.memory_space<vmem_shared>> -> memref<100352x16xf32, #tpu.memory_space<vmem_shared>>
        tpu.wait_indirect_dma semaphore(%run_scoped3A_220 : memref<!tpu.dma_semaphore, #tpu.memory_space<semaphore_mem>>) src(%dma_wait3A_234 : memref<128x16xf32, #tpu.memory_space<vmem>>) dst(%dma_wait3A_240 : memref<100352x16xf32, #tpu.memory_space<vmem_shared>>)
        tpu.yield
      }) : () -> ()
      %run_scoped3A_208 = arith.constant 2 : i32
      %run_scoped3A_209 = arith.constant 2 : i32
      "tpu.region"() ({
        %run_scoped3A_220 = tpu.sem_alloc : memref<!tpu.dma_semaphore, #tpu.memory_space<semaphore_mem>>
        %dma_start3A_221 = arith.constant 0 : i32
        %dma_start3A_222 = arith.constant 0 : i32
        %dma_start3A_223 = tpu.memref_slice %arg8[%run_scoped3A_208, %dma_start3A_221, %dma_start3A_222] : memref<8x128x16xf32, #tpu.memory_space<vmem>> -> memref<1x128x16xf32, #tpu.memory_space<vmem>>
        %dma_start3A_224 = tpu.memref_squeeze %dma_start3A_223 : memref<1x128x16xf32, #tpu.memory_space<vmem>> -> memref<128x16xf32, #tpu.memory_space<vmem>>
        %dma_start3A_225 = arith.constant 0 : i32
        %dma_start3A_226 = tpu.memref_slice %arg7[%run_scoped3A_209, %dma_start3A_225] : memref<8x128xi32, #tpu.memory_space<vmem>> -> memref<1x128xi32, #tpu.memory_space<vmem>>
        %dma_start3A_227 = tpu.memref_squeeze %dma_start3A_226 : memref<1x128xi32, #tpu.memory_space<vmem>> -> memref<128xi32, #tpu.memory_space<vmem>>
        %dma_start3A_228 = arith.constant 0 : i32
        %dma_start3A_229 = arith.constant 0 : i32
        %dma_start3A_230 = tpu.memref_slice %arg10[%dma_start3A_228, %dma_start3A_229] : memref<100352x16xf32, #tpu.memory_space<vmem_shared>> -> memref<100352x16xf32, #tpu.memory_space<vmem_shared>>
        tpu.enqueue_indirect_dma source(%dma_start3A_224 : memref<128x16xf32, #tpu.memory_space<vmem>>) target(%dma_start3A_230 : memref<100352x16xf32, #tpu.memory_space<vmem_shared>>) offsets(%dma_start3A_227 : memref<128xi32, #tpu.memory_space<vmem>>) semaphore(%run_scoped3A_220 : memref<!tpu.dma_semaphore, #tpu.memory_space<semaphore_mem>>) {add = true}
        %dma_wait3A_231 = arith.constant 0 : i32
        %dma_wait3A_232 = arith.constant 0 : i32
        %dma_wait3A_233 = tpu.memref_slice %arg8[%run_scoped3A_208, %dma_wait3A_231, %dma_wait3A_232] : memref<8x128x16xf32, #tpu.memory_space<vmem>> -> memref<1x128x16xf32, #tpu.memory_space<vmem>>
        %dma_wait3A_234 = tpu.memref_squeeze %dma_wait3A_233 : memref<1x128x16xf32, #tpu.memory_space<vmem>> -> memref<128x16xf32, #tpu.memory_space<vmem>>
        %dma_wait3A_235 = arith.constant 0 : i32
        %dma_wait3A_236 = tpu.memref_slice %arg7[%run_scoped3A_209, %dma_wait3A_235] : memref<8x128xi32, #tpu.memory_space<vmem>> -> memref<1x128xi32, #tpu.memory_space<vmem>>
        %dma_wait3A_237 = tpu.memref_squeeze %dma_wait3A_236 : memref<1x128xi32, #tpu.memory_space<vmem>> -> memref<128xi32, #tpu.memory_space<vmem>>
        %dma_wait3A_238 = arith.constant 0 : i32
        %dma_wait3A_239 = arith.constant 0 : i32
        %dma_wait3A_240 = tpu.memref_slice %arg10[%dma_wait3A_238, %dma_wait3A_239] : memref<100352x16xf32, #tpu.memory_space<vmem_shared>> -> memref<100352x16xf32, #tpu.memory_space<vmem_shared>>
        tpu.wait_indirect_dma semaphore(%run_scoped3A_220 : memref<!tpu.dma_semaphore, #tpu.memory_space<semaphore_mem>>) src(%dma_wait3A_234 : memref<128x16xf32, #tpu.memory_space<vmem>>) dst(%dma_wait3A_240 : memref<100352x16xf32, #tpu.memory_space<vmem_shared>>)
        tpu.yield
      }) : () -> ()
      %run_scoped3A_210 = arith.constant 3 : i32
      %run_scoped3A_211 = arith.constant 3 : i32
      "tpu.region"() ({
        %run_scoped3A_220 = tpu.sem_alloc : memref<!tpu.dma_semaphore, #tpu.memory_space<semaphore_mem>>
        %dma_start3A_221 = arith.constant 0 : i32
        %dma_start3A_222 = arith.constant 0 : i32
        %dma_start3A_223 = tpu.memref_slice %arg8[%run_scoped3A_210, %dma_start3A_221, %dma_start3A_222] : memref<8x128x16xf32, #tpu.memory_space<vmem>> -> memref<1x128x16xf32, #tpu.memory_space<vmem>>
        %dma_start3A_224 = tpu.memref_squeeze %dma_start3A_223 : memref<1x128x16xf32, #tpu.memory_space<vmem>> -> memref<128x16xf32, #tpu.memory_space<vmem>>
        %dma_start3A_225 = arith.constant 0 : i32
        %dma_start3A_226 = tpu.memref_slice %arg7[%run_scoped3A_211, %dma_start3A_225] : memref<8x128xi32, #tpu.memory_space<vmem>> -> memref<1x128xi32, #tpu.memory_space<vmem>>
        %dma_start3A_227 = tpu.memref_squeeze %dma_start3A_226 : memref<1x128xi32, #tpu.memory_space<vmem>> -> memref<128xi32, #tpu.memory_space<vmem>>
        %dma_start3A_228 = arith.constant 0 : i32
        %dma_start3A_229 = arith.constant 0 : i32
        %dma_start3A_230 = tpu.memref_slice %arg10[%dma_start3A_228, %dma_start3A_229] : memref<100352x16xf32, #tpu.memory_space<vmem_shared>> -> memref<100352x16xf32, #tpu.memory_space<vmem_shared>>
        tpu.enqueue_indirect_dma source(%dma_start3A_224 : memref<128x16xf32, #tpu.memory_space<vmem>>) target(%dma_start3A_230 : memref<100352x16xf32, #tpu.memory_space<vmem_shared>>) offsets(%dma_start3A_227 : memref<128xi32, #tpu.memory_space<vmem>>) semaphore(%run_scoped3A_220 : memref<!tpu.dma_semaphore, #tpu.memory_space<semaphore_mem>>) {add = true}
        %dma_wait3A_231 = arith.constant 0 : i32
        %dma_wait3A_232 = arith.constant 0 : i32
        %dma_wait3A_233 = tpu.memref_slice %arg8[%run_scoped3A_210, %dma_wait3A_231, %dma_wait3A_232] : memref<8x128x16xf32, #tpu.memory_space<vmem>> -> memref<1x128x16xf32, #tpu.memory_space<vmem>>
        %dma_wait3A_234 = tpu.memref_squeeze %dma_wait3A_233 : memref<1x128x16xf32, #tpu.memory_space<vmem>> -> memref<128x16xf32, #tpu.memory_space<vmem>>
        %dma_wait3A_235 = arith.constant 0 : i32
        %dma_wait3A_236 = tpu.memref_slice %arg7[%run_scoped3A_211, %dma_wait3A_235] : memref<8x128xi32, #tpu.memory_space<vmem>> -> memref<1x128xi32, #tpu.memory_space<vmem>>
        %dma_wait3A_237 = tpu.memref_squeeze %dma_wait3A_236 : memref<1x128xi32, #tpu.memory_space<vmem>> -> memref<128xi32, #tpu.memory_space<vmem>>
        %dma_wait3A_238 = arith.constant 0 : i32
        %dma_wait3A_239 = arith.constant 0 : i32
        %dma_wait3A_240 = tpu.memref_slice %arg10[%dma_wait3A_238, %dma_wait3A_239] : memref<100352x16xf32, #tpu.memory_space<vmem_shared>> -> memref<100352x16xf32, #tpu.memory_space<vmem_shared>>
        tpu.wait_indirect_dma semaphore(%run_scoped3A_220 : memref<!tpu.dma_semaphore, #tpu.memory_space<semaphore_mem>>) src(%dma_wait3A_234 : memref<128x16xf32, #tpu.memory_space<vmem>>) dst(%dma_wait3A_240 : memref<100352x16xf32, #tpu.memory_space<vmem_shared>>)
        tpu.yield
      }) : () -> ()
      %run_scoped3A_212 = arith.constant 4 : i32
      %run_scoped3A_213 = arith.constant 4 : i32
      "tpu.region"() ({
        %run_scoped3A_220 = tpu.sem_alloc : memref<!tpu.dma_semaphore, #tpu.memory_space<semaphore_mem>>
        %dma_start3A_221 = arith.constant 0 : i32
        %dma_start3A_222 = arith.constant 0 : i32
        %dma_start3A_223 = tpu.memref_slice %arg8[%run_scoped3A_212, %dma_start3A_221, %dma_start3A_222] : memref<8x128x16xf32, #tpu.memory_space<vmem>> -> memref<1x128x16xf32, #tpu.memory_space<vmem>>
        %dma_start3A_224 = tpu.memref_squeeze %dma_start3A_223 : memref<1x128x16xf32, #tpu.memory_space<vmem>> -> memref<128x16xf32, #tpu.memory_space<vmem>>
        %dma_start3A_225 = arith.constant 0 : i32
        %dma_start3A_226 = tpu.memref_slice %arg7[%run_scoped3A_213, %dma_start3A_225] : memref<8x128xi32, #tpu.memory_space<vmem>> -> memref<1x128xi32, #tpu.memory_space<vmem>>
        %dma_start3A_227 = tpu.memref_squeeze %dma_start3A_226 : memref<1x128xi32, #tpu.memory_space<vmem>> -> memref<128xi32, #tpu.memory_space<vmem>>
        %dma_start3A_228 = arith.constant 0 : i32
        %dma_start3A_229 = arith.constant 0 : i32
        %dma_start3A_230 = tpu.memref_slice %arg10[%dma_start3A_228, %dma_start3A_229] : memref<100352x16xf32, #tpu.memory_space<vmem_shared>> -> memref<100352x16xf32, #tpu.memory_space<vmem_shared>>
        tpu.enqueue_indirect_dma source(%dma_start3A_224 : memref<128x16xf32, #tpu.memory_space<vmem>>) target(%dma_start3A_230 : memref<100352x16xf32, #tpu.memory_space<vmem_shared>>) offsets(%dma_start3A_227 : memref<128xi32, #tpu.memory_space<vmem>>) semaphore(%run_scoped3A_220 : memref<!tpu.dma_semaphore, #tpu.memory_space<semaphore_mem>>) {add = true}
        %dma_wait3A_231 = arith.constant 0 : i32
        %dma_wait3A_232 = arith.constant 0 : i32
        %dma_wait3A_233 = tpu.memref_slice %arg8[%run_scoped3A_212, %dma_wait3A_231, %dma_wait3A_232] : memref<8x128x16xf32, #tpu.memory_space<vmem>> -> memref<1x128x16xf32, #tpu.memory_space<vmem>>
        %dma_wait3A_234 = tpu.memref_squeeze %dma_wait3A_233 : memref<1x128x16xf32, #tpu.memory_space<vmem>> -> memref<128x16xf32, #tpu.memory_space<vmem>>
        %dma_wait3A_235 = arith.constant 0 : i32
        %dma_wait3A_236 = tpu.memref_slice %arg7[%run_scoped3A_213, %dma_wait3A_235] : memref<8x128xi32, #tpu.memory_space<vmem>> -> memref<1x128xi32, #tpu.memory_space<vmem>>
        %dma_wait3A_237 = tpu.memref_squeeze %dma_wait3A_236 : memref<1x128xi32, #tpu.memory_space<vmem>> -> memref<128xi32, #tpu.memory_space<vmem>>
        %dma_wait3A_238 = arith.constant 0 : i32
        %dma_wait3A_239 = arith.constant 0 : i32
        %dma_wait3A_240 = tpu.memref_slice %arg10[%dma_wait3A_238, %dma_wait3A_239] : memref<100352x16xf32, #tpu.memory_space<vmem_shared>> -> memref<100352x16xf32, #tpu.memory_space<vmem_shared>>
        tpu.wait_indirect_dma semaphore(%run_scoped3A_220 : memref<!tpu.dma_semaphore, #tpu.memory_space<semaphore_mem>>) src(%dma_wait3A_234 : memref<128x16xf32, #tpu.memory_space<vmem>>) dst(%dma_wait3A_240 : memref<100352x16xf32, #tpu.memory_space<vmem_shared>>)
        tpu.yield
      }) : () -> ()
      %run_scoped3A_214 = arith.constant 5 : i32
      %run_scoped3A_215 = arith.constant 5 : i32
      "tpu.region"() ({
        %run_scoped3A_220 = tpu.sem_alloc : memref<!tpu.dma_semaphore, #tpu.memory_space<semaphore_mem>>
        %dma_start3A_221 = arith.constant 0 : i32
        %dma_start3A_222 = arith.constant 0 : i32
        %dma_start3A_223 = tpu.memref_slice %arg8[%run_scoped3A_214, %dma_start3A_221, %dma_start3A_222] : memref<8x128x16xf32, #tpu.memory_space<vmem>> -> memref<1x128x16xf32, #tpu.memory_space<vmem>>
        %dma_start3A_224 = tpu.memref_squeeze %dma_start3A_223 : memref<1x128x16xf32, #tpu.memory_space<vmem>> -> memref<128x16xf32, #tpu.memory_space<vmem>>
        %dma_start3A_225 = arith.constant 0 : i32
        %dma_start3A_226 = tpu.memref_slice %arg7[%run_scoped3A_215, %dma_start3A_225] : memref<8x128xi32, #tpu.memory_space<vmem>> -> memref<1x128xi32, #tpu.memory_space<vmem>>
        %dma_start3A_227 = tpu.memref_squeeze %dma_start3A_226 : memref<1x128xi32, #tpu.memory_space<vmem>> -> memref<128xi32, #tpu.memory_space<vmem>>
        %dma_start3A_228 = arith.constant 0 : i32
        %dma_start3A_229 = arith.constant 0 : i32
        %dma_start3A_230 = tpu.memref_slice %arg10[%dma_start3A_228, %dma_start3A_229] : memref<100352x16xf32, #tpu.memory_space<vmem_shared>> -> memref<100352x16xf32, #tpu.memory_space<vmem_shared>>
        tpu.enqueue_indirect_dma source(%dma_start3A_224 : memref<128x16xf32, #tpu.memory_space<vmem>>) target(%dma_start3A_230 : memref<100352x16xf32, #tpu.memory_space<vmem_shared>>) offsets(%dma_start3A_227 : memref<128xi32, #tpu.memory_space<vmem>>) semaphore(%run_scoped3A_220 : memref<!tpu.dma_semaphore, #tpu.memory_space<semaphore_mem>>) {add = true}
        %dma_wait3A_231 = arith.constant 0 : i32
        %dma_wait3A_232 = arith.constant 0 : i32
        %dma_wait3A_233 = tpu.memref_slice %arg8[%run_scoped3A_214, %dma_wait3A_231, %dma_wait3A_232] : memref<8x128x16xf32, #tpu.memory_space<vmem>> -> memref<1x128x16xf32, #tpu.memory_space<vmem>>
        %dma_wait3A_234 = tpu.memref_squeeze %dma_wait3A_233 : memref<1x128x16xf32, #tpu.memory_space<vmem>> -> memref<128x16xf32, #tpu.memory_space<vmem>>
        %dma_wait3A_235 = arith.constant 0 : i32
        %dma_wait3A_236 = tpu.memref_slice %arg7[%run_scoped3A_215, %dma_wait3A_235] : memref<8x128xi32, #tpu.memory_space<vmem>> -> memref<1x128xi32, #tpu.memory_space<vmem>>
        %dma_wait3A_237 = tpu.memref_squeeze %dma_wait3A_236 : memref<1x128xi32, #tpu.memory_space<vmem>> -> memref<128xi32, #tpu.memory_space<vmem>>
        %dma_wait3A_238 = arith.constant 0 : i32
        %dma_wait3A_239 = arith.constant 0 : i32
        %dma_wait3A_240 = tpu.memref_slice %arg10[%dma_wait3A_238, %dma_wait3A_239] : memref<100352x16xf32, #tpu.memory_space<vmem_shared>> -> memref<100352x16xf32, #tpu.memory_space<vmem_shared>>
        tpu.wait_indirect_dma semaphore(%run_scoped3A_220 : memref<!tpu.dma_semaphore, #tpu.memory_space<semaphore_mem>>) src(%dma_wait3A_234 : memref<128x16xf32, #tpu.memory_space<vmem>>) dst(%dma_wait3A_240 : memref<100352x16xf32, #tpu.memory_space<vmem_shared>>)
        tpu.yield
      }) : () -> ()
      %run_scoped3A_216 = arith.constant 6 : i32
      %run_scoped3A_217 = arith.constant 6 : i32
      "tpu.region"() ({
        %run_scoped3A_220 = tpu.sem_alloc : memref<!tpu.dma_semaphore, #tpu.memory_space<semaphore_mem>>
        %dma_start3A_221 = arith.constant 0 : i32
        %dma_start3A_222 = arith.constant 0 : i32
        %dma_start3A_223 = tpu.memref_slice %arg8[%run_scoped3A_216, %dma_start3A_221, %dma_start3A_222] : memref<8x128x16xf32, #tpu.memory_space<vmem>> -> memref<1x128x16xf32, #tpu.memory_space<vmem>>
        %dma_start3A_224 = tpu.memref_squeeze %dma_start3A_223 : memref<1x128x16xf32, #tpu.memory_space<vmem>> -> memref<128x16xf32, #tpu.memory_space<vmem>>
        %dma_start3A_225 = arith.constant 0 : i32
        %dma_start3A_226 = tpu.memref_slice %arg7[%run_scoped3A_217, %dma_start3A_225] : memref<8x128xi32, #tpu.memory_space<vmem>> -> memref<1x128xi32, #tpu.memory_space<vmem>>
        %dma_start3A_227 = tpu.memref_squeeze %dma_start3A_226 : memref<1x128xi32, #tpu.memory_space<vmem>> -> memref<128xi32, #tpu.memory_space<vmem>>
        %dma_start3A_228 = arith.constant 0 : i32
        %dma_start3A_229 = arith.constant 0 : i32
        %dma_start3A_230 = tpu.memref_slice %arg10[%dma_start3A_228, %dma_start3A_229] : memref<100352x16xf32, #tpu.memory_space<vmem_shared>> -> memref<100352x16xf32, #tpu.memory_space<vmem_shared>>
        tpu.enqueue_indirect_dma source(%dma_start3A_224 : memref<128x16xf32, #tpu.memory_space<vmem>>) target(%dma_start3A_230 : memref<100352x16xf32, #tpu.memory_space<vmem_shared>>) offsets(%dma_start3A_227 : memref<128xi32, #tpu.memory_space<vmem>>) semaphore(%run_scoped3A_220 : memref<!tpu.dma_semaphore, #tpu.memory_space<semaphore_mem>>) {add = true}
        %dma_wait3A_231 = arith.constant 0 : i32
        %dma_wait3A_232 = arith.constant 0 : i32
        %dma_wait3A_233 = tpu.memref_slice %arg8[%run_scoped3A_216, %dma_wait3A_231, %dma_wait3A_232] : memref<8x128x16xf32, #tpu.memory_space<vmem>> -> memref<1x128x16xf32, #tpu.memory_space<vmem>>
        %dma_wait3A_234 = tpu.memref_squeeze %dma_wait3A_233 : memref<1x128x16xf32, #tpu.memory_space<vmem>> -> memref<128x16xf32, #tpu.memory_space<vmem>>
        %dma_wait3A_235 = arith.constant 0 : i32
        %dma_wait3A_236 = tpu.memref_slice %arg7[%run_scoped3A_217, %dma_wait3A_235] : memref<8x128xi32, #tpu.memory_space<vmem>> -> memref<1x128xi32, #tpu.memory_space<vmem>>
        %dma_wait3A_237 = tpu.memref_squeeze %dma_wait3A_236 : memref<1x128xi32, #tpu.memory_space<vmem>> -> memref<128xi32, #tpu.memory_space<vmem>>
        %dma_wait3A_238 = arith.constant 0 : i32
        %dma_wait3A_239 = arith.constant 0 : i32
        %dma_wait3A_240 = tpu.memref_slice %arg10[%dma_wait3A_238, %dma_wait3A_239] : memref<100352x16xf32, #tpu.memory_space<vmem_shared>> -> memref<100352x16xf32, #tpu.memory_space<vmem_shared>>
        tpu.wait_indirect_dma semaphore(%run_scoped3A_220 : memref<!tpu.dma_semaphore, #tpu.memory_space<semaphore_mem>>) src(%dma_wait3A_234 : memref<128x16xf32, #tpu.memory_space<vmem>>) dst(%dma_wait3A_240 : memref<100352x16xf32, #tpu.memory_space<vmem_shared>>)
        tpu.yield
      }) : () -> ()
      %run_scoped3A_218 = arith.constant 7 : i32
      %run_scoped3A_219 = arith.constant 7 : i32
      "tpu.region"() ({
        %run_scoped3A_220 = tpu.sem_alloc : memref<!tpu.dma_semaphore, #tpu.memory_space<semaphore_mem>>
        %dma_start3A_221 = arith.constant 0 : i32
        %dma_start3A_222 = arith.constant 0 : i32
        %dma_start3A_223 = tpu.memref_slice %arg8[%run_scoped3A_218, %dma_start3A_221, %dma_start3A_222] : memref<8x128x16xf32, #tpu.memory_space<vmem>> -> memref<1x128x16xf32, #tpu.memory_space<vmem>>
        %dma_start3A_224 = tpu.memref_squeeze %dma_start3A_223 : memref<1x128x16xf32, #tpu.memory_space<vmem>> -> memref<128x16xf32, #tpu.memory_space<vmem>>
        %dma_start3A_225 = arith.constant 0 : i32
        %dma_start3A_226 = tpu.memref_slice %arg7[%run_scoped3A_219, %dma_start3A_225] : memref<8x128xi32, #tpu.memory_space<vmem>> -> memref<1x128xi32, #tpu.memory_space<vmem>>
        %dma_start3A_227 = tpu.memref_squeeze %dma_start3A_226 : memref<1x128xi32, #tpu.memory_space<vmem>> -> memref<128xi32, #tpu.memory_space<vmem>>
        %dma_start3A_228 = arith.constant 0 : i32
        %dma_start3A_229 = arith.constant 0 : i32
        %dma_start3A_230 = tpu.memref_slice %arg10[%dma_start3A_228, %dma_start3A_229] : memref<100352x16xf32, #tpu.memory_space<vmem_shared>> -> memref<100352x16xf32, #tpu.memory_space<vmem_shared>>
        tpu.enqueue_indirect_dma source(%dma_start3A_224 : memref<128x16xf32, #tpu.memory_space<vmem>>) target(%dma_start3A_230 : memref<100352x16xf32, #tpu.memory_space<vmem_shared>>) offsets(%dma_start3A_227 : memref<128xi32, #tpu.memory_space<vmem>>) semaphore(%run_scoped3A_220 : memref<!tpu.dma_semaphore, #tpu.memory_space<semaphore_mem>>) {add = true}
        %dma_wait3A_231 = arith.constant 0 : i32
        %dma_wait3A_232 = arith.constant 0 : i32
        %dma_wait3A_233 = tpu.memref_slice %arg8[%run_scoped3A_218, %dma_wait3A_231, %dma_wait3A_232] : memref<8x128x16xf32, #tpu.memory_space<vmem>> -> memref<1x128x16xf32, #tpu.memory_space<vmem>>
        %dma_wait3A_234 = tpu.memref_squeeze %dma_wait3A_233 : memref<1x128x16xf32, #tpu.memory_space<vmem>> -> memref<128x16xf32, #tpu.memory_space<vmem>>
        %dma_wait3A_235 = arith.constant 0 : i32
        %dma_wait3A_236 = tpu.memref_slice %arg7[%run_scoped3A_219, %dma_wait3A_235] : memref<8x128xi32, #tpu.memory_space<vmem>> -> memref<1x128xi32, #tpu.memory_space<vmem>>
        %dma_wait3A_237 = tpu.memref_squeeze %dma_wait3A_236 : memref<1x128xi32, #tpu.memory_space<vmem>> -> memref<128xi32, #tpu.memory_space<vmem>>
        %dma_wait3A_238 = arith.constant 0 : i32
        %dma_wait3A_239 = arith.constant 0 : i32
        %dma_wait3A_240 = tpu.memref_slice %arg10[%dma_wait3A_238, %dma_wait3A_239] : memref<100352x16xf32, #tpu.memory_space<vmem_shared>> -> memref<100352x16xf32, #tpu.memory_space<vmem_shared>>
        tpu.wait_indirect_dma semaphore(%run_scoped3A_220 : memref<!tpu.dma_semaphore, #tpu.memory_space<semaphore_mem>>) src(%dma_wait3A_234 : memref<128x16xf32, #tpu.memory_space<vmem>>) dst(%dma_wait3A_240 : memref<100352x16xf32, #tpu.memory_space<vmem_shared>>)
        tpu.yield
      }) : () -> ()
    }
    %scan3A_14 = arith.constant 100 : i32
    %barrier3A_15 = arith.constant 0 : index
    tpu.barrier barrier_id(%barrier3A_15)
    %lt3A = arith.constant 15 : i32
    %lt3A_16 = arith.cmpi slt, %arg1, %lt3A : i32
    %convert_element_type3A = arith.extui %lt3A_16 : i1 to i32
    %cond3A = arith.constant 0 : i32
    %cond3A_17 = arith.cmpi ne, %convert_element_type3A, %cond3A : i32
    scf.if %cond3A_17 {
      %mul3A_32 = arith.constant 6272 : i32
      %mul3A_33 = arith.muli %arg1, %mul3A_32 : i32
      %mul3A_34 = arith.constant 100000 : i32
      %mul3A_35 = arith.muli %arg0, %mul3A_34 : i32
      %mul3A_36 = arith.constant 6272 : i32
      %mul3A_37 = arith.muli %arg1, %mul3A_36 : i32
      %add3A = arith.addi %mul3A_35, %mul3A_37 : i32
      "tpu.region"() ({
        %run_scoped3A = tpu.sem_alloc : memref<!tpu.dma_semaphore, #tpu.memory_space<semaphore_mem>>
        %dma_start3A = arith.constant 0 : i32
        %dma_start3A_38 = tpu.memref_slice %arg5[%add3A, %dma_start3A] : memref<200000x16xf32, #tpu.memory_space<hbm>> -> memref<6272x16xf32, #tpu.memory_space<hbm>>
        %dma_start3A_39 = arith.constant 0 : i32
        %dma_start3A_40 = tpu.memref_slice %arg10[%mul3A_33, %dma_start3A_39] : memref<100352x16xf32, #tpu.memory_space<vmem_shared>> -> memref<6272x16xf32, #tpu.memory_space<vmem_shared>>
        tpu.enqueue_dma source(%dma_start3A_40 : memref<6272x16xf32, #tpu.memory_space<vmem_shared>>) target(%dma_start3A_38 : memref<6272x16xf32, #tpu.memory_space<hbm>>) target_semaphore(%run_scoped3A : memref<!tpu.dma_semaphore, #tpu.memory_space<semaphore_mem>>)
        %dma_wait3A = arith.constant 0 : i32
        %dma_wait3A_41 = tpu.memref_slice %arg5[%add3A, %dma_wait3A] : memref<200000x16xf32, #tpu.memory_space<hbm>> -> memref<6272x16xf32, #tpu.memory_space<hbm>>
        %dma_wait3A_42 = arith.constant 0 : i32
        %dma_wait3A_43 = tpu.memref_slice %arg10[%mul3A_33, %dma_wait3A_42] : memref<100352x16xf32, #tpu.memory_space<vmem_shared>> -> memref<6272x16xf32, #tpu.memory_space<vmem_shared>>
        tpu.wait_dma2 semaphore(%run_scoped3A : memref<!tpu.dma_semaphore, #tpu.memory_space<semaphore_mem>>) src(%dma_wait3A_43 : memref<6272x16xf32, #tpu.memory_space<vmem_shared>>) dst(%dma_wait3A_41 : memref<6272x16xf32, #tpu.memory_space<hbm>>)
        tpu.yield
      }) : () -> ()
    } else {
    }
    %eq3A = arith.constant 15 : i32
    %eq3A_18 = arith.cmpi eq, %arg1, %eq3A : i32
    %convert_element_type3A_19 = arith.extui %eq3A_18 : i1 to i32
    %cond3A_20 = arith.constant 0 : i32
    %cond3A_21 = arith.cmpi ne, %convert_element_type3A_19, %cond3A_20 : i32
    scf.if %cond3A_21 {
      %mul3A_32 = arith.constant 100000 : i32
      %mul3A_33 = arith.muli %arg0, %mul3A_32 : i32
      %add3A = arith.constant 94080 : i32
      %add3A_34 = arith.addi %mul3A_33, %add3A : i32
      "tpu.region"() ({
        %run_scoped3A = tpu.sem_alloc : memref<!tpu.dma_semaphore, #tpu.memory_space<semaphore_mem>>
        %dma_start3A = arith.constant 0 : i32
        %dma_start3A_35 = tpu.memref_slice %arg5[%add3A_34, %dma_start3A] : memref<200000x16xf32, #tpu.memory_space<hbm>> -> memref<5920x16xf32, #tpu.memory_space<hbm>>
        %dma_start3A_36 = arith.constant 94080 : i32
        %dma_start3A_37 = arith.constant 0 : i32
        %dma_start3A_38 = tpu.memref_slice %arg10[%dma_start3A_36, %dma_start3A_37] : memref<100352x16xf32, #tpu.memory_space<vmem_shared>> -> memref<5920x16xf32, #tpu.memory_space<vmem_shared>>
        tpu.enqueue_dma source(%dma_start3A_38 : memref<5920x16xf32, #tpu.memory_space<vmem_shared>>) target(%dma_start3A_35 : memref<5920x16xf32, #tpu.memory_space<hbm>>) target_semaphore(%run_scoped3A : memref<!tpu.dma_semaphore, #tpu.memory_space<semaphore_mem>>)
        %dma_wait3A = arith.constant 0 : i32
        %dma_wait3A_39 = tpu.memref_slice %arg5[%add3A_34, %dma_wait3A] : memref<200000x16xf32, #tpu.memory_space<hbm>> -> memref<5920x16xf32, #tpu.memory_space<hbm>>
        %dma_wait3A_40 = arith.constant 94080 : i32
        %dma_wait3A_41 = arith.constant 0 : i32
        %dma_wait3A_42 = tpu.memref_slice %arg10[%dma_wait3A_40, %dma_wait3A_41] : memref<100352x16xf32, #tpu.memory_space<vmem_shared>> -> memref<5920x16xf32, #tpu.memory_space<vmem_shared>>
        tpu.wait_dma2 semaphore(%run_scoped3A : memref<!tpu.dma_semaphore, #tpu.memory_space<semaphore_mem>>) src(%dma_wait3A_42 : memref<5920x16xf32, #tpu.memory_space<vmem_shared>>) dst(%dma_wait3A_39 : memref<5920x16xf32, #tpu.memory_space<hbm>>)
        tpu.yield
      }) : () -> ()
    } else {
    }
    %lt3A_22 = arith.constant 15 : i32
    %lt3A_23 = arith.cmpi slt, %arg1, %lt3A_22 : i32
    %convert_element_type3A_24 = arith.extui %lt3A_23 : i1 to i32
    %cond3A_25 = arith.constant 0 : i32
    %cond3A_26 = arith.cmpi ne, %convert_element_type3A_24, %cond3A_25 : i32
    scf.if %cond3A_26 {
      %scan3A_32 = arith.constant 0 : i32
      %scan3A_33 = arith.constant 49 : i32
      %scan3A_34 = arith.addi %scan3A_32, %scan3A_33 : i32
      %scan3A_35 = arith.constant 1 : i32
      scf.for %scan3A_37 = %scan3A_32 to %scan3A_34 step %scan3A_35  : i32 {
        %mul3A_38 = arith.constant 100000 : i32
        %mul3A_39 = arith.muli %arg0, %mul3A_38 : i32
        %mul3A_40 = arith.constant 6272 : i32
        %mul3A_41 = arith.muli %arg1, %mul3A_40 : i32
        %add3A = arith.addi %mul3A_39, %mul3A_41 : i32
        %mul3A_42 = arith.constant 128 : i32
        %mul3A_43 = arith.muli %scan3A_37, %mul3A_42 : i32
        %add3A_44 = arith.addi %add3A, %mul3A_43 : i32
        "tpu.region"() ({
          %run_scoped3A = tpu.sem_alloc : memref<!tpu.dma_semaphore, #tpu.memory_space<semaphore_mem>>
          %dma_start3A = arith.constant 0 : i32
          %dma_start3A_45 = tpu.memref_slice %arg5[%add3A_44, %dma_start3A] : memref<200000x16xf32, #tpu.memory_space<hbm>> -> memref<128x16xf32, #tpu.memory_space<hbm>>
          %dma_start3A_46 = arith.constant 0 : i32
          %dma_start3A_47 = tpu.memref_slice %arg5[%add3A_44, %dma_start3A_46] : memref<200000x16xf32, #tpu.memory_space<hbm>> -> memref<128x16xf32, #tpu.memory_space<hbm>>
          tpu.enqueue_dma source(%dma_start3A_47 : memref<128x16xf32, #tpu.memory_space<hbm>>) target(%arg9 : memref<128x16xf32, #tpu.memory_space<vmem>>) target_semaphore(%run_scoped3A : memref<!tpu.dma_semaphore, #tpu.memory_space<semaphore_mem>>)
          %dma_wait3A = arith.constant 0 : i32
          %dma_wait3A_48 = tpu.memref_slice %arg5[%add3A_44, %dma_wait3A] : memref<200000x16xf32, #tpu.memory_space<hbm>> -> memref<128x16xf32, #tpu.memory_space<hbm>>
          %dma_wait3A_49 = arith.constant 0 : i32
          %dma_wait3A_50 = tpu.memref_slice %arg5[%add3A_44, %dma_wait3A_49] : memref<200000x16xf32, #tpu.memory_space<hbm>> -> memref<128x16xf32, #tpu.memory_space<hbm>>
          tpu.wait_dma2 semaphore(%run_scoped3A : memref<!tpu.dma_semaphore, #tpu.memory_space<semaphore_mem>>) src(%dma_wait3A_50 : memref<128x16xf32, #tpu.memory_space<hbm>>) dst(%arg9 : memref<128x16xf32, #tpu.memory_space<vmem>>)
          tpu.yield
        }) : () -> ()
      }
      %scan3A_36 = arith.constant 49 : i32
    } else {
    }
    %eq3A_27 = arith.constant 15 : i32
    %eq3A_28 = arith.cmpi eq, %arg1, %eq3A_27 : i32
    %convert_element_type3A_29 = arith.extui %eq3A_28 : i1 to i32
    %cond3A_30 = arith.constant 0 : i32
    %cond3A_31 = arith.cmpi ne, %convert_element_type3A_29, %cond3A_30 : i32
    scf.if %cond3A_31 {
      %scan3A_32 = arith.constant 0 : i32
      %scan3A_33 = arith.constant 46 : i32
      %scan3A_34 = arith.addi %scan3A_32, %scan3A_33 : i32
      %scan3A_35 = arith.constant 1 : i32
      scf.for %scan3A_42 = %scan3A_32 to %scan3A_34 step %scan3A_35  : i32 {
        %mul3A_43 = arith.constant 100000 : i32
        %mul3A_44 = arith.muli %arg0, %mul3A_43 : i32
        %mul3A_45 = arith.constant 6272 : i32
        %mul3A_46 = arith.muli %arg1, %mul3A_45 : i32
        %add3A_47 = arith.addi %mul3A_44, %mul3A_46 : i32
        %mul3A_48 = arith.constant 128 : i32
        %mul3A_49 = arith.muli %scan3A_42, %mul3A_48 : i32
        %add3A_50 = arith.addi %add3A_47, %mul3A_49 : i32
        "tpu.region"() ({
          %run_scoped3A = tpu.sem_alloc : memref<!tpu.dma_semaphore, #tpu.memory_space<semaphore_mem>>
          %dma_start3A = arith.constant 0 : i32
          %dma_start3A_51 = tpu.memref_slice %arg5[%add3A_50, %dma_start3A] : memref<200000x16xf32, #tpu.memory_space<hbm>> -> memref<128x16xf32, #tpu.memory_space<hbm>>
          %dma_start3A_52 = arith.constant 0 : i32
          %dma_start3A_53 = tpu.memref_slice %arg5[%add3A_50, %dma_start3A_52] : memref<200000x16xf32, #tpu.memory_space<hbm>> -> memref<128x16xf32, #tpu.memory_space<hbm>>
          tpu.enqueue_dma source(%dma_start3A_53 : memref<128x16xf32, #tpu.memory_space<hbm>>) target(%arg9 : memref<128x16xf32, #tpu.memory_space<vmem>>) target_semaphore(%run_scoped3A : memref<!tpu.dma_semaphore, #tpu.memory_space<semaphore_mem>>)
          %dma_wait3A = arith.constant 0 : i32
          %dma_wait3A_54 = tpu.memref_slice %arg5[%add3A_50, %dma_wait3A] : memref<200000x16xf32, #tpu.memory_space<hbm>> -> memref<128x16xf32, #tpu.memory_space<hbm>>
          %dma_wait3A_55 = arith.constant 0 : i32
          %dma_wait3A_56 = tpu.memref_slice %arg5[%add3A_50, %dma_wait3A_55] : memref<200000x16xf32, #tpu.memory_space<hbm>> -> memref<128x16xf32, #tpu.memory_space<hbm>>
          tpu.wait_dma2 semaphore(%run_scoped3A : memref<!tpu.dma_semaphore, #tpu.memory_space<semaphore_mem>>) src(%dma_wait3A_56 : memref<128x16xf32, #tpu.memory_space<hbm>>) dst(%arg9 : memref<128x16xf32, #tpu.memory_space<vmem>>)
          tpu.yield
        }) : () -> ()
      }
      %scan3A_36 = arith.constant 46 : i32
      %mul3A_37 = arith.constant 100000 : i32
      %mul3A_38 = arith.muli %arg0, %mul3A_37 : i32
      %add3A = arith.constant 94080 : i32
      %add3A_39 = arith.addi %mul3A_38, %add3A : i32
      %add3A_40 = arith.constant 5888 : i32
      %add3A_41 = arith.addi %add3A_39, %add3A_40 : i32
      "tpu.region"() ({
        %run_scoped3A = tpu.sem_alloc : memref<!tpu.dma_semaphore, #tpu.memory_space<semaphore_mem>>
        %dma_start3A = arith.constant 0 : i32
        %dma_start3A_42 = arith.constant 0 : i32
        %dma_start3A_43 = tpu.memref_slice %arg9[%dma_start3A, %dma_start3A_42] : memref<128x16xf32, #tpu.memory_space<vmem>> -> memref<32x16xf32, #tpu.memory_space<vmem>>
        %dma_start3A_44 = arith.constant 0 : i32
        %dma_start3A_45 = tpu.memref_slice %arg5[%add3A_41, %dma_start3A_44] : memref<200000x16xf32, #tpu.memory_space<hbm>> -> memref<32x16xf32, #tpu.memory_space<hbm>>
        %dma_start3A_46 = arith.constant 0 : i32
        %dma_start3A_47 = arith.constant 0 : i32
        %dma_start3A_48 = tpu.memref_slice %arg9[%dma_start3A_46, %dma_start3A_47] : memref<128x16xf32, #tpu.memory_space<vmem>> -> memref<32x16xf32, #tpu.memory_space<vmem>>
        %dma_start3A_49 = arith.constant 0 : i32
        %dma_start3A_50 = tpu.memref_slice %arg5[%add3A_41, %dma_start3A_49] : memref<200000x16xf32, #tpu.memory_space<hbm>> -> memref<32x16xf32, #tpu.memory_space<hbm>>
        tpu.enqueue_dma source(%dma_start3A_50 : memref<32x16xf32, #tpu.memory_space<hbm>>) target(%dma_start3A_48 : memref<32x16xf32, #tpu.memory_space<vmem>>) target_semaphore(%run_scoped3A : memref<!tpu.dma_semaphore, #tpu.memory_space<semaphore_mem>>)
        %dma_wait3A = arith.constant 0 : i32
        %dma_wait3A_51 = arith.constant 0 : i32
        %dma_wait3A_52 = tpu.memref_slice %arg9[%dma_wait3A, %dma_wait3A_51] : memref<128x16xf32, #tpu.memory_space<vmem>> -> memref<32x16xf32, #tpu.memory_space<vmem>>
        %dma_wait3A_53 = arith.constant 0 : i32
        %dma_wait3A_54 = tpu.memref_slice %arg5[%add3A_41, %dma_wait3A_53] : memref<200000x16xf32, #tpu.memory_space<hbm>> -> memref<32x16xf32, #tpu.memory_space<hbm>>
        %dma_wait3A_55 = arith.constant 0 : i32
        %dma_wait3A_56 = arith.constant 0 : i32
        %dma_wait3A_57 = tpu.memref_slice %arg9[%dma_wait3A_55, %dma_wait3A_56] : memref<128x16xf32, #tpu.memory_space<vmem>> -> memref<32x16xf32, #tpu.memory_space<vmem>>
        %dma_wait3A_58 = arith.constant 0 : i32
        %dma_wait3A_59 = tpu.memref_slice %arg5[%add3A_41, %dma_wait3A_58] : memref<200000x16xf32, #tpu.memory_space<hbm>> -> memref<32x16xf32, #tpu.memory_space<hbm>>
        tpu.wait_dma2 semaphore(%run_scoped3A : memref<!tpu.dma_semaphore, #tpu.memory_space<semaphore_mem>>) src(%dma_wait3A_59 : memref<32x16xf32, #tpu.memory_space<hbm>>) dst(%dma_wait3A_57 : memref<32x16xf32, #tpu.memory_space<vmem>>)
        tpu.yield
      }) : () -> ()
    } else {
    }
    return
  }
}

#map = affine_map<(d0, d1) -> (0, 0)>
#map1 = affine_map<(d0, d1) -> (0)>
module attributes {stable_mosaic.version = 14 : i64} {
  func.func @k(%arg0: i32, %arg1: i32, %arg2: memref<200000x16xf32, #tpu.memory_space<hbm>>, %arg3: memref<1638400xi32, #tpu.memory_space<hbm>>, %arg4: memref<12800x128xi32, #tpu.memory_space<hbm>>, %arg5: memref<200000x16xf32, #tpu.memory_space<hbm>>, %arg6: memref<1024xi32, #tpu.memory_space<vmem>>, %arg7: memref<8x128xi32, #tpu.memory_space<vmem>>, %arg8: memref<8x128x16xf32, #tpu.memory_space<vmem>>, %arg9: memref<128x16xf32, #tpu.memory_space<vmem>>, %arg10: memref<100352x16xf32, #tpu.memory_space<vmem_shared>>, %arg11: memref<!tpu.dma_semaphore, #tpu.memory_space<semaphore_mem>>) attributes {dimension_semantics = [#tpu.dimension_semantics<core_parallel>, #tpu.dimension_semantics<subcore_parallel>], iteration_bounds = array<i64: 2, 16>, scalar_prefetch = 0 : i64, scratch_operands = 6 : i64, tpu.core_type = #tpu.core_type<sc_vector_subcore>, window_params = [{transform_indices = #map}, {transform_indices = #map1}, {transform_indices = #map}, {transform_indices = #map}]} {
    %mul3A = arith.constant 100000 : i32
    %mul3A_0 = arith.muli %arg0, %mul3A : i32
    %scan3A = arith.constant 0 : i32
    %scan3A_1 = arith.constant 128 : i32
    %scan3A_2 = arith.addi %scan3A, %scan3A_1 : i32
    %scan3A_3 = arith.constant 1 : i32
    scf.for %scan3A_32 = %scan3A to %scan3A_2 step %scan3A_3  : i32 {
      %broadcast_in_dim3A = arith.constant 0.000000e+00 : f32
      %broadcast_in_dim3A_33 = vector.broadcast %broadcast_in_dim3A : f32 to vector<16xf32>
      %swap3A = arith.index_cast %scan3A_32 : i32 to index
      %swap3A_34 = arith.constant 0 : index
      %swap3A_35 = tpu.vector_load %arg9[%swap3A, %swap3A_34] {strides = array<i32>} : memref<128x16xf32, #tpu.memory_space<vmem>>, vector<1x16xf32>,
      %swap3A_36 = vector.shape_cast %swap3A_35 : vector<1x16xf32> to vector<16xf32>
      %swap3A_37 = vector.shape_cast %broadcast_in_dim3A_33 : vector<16xf32> to vector<1x16xf32>
      tpu.vector_store %arg9[%swap3A, %swap3A_34], %swap3A_37 {strides = array<i32>} : memref<128x16xf32, #tpu.memory_space<vmem>>, vector<1x16xf32>,
    }
    %scan3A_4 = arith.constant 128 : i32
    %scan3A_5 = arith.constant 0 : i32
    %scan3A_6 = arith.constant 49 : i32
    %scan3A_7 = arith.addi %scan3A_5, %scan3A_6 : i32
    %scan3A_8 = arith.constant 1 : i32
    scf.for %scan3A_32 = %scan3A_5 to %scan3A_7 step %scan3A_8  : i32 {
      %mul3A_33 = arith.constant 49 : i32
      %mul3A_34 = arith.muli %arg1, %mul3A_33 : i32
      %add3A = arith.addi %mul3A_34, %scan3A_32 : i32
      %mul3A_35 = arith.constant 128 : i32
      %mul3A_36 = arith.muli %add3A, %mul3A_35 : i32
      "tpu.region"() ({
        %run_scoped3A = tpu.sem_alloc : memref<!tpu.dma_semaphore, #tpu.memory_space<semaphore_mem>>
        %dma_start3A = arith.constant 0 : i32
        %dma_start3A_37 = tpu.memref_slice %arg10[%mul3A_36, %dma_start3A] : memref<100352x16xf32, #tpu.memory_space<vmem_shared>> -> memref<128x16xf32, #tpu.memory_space<vmem_shared>>
        %dma_start3A_38 = arith.constant 0 : i32
        %dma_start3A_39 = tpu.memref_slice %arg10[%mul3A_36, %dma_start3A_38] : memref<100352x16xf32, #tpu.memory_space<vmem_shared>> -> memref<128x16xf32, #tpu.memory_space<vmem_shared>>
        tpu.enqueue_dma source(%arg9 : memref<128x16xf32, #tpu.memory_space<vmem>>) target(%dma_start3A_39 : memref<128x16xf32, #tpu.memory_space<vmem_shared>>) target_semaphore(%run_scoped3A : memref<!tpu.dma_semaphore, #tpu.memory_space<semaphore_mem>>)
        %dma_wait3A = arith.constant 0 : i32
        %dma_wait3A_40 = tpu.memref_slice %arg10[%mul3A_36, %dma_wait3A] : memref<100352x16xf32, #tpu.memory_space<vmem_shared>> -> memref<128x16xf32, #tpu.memory_space<vmem_shared>>
        %dma_wait3A_41 = arith.constant 0 : i32
        %dma_wait3A_42 = tpu.memref_slice %arg10[%mul3A_36, %dma_wait3A_41] : memref<100352x16xf32, #tpu.memory_space<vmem_shared>> -> memref<128x16xf32, #tpu.memory_space<vmem_shared>>
        tpu.wait_dma2 semaphore(%run_scoped3A : memref<!tpu.dma_semaphore, #tpu.memory_space<semaphore_mem>>) src(%arg9 : memref<128x16xf32, #tpu.memory_space<vmem>>) dst(%dma_wait3A_42 : memref<128x16xf32, #tpu.memory_space<vmem_shared>>)
        tpu.yield
      }) : () -> ()
    }
    %scan3A_9 = arith.constant 49 : i32
    %barrier3A = arith.constant 0 : index
    tpu.barrier barrier_id(%barrier3A)
    %scan3A_10 = arith.constant 0 : i32
    %scan3A_11 = arith.constant 100 : i32
    %scan3A_12 = arith.addi %scan3A_10, %scan3A_11 : i32
    %scan3A_13 = arith.constant 1 : i32
    scf.for %scan3A_32 = %scan3A_10 to %scan3A_12 step %scan3A_13  : i32 {
      %mul3A_33 = arith.constant 102400 : i32
      %mul3A_34 = arith.muli %arg1, %mul3A_33 : i32
      %mul3A_35 = arith.constant 1024 : i32
      %mul3A_36 = arith.muli %scan3A_32, %mul3A_35 : i32
      %add3A = arith.addi %mul3A_34, %mul3A_36 : i32
      "tpu.region"() ({
        %run_scoped3A_220 = tpu.sem_alloc : memref<!tpu.dma_semaphore, #tpu.memory_space<semaphore_mem>>
        %dma_start3A_221 = tpu.memref_slice %arg3[%add3A] : memref<1638400xi32, #tpu.memory_space<hbm>> -> memref<1024xi32, #tpu.memory_space<hbm>>
        %dma_start3A_222 = tpu.memref_slice %arg3[%add3A] : memref<1638400xi32, #tpu.memory_space<hbm>> -> memref<1024xi32, #tpu.memory_space<hbm>>
        tpu.enqueue_dma source(%dma_start3A_222 : memref<1024xi32, #tpu.memory_space<hbm>>) target(%arg6 : memref<1024xi32, #tpu.memory_space<vmem>>) target_semaphore(%run_scoped3A_220 : memref<!tpu.dma_semaphore, #tpu.memory_space<semaphore_mem>>)
        %dma_wait3A_223 = tpu.memref_slice %arg3[%add3A] : memref<1638400xi32, #tpu.memory_space<hbm>> -> memref<1024xi32, #tpu.memory_space<hbm>>
        %dma_wait3A_224 = tpu.memref_slice %arg3[%add3A] : memref<1638400xi32, #tpu.memory_space<hbm>> -> memref<1024xi32, #tpu.memory_space<hbm>>
        tpu.wait_dma2 semaphore(%run_scoped3A_220 : memref<!tpu.dma_semaphore, #tpu.memory_space<semaphore_mem>>) src(%dma_wait3A_224 : memref<1024xi32, #tpu.memory_space<hbm>>) dst(%arg6 : memref<1024xi32, #tpu.memory_space<vmem>>)
        tpu.yield
      }) : () -> ()
      %mul3A_37 = arith.constant 800 : i32
      %mul3A_38 = arith.muli %arg1, %mul3A_37 : i32
      %mul3A_39 = arith.constant 8 : i32
      %mul3A_40 = arith.muli %scan3A_32, %mul3A_39 : i32
      %add3A_41 = arith.addi %mul3A_38, %mul3A_40 : i32
      "tpu.region"() ({
        %run_scoped3A_220 = tpu.sem_alloc : memref<!tpu.dma_semaphore, #tpu.memory_space<semaphore_mem>>
        %dma_start3A_221 = arith.constant 0 : i32
        %dma_start3A_222 = tpu.memref_slice %arg4[%add3A_41, %dma_start3A_221] : memref<12800x128xi32, #tpu.memory_space<hbm>> -> memref<8x128xi32, #tpu.memory_space<hbm>>
        %dma_start3A_223 = arith.constant 0 : i32
        %dma_start3A_224 = tpu.memref_slice %arg4[%add3A_41, %dma_start3A_223] : memref<12800x128xi32, #tpu.memory_space<hbm>> -> memref<8x128xi32, #tpu.memory_space<hbm>>
        tpu.enqueue_dma source(%dma_start3A_224 : memref<8x128xi32, #tpu.memory_space<hbm>>) target(%arg7 : memref<8x128xi32, #tpu.memory_space<vmem>>) target_semaphore(%run_scoped3A_220 : memref<!tpu.dma_semaphore, #tpu.memory_space<semaphore_mem>>)
        %dma_wait3A_225 = arith.constant 0 : i32
        %dma_wait3A_226 = tpu.memref_slice %arg4[%add3A_41, %dma_wait3A_225] : memref<12800x128xi32, #tpu.memory_space<hbm>> -> memref<8x128xi32, #tpu.memory_space<hbm>>
        %dma_wait3A_227 = arith.constant 0 : i32
        %dma_wait3A_228 = tpu.memref_slice %arg4[%add3A_41, %dma_wait3A_227] : memref<12800x128xi32, #tpu.memory_space<hbm>> -> memref<8x128xi32, #tpu.memory_space<hbm>>
        tpu.wait_dma2 semaphore(%run_scoped3A_220 : memref<!tpu.dma_semaphore, #tpu.memory_space<semaphore_mem>>) src(%dma_wait3A_228 : memref<8x128xi32, #tpu.memory_space<hbm>>) dst(%arg7 : memref<8x128xi32, #tpu.memory_space<vmem>>)
        tpu.yield
      }) : () -> ()
      %scan3A_42 = arith.constant 0 : i32
      %scan3A_43 = arith.constant 64 : i32
      %scan3A_44 = arith.addi %scan3A_42, %scan3A_43 : i32
      %scan3A_45 = arith.constant 1 : i32
      scf.for %scan3A_220 = %scan3A_42 to %scan3A_44 step %scan3A_45  : i32 {
        %mul3A_221 = arith.constant 16 : i32
        %mul3A_222 = arith.muli %scan3A_220, %mul3A_221 : i32
        %get3A = arith.index_cast %mul3A_222 : i32 to index
        %get3A_223 = tpu.vector_load %arg6[%get3A] {strides = array<i32>} : memref<1024xi32, #tpu.memory_space<vmem>>, vector<16xi32>,
        %get3A_224 = vector.shape_cast %get3A_223 : vector<16xi32> to vector<16xi32>
        %add3A_225 = vector.broadcast %mul3A_0 : i32 to vector<16xi32>
        %add3A_226 = arith.addi %get3A_224, %add3A_225 : vector<16xi32>
        %swap3A = arith.index_cast %mul3A_222 : i32 to index
        %swap3A_227 = tpu.vector_load %arg6[%swap3A] {strides = array<i32>} : memref<1024xi32, #tpu.memory_space<vmem>>, vector<16xi32>,
        %swap3A_228 = vector.shape_cast %swap3A_227 : vector<16xi32> to vector<16xi32>
        %swap3A_229 = vector.shape_cast %add3A_226 : vector<16xi32> to vector<16xi32>
        tpu.vector_store %arg6[%swap3A], %swap3A_229 {strides = array<i32>} : memref<1024xi32, #tpu.memory_space<vmem>>, vector<16xi32>,
      }
      %scan3A_46 = arith.constant 64 : i32
      %dma_start3A = arith.constant 0 : i32
      %dma_start3A_47 = arith.constant 0 : i32
      %dma_start3A_48 = arith.constant 0 : i32
      %dma_start3A_49 = tpu.memref_slice %arg8[%dma_start3A, %dma_start3A_47, %dma_start3A_48] : memref<8x128x16xf32, #tpu.memory_space<vmem>> -> memref<1x128x16xf32, #tpu.memory_space<vmem>>
      %dma_start3A_50 = tpu.memref_squeeze %dma_start3A_49 : memref<1x128x16xf32, #tpu.memory_space<vmem>> -> memref<128x16xf32, #tpu.memory_space<vmem>>
      %dma_start3A_51 = arith.constant 0 : i32
      %dma_start3A_52 = tpu.memref_slice %arg6[%dma_start3A_51] : memref<1024xi32, #tpu.memory_space<vmem>> -> memref<128xi32, #tpu.memory_space<vmem>>
      %dma_start3A_53 = arith.constant 0 : i32
      %dma_start3A_54 = arith.constant 0 : i32
      %dma_start3A_55 = tpu.memref_slice %arg2[%dma_start3A_53, %dma_start3A_54] : memref<200000x16xf32, #tpu.memory_space<hbm>> -> memref<200000x16xf32, #tpu.memory_space<hbm>>
      tpu.enqueue_indirect_dma source(%dma_start3A_55 : memref<200000x16xf32, #tpu.memory_space<hbm>>) target(%dma_start3A_50 : memref<128x16xf32, #tpu.memory_space<vmem>>) offsets(%dma_start3A_52 : memref<128xi32, #tpu.memory_space<vmem>>) semaphore(%arg11 : memref<!tpu.dma_semaphore, #tpu.memory_space<semaphore_mem>>)
      %dma_start3A_56 = arith.constant 1 : i32
      %dma_start3A_57 = arith.constant 0 : i32
      %dma_start3A_58 = arith.constant 0 : i32
      %dma_start3A_59 = tpu.memref_slice %arg8[%dma_start3A_56, %dma_start3A_57, %dma_start3A_58] : memref<8x128x16xf32, #tpu.memory_space<vmem>> -> memref<1x128x16xf32, #tpu.memory_space<vmem>>
      %dma_start3A_60 = tpu.memref_squeeze %dma_start3A_59 : memref<1x128x16xf32, #tpu.memory_space<vmem>> -> memref<128x16xf32, #tpu.memory_space<vmem>>
      %dma_start3A_61 = arith.constant 128 : i32
      %dma_start3A_62 = tpu.memref_slice %arg6[%dma_start3A_61] : memref<1024xi32, #tpu.memory_space<vmem>> -> memref<128xi32, #tpu.memory_space<vmem>>
      %dma_start3A_63 = arith.constant 0 : i32
      %dma_start3A_64 = arith.constant 0 : i32
      %dma_start3A_65 = tpu.memref_slice %arg2[%dma_start3A_63, %dma_start3A_64] : memref<200000x16xf32, #tpu.memory_space<hbm>> -> memref<200000x16xf32, #tpu.memory_space<hbm>>
      tpu.enqueue_indirect_dma source(%dma_start3A_65 : memref<200000x16xf32, #tpu.memory_space<hbm>>) target(%dma_start3A_60 : memref<128x16xf32, #tpu.memory_space<vmem>>) offsets(%dma_start3A_62 : memref<128xi32, #tpu.memory_space<vmem>>) semaphore(%arg11 : memref<!tpu.dma_semaphore, #tpu.memory_space<semaphore_mem>>)
      %dma_start3A_66 = arith.constant 2 : i32
      %dma_start3A_67 = arith.constant 0 : i32
      %dma_start3A_68 = arith.constant 0 : i32
      %dma_start3A_69 = tpu.memref_slice %arg8[%dma_start3A_66, %dma_start3A_67, %dma_start3A_68] : memref<8x128x16xf32, #tpu.memory_space<vmem>> -> memref<1x128x16xf32, #tpu.memory_space<vmem>>
      %dma_start3A_70 = tpu.memref_squeeze %dma_start3A_69 : memref<1x128x16xf32, #tpu.memory_space<vmem>> -> memref<128x16xf32, #tpu.memory_space<vmem>>
      %dma_start3A_71 = arith.constant 256 : i32
      %dma_start3A_72 = tpu.memref_slice %arg6[%dma_start3A_71] : memref<1024xi32, #tpu.memory_space<vmem>> -> memref<128xi32, #tpu.memory_space<vmem>>
      %dma_start3A_73 = arith.constant 0 : i32
      %dma_start3A_74 = arith.constant 0 : i32
      %dma_start3A_75 = tpu.memref_slice %arg2[%dma_start3A_73, %dma_start3A_74] : memref<200000x16xf32, #tpu.memory_space<hbm>> -> memref<200000x16xf32, #tpu.memory_space<hbm>>
      tpu.enqueue_indirect_dma source(%dma_start3A_75 : memref<200000x16xf32, #tpu.memory_space<hbm>>) target(%dma_start3A_70 : memref<128x16xf32, #tpu.memory_space<vmem>>) offsets(%dma_start3A_72 : memref<128xi32, #tpu.memory_space<vmem>>) semaphore(%arg11 : memref<!tpu.dma_semaphore, #tpu.memory_space<semaphore_mem>>)
      %dma_start3A_76 = arith.constant 3 : i32
      %dma_start3A_77 = arith.constant 0 : i32
      %dma_start3A_78 = arith.constant 0 : i32
      %dma_start3A_79 = tpu.memref_slice %arg8[%dma_start3A_76, %dma_start3A_77, %dma_start3A_78] : memref<8x128x16xf32, #tpu.memory_space<vmem>> -> memref<1x128x16xf32, #tpu.memory_space<vmem>>
      %dma_start3A_80 = tpu.memref_squeeze %dma_start3A_79 : memref<1x128x16xf32, #tpu.memory_space<vmem>> -> memref<128x16xf32, #tpu.memory_space<vmem>>
      %dma_start3A_81 = arith.constant 384 : i32
      %dma_start3A_82 = tpu.memref_slice %arg6[%dma_start3A_81] : memref<1024xi32, #tpu.memory_space<vmem>> -> memref<128xi32, #tpu.memory_space<vmem>>
      %dma_start3A_83 = arith.constant 0 : i32
      %dma_start3A_84 = arith.constant 0 : i32
      %dma_start3A_85 = tpu.memref_slice %arg2[%dma_start3A_83, %dma_start3A_84] : memref<200000x16xf32, #tpu.memory_space<hbm>> -> memref<200000x16xf32, #tpu.memory_space<hbm>>
      tpu.enqueue_indirect_dma source(%dma_start3A_85 : memref<200000x16xf32, #tpu.memory_space<hbm>>) target(%dma_start3A_80 : memref<128x16xf32, #tpu.memory_space<vmem>>) offsets(%dma_start3A_82 : memref<128xi32, #tpu.memory_space<vmem>>) semaphore(%arg11 : memref<!tpu.dma_semaphore, #tpu.memory_space<semaphore_mem>>)
      %dma_start3A_86 = arith.constant 4 : i32
      %dma_start3A_87 = arith.constant 0 : i32
      %dma_start3A_88 = arith.constant 0 : i32
      %dma_start3A_89 = tpu.memref_slice %arg8[%dma_start3A_86, %dma_start3A_87, %dma_start3A_88] : memref<8x128x16xf32, #tpu.memory_space<vmem>> -> memref<1x128x16xf32, #tpu.memory_space<vmem>>
      %dma_start3A_90 = tpu.memref_squeeze %dma_start3A_89 : memref<1x128x16xf32, #tpu.memory_space<vmem>> -> memref<128x16xf32, #tpu.memory_space<vmem>>
      %dma_start3A_91 = arith.constant 512 : i32
      %dma_start3A_92 = tpu.memref_slice %arg6[%dma_start3A_91] : memref<1024xi32, #tpu.memory_space<vmem>> -> memref<128xi32, #tpu.memory_space<vmem>>
      %dma_start3A_93 = arith.constant 0 : i32
      %dma_start3A_94 = arith.constant 0 : i32
      %dma_start3A_95 = tpu.memref_slice %arg2[%dma_start3A_93, %dma_start3A_94] : memref<200000x16xf32, #tpu.memory_space<hbm>> -> memref<200000x16xf32, #tpu.memory_space<hbm>>
      tpu.enqueue_indirect_dma source(%dma_start3A_95 : memref<200000x16xf32, #tpu.memory_space<hbm>>) target(%dma_start3A_90 : memref<128x16xf32, #tpu.memory_space<vmem>>) offsets(%dma_start3A_92 : memref<128xi32, #tpu.memory_space<vmem>>) semaphore(%arg11 : memref<!tpu.dma_semaphore, #tpu.memory_space<semaphore_mem>>)
      %dma_start3A_96 = arith.constant 5 : i32
      %dma_start3A_97 = arith.constant 0 : i32
      %dma_start3A_98 = arith.constant 0 : i32
      %dma_start3A_99 = tpu.memref_slice %arg8[%dma_start3A_96, %dma_start3A_97, %dma_start3A_98] : memref<8x128x16xf32, #tpu.memory_space<vmem>> -> memref<1x128x16xf32, #tpu.memory_space<vmem>>
      %dma_start3A_100 = tpu.memref_squeeze %dma_start3A_99 : memref<1x128x16xf32, #tpu.memory_space<vmem>> -> memref<128x16xf32, #tpu.memory_space<vmem>>
      %dma_start3A_101 = arith.constant 640 : i32
      %dma_start3A_102 = tpu.memref_slice %arg6[%dma_start3A_101] : memref<1024xi32, #tpu.memory_space<vmem>> -> memref<128xi32, #tpu.memory_space<vmem>>
      %dma_start3A_103 = arith.constant 0 : i32
      %dma_start3A_104 = arith.constant 0 : i32
      %dma_start3A_105 = tpu.memref_slice %arg2[%dma_start3A_103, %dma_start3A_104] : memref<200000x16xf32, #tpu.memory_space<hbm>> -> memref<200000x16xf32, #tpu.memory_space<hbm>>
      tpu.enqueue_indirect_dma source(%dma_start3A_105 : memref<200000x16xf32, #tpu.memory_space<hbm>>) target(%dma_start3A_100 : memref<128x16xf32, #tpu.memory_space<vmem>>) offsets(%dma_start3A_102 : memref<128xi32, #tpu.memory_space<vmem>>) semaphore(%arg11 : memref<!tpu.dma_semaphore, #tpu.memory_space<semaphore_mem>>)
      %dma_start3A_106 = arith.constant 6 : i32
      %dma_start3A_107 = arith.constant 0 : i32
      %dma_start3A_108 = arith.constant 0 : i32
      %dma_start3A_109 = tpu.memref_slice %arg8[%dma_start3A_106, %dma_start3A_107, %dma_start3A_108] : memref<8x128x16xf32, #tpu.memory_space<vmem>> -> memref<1x128x16xf32, #tpu.memory_space<vmem>>
      %dma_start3A_110 = tpu.memref_squeeze %dma_start3A_109 : memref<1x128x16xf32, #tpu.memory_space<vmem>> -> memref<128x16xf32, #tpu.memory_space<vmem>>
      %dma_start3A_111 = arith.constant 768 : i32
      %dma_start3A_112 = tpu.memref_slice %arg6[%dma_start3A_111] : memref<1024xi32, #tpu.memory_space<vmem>> -> memref<128xi32, #tpu.memory_space<vmem>>
      %dma_start3A_113 = arith.constant 0 : i32
      %dma_start3A_114 = arith.constant 0 : i32
      %dma_start3A_115 = tpu.memref_slice %arg2[%dma_start3A_113, %dma_start3A_114] : memref<200000x16xf32, #tpu.memory_space<hbm>> -> memref<200000x16xf32, #tpu.memory_space<hbm>>
      tpu.enqueue_indirect_dma source(%dma_start3A_115 : memref<200000x16xf32, #tpu.memory_space<hbm>>) target(%dma_start3A_110 : memref<128x16xf32, #tpu.memory_space<vmem>>) offsets(%dma_start3A_112 : memref<128xi32, #tpu.memory_space<vmem>>) semaphore(%arg11 : memref<!tpu.dma_semaphore, #tpu.memory_space<semaphore_mem>>)
      %dma_start3A_116 = arith.constant 7 : i32
      %dma_start3A_117 = arith.constant 0 : i32
      %dma_start3A_118 = arith.constant 0 : i32
      %dma_start3A_119 = tpu.memref_slice %arg8[%dma_start3A_116, %dma_start3A_117, %dma_start3A_118] : memref<8x128x16xf32, #tpu.memory_space<vmem>> -> memref<1x128x16xf32, #tpu.memory_space<vmem>>
      %dma_start3A_120 = tpu.memref_squeeze %dma_start3A_119 : memref<1x128x16xf32, #tpu.memory_space<vmem>> -> memref<128x16xf32, #tpu.memory_space<vmem>>
      %dma_start3A_121 = arith.constant 896 : i32
      %dma_start3A_122 = tpu.memref_slice %arg6[%dma_start3A_121] : memref<1024xi32, #tpu.memory_space<vmem>> -> memref<128xi32, #tpu.memory_space<vmem>>
      %dma_start3A_123 = arith.constant 0 : i32
      %dma_start3A_124 = arith.constant 0 : i32
      %dma_start3A_125 = tpu.memref_slice %arg2[%dma_start3A_123, %dma_start3A_124] : memref<200000x16xf32, #tpu.memory_space<hbm>> -> memref<200000x16xf32, #tpu.memory_space<hbm>>
      tpu.enqueue_indirect_dma source(%dma_start3A_125 : memref<200000x16xf32, #tpu.memory_space<hbm>>) target(%dma_start3A_120 : memref<128x16xf32, #tpu.memory_space<vmem>>) offsets(%dma_start3A_122 : memref<128xi32, #tpu.memory_space<vmem>>) semaphore(%arg11 : memref<!tpu.dma_semaphore, #tpu.memory_space<semaphore_mem>>)
      %dma_wait3A = arith.constant 0 : i32
      %dma_wait3A_126 = arith.constant 0 : i32
      %dma_wait3A_127 = arith.constant 0 : i32
      %dma_wait3A_128 = tpu.memref_slice %arg8[%dma_wait3A, %dma_wait3A_126, %dma_wait3A_127] : memref<8x128x16xf32, #tpu.memory_space<vmem>> -> memref<1x128x16xf32, #tpu.memory_space<vmem>>
      %dma_wait3A_129 = tpu.memref_squeeze %dma_wait3A_128 : memref<1x128x16xf32, #tpu.memory_space<vmem>> -> memref<128x16xf32, #tpu.memory_space<vmem>>
      %dma_wait3A_130 = arith.constant 0 : i32
      %dma_wait3A_131 = tpu.memref_slice %arg6[%dma_wait3A_130] : memref<1024xi32, #tpu.memory_space<vmem>> -> memref<128xi32, #tpu.memory_space<vmem>>
      %dma_wait3A_132 = arith.constant 0 : i32
      %dma_wait3A_133 = arith.constant 0 : i32
      %dma_wait3A_134 = tpu.memref_slice %arg2[%dma_wait3A_132, %dma_wait3A_133] : memref<200000x16xf32, #tpu.memory_space<hbm>> -> memref<200000x16xf32, #tpu.memory_space<hbm>>
      tpu.wait_indirect_dma semaphore(%arg11 : memref<!tpu.dma_semaphore, #tpu.memory_space<semaphore_mem>>) src(%dma_wait3A_134 : memref<200000x16xf32, #tpu.memory_space<hbm>>) dst(%dma_wait3A_129 : memref<128x16xf32, #tpu.memory_space<vmem>>)
      %dma_wait3A_135 = arith.constant 1 : i32
      %dma_wait3A_136 = arith.constant 0 : i32
      %dma_wait3A_137 = arith.constant 0 : i32
      %dma_wait3A_138 = tpu.memref_slice %arg8[%dma_wait3A_135, %dma_wait3A_136, %dma_wait3A_137] : memref<8x128x16xf32, #tpu.memory_space<vmem>> -> memref<1x128x16xf32, #tpu.memory_space<vmem>>
      %dma_wait3A_139 = tpu.memref_squeeze %dma_wait3A_138 : memref<1x128x16xf32, #tpu.memory_space<vmem>> -> memref<128x16xf32, #tpu.memory_space<vmem>>
      %dma_wait3A_140 = arith.constant 128 : i32
      %dma_wait3A_141 = tpu.memref_slice %arg6[%dma_wait3A_140] : memref<1024xi32, #tpu.memory_space<vmem>> -> memref<128xi32, #tpu.memory_space<vmem>>
      %dma_wait3A_142 = arith.constant 0 : i32
      %dma_wait3A_143 = arith.constant 0 : i32
      %dma_wait3A_144 = tpu.memref_slice %arg2[%dma_wait3A_142, %dma_wait3A_143] : memref<200000x16xf32, #tpu.memory_space<hbm>> -> memref<200000x16xf32, #tpu.memory_space<hbm>>
      tpu.wait_indirect_dma semaphore(%arg11 : memref<!tpu.dma_semaphore, #tpu.memory_space<semaphore_mem>>) src(%dma_wait3A_144 : memref<200000x16xf32, #tpu.memory_space<hbm>>) dst(%dma_wait3A_139 : memref<128x16xf32, #tpu.memory_space<vmem>>)
      %dma_wait3A_145 = arith.constant 2 : i32
      %dma_wait3A_146 = arith.constant 0 : i32
      %dma_wait3A_147 = arith.constant 0 : i32
      %dma_wait3A_148 = tpu.memref_slice %arg8[%dma_wait3A_145, %dma_wait3A_146, %dma_wait3A_147] : memref<8x128x16xf32, #tpu.memory_space<vmem>> -> memref<1x128x16xf32, #tpu.memory_space<vmem>>
      %dma_wait3A_149 = tpu.memref_squeeze %dma_wait3A_148 : memref<1x128x16xf32, #tpu.memory_space<vmem>> -> memref<128x16xf32, #tpu.memory_space<vmem>>
      %dma_wait3A_150 = arith.constant 256 : i32
      %dma_wait3A_151 = tpu.memref_slice %arg6[%dma_wait3A_150] : memref<1024xi32, #tpu.memory_space<vmem>> -> memref<128xi32, #tpu.memory_space<vmem>>
      %dma_wait3A_152 = arith.constant 0 : i32
      %dma_wait3A_153 = arith.constant 0 : i32
      %dma_wait3A_154 = tpu.memref_slice %arg2[%dma_wait3A_152, %dma_wait3A_153] : memref<200000x16xf32, #tpu.memory_space<hbm>> -> memref<200000x16xf32, #tpu.memory_space<hbm>>
      tpu.wait_indirect_dma semaphore(%arg11 : memref<!tpu.dma_semaphore, #tpu.memory_space<semaphore_mem>>) src(%dma_wait3A_154 : memref<200000x16xf32, #tpu.memory_space<hbm>>) dst(%dma_wait3A_149 : memref<128x16xf32, #tpu.memory_space<vmem>>)
      %dma_wait3A_155 = arith.constant 3 : i32
      %dma_wait3A_156 = arith.constant 0 : i32
      %dma_wait3A_157 = arith.constant 0 : i32
      %dma_wait3A_158 = tpu.memref_slice %arg8[%dma_wait3A_155, %dma_wait3A_156, %dma_wait3A_157] : memref<8x128x16xf32, #tpu.memory_space<vmem>> -> memref<1x128x16xf32, #tpu.memory_space<vmem>>
      %dma_wait3A_159 = tpu.memref_squeeze %dma_wait3A_158 : memref<1x128x16xf32, #tpu.memory_space<vmem>> -> memref<128x16xf32, #tpu.memory_space<vmem>>
      %dma_wait3A_160 = arith.constant 384 : i32
      %dma_wait3A_161 = tpu.memref_slice %arg6[%dma_wait3A_160] : memref<1024xi32, #tpu.memory_space<vmem>> -> memref<128xi32, #tpu.memory_space<vmem>>
      %dma_wait3A_162 = arith.constant 0 : i32
      %dma_wait3A_163 = arith.constant 0 : i32
      %dma_wait3A_164 = tpu.memref_slice %arg2[%dma_wait3A_162, %dma_wait3A_163] : memref<200000x16xf32, #tpu.memory_space<hbm>> -> memref<200000x16xf32, #tpu.memory_space<hbm>>
      tpu.wait_indirect_dma semaphore(%arg11 : memref<!tpu.dma_semaphore, #tpu.memory_space<semaphore_mem>>) src(%dma_wait3A_164 : memref<200000x16xf32, #tpu.memory_space<hbm>>) dst(%dma_wait3A_159 : memref<128x16xf32, #tpu.memory_space<vmem>>)
      %dma_wait3A_165 = arith.constant 4 : i32
      %dma_wait3A_166 = arith.constant 0 : i32
      %dma_wait3A_167 = arith.constant 0 : i32
      %dma_wait3A_168 = tpu.memref_slice %arg8[%dma_wait3A_165, %dma_wait3A_166, %dma_wait3A_167] : memref<8x128x16xf32, #tpu.memory_space<vmem>> -> memref<1x128x16xf32, #tpu.memory_space<vmem>>
      %dma_wait3A_169 = tpu.memref_squeeze %dma_wait3A_168 : memref<1x128x16xf32, #tpu.memory_space<vmem>> -> memref<128x16xf32, #tpu.memory_space<vmem>>
      %dma_wait3A_170 = arith.constant 512 : i32
      %dma_wait3A_171 = tpu.memref_slice %arg6[%dma_wait3A_170] : memref<1024xi32, #tpu.memory_space<vmem>> -> memref<128xi32, #tpu.memory_space<vmem>>
      %dma_wait3A_172 = arith.constant 0 : i32
      %dma_wait3A_173 = arith.constant 0 : i32
      %dma_wait3A_174 = tpu.memref_slice %arg2[%dma_wait3A_172, %dma_wait3A_173] : memref<200000x16xf32, #tpu.memory_space<hbm>> -> memref<200000x16xf32, #tpu.memory_space<hbm>>
      tpu.wait_indirect_dma semaphore(%arg11 : memref<!tpu.dma_semaphore, #tpu.memory_space<semaphore_mem>>) src(%dma_wait3A_174 : memref<200000x16xf32, #tpu.memory_space<hbm>>) dst(%dma_wait3A_169 : memref<128x16xf32, #tpu.memory_space<vmem>>)
      %dma_wait3A_175 = arith.constant 5 : i32
      %dma_wait3A_176 = arith.constant 0 : i32
      %dma_wait3A_177 = arith.constant 0 : i32
      %dma_wait3A_178 = tpu.memref_slice %arg8[%dma_wait3A_175, %dma_wait3A_176, %dma_wait3A_177] : memref<8x128x16xf32, #tpu.memory_space<vmem>> -> memref<1x128x16xf32, #tpu.memory_space<vmem>>
      %dma_wait3A_179 = tpu.memref_squeeze %dma_wait3A_178 : memref<1x128x16xf32, #tpu.memory_space<vmem>> -> memref<128x16xf32, #tpu.memory_space<vmem>>
      %dma_wait3A_180 = arith.constant 640 : i32
      %dma_wait3A_181 = tpu.memref_slice %arg6[%dma_wait3A_180] : memref<1024xi32, #tpu.memory_space<vmem>> -> memref<128xi32, #tpu.memory_space<vmem>>
      %dma_wait3A_182 = arith.constant 0 : i32
      %dma_wait3A_183 = arith.constant 0 : i32
      %dma_wait3A_184 = tpu.memref_slice %arg2[%dma_wait3A_182, %dma_wait3A_183] : memref<200000x16xf32, #tpu.memory_space<hbm>> -> memref<200000x16xf32, #tpu.memory_space<hbm>>
      tpu.wait_indirect_dma semaphore(%arg11 : memref<!tpu.dma_semaphore, #tpu.memory_space<semaphore_mem>>) src(%dma_wait3A_184 : memref<200000x16xf32, #tpu.memory_space<hbm>>) dst(%dma_wait3A_179 : memref<128x16xf32, #tpu.memory_space<vmem>>)
      %dma_wait3A_185 = arith.constant 6 : i32
      %dma_wait3A_186 = arith.constant 0 : i32
      %dma_wait3A_187 = arith.constant 0 : i32
      %dma_wait3A_188 = tpu.memref_slice %arg8[%dma_wait3A_185, %dma_wait3A_186, %dma_wait3A_187] : memref<8x128x16xf32, #tpu.memory_space<vmem>> -> memref<1x128x16xf32, #tpu.memory_space<vmem>>
      %dma_wait3A_189 = tpu.memref_squeeze %dma_wait3A_188 : memref<1x128x16xf32, #tpu.memory_space<vmem>> -> memref<128x16xf32, #tpu.memory_space<vmem>>
      %dma_wait3A_190 = arith.constant 768 : i32
      %dma_wait3A_191 = tpu.memref_slice %arg6[%dma_wait3A_190] : memref<1024xi32, #tpu.memory_space<vmem>> -> memref<128xi32, #tpu.memory_space<vmem>>
      %dma_wait3A_192 = arith.constant 0 : i32
      %dma_wait3A_193 = arith.constant 0 : i32
      %dma_wait3A_194 = tpu.memref_slice %arg2[%dma_wait3A_192, %dma_wait3A_193] : memref<200000x16xf32, #tpu.memory_space<hbm>> -> memref<200000x16xf32, #tpu.memory_space<hbm>>
      tpu.wait_indirect_dma semaphore(%arg11 : memref<!tpu.dma_semaphore, #tpu.memory_space<semaphore_mem>>) src(%dma_wait3A_194 : memref<200000x16xf32, #tpu.memory_space<hbm>>) dst(%dma_wait3A_189 : memref<128x16xf32, #tpu.memory_space<vmem>>)
      %dma_wait3A_195 = arith.constant 7 : i32
      %dma_wait3A_196 = arith.constant 0 : i32
      %dma_wait3A_197 = arith.constant 0 : i32
      %dma_wait3A_198 = tpu.memref_slice %arg8[%dma_wait3A_195, %dma_wait3A_196, %dma_wait3A_197] : memref<8x128x16xf32, #tpu.memory_space<vmem>> -> memref<1x128x16xf32, #tpu.memory_space<vmem>>
      %dma_wait3A_199 = tpu.memref_squeeze %dma_wait3A_198 : memref<1x128x16xf32, #tpu.memory_space<vmem>> -> memref<128x16xf32, #tpu.memory_space<vmem>>
      %dma_wait3A_200 = arith.constant 896 : i32
      %dma_wait3A_201 = tpu.memref_slice %arg6[%dma_wait3A_200] : memref<1024xi32, #tpu.memory_space<vmem>> -> memref<128xi32, #tpu.memory_space<vmem>>
      %dma_wait3A_202 = arith.constant 0 : i32
      %dma_wait3A_203 = arith.constant 0 : i32
      %dma_wait3A_204 = tpu.memref_slice %arg2[%dma_wait3A_202, %dma_wait3A_203] : memref<200000x16xf32, #tpu.memory_space<hbm>> -> memref<200000x16xf32, #tpu.memory_space<hbm>>
      tpu.wait_indirect_dma semaphore(%arg11 : memref<!tpu.dma_semaphore, #tpu.memory_space<semaphore_mem>>) src(%dma_wait3A_204 : memref<200000x16xf32, #tpu.memory_space<hbm>>) dst(%dma_wait3A_199 : memref<128x16xf32, #tpu.memory_space<vmem>>)
      %run_scoped3A = arith.constant 0 : i32
      %run_scoped3A_205 = arith.constant 0 : i32
      "tpu.region"() ({
        %run_scoped3A_220 = tpu.sem_alloc : memref<!tpu.dma_semaphore, #tpu.memory_space<semaphore_mem>>
        %dma_start3A_221 = arith.constant 0 : i32
        %dma_start3A_222 = arith.constant 0 : i32
        %dma_start3A_223 = tpu.memref_slice %arg8[%run_scoped3A, %dma_start3A_221, %dma_start3A_222] : memref<8x128x16xf32, #tpu.memory_space<vmem>> -> memref<1x128x16xf32, #tpu.memory_space<vmem>>
        %dma_start3A_224 = tpu.memref_squeeze %dma_start3A_223 : memref<1x128x16xf32, #tpu.memory_space<vmem>> -> memref<128x16xf32, #tpu.memory_space<vmem>>
        %dma_start3A_225 = arith.constant 0 : i32
        %dma_start3A_226 = tpu.memref_slice %arg7[%run_scoped3A_205, %dma_start3A_225] : memref<8x128xi32, #tpu.memory_space<vmem>> -> memref<1x128xi32, #tpu.memory_space<vmem>>
        %dma_start3A_227 = tpu.memref_squeeze %dma_start3A_226 : memref<1x128xi32, #tpu.memory_space<vmem>> -> memref<128xi32, #tpu.memory_space<vmem>>
        %dma_start3A_228 = arith.constant 0 : i32
        %dma_start3A_229 = arith.constant 0 : i32
        %dma_start3A_230 = tpu.memref_slice %arg10[%dma_start3A_228, %dma_start3A_229] : memref<100352x16xf32, #tpu.memory_space<vmem_shared>> -> memref<100352x16xf32, #tpu.memory_space<vmem_shared>>
        tpu.enqueue_indirect_dma source(%dma_start3A_224 : memref<128x16xf32, #tpu.memory_space<vmem>>) target(%dma_start3A_230 : memref<100352x16xf32, #tpu.memory_space<vmem_shared>>) offsets(%dma_start3A_227 : memref<128xi32, #tpu.memory_space<vmem>>) semaphore(%run_scoped3A_220 : memref<!tpu.dma_semaphore, #tpu.memory_space<semaphore_mem>>) {add = true}
        %dma_wait3A_231 = arith.constant 0 : i32
        %dma_wait3A_232 = arith.constant 0 : i32
        %dma_wait3A_233 = tpu.memref_slice %arg8[%run_scoped3A, %dma_wait3A_231, %dma_wait3A_232] : memref<8x128x16xf32, #tpu.memory_space<vmem>> -> memref<1x128x16xf32, #tpu.memory_space<vmem>>
        %dma_wait3A_234 = tpu.memref_squeeze %dma_wait3A_233 : memref<1x128x16xf32, #tpu.memory_space<vmem>> -> memref<128x16xf32, #tpu.memory_space<vmem>>
        %dma_wait3A_235 = arith.constant 0 : i32
        %dma_wait3A_236 = tpu.memref_slice %arg7[%run_scoped3A_205, %dma_wait3A_235] : memref<8x128xi32, #tpu.memory_space<vmem>> -> memref<1x128xi32, #tpu.memory_space<vmem>>
        %dma_wait3A_237 = tpu.memref_squeeze %dma_wait3A_236 : memref<1x128xi32, #tpu.memory_space<vmem>> -> memref<128xi32, #tpu.memory_space<vmem>>
        %dma_wait3A_238 = arith.constant 0 : i32
        %dma_wait3A_239 = arith.constant 0 : i32
        %dma_wait3A_240 = tpu.memref_slice %arg10[%dma_wait3A_238, %dma_wait3A_239] : memref<100352x16xf32, #tpu.memory_space<vmem_shared>> -> memref<100352x16xf32, #tpu.memory_space<vmem_shared>>
        tpu.wait_indirect_dma semaphore(%run_scoped3A_220 : memref<!tpu.dma_semaphore, #tpu.memory_space<semaphore_mem>>) src(%dma_wait3A_234 : memref<128x16xf32, #tpu.memory_space<vmem>>) dst(%dma_wait3A_240 : memref<100352x16xf32, #tpu.memory_space<vmem_shared>>)
        tpu.yield
      }) : () -> ()
      %run_scoped3A_206 = arith.constant 1 : i32
      %run_scoped3A_207 = arith.constant 1 : i32
      "tpu.region"() ({
        %run_scoped3A_220 = tpu.sem_alloc : memref<!tpu.dma_semaphore, #tpu.memory_space<semaphore_mem>>
        %dma_start3A_221 = arith.constant 0 : i32
        %dma_start3A_222 = arith.constant 0 : i32
        %dma_start3A_223 = tpu.memref_slice %arg8[%run_scoped3A_206, %dma_start3A_221, %dma_start3A_222] : memref<8x128x16xf32, #tpu.memory_space<vmem>> -> memref<1x128x16xf32, #tpu.memory_space<vmem>>
        %dma_start3A_224 = tpu.memref_squeeze %dma_start3A_223 : memref<1x128x16xf32, #tpu.memory_space<vmem>> -> memref<128x16xf32, #tpu.memory_space<vmem>>
        %dma_start3A_225 = arith.constant 0 : i32
        %dma_start3A_226 = tpu.memref_slice %arg7[%run_scoped3A_207, %dma_start3A_225] : memref<8x128xi32, #tpu.memory_space<vmem>> -> memref<1x128xi32, #tpu.memory_space<vmem>>
        %dma_start3A_227 = tpu.memref_squeeze %dma_start3A_226 : memref<1x128xi32, #tpu.memory_space<vmem>> -> memref<128xi32, #tpu.memory_space<vmem>>
        %dma_start3A_228 = arith.constant 0 : i32
        %dma_start3A_229 = arith.constant 0 : i32
        %dma_start3A_230 = tpu.memref_slice %arg10[%dma_start3A_228, %dma_start3A_229] : memref<100352x16xf32, #tpu.memory_space<vmem_shared>> -> memref<100352x16xf32, #tpu.memory_space<vmem_shared>>
        tpu.enqueue_indirect_dma source(%dma_start3A_224 : memref<128x16xf32, #tpu.memory_space<vmem>>) target(%dma_start3A_230 : memref<100352x16xf32, #tpu.memory_space<vmem_shared>>) offsets(%dma_start3A_227 : memref<128xi32, #tpu.memory_space<vmem>>) semaphore(%run_scoped3A_220 : memref<!tpu.dma_semaphore, #tpu.memory_space<semaphore_mem>>) {add = true}
        %dma_wait3A_231 = arith.constant 0 : i32
        %dma_wait3A_232 = arith.constant 0 : i32
        %dma_wait3A_233 = tpu.memref_slice %arg8[%run_scoped3A_206, %dma_wait3A_231, %dma_wait3A_232] : memref<8x128x16xf32, #tpu.memory_space<vmem>> -> memref<1x128x16xf32, #tpu.memory_space<vmem>>
        %dma_wait3A_234 = tpu.memref_squeeze %dma_wait3A_233 : memref<1x128x16xf32, #tpu.memory_space<vmem>> -> memref<128x16xf32, #tpu.memory_space<vmem>>
        %dma_wait3A_235 = arith.constant 0 : i32
        %dma_wait3A_236 = tpu.memref_slice %arg7[%run_scoped3A_207, %dma_wait3A_235] : memref<8x128xi32, #tpu.memory_space<vmem>> -> memref<1x128xi32, #tpu.memory_space<vmem>>
        %dma_wait3A_237 = tpu.memref_squeeze %dma_wait3A_236 : memref<1x128xi32, #tpu.memory_space<vmem>> -> memref<128xi32, #tpu.memory_space<vmem>>
        %dma_wait3A_238 = arith.constant 0 : i32
        %dma_wait3A_239 = arith.constant 0 : i32
        %dma_wait3A_240 = tpu.memref_slice %arg10[%dma_wait3A_238, %dma_wait3A_239] : memref<100352x16xf32, #tpu.memory_space<vmem_shared>> -> memref<100352x16xf32, #tpu.memory_space<vmem_shared>>
        tpu.wait_indirect_dma semaphore(%run_scoped3A_220 : memref<!tpu.dma_semaphore, #tpu.memory_space<semaphore_mem>>) src(%dma_wait3A_234 : memref<128x16xf32, #tpu.memory_space<vmem>>) dst(%dma_wait3A_240 : memref<100352x16xf32, #tpu.memory_space<vmem_shared>>)
        tpu.yield
      }) : () -> ()
      %run_scoped3A_208 = arith.constant 2 : i32
      %run_scoped3A_209 = arith.constant 2 : i32
      "tpu.region"() ({
        %run_scoped3A_220 = tpu.sem_alloc : memref<!tpu.dma_semaphore, #tpu.memory_space<semaphore_mem>>
        %dma_start3A_221 = arith.constant 0 : i32
        %dma_start3A_222 = arith.constant 0 : i32
        %dma_start3A_223 = tpu.memref_slice %arg8[%run_scoped3A_208, %dma_start3A_221, %dma_start3A_222] : memref<8x128x16xf32, #tpu.memory_space<vmem>> -> memref<1x128x16xf32, #tpu.memory_space<vmem>>
        %dma_start3A_224 = tpu.memref_squeeze %dma_start3A_223 : memref<1x128x16xf32, #tpu.memory_space<vmem>> -> memref<128x16xf32, #tpu.memory_space<vmem>>
        %dma_start3A_225 = arith.constant 0 : i32
        %dma_start3A_226 = tpu.memref_slice %arg7[%run_scoped3A_209, %dma_start3A_225] : memref<8x128xi32, #tpu.memory_space<vmem>> -> memref<1x128xi32, #tpu.memory_space<vmem>>
        %dma_start3A_227 = tpu.memref_squeeze %dma_start3A_226 : memref<1x128xi32, #tpu.memory_space<vmem>> -> memref<128xi32, #tpu.memory_space<vmem>>
        %dma_start3A_228 = arith.constant 0 : i32
        %dma_start3A_229 = arith.constant 0 : i32
        %dma_start3A_230 = tpu.memref_slice %arg10[%dma_start3A_228, %dma_start3A_229] : memref<100352x16xf32, #tpu.memory_space<vmem_shared>> -> memref<100352x16xf32, #tpu.memory_space<vmem_shared>>
        tpu.enqueue_indirect_dma source(%dma_start3A_224 : memref<128x16xf32, #tpu.memory_space<vmem>>) target(%dma_start3A_230 : memref<100352x16xf32, #tpu.memory_space<vmem_shared>>) offsets(%dma_start3A_227 : memref<128xi32, #tpu.memory_space<vmem>>) semaphore(%run_scoped3A_220 : memref<!tpu.dma_semaphore, #tpu.memory_space<semaphore_mem>>) {add = true}
        %dma_wait3A_231 = arith.constant 0 : i32
        %dma_wait3A_232 = arith.constant 0 : i32
        %dma_wait3A_233 = tpu.memref_slice %arg8[%run_scoped3A_208, %dma_wait3A_231, %dma_wait3A_232] : memref<8x128x16xf32, #tpu.memory_space<vmem>> -> memref<1x128x16xf32, #tpu.memory_space<vmem>>
        %dma_wait3A_234 = tpu.memref_squeeze %dma_wait3A_233 : memref<1x128x16xf32, #tpu.memory_space<vmem>> -> memref<128x16xf32, #tpu.memory_space<vmem>>
        %dma_wait3A_235 = arith.constant 0 : i32
        %dma_wait3A_236 = tpu.memref_slice %arg7[%run_scoped3A_209, %dma_wait3A_235] : memref<8x128xi32, #tpu.memory_space<vmem>> -> memref<1x128xi32, #tpu.memory_space<vmem>>
        %dma_wait3A_237 = tpu.memref_squeeze %dma_wait3A_236 : memref<1x128xi32, #tpu.memory_space<vmem>> -> memref<128xi32, #tpu.memory_space<vmem>>
        %dma_wait3A_238 = arith.constant 0 : i32
        %dma_wait3A_239 = arith.constant 0 : i32
        %dma_wait3A_240 = tpu.memref_slice %arg10[%dma_wait3A_238, %dma_wait3A_239] : memref<100352x16xf32, #tpu.memory_space<vmem_shared>> -> memref<100352x16xf32, #tpu.memory_space<vmem_shared>>
        tpu.wait_indirect_dma semaphore(%run_scoped3A_220 : memref<!tpu.dma_semaphore, #tpu.memory_space<semaphore_mem>>) src(%dma_wait3A_234 : memref<128x16xf32, #tpu.memory_space<vmem>>) dst(%dma_wait3A_240 : memref<100352x16xf32, #tpu.memory_space<vmem_shared>>)
        tpu.yield
      }) : () -> ()
      %run_scoped3A_210 = arith.constant 3 : i32
      %run_scoped3A_211 = arith.constant 3 : i32
      "tpu.region"() ({
        %run_scoped3A_220 = tpu.sem_alloc : memref<!tpu.dma_semaphore, #tpu.memory_space<semaphore_mem>>
        %dma_start3A_221 = arith.constant 0 : i32
        %dma_start3A_222 = arith.constant 0 : i32
        %dma_start3A_223 = tpu.memref_slice %arg8[%run_scoped3A_210, %dma_start3A_221, %dma_start3A_222] : memref<8x128x16xf32, #tpu.memory_space<vmem>> -> memref<1x128x16xf32, #tpu.memory_space<vmem>>
        %dma_start3A_224 = tpu.memref_squeeze %dma_start3A_223 : memref<1x128x16xf32, #tpu.memory_space<vmem>> -> memref<128x16xf32, #tpu.memory_space<vmem>>
        %dma_start3A_225 = arith.constant 0 : i32
        %dma_start3A_226 = tpu.memref_slice %arg7[%run_scoped3A_211, %dma_start3A_225] : memref<8x128xi32, #tpu.memory_space<vmem>> -> memref<1x128xi32, #tpu.memory_space<vmem>>
        %dma_start3A_227 = tpu.memref_squeeze %dma_start3A_226 : memref<1x128xi32, #tpu.memory_space<vmem>> -> memref<128xi32, #tpu.memory_space<vmem>>
        %dma_start3A_228 = arith.constant 0 : i32
        %dma_start3A_229 = arith.constant 0 : i32
        %dma_start3A_230 = tpu.memref_slice %arg10[%dma_start3A_228, %dma_start3A_229] : memref<100352x16xf32, #tpu.memory_space<vmem_shared>> -> memref<100352x16xf32, #tpu.memory_space<vmem_shared>>
        tpu.enqueue_indirect_dma source(%dma_start3A_224 : memref<128x16xf32, #tpu.memory_space<vmem>>) target(%dma_start3A_230 : memref<100352x16xf32, #tpu.memory_space<vmem_shared>>) offsets(%dma_start3A_227 : memref<128xi32, #tpu.memory_space<vmem>>) semaphore(%run_scoped3A_220 : memref<!tpu.dma_semaphore, #tpu.memory_space<semaphore_mem>>) {add = true}
        %dma_wait3A_231 = arith.constant 0 : i32
        %dma_wait3A_232 = arith.constant 0 : i32
        %dma_wait3A_233 = tpu.memref_slice %arg8[%run_scoped3A_210, %dma_wait3A_231, %dma_wait3A_232] : memref<8x128x16xf32, #tpu.memory_space<vmem>> -> memref<1x128x16xf32, #tpu.memory_space<vmem>>
        %dma_wait3A_234 = tpu.memref_squeeze %dma_wait3A_233 : memref<1x128x16xf32, #tpu.memory_space<vmem>> -> memref<128x16xf32, #tpu.memory_space<vmem>>
        %dma_wait3A_235 = arith.constant 0 : i32
        %dma_wait3A_236 = tpu.memref_slice %arg7[%run_scoped3A_211, %dma_wait3A_235] : memref<8x128xi32, #tpu.memory_space<vmem>> -> memref<1x128xi32, #tpu.memory_space<vmem>>
        %dma_wait3A_237 = tpu.memref_squeeze %dma_wait3A_236 : memref<1x128xi32, #tpu.memory_space<vmem>> -> memref<128xi32, #tpu.memory_space<vmem>>
        %dma_wait3A_238 = arith.constant 0 : i32
        %dma_wait3A_239 = arith.constant 0 : i32
        %dma_wait3A_240 = tpu.memref_slice %arg10[%dma_wait3A_238, %dma_wait3A_239] : memref<100352x16xf32, #tpu.memory_space<vmem_shared>> -> memref<100352x16xf32, #tpu.memory_space<vmem_shared>>
        tpu.wait_indirect_dma semaphore(%run_scoped3A_220 : memref<!tpu.dma_semaphore, #tpu.memory_space<semaphore_mem>>) src(%dma_wait3A_234 : memref<128x16xf32, #tpu.memory_space<vmem>>) dst(%dma_wait3A_240 : memref<100352x16xf32, #tpu.memory_space<vmem_shared>>)
        tpu.yield
      }) : () -> ()
      %run_scoped3A_212 = arith.constant 4 : i32
      %run_scoped3A_213 = arith.constant 4 : i32
      "tpu.region"() ({
        %run_scoped3A_220 = tpu.sem_alloc : memref<!tpu.dma_semaphore, #tpu.memory_space<semaphore_mem>>
        %dma_start3A_221 = arith.constant 0 : i32
        %dma_start3A_222 = arith.constant 0 : i32
        %dma_start3A_223 = tpu.memref_slice %arg8[%run_scoped3A_212, %dma_start3A_221, %dma_start3A_222] : memref<8x128x16xf32, #tpu.memory_space<vmem>> -> memref<1x128x16xf32, #tpu.memory_space<vmem>>
        %dma_start3A_224 = tpu.memref_squeeze %dma_start3A_223 : memref<1x128x16xf32, #tpu.memory_space<vmem>> -> memref<128x16xf32, #tpu.memory_space<vmem>>
        %dma_start3A_225 = arith.constant 0 : i32
        %dma_start3A_226 = tpu.memref_slice %arg7[%run_scoped3A_213, %dma_start3A_225] : memref<8x128xi32, #tpu.memory_space<vmem>> -> memref<1x128xi32, #tpu.memory_space<vmem>>
        %dma_start3A_227 = tpu.memref_squeeze %dma_start3A_226 : memref<1x128xi32, #tpu.memory_space<vmem>> -> memref<128xi32, #tpu.memory_space<vmem>>
        %dma_start3A_228 = arith.constant 0 : i32
        %dma_start3A_229 = arith.constant 0 : i32
        %dma_start3A_230 = tpu.memref_slice %arg10[%dma_start3A_228, %dma_start3A_229] : memref<100352x16xf32, #tpu.memory_space<vmem_shared>> -> memref<100352x16xf32, #tpu.memory_space<vmem_shared>>
        tpu.enqueue_indirect_dma source(%dma_start3A_224 : memref<128x16xf32, #tpu.memory_space<vmem>>) target(%dma_start3A_230 : memref<100352x16xf32, #tpu.memory_space<vmem_shared>>) offsets(%dma_start3A_227 : memref<128xi32, #tpu.memory_space<vmem>>) semaphore(%run_scoped3A_220 : memref<!tpu.dma_semaphore, #tpu.memory_space<semaphore_mem>>) {add = true}
        %dma_wait3A_231 = arith.constant 0 : i32
        %dma_wait3A_232 = arith.constant 0 : i32
        %dma_wait3A_233 = tpu.memref_slice %arg8[%run_scoped3A_212, %dma_wait3A_231, %dma_wait3A_232] : memref<8x128x16xf32, #tpu.memory_space<vmem>> -> memref<1x128x16xf32, #tpu.memory_space<vmem>>
        %dma_wait3A_234 = tpu.memref_squeeze %dma_wait3A_233 : memref<1x128x16xf32, #tpu.memory_space<vmem>> -> memref<128x16xf32, #tpu.memory_space<vmem>>
        %dma_wait3A_235 = arith.constant 0 : i32
        %dma_wait3A_236 = tpu.memref_slice %arg7[%run_scoped3A_213, %dma_wait3A_235] : memref<8x128xi32, #tpu.memory_space<vmem>> -> memref<1x128xi32, #tpu.memory_space<vmem>>
        %dma_wait3A_237 = tpu.memref_squeeze %dma_wait3A_236 : memref<1x128xi32, #tpu.memory_space<vmem>> -> memref<128xi32, #tpu.memory_space<vmem>>
        %dma_wait3A_238 = arith.constant 0 : i32
        %dma_wait3A_239 = arith.constant 0 : i32
        %dma_wait3A_240 = tpu.memref_slice %arg10[%dma_wait3A_238, %dma_wait3A_239] : memref<100352x16xf32, #tpu.memory_space<vmem_shared>> -> memref<100352x16xf32, #tpu.memory_space<vmem_shared>>
        tpu.wait_indirect_dma semaphore(%run_scoped3A_220 : memref<!tpu.dma_semaphore, #tpu.memory_space<semaphore_mem>>) src(%dma_wait3A_234 : memref<128x16xf32, #tpu.memory_space<vmem>>) dst(%dma_wait3A_240 : memref<100352x16xf32, #tpu.memory_space<vmem_shared>>)
        tpu.yield
      }) : () -> ()
      %run_scoped3A_214 = arith.constant 5 : i32
      %run_scoped3A_215 = arith.constant 5 : i32
      "tpu.region"() ({
        %run_scoped3A_220 = tpu.sem_alloc : memref<!tpu.dma_semaphore, #tpu.memory_space<semaphore_mem>>
        %dma_start3A_221 = arith.constant 0 : i32
        %dma_start3A_222 = arith.constant 0 : i32
        %dma_start3A_223 = tpu.memref_slice %arg8[%run_scoped3A_214, %dma_start3A_221, %dma_start3A_222] : memref<8x128x16xf32, #tpu.memory_space<vmem>> -> memref<1x128x16xf32, #tpu.memory_space<vmem>>
        %dma_start3A_224 = tpu.memref_squeeze %dma_start3A_223 : memref<1x128x16xf32, #tpu.memory_space<vmem>> -> memref<128x16xf32, #tpu.memory_space<vmem>>
        %dma_start3A_225 = arith.constant 0 : i32
        %dma_start3A_226 = tpu.memref_slice %arg7[%run_scoped3A_215, %dma_start3A_225] : memref<8x128xi32, #tpu.memory_space<vmem>> -> memref<1x128xi32, #tpu.memory_space<vmem>>
        %dma_start3A_227 = tpu.memref_squeeze %dma_start3A_226 : memref<1x128xi32, #tpu.memory_space<vmem>> -> memref<128xi32, #tpu.memory_space<vmem>>
        %dma_start3A_228 = arith.constant 0 : i32
        %dma_start3A_229 = arith.constant 0 : i32
        %dma_start3A_230 = tpu.memref_slice %arg10[%dma_start3A_228, %dma_start3A_229] : memref<100352x16xf32, #tpu.memory_space<vmem_shared>> -> memref<100352x16xf32, #tpu.memory_space<vmem_shared>>
        tpu.enqueue_indirect_dma source(%dma_start3A_224 : memref<128x16xf32, #tpu.memory_space<vmem>>) target(%dma_start3A_230 : memref<100352x16xf32, #tpu.memory_space<vmem_shared>>) offsets(%dma_start3A_227 : memref<128xi32, #tpu.memory_space<vmem>>) semaphore(%run_scoped3A_220 : memref<!tpu.dma_semaphore, #tpu.memory_space<semaphore_mem>>) {add = true}
        %dma_wait3A_231 = arith.constant 0 : i32
        %dma_wait3A_232 = arith.constant 0 : i32
        %dma_wait3A_233 = tpu.memref_slice %arg8[%run_scoped3A_214, %dma_wait3A_231, %dma_wait3A_232] : memref<8x128x16xf32, #tpu.memory_space<vmem>> -> memref<1x128x16xf32, #tpu.memory_space<vmem>>
        %dma_wait3A_234 = tpu.memref_squeeze %dma_wait3A_233 : memref<1x128x16xf32, #tpu.memory_space<vmem>> -> memref<128x16xf32, #tpu.memory_space<vmem>>
        %dma_wait3A_235 = arith.constant 0 : i32
        %dma_wait3A_236 = tpu.memref_slice %arg7[%run_scoped3A_215, %dma_wait3A_235] : memref<8x128xi32, #tpu.memory_space<vmem>> -> memref<1x128xi32, #tpu.memory_space<vmem>>
        %dma_wait3A_237 = tpu.memref_squeeze %dma_wait3A_236 : memref<1x128xi32, #tpu.memory_space<vmem>> -> memref<128xi32, #tpu.memory_space<vmem>>
        %dma_wait3A_238 = arith.constant 0 : i32
        %dma_wait3A_239 = arith.constant 0 : i32
        %dma_wait3A_240 = tpu.memref_slice %arg10[%dma_wait3A_238, %dma_wait3A_239] : memref<100352x16xf32, #tpu.memory_space<vmem_shared>> -> memref<100352x16xf32, #tpu.memory_space<vmem_shared>>
        tpu.wait_indirect_dma semaphore(%run_scoped3A_220 : memref<!tpu.dma_semaphore, #tpu.memory_space<semaphore_mem>>) src(%dma_wait3A_234 : memref<128x16xf32, #tpu.memory_space<vmem>>) dst(%dma_wait3A_240 : memref<100352x16xf32, #tpu.memory_space<vmem_shared>>)
        tpu.yield
      }) : () -> ()
      %run_scoped3A_216 = arith.constant 6 : i32
      %run_scoped3A_217 = arith.constant 6 : i32
      "tpu.region"() ({
        %run_scoped3A_220 = tpu.sem_alloc : memref<!tpu.dma_semaphore, #tpu.memory_space<semaphore_mem>>
        %dma_start3A_221 = arith.constant 0 : i32
        %dma_start3A_222 = arith.constant 0 : i32
        %dma_start3A_223 = tpu.memref_slice %arg8[%run_scoped3A_216, %dma_start3A_221, %dma_start3A_222] : memref<8x128x16xf32, #tpu.memory_space<vmem>> -> memref<1x128x16xf32, #tpu.memory_space<vmem>>
        %dma_start3A_224 = tpu.memref_squeeze %dma_start3A_223 : memref<1x128x16xf32, #tpu.memory_space<vmem>> -> memref<128x16xf32, #tpu.memory_space<vmem>>
        %dma_start3A_225 = arith.constant 0 : i32
        %dma_start3A_226 = tpu.memref_slice %arg7[%run_scoped3A_217, %dma_start3A_225] : memref<8x128xi32, #tpu.memory_space<vmem>> -> memref<1x128xi32, #tpu.memory_space<vmem>>
        %dma_start3A_227 = tpu.memref_squeeze %dma_start3A_226 : memref<1x128xi32, #tpu.memory_space<vmem>> -> memref<128xi32, #tpu.memory_space<vmem>>
        %dma_start3A_228 = arith.constant 0 : i32
        %dma_start3A_229 = arith.constant 0 : i32
        %dma_start3A_230 = tpu.memref_slice %arg10[%dma_start3A_228, %dma_start3A_229] : memref<100352x16xf32, #tpu.memory_space<vmem_shared>> -> memref<100352x16xf32, #tpu.memory_space<vmem_shared>>
        tpu.enqueue_indirect_dma source(%dma_start3A_224 : memref<128x16xf32, #tpu.memory_space<vmem>>) target(%dma_start3A_230 : memref<100352x16xf32, #tpu.memory_space<vmem_shared>>) offsets(%dma_start3A_227 : memref<128xi32, #tpu.memory_space<vmem>>) semaphore(%run_scoped3A_220 : memref<!tpu.dma_semaphore, #tpu.memory_space<semaphore_mem>>) {add = true}
        %dma_wait3A_231 = arith.constant 0 : i32
        %dma_wait3A_232 = arith.constant 0 : i32
        %dma_wait3A_233 = tpu.memref_slice %arg8[%run_scoped3A_216, %dma_wait3A_231, %dma_wait3A_232] : memref<8x128x16xf32, #tpu.memory_space<vmem>> -> memref<1x128x16xf32, #tpu.memory_space<vmem>>
        %dma_wait3A_234 = tpu.memref_squeeze %dma_wait3A_233 : memref<1x128x16xf32, #tpu.memory_space<vmem>> -> memref<128x16xf32, #tpu.memory_space<vmem>>
        %dma_wait3A_235 = arith.constant 0 : i32
        %dma_wait3A_236 = tpu.memref_slice %arg7[%run_scoped3A_217, %dma_wait3A_235] : memref<8x128xi32, #tpu.memory_space<vmem>> -> memref<1x128xi32, #tpu.memory_space<vmem>>
        %dma_wait3A_237 = tpu.memref_squeeze %dma_wait3A_236 : memref<1x128xi32, #tpu.memory_space<vmem>> -> memref<128xi32, #tpu.memory_space<vmem>>
        %dma_wait3A_238 = arith.constant 0 : i32
        %dma_wait3A_239 = arith.constant 0 : i32
        %dma_wait3A_240 = tpu.memref_slice %arg10[%dma_wait3A_238, %dma_wait3A_239] : memref<100352x16xf32, #tpu.memory_space<vmem_shared>> -> memref<100352x16xf32, #tpu.memory_space<vmem_shared>>
        tpu.wait_indirect_dma semaphore(%run_scoped3A_220 : memref<!tpu.dma_semaphore, #tpu.memory_space<semaphore_mem>>) src(%dma_wait3A_234 : memref<128x16xf32, #tpu.memory_space<vmem>>) dst(%dma_wait3A_240 : memref<100352x16xf32, #tpu.memory_space<vmem_shared>>)
        tpu.yield
      }) : () -> ()
      %run_scoped3A_218 = arith.constant 7 : i32
      %run_scoped3A_219 = arith.constant 7 : i32
      "tpu.region"() ({
        %run_scoped3A_220 = tpu.sem_alloc : memref<!tpu.dma_semaphore, #tpu.memory_space<semaphore_mem>>
        %dma_start3A_221 = arith.constant 0 : i32
        %dma_start3A_222 = arith.constant 0 : i32
        %dma_start3A_223 = tpu.memref_slice %arg8[%run_scoped3A_218, %dma_start3A_221, %dma_start3A_222] : memref<8x128x16xf32, #tpu.memory_space<vmem>> -> memref<1x128x16xf32, #tpu.memory_space<vmem>>
        %dma_start3A_224 = tpu.memref_squeeze %dma_start3A_223 : memref<1x128x16xf32, #tpu.memory_space<vmem>> -> memref<128x16xf32, #tpu.memory_space<vmem>>
        %dma_start3A_225 = arith.constant 0 : i32
        %dma_start3A_226 = tpu.memref_slice %arg7[%run_scoped3A_219, %dma_start3A_225] : memref<8x128xi32, #tpu.memory_space<vmem>> -> memref<1x128xi32, #tpu.memory_space<vmem>>
        %dma_start3A_227 = tpu.memref_squeeze %dma_start3A_226 : memref<1x128xi32, #tpu.memory_space<vmem>> -> memref<128xi32, #tpu.memory_space<vmem>>
        %dma_start3A_228 = arith.constant 0 : i32
        %dma_start3A_229 = arith.constant 0 : i32
        %dma_start3A_230 = tpu.memref_slice %arg10[%dma_start3A_228, %dma_start3A_229] : memref<100352x16xf32, #tpu.memory_space<vmem_shared>> -> memref<100352x16xf32, #tpu.memory_space<vmem_shared>>
        tpu.enqueue_indirect_dma source(%dma_start3A_224 : memref<128x16xf32, #tpu.memory_space<vmem>>) target(%dma_start3A_230 : memref<100352x16xf32, #tpu.memory_space<vmem_shared>>) offsets(%dma_start3A_227 : memref<128xi32, #tpu.memory_space<vmem>>) semaphore(%run_scoped3A_220 : memref<!tpu.dma_semaphore, #tpu.memory_space<semaphore_mem>>) {add = true}
        %dma_wait3A_231 = arith.constant 0 : i32
        %dma_wait3A_232 = arith.constant 0 : i32
        %dma_wait3A_233 = tpu.memref_slice %arg8[%run_scoped3A_218, %dma_wait3A_231, %dma_wait3A_232] : memref<8x128x16xf32, #tpu.memory_space<vmem>> -> memref<1x128x16xf32, #tpu.memory_space<vmem>>
        %dma_wait3A_234 = tpu.memref_squeeze %dma_wait3A_233 : memref<1x128x16xf32, #tpu.memory_space<vmem>> -> memref<128x16xf32, #tpu.memory_space<vmem>>
        %dma_wait3A_235 = arith.constant 0 : i32
        %dma_wait3A_236 = tpu.memref_slice %arg7[%run_scoped3A_219, %dma_wait3A_235] : memref<8x128xi32, #tpu.memory_space<vmem>> -> memref<1x128xi32, #tpu.memory_space<vmem>>
        %dma_wait3A_237 = tpu.memref_squeeze %dma_wait3A_236 : memref<1x128xi32, #tpu.memory_space<vmem>> -> memref<128xi32, #tpu.memory_space<vmem>>
        %dma_wait3A_238 = arith.constant 0 : i32
        %dma_wait3A_239 = arith.constant 0 : i32
        %dma_wait3A_240 = tpu.memref_slice %arg10[%dma_wait3A_238, %dma_wait3A_239] : memref<100352x16xf32, #tpu.memory_space<vmem_shared>> -> memref<100352x16xf32, #tpu.memory_space<vmem_shared>>
        tpu.wait_indirect_dma semaphore(%run_scoped3A_220 : memref<!tpu.dma_semaphore, #tpu.memory_space<semaphore_mem>>) src(%dma_wait3A_234 : memref<128x16xf32, #tpu.memory_space<vmem>>) dst(%dma_wait3A_240 : memref<100352x16xf32, #tpu.memory_space<vmem_shared>>)
        tpu.yield
      }) : () -> ()
    }
    %scan3A_14 = arith.constant 100 : i32
    %barrier3A_15 = arith.constant 0 : index
    tpu.barrier barrier_id(%barrier3A_15)
    %lt3A = arith.constant 15 : i32
    %lt3A_16 = arith.cmpi slt, %arg1, %lt3A : i32
    %convert_element_type3A = arith.extui %lt3A_16 : i1 to i32
    %cond3A = arith.constant 0 : i32
    %cond3A_17 = arith.cmpi ne, %convert_element_type3A, %cond3A : i32
    scf.if %cond3A_17 {
      %mul3A_32 = arith.constant 6272 : i32
      %mul3A_33 = arith.muli %arg1, %mul3A_32 : i32
      %mul3A_34 = arith.constant 100000 : i32
      %mul3A_35 = arith.muli %arg0, %mul3A_34 : i32
      %mul3A_36 = arith.constant 6272 : i32
      %mul3A_37 = arith.muli %arg1, %mul3A_36 : i32
      %add3A = arith.addi %mul3A_35, %mul3A_37 : i32
      "tpu.region"() ({
        %run_scoped3A = tpu.sem_alloc : memref<!tpu.dma_semaphore, #tpu.memory_space<semaphore_mem>>
        %dma_start3A = arith.constant 0 : i32
        %dma_start3A_38 = tpu.memref_slice %arg5[%add3A, %dma_start3A] : memref<200000x16xf32, #tpu.memory_space<hbm>> -> memref<6272x16xf32, #tpu.memory_space<hbm>>
        %dma_start3A_39 = arith.constant 0 : i32
        %dma_start3A_40 = tpu.memref_slice %arg10[%mul3A_33, %dma_start3A_39] : memref<100352x16xf32, #tpu.memory_space<vmem_shared>> -> memref<6272x16xf32, #tpu.memory_space<vmem_shared>>
        tpu.enqueue_dma source(%dma_start3A_40 : memref<6272x16xf32, #tpu.memory_space<vmem_shared>>) target(%dma_start3A_38 : memref<6272x16xf32, #tpu.memory_space<hbm>>) target_semaphore(%run_scoped3A : memref<!tpu.dma_semaphore, #tpu.memory_space<semaphore_mem>>)
        %dma_wait3A = arith.constant 0 : i32
        %dma_wait3A_41 = tpu.memref_slice %arg5[%add3A, %dma_wait3A] : memref<200000x16xf32, #tpu.memory_space<hbm>> -> memref<6272x16xf32, #tpu.memory_space<hbm>>
        %dma_wait3A_42 = arith.constant 0 : i32
        %dma_wait3A_43 = tpu.memref_slice %arg10[%mul3A_33, %dma_wait3A_42] : memref<100352x16xf32, #tpu.memory_space<vmem_shared>> -> memref<6272x16xf32, #tpu.memory_space<vmem_shared>>
        tpu.wait_dma2 semaphore(%run_scoped3A : memref<!tpu.dma_semaphore, #tpu.memory_space<semaphore_mem>>) src(%dma_wait3A_43 : memref<6272x16xf32, #tpu.memory_space<vmem_shared>>) dst(%dma_wait3A_41 : memref<6272x16xf32, #tpu.memory_space<hbm>>)
        tpu.yield
      }) : () -> ()
    } else {
    }
    %eq3A = arith.constant 15 : i32
    %eq3A_18 = arith.cmpi eq, %arg1, %eq3A : i32
    %convert_element_type3A_19 = arith.extui %eq3A_18 : i1 to i32
    %cond3A_20 = arith.constant 0 : i32
    %cond3A_21 = arith.cmpi ne, %convert_element_type3A_19, %cond3A_20 : i32
    scf.if %cond3A_21 {
      %mul3A_32 = arith.constant 100000 : i32
      %mul3A_33 = arith.muli %arg0, %mul3A_32 : i32
      %add3A = arith.constant 94080 : i32
      %add3A_34 = arith.addi %mul3A_33, %add3A : i32
      "tpu.region"() ({
        %run_scoped3A = tpu.sem_alloc : memref<!tpu.dma_semaphore, #tpu.memory_space<semaphore_mem>>
        %dma_start3A = arith.constant 0 : i32
        %dma_start3A_35 = tpu.memref_slice %arg5[%add3A_34, %dma_start3A] : memref<200000x16xf32, #tpu.memory_space<hbm>> -> memref<5920x16xf32, #tpu.memory_space<hbm>>
        %dma_start3A_36 = arith.constant 94080 : i32
        %dma_start3A_37 = arith.constant 0 : i32
        %dma_start3A_38 = tpu.memref_slice %arg10[%dma_start3A_36, %dma_start3A_37] : memref<100352x16xf32, #tpu.memory_space<vmem_shared>> -> memref<5920x16xf32, #tpu.memory_space<vmem_shared>>
        tpu.enqueue_dma source(%dma_start3A_38 : memref<5920x16xf32, #tpu.memory_space<vmem_shared>>) target(%dma_start3A_35 : memref<5920x16xf32, #tpu.memory_space<hbm>>) target_semaphore(%run_scoped3A : memref<!tpu.dma_semaphore, #tpu.memory_space<semaphore_mem>>)
        %dma_wait3A = arith.constant 0 : i32
        %dma_wait3A_39 = tpu.memref_slice %arg5[%add3A_34, %dma_wait3A] : memref<200000x16xf32, #tpu.memory_space<hbm>> -> memref<5920x16xf32, #tpu.memory_space<hbm>>
        %dma_wait3A_40 = arith.constant 94080 : i32
        %dma_wait3A_41 = arith.constant 0 : i32
        %dma_wait3A_42 = tpu.memref_slice %arg10[%dma_wait3A_40, %dma_wait3A_41] : memref<100352x16xf32, #tpu.memory_space<vmem_shared>> -> memref<5920x16xf32, #tpu.memory_space<vmem_shared>>
        tpu.wait_dma2 semaphore(%run_scoped3A : memref<!tpu.dma_semaphore, #tpu.memory_space<semaphore_mem>>) src(%dma_wait3A_42 : memref<5920x16xf32, #tpu.memory_space<vmem_shared>>) dst(%dma_wait3A_39 : memref<5920x16xf32, #tpu.memory_space<hbm>>)
        tpu.yield
      }) : () -> ()
    } else {
    }
    %lt3A_22 = arith.constant 15 : i32
    %lt3A_23 = arith.cmpi slt, %arg1, %lt3A_22 : i32
    %convert_element_type3A_24 = arith.extui %lt3A_23 : i1 to i32
    %cond3A_25 = arith.constant 0 : i32
    %cond3A_26 = arith.cmpi ne, %convert_element_type3A_24, %cond3A_25 : i32
    scf.if %cond3A_26 {
      %scan3A_32 = arith.constant 0 : i32
      %scan3A_33 = arith.constant 49 : i32
      %scan3A_34 = arith.addi %scan3A_32, %scan3A_33 : i32
      %scan3A_35 = arith.constant 1 : i32
      scf.for %scan3A_37 = %scan3A_32 to %scan3A_34 step %scan3A_35  : i32 {
        %mul3A_38 = arith.constant 100000 : i32
        %mul3A_39 = arith.muli %arg0, %mul3A_38 : i32
        %mul3A_40 = arith.constant 6272 : i32
        %mul3A_41 = arith.muli %arg1, %mul3A_40 : i32
        %add3A = arith.addi %mul3A_39, %mul3A_41 : i32
        %mul3A_42 = arith.constant 128 : i32
        %mul3A_43 = arith.muli %scan3A_37, %mul3A_42 : i32
        %add3A_44 = arith.addi %add3A, %mul3A_43 : i32
        "tpu.region"() ({
          %run_scoped3A = tpu.sem_alloc : memref<!tpu.dma_semaphore, #tpu.memory_space<semaphore_mem>>
          %dma_start3A = arith.constant 0 : i32
          %dma_start3A_45 = tpu.memref_slice %arg5[%add3A_44, %dma_start3A] : memref<200000x16xf32, #tpu.memory_space<hbm>> -> memref<128x16xf32, #tpu.memory_space<hbm>>
          %dma_start3A_46 = arith.constant 0 : i32
          %dma_start3A_47 = tpu.memref_slice %arg5[%add3A_44, %dma_start3A_46] : memref<200000x16xf32, #tpu.memory_space<hbm>> -> memref<128x16xf32, #tpu.memory_space<hbm>>
          tpu.enqueue_dma source(%dma_start3A_47 : memref<128x16xf32, #tpu.memory_space<hbm>>) target(%arg9 : memref<128x16xf32, #tpu.memory_space<vmem>>) target_semaphore(%run_scoped3A : memref<!tpu.dma_semaphore, #tpu.memory_space<semaphore_mem>>)
          %dma_wait3A = arith.constant 0 : i32
          %dma_wait3A_48 = tpu.memref_slice %arg5[%add3A_44, %dma_wait3A] : memref<200000x16xf32, #tpu.memory_space<hbm>> -> memref<128x16xf32, #tpu.memory_space<hbm>>
          %dma_wait3A_49 = arith.constant 0 : i32
          %dma_wait3A_50 = tpu.memref_slice %arg5[%add3A_44, %dma_wait3A_49] : memref<200000x16xf32, #tpu.memory_space<hbm>> -> memref<128x16xf32, #tpu.memory_space<hbm>>
          tpu.wait_dma2 semaphore(%run_scoped3A : memref<!tpu.dma_semaphore, #tpu.memory_space<semaphore_mem>>) src(%dma_wait3A_50 : memref<128x16xf32, #tpu.memory_space<hbm>>) dst(%arg9 : memref<128x16xf32, #tpu.memory_space<vmem>>)
          tpu.yield
        }) : () -> ()
      }
      %scan3A_36 = arith.constant 49 : i32
    } else {
    }
    %eq3A_27 = arith.constant 15 : i32
    %eq3A_28 = arith.cmpi eq, %arg1, %eq3A_27 : i32
    %convert_element_type3A_29 = arith.extui %eq3A_28 : i1 to i32
    %cond3A_30 = arith.constant 0 : i32
    %cond3A_31 = arith.cmpi ne, %convert_element_type3A_29, %cond3A_30 : i32
    scf.if %cond3A_31 {
      %scan3A_32 = arith.constant 0 : i32
      %scan3A_33 = arith.constant 46 : i32
      %scan3A_34 = arith.addi %scan3A_32, %scan3A_33 : i32
      %scan3A_35 = arith.constant 1 : i32
      scf.for %scan3A_42 = %scan3A_32 to %scan3A_34 step %scan3A_35  : i32 {
        %mul3A_43 = arith.constant 100000 : i32
        %mul3A_44 = arith.muli %arg0, %mul3A_43 : i32
        %mul3A_45 = arith.constant 6272 : i32
        %mul3A_46 = arith.muli %arg1, %mul3A_45 : i32
        %add3A_47 = arith.addi %mul3A_44, %mul3A_46 : i32
        %mul3A_48 = arith.constant 128 : i32
        %mul3A_49 = arith.muli %scan3A_42, %mul3A_48 : i32
        %add3A_50 = arith.addi %add3A_47, %mul3A_49 : i32
        "tpu.region"() ({
          %run_scoped3A = tpu.sem_alloc : memref<!tpu.dma_semaphore, #tpu.memory_space<semaphore_mem>>
          %dma_start3A = arith.constant 0 : i32
          %dma_start3A_51 = tpu.memref_slice %arg5[%add3A_50, %dma_start3A] : memref<200000x16xf32, #tpu.memory_space<hbm>> -> memref<128x16xf32, #tpu.memory_space<hbm>>
          %dma_start3A_52 = arith.constant 0 : i32
          %dma_start3A_53 = tpu.memref_slice %arg5[%add3A_50, %dma_start3A_52] : memref<200000x16xf32, #tpu.memory_space<hbm>> -> memref<128x16xf32, #tpu.memory_space<hbm>>
          tpu.enqueue_dma source(%dma_start3A_53 : memref<128x16xf32, #tpu.memory_space<hbm>>) target(%arg9 : memref<128x16xf32, #tpu.memory_space<vmem>>) target_semaphore(%run_scoped3A : memref<!tpu.dma_semaphore, #tpu.memory_space<semaphore_mem>>)
          %dma_wait3A = arith.constant 0 : i32
          %dma_wait3A_54 = tpu.memref_slice %arg5[%add3A_50, %dma_wait3A] : memref<200000x16xf32, #tpu.memory_space<hbm>> -> memref<128x16xf32, #tpu.memory_space<hbm>>
          %dma_wait3A_55 = arith.constant 0 : i32
          %dma_wait3A_56 = tpu.memref_slice %arg5[%add3A_50, %dma_wait3A_55] : memref<200000x16xf32, #tpu.memory_space<hbm>> -> memref<128x16xf32, #tpu.memory_space<hbm>>
          tpu.wait_dma2 semaphore(%run_scoped3A : memref<!tpu.dma_semaphore, #tpu.memory_space<semaphore_mem>>) src(%dma_wait3A_56 : memref<128x16xf32, #tpu.memory_space<hbm>>) dst(%arg9 : memref<128x16xf32, #tpu.memory_space<vmem>>)
          tpu.yield
        }) : () -> ()
      }
      %scan3A_36 = arith.constant 46 : i32
      %mul3A_37 = arith.constant 100000 : i32
      %mul3A_38 = arith.muli %arg0, %mul3A_37 : i32
      %add3A = arith.constant 94080 : i32
      %add3A_39 = arith.addi %mul3A_38, %add3A : i32
      %add3A_40 = arith.constant 5888 : i32
      %add3A_41 = arith.addi %add3A_39, %add3A_40 : i32
      "tpu.region"() ({
        %run_scoped3A = tpu.sem_alloc : memref<!tpu.dma_semaphore, #tpu.memory_space<semaphore_mem>>
        %dma_start3A = arith.constant 0 : i32
        %dma_start3A_42 = arith.constant 0 : i32
        %dma_start3A_43 = tpu.memref_slice %arg9[%dma_start3A, %dma_start3A_42] : memref<128x16xf32, #tpu.memory_space<vmem>> -> memref<32x16xf32, #tpu.memory_space<vmem>>
        %dma_start3A_44 = arith.constant 0 : i32
        %dma_start3A_45 = tpu.memref_slice %arg5[%add3A_41, %dma_start3A_44] : memref<200000x16xf32, #tpu.memory_space<hbm>> -> memref<32x16xf32, #tpu.memory_space<hbm>>
        %dma_start3A_46 = arith.constant 0 : i32
        %dma_start3A_47 = arith.constant 0 : i32
        %dma_start3A_48 = tpu.memref_slice %arg9[%dma_start3A_46, %dma_start3A_47] : memref<128x16xf32, #tpu.memory_space<vmem>> -> memref<32x16xf32, #tpu.memory_space<vmem>>
        %dma_start3A_49 = arith.constant 0 : i32
        %dma_start3A_50 = tpu.memref_slice %arg5[%add3A_41, %dma_start3A_49] : memref<200000x16xf32, #tpu.memory_space<hbm>> -> memref<32x16xf32, #tpu.memory_space<hbm>>
        tpu.enqueue_dma source(%dma_start3A_50 : memref<32x16xf32, #tpu.memory_space<hbm>>) target(%dma_start3A_48 : memref<32x16xf32, #tpu.memory_space<vmem>>) target_semaphore(%run_scoped3A : memref<!tpu.dma_semaphore, #tpu.memory_space<semaphore_mem>>)
        %dma_wait3A = arith.constant 0 : i32
        %dma_wait3A_51 = arith.constant 0 : i32
        %dma_wait3A_52 = tpu.memref_slice %arg9[%dma_wait3A, %dma_wait3A_51] : memref<128x16xf32, #tpu.memory_space<vmem>> -> memref<32x16xf32, #tpu.memory_space<vmem>>
        %dma_wait3A_53 = arith.constant 0 : i32
        %dma_wait3A_54 = tpu.memref_slice %arg5[%add3A_41, %dma_wait3A_53] : memref<200000x16xf32, #tpu.memory_space<hbm>> -> memref<32x16xf32, #tpu.memory_space<hbm>>
        %dma_wait3A_55 = arith.constant 0 : i32
        %dma_wait3A_56 = arith.constant 0 : i32
        %dma_wait3A_57 = tpu.memref_slice %arg9[%dma_wait3A_55, %dma_wait3A_56] : memref<128x16xf32, #tpu.memory_space<vmem>> -> memref<32x16xf32, #tpu.memory_space<vmem>>
        %dma_wait3A_58 = arith.constant 0 : i32
        %dma_wait3A_59 = tpu.memref_slice %arg5[%add3A_41, %dma_wait3A_58] : memref<200000x16xf32, #tpu.memory_space<hbm>> -> memref<32x16xf32, #tpu.memory_space<hbm>>
        tpu.wait_dma2 semaphore(%run_scoped3A : memref<!tpu.dma_semaphore, #tpu.memory_space<semaphore_mem>>) src(%dma_wait3A_59 : memref<32x16xf32, #tpu.memory_space<hbm>>) dst(%dma_wait3A_57 : memref<32x16xf32, #tpu.memory_space<vmem>>)
        tpu.yield
      }) : () -> ()
    } else {
    }
    return
  }
}

#map = affine_map<(d0, d1) -> (0, 0)>
#map1 = affine_map<(d0, d1) -> (0)>
module attributes {stable_mosaic.version = 14 : i64} {
  func.func @k(%arg0: i32, %arg1: i32, %arg2: memref<200000x16xf32, #tpu.memory_space<hbm>>, %arg3: memref<1638400xi32, #tpu.memory_space<hbm>>, %arg4: memref<12800x128xi32, #tpu.memory_space<hbm>>, %arg5: memref<200000x16xf32, #tpu.memory_space<hbm>>, %arg6: memref<1024xi32, #tpu.memory_space<vmem>>, %arg7: memref<8x128xi32, #tpu.memory_space<vmem>>, %arg8: memref<8x128x16xf32, #tpu.memory_space<vmem>>, %arg9: memref<128x16xf32, #tpu.memory_space<vmem>>, %arg10: memref<100352x16xf32, #tpu.memory_space<vmem_shared>>, %arg11: memref<!tpu.dma_semaphore, #tpu.memory_space<semaphore_mem>>) attributes {dimension_semantics = [#tpu.dimension_semantics<core_parallel>, #tpu.dimension_semantics<subcore_parallel>], iteration_bounds = array<i64: 2, 16>, scalar_prefetch = 0 : i64, scratch_operands = 6 : i64, tpu.core_type = #tpu.core_type<sc_vector_subcore>, window_params = [{transform_indices = #map}, {transform_indices = #map1}, {transform_indices = #map}, {transform_indices = #map}]} {
    %mul3A = arith.constant 100000 : i32
    %mul3A_0 = arith.muli %arg0, %mul3A : i32
    %scan3A = arith.constant 0 : i32
    %scan3A_1 = arith.constant 128 : i32
    %scan3A_2 = arith.addi %scan3A, %scan3A_1 : i32
    %scan3A_3 = arith.constant 1 : i32
    scf.for %scan3A_32 = %scan3A to %scan3A_2 step %scan3A_3  : i32 {
      %broadcast_in_dim3A = arith.constant 0.000000e+00 : f32
      %broadcast_in_dim3A_33 = vector.broadcast %broadcast_in_dim3A : f32 to vector<16xf32>
      %swap3A = arith.index_cast %scan3A_32 : i32 to index
      %swap3A_34 = arith.constant 0 : index
      %swap3A_35 = tpu.vector_load %arg9[%swap3A, %swap3A_34] {strides = array<i32>} : memref<128x16xf32, #tpu.memory_space<vmem>>, vector<1x16xf32>,
      %swap3A_36 = vector.shape_cast %swap3A_35 : vector<1x16xf32> to vector<16xf32>
      %swap3A_37 = vector.shape_cast %broadcast_in_dim3A_33 : vector<16xf32> to vector<1x16xf32>
      tpu.vector_store %arg9[%swap3A, %swap3A_34], %swap3A_37 {strides = array<i32>} : memref<128x16xf32, #tpu.memory_space<vmem>>, vector<1x16xf32>,
    }
    %scan3A_4 = arith.constant 128 : i32
    %scan3A_5 = arith.constant 0 : i32
    %scan3A_6 = arith.constant 49 : i32
    %scan3A_7 = arith.addi %scan3A_5, %scan3A_6 : i32
    %scan3A_8 = arith.constant 1 : i32
    scf.for %scan3A_32 = %scan3A_5 to %scan3A_7 step %scan3A_8  : i32 {
      %mul3A_33 = arith.constant 49 : i32
      %mul3A_34 = arith.muli %arg1, %mul3A_33 : i32
      %add3A = arith.addi %mul3A_34, %scan3A_32 : i32
      %mul3A_35 = arith.constant 128 : i32
      %mul3A_36 = arith.muli %add3A, %mul3A_35 : i32
      "tpu.region"() ({
        %run_scoped3A = tpu.sem_alloc : memref<!tpu.dma_semaphore, #tpu.memory_space<semaphore_mem>>
        %dma_start3A = arith.constant 0 : i32
        %dma_start3A_37 = tpu.memref_slice %arg10[%mul3A_36, %dma_start3A] : memref<100352x16xf32, #tpu.memory_space<vmem_shared>> -> memref<128x16xf32, #tpu.memory_space<vmem_shared>>
        %dma_start3A_38 = arith.constant 0 : i32
        %dma_start3A_39 = tpu.memref_slice %arg10[%mul3A_36, %dma_start3A_38] : memref<100352x16xf32, #tpu.memory_space<vmem_shared>> -> memref<128x16xf32, #tpu.memory_space<vmem_shared>>
        tpu.enqueue_dma source(%arg9 : memref<128x16xf32, #tpu.memory_space<vmem>>) target(%dma_start3A_39 : memref<128x16xf32, #tpu.memory_space<vmem_shared>>) target_semaphore(%run_scoped3A : memref<!tpu.dma_semaphore, #tpu.memory_space<semaphore_mem>>)
        %dma_wait3A = arith.constant 0 : i32
        %dma_wait3A_40 = tpu.memref_slice %arg10[%mul3A_36, %dma_wait3A] : memref<100352x16xf32, #tpu.memory_space<vmem_shared>> -> memref<128x16xf32, #tpu.memory_space<vmem_shared>>
        %dma_wait3A_41 = arith.constant 0 : i32
        %dma_wait3A_42 = tpu.memref_slice %arg10[%mul3A_36, %dma_wait3A_41] : memref<100352x16xf32, #tpu.memory_space<vmem_shared>> -> memref<128x16xf32, #tpu.memory_space<vmem_shared>>
        tpu.wait_dma2 semaphore(%run_scoped3A : memref<!tpu.dma_semaphore, #tpu.memory_space<semaphore_mem>>) src(%arg9 : memref<128x16xf32, #tpu.memory_space<vmem>>) dst(%dma_wait3A_42 : memref<128x16xf32, #tpu.memory_space<vmem_shared>>)
        tpu.yield
      }) : () -> ()
    }
    %scan3A_9 = arith.constant 49 : i32
    %barrier3A = arith.constant 0 : index
    tpu.barrier barrier_id(%barrier3A)
    %scan3A_10 = arith.constant 0 : i32
    %scan3A_11 = arith.constant 100 : i32
    %scan3A_12 = arith.addi %scan3A_10, %scan3A_11 : i32
    %scan3A_13 = arith.constant 1 : i32
    scf.for %scan3A_32 = %scan3A_10 to %scan3A_12 step %scan3A_13  : i32 {
      %mul3A_33 = arith.constant 102400 : i32
      %mul3A_34 = arith.muli %arg1, %mul3A_33 : i32
      %mul3A_35 = arith.constant 1024 : i32
      %mul3A_36 = arith.muli %scan3A_32, %mul3A_35 : i32
      %add3A = arith.addi %mul3A_34, %mul3A_36 : i32
      "tpu.region"() ({
        %run_scoped3A_220 = tpu.sem_alloc : memref<!tpu.dma_semaphore, #tpu.memory_space<semaphore_mem>>
        %dma_start3A_221 = tpu.memref_slice %arg3[%add3A] : memref<1638400xi32, #tpu.memory_space<hbm>> -> memref<1024xi32, #tpu.memory_space<hbm>>
        %dma_start3A_222 = tpu.memref_slice %arg3[%add3A] : memref<1638400xi32, #tpu.memory_space<hbm>> -> memref<1024xi32, #tpu.memory_space<hbm>>
        tpu.enqueue_dma source(%dma_start3A_222 : memref<1024xi32, #tpu.memory_space<hbm>>) target(%arg6 : memref<1024xi32, #tpu.memory_space<vmem>>) target_semaphore(%run_scoped3A_220 : memref<!tpu.dma_semaphore, #tpu.memory_space<semaphore_mem>>)
        %dma_wait3A_223 = tpu.memref_slice %arg3[%add3A] : memref<1638400xi32, #tpu.memory_space<hbm>> -> memref<1024xi32, #tpu.memory_space<hbm>>
        %dma_wait3A_224 = tpu.memref_slice %arg3[%add3A] : memref<1638400xi32, #tpu.memory_space<hbm>> -> memref<1024xi32, #tpu.memory_space<hbm>>
        tpu.wait_dma2 semaphore(%run_scoped3A_220 : memref<!tpu.dma_semaphore, #tpu.memory_space<semaphore_mem>>) src(%dma_wait3A_224 : memref<1024xi32, #tpu.memory_space<hbm>>) dst(%arg6 : memref<1024xi32, #tpu.memory_space<vmem>>)
        tpu.yield
      }) : () -> ()
      %mul3A_37 = arith.constant 800 : i32
      %mul3A_38 = arith.muli %arg1, %mul3A_37 : i32
      %mul3A_39 = arith.constant 8 : i32
      %mul3A_40 = arith.muli %scan3A_32, %mul3A_39 : i32
      %add3A_41 = arith.addi %mul3A_38, %mul3A_40 : i32
      "tpu.region"() ({
        %run_scoped3A_220 = tpu.sem_alloc : memref<!tpu.dma_semaphore, #tpu.memory_space<semaphore_mem>>
        %dma_start3A_221 = arith.constant 0 : i32
        %dma_start3A_222 = tpu.memref_slice %arg4[%add3A_41, %dma_start3A_221] : memref<12800x128xi32, #tpu.memory_space<hbm>> -> memref<8x128xi32, #tpu.memory_space<hbm>>
        %dma_start3A_223 = arith.constant 0 : i32
        %dma_start3A_224 = tpu.memref_slice %arg4[%add3A_41, %dma_start3A_223] : memref<12800x128xi32, #tpu.memory_space<hbm>> -> memref<8x128xi32, #tpu.memory_space<hbm>>
        tpu.enqueue_dma source(%dma_start3A_224 : memref<8x128xi32, #tpu.memory_space<hbm>>) target(%arg7 : memref<8x128xi32, #tpu.memory_space<vmem>>) target_semaphore(%run_scoped3A_220 : memref<!tpu.dma_semaphore, #tpu.memory_space<semaphore_mem>>)
        %dma_wait3A_225 = arith.constant 0 : i32
        %dma_wait3A_226 = tpu.memref_slice %arg4[%add3A_41, %dma_wait3A_225] : memref<12800x128xi32, #tpu.memory_space<hbm>> -> memref<8x128xi32, #tpu.memory_space<hbm>>
        %dma_wait3A_227 = arith.constant 0 : i32
        %dma_wait3A_228 = tpu.memref_slice %arg4[%add3A_41, %dma_wait3A_227] : memref<12800x128xi32, #tpu.memory_space<hbm>> -> memref<8x128xi32, #tpu.memory_space<hbm>>
        tpu.wait_dma2 semaphore(%run_scoped3A_220 : memref<!tpu.dma_semaphore, #tpu.memory_space<semaphore_mem>>) src(%dma_wait3A_228 : memref<8x128xi32, #tpu.memory_space<hbm>>) dst(%arg7 : memref<8x128xi32, #tpu.memory_space<vmem>>)
        tpu.yield
      }) : () -> ()
      %scan3A_42 = arith.constant 0 : i32
      %scan3A_43 = arith.constant 64 : i32
      %scan3A_44 = arith.addi %scan3A_42, %scan3A_43 : i32
      %scan3A_45 = arith.constant 1 : i32
      scf.for %scan3A_220 = %scan3A_42 to %scan3A_44 step %scan3A_45  : i32 {
        %mul3A_221 = arith.constant 16 : i32
        %mul3A_222 = arith.muli %scan3A_220, %mul3A_221 : i32
        %get3A = arith.index_cast %mul3A_222 : i32 to index
        %get3A_223 = tpu.vector_load %arg6[%get3A] {strides = array<i32>} : memref<1024xi32, #tpu.memory_space<vmem>>, vector<16xi32>,
        %get3A_224 = vector.shape_cast %get3A_223 : vector<16xi32> to vector<16xi32>
        %add3A_225 = vector.broadcast %mul3A_0 : i32 to vector<16xi32>
        %add3A_226 = arith.addi %get3A_224, %add3A_225 : vector<16xi32>
        %swap3A = arith.index_cast %mul3A_222 : i32 to index
        %swap3A_227 = tpu.vector_load %arg6[%swap3A] {strides = array<i32>} : memref<1024xi32, #tpu.memory_space<vmem>>, vector<16xi32>,
        %swap3A_228 = vector.shape_cast %swap3A_227 : vector<16xi32> to vector<16xi32>
        %swap3A_229 = vector.shape_cast %add3A_226 : vector<16xi32> to vector<16xi32>
        tpu.vector_store %arg6[%swap3A], %swap3A_229 {strides = array<i32>} : memref<1024xi32, #tpu.memory_space<vmem>>, vector<16xi32>,
      }
      %scan3A_46 = arith.constant 64 : i32
      %dma_start3A = arith.constant 0 : i32
      %dma_start3A_47 = arith.constant 0 : i32
      %dma_start3A_48 = arith.constant 0 : i32
      %dma_start3A_49 = tpu.memref_slice %arg8[%dma_start3A, %dma_start3A_47, %dma_start3A_48] : memref<8x128x16xf32, #tpu.memory_space<vmem>> -> memref<1x128x16xf32, #tpu.memory_space<vmem>>
      %dma_start3A_50 = tpu.memref_squeeze %dma_start3A_49 : memref<1x128x16xf32, #tpu.memory_space<vmem>> -> memref<128x16xf32, #tpu.memory_space<vmem>>
      %dma_start3A_51 = arith.constant 0 : i32
      %dma_start3A_52 = tpu.memref_slice %arg6[%dma_start3A_51] : memref<1024xi32, #tpu.memory_space<vmem>> -> memref<128xi32, #tpu.memory_space<vmem>>
      %dma_start3A_53 = arith.constant 0 : i32
      %dma_start3A_54 = arith.constant 0 : i32
      %dma_start3A_55 = tpu.memref_slice %arg2[%dma_start3A_53, %dma_start3A_54] : memref<200000x16xf32, #tpu.memory_space<hbm>> -> memref<200000x16xf32, #tpu.memory_space<hbm>>
      tpu.enqueue_indirect_dma source(%dma_start3A_55 : memref<200000x16xf32, #tpu.memory_space<hbm>>) target(%dma_start3A_50 : memref<128x16xf32, #tpu.memory_space<vmem>>) offsets(%dma_start3A_52 : memref<128xi32, #tpu.memory_space<vmem>>) semaphore(%arg11 : memref<!tpu.dma_semaphore, #tpu.memory_space<semaphore_mem>>)
      %dma_start3A_56 = arith.constant 1 : i32
      %dma_start3A_57 = arith.constant 0 : i32
      %dma_start3A_58 = arith.constant 0 : i32
      %dma_start3A_59 = tpu.memref_slice %arg8[%dma_start3A_56, %dma_start3A_57, %dma_start3A_58] : memref<8x128x16xf32, #tpu.memory_space<vmem>> -> memref<1x128x16xf32, #tpu.memory_space<vmem>>
      %dma_start3A_60 = tpu.memref_squeeze %dma_start3A_59 : memref<1x128x16xf32, #tpu.memory_space<vmem>> -> memref<128x16xf32, #tpu.memory_space<vmem>>
      %dma_start3A_61 = arith.constant 128 : i32
      %dma_start3A_62 = tpu.memref_slice %arg6[%dma_start3A_61] : memref<1024xi32, #tpu.memory_space<vmem>> -> memref<128xi32, #tpu.memory_space<vmem>>
      %dma_start3A_63 = arith.constant 0 : i32
      %dma_start3A_64 = arith.constant 0 : i32
      %dma_start3A_65 = tpu.memref_slice %arg2[%dma_start3A_63, %dma_start3A_64] : memref<200000x16xf32, #tpu.memory_space<hbm>> -> memref<200000x16xf32, #tpu.memory_space<hbm>>
      tpu.enqueue_indirect_dma source(%dma_start3A_65 : memref<200000x16xf32, #tpu.memory_space<hbm>>) target(%dma_start3A_60 : memref<128x16xf32, #tpu.memory_space<vmem>>) offsets(%dma_start3A_62 : memref<128xi32, #tpu.memory_space<vmem>>) semaphore(%arg11 : memref<!tpu.dma_semaphore, #tpu.memory_space<semaphore_mem>>)
      %dma_start3A_66 = arith.constant 2 : i32
      %dma_start3A_67 = arith.constant 0 : i32
      %dma_start3A_68 = arith.constant 0 : i32
      %dma_start3A_69 = tpu.memref_slice %arg8[%dma_start3A_66, %dma_start3A_67, %dma_start3A_68] : memref<8x128x16xf32, #tpu.memory_space<vmem>> -> memref<1x128x16xf32, #tpu.memory_space<vmem>>
      %dma_start3A_70 = tpu.memref_squeeze %dma_start3A_69 : memref<1x128x16xf32, #tpu.memory_space<vmem>> -> memref<128x16xf32, #tpu.memory_space<vmem>>
      %dma_start3A_71 = arith.constant 256 : i32
      %dma_start3A_72 = tpu.memref_slice %arg6[%dma_start3A_71] : memref<1024xi32, #tpu.memory_space<vmem>> -> memref<128xi32, #tpu.memory_space<vmem>>
      %dma_start3A_73 = arith.constant 0 : i32
      %dma_start3A_74 = arith.constant 0 : i32
      %dma_start3A_75 = tpu.memref_slice %arg2[%dma_start3A_73, %dma_start3A_74] : memref<200000x16xf32, #tpu.memory_space<hbm>> -> memref<200000x16xf32, #tpu.memory_space<hbm>>
      tpu.enqueue_indirect_dma source(%dma_start3A_75 : memref<200000x16xf32, #tpu.memory_space<hbm>>) target(%dma_start3A_70 : memref<128x16xf32, #tpu.memory_space<vmem>>) offsets(%dma_start3A_72 : memref<128xi32, #tpu.memory_space<vmem>>) semaphore(%arg11 : memref<!tpu.dma_semaphore, #tpu.memory_space<semaphore_mem>>)
      %dma_start3A_76 = arith.constant 3 : i32
      %dma_start3A_77 = arith.constant 0 : i32
      %dma_start3A_78 = arith.constant 0 : i32
      %dma_start3A_79 = tpu.memref_slice %arg8[%dma_start3A_76, %dma_start3A_77, %dma_start3A_78] : memref<8x128x16xf32, #tpu.memory_space<vmem>> -> memref<1x128x16xf32, #tpu.memory_space<vmem>>
      %dma_start3A_80 = tpu.memref_squeeze %dma_start3A_79 : memref<1x128x16xf32, #tpu.memory_space<vmem>> -> memref<128x16xf32, #tpu.memory_space<vmem>>
      %dma_start3A_81 = arith.constant 384 : i32
      %dma_start3A_82 = tpu.memref_slice %arg6[%dma_start3A_81] : memref<1024xi32, #tpu.memory_space<vmem>> -> memref<128xi32, #tpu.memory_space<vmem>>
      %dma_start3A_83 = arith.constant 0 : i32
      %dma_start3A_84 = arith.constant 0 : i32
      %dma_start3A_85 = tpu.memref_slice %arg2[%dma_start3A_83, %dma_start3A_84] : memref<200000x16xf32, #tpu.memory_space<hbm>> -> memref<200000x16xf32, #tpu.memory_space<hbm>>
      tpu.enqueue_indirect_dma source(%dma_start3A_85 : memref<200000x16xf32, #tpu.memory_space<hbm>>) target(%dma_start3A_80 : memref<128x16xf32, #tpu.memory_space<vmem>>) offsets(%dma_start3A_82 : memref<128xi32, #tpu.memory_space<vmem>>) semaphore(%arg11 : memref<!tpu.dma_semaphore, #tpu.memory_space<semaphore_mem>>)
      %dma_start3A_86 = arith.constant 4 : i32
      %dma_start3A_87 = arith.constant 0 : i32
      %dma_start3A_88 = arith.constant 0 : i32
      %dma_start3A_89 = tpu.memref_slice %arg8[%dma_start3A_86, %dma_start3A_87, %dma_start3A_88] : memref<8x128x16xf32, #tpu.memory_space<vmem>> -> memref<1x128x16xf32, #tpu.memory_space<vmem>>
      %dma_start3A_90 = tpu.memref_squeeze %dma_start3A_89 : memref<1x128x16xf32, #tpu.memory_space<vmem>> -> memref<128x16xf32, #tpu.memory_space<vmem>>
      %dma_start3A_91 = arith.constant 512 : i32
      %dma_start3A_92 = tpu.memref_slice %arg6[%dma_start3A_91] : memref<1024xi32, #tpu.memory_space<vmem>> -> memref<128xi32, #tpu.memory_space<vmem>>
      %dma_start3A_93 = arith.constant 0 : i32
      %dma_start3A_94 = arith.constant 0 : i32
      %dma_start3A_95 = tpu.memref_slice %arg2[%dma_start3A_93, %dma_start3A_94] : memref<200000x16xf32, #tpu.memory_space<hbm>> -> memref<200000x16xf32, #tpu.memory_space<hbm>>
      tpu.enqueue_indirect_dma source(%dma_start3A_95 : memref<200000x16xf32, #tpu.memory_space<hbm>>) target(%dma_start3A_90 : memref<128x16xf32, #tpu.memory_space<vmem>>) offsets(%dma_start3A_92 : memref<128xi32, #tpu.memory_space<vmem>>) semaphore(%arg11 : memref<!tpu.dma_semaphore, #tpu.memory_space<semaphore_mem>>)
      %dma_start3A_96 = arith.constant 5 : i32
      %dma_start3A_97 = arith.constant 0 : i32
      %dma_start3A_98 = arith.constant 0 : i32
      %dma_start3A_99 = tpu.memref_slice %arg8[%dma_start3A_96, %dma_start3A_97, %dma_start3A_98] : memref<8x128x16xf32, #tpu.memory_space<vmem>> -> memref<1x128x16xf32, #tpu.memory_space<vmem>>
      %dma_start3A_100 = tpu.memref_squeeze %dma_start3A_99 : memref<1x128x16xf32, #tpu.memory_space<vmem>> -> memref<128x16xf32, #tpu.memory_space<vmem>>
      %dma_start3A_101 = arith.constant 640 : i32
      %dma_start3A_102 = tpu.memref_slice %arg6[%dma_start3A_101] : memref<1024xi32, #tpu.memory_space<vmem>> -> memref<128xi32, #tpu.memory_space<vmem>>
      %dma_start3A_103 = arith.constant 0 : i32
      %dma_start3A_104 = arith.constant 0 : i32
      %dma_start3A_105 = tpu.memref_slice %arg2[%dma_start3A_103, %dma_start3A_104] : memref<200000x16xf32, #tpu.memory_space<hbm>> -> memref<200000x16xf32, #tpu.memory_space<hbm>>
      tpu.enqueue_indirect_dma source(%dma_start3A_105 : memref<200000x16xf32, #tpu.memory_space<hbm>>) target(%dma_start3A_100 : memref<128x16xf32, #tpu.memory_space<vmem>>) offsets(%dma_start3A_102 : memref<128xi32, #tpu.memory_space<vmem>>) semaphore(%arg11 : memref<!tpu.dma_semaphore, #tpu.memory_space<semaphore_mem>>)
      %dma_start3A_106 = arith.constant 6 : i32
      %dma_start3A_107 = arith.constant 0 : i32
      %dma_start3A_108 = arith.constant 0 : i32
      %dma_start3A_109 = tpu.memref_slice %arg8[%dma_start3A_106, %dma_start3A_107, %dma_start3A_108] : memref<8x128x16xf32, #tpu.memory_space<vmem>> -> memref<1x128x16xf32, #tpu.memory_space<vmem>>
      %dma_start3A_110 = tpu.memref_squeeze %dma_start3A_109 : memref<1x128x16xf32, #tpu.memory_space<vmem>> -> memref<128x16xf32, #tpu.memory_space<vmem>>
      %dma_start3A_111 = arith.constant 768 : i32
      %dma_start3A_112 = tpu.memref_slice %arg6[%dma_start3A_111] : memref<1024xi32, #tpu.memory_space<vmem>> -> memref<128xi32, #tpu.memory_space<vmem>>
      %dma_start3A_113 = arith.constant 0 : i32
      %dma_start3A_114 = arith.constant 0 : i32
      %dma_start3A_115 = tpu.memref_slice %arg2[%dma_start3A_113, %dma_start3A_114] : memref<200000x16xf32, #tpu.memory_space<hbm>> -> memref<200000x16xf32, #tpu.memory_space<hbm>>
      tpu.enqueue_indirect_dma source(%dma_start3A_115 : memref<200000x16xf32, #tpu.memory_space<hbm>>) target(%dma_start3A_110 : memref<128x16xf32, #tpu.memory_space<vmem>>) offsets(%dma_start3A_112 : memref<128xi32, #tpu.memory_space<vmem>>) semaphore(%arg11 : memref<!tpu.dma_semaphore, #tpu.memory_space<semaphore_mem>>)
      %dma_start3A_116 = arith.constant 7 : i32
      %dma_start3A_117 = arith.constant 0 : i32
      %dma_start3A_118 = arith.constant 0 : i32
      %dma_start3A_119 = tpu.memref_slice %arg8[%dma_start3A_116, %dma_start3A_117, %dma_start3A_118] : memref<8x128x16xf32, #tpu.memory_space<vmem>> -> memref<1x128x16xf32, #tpu.memory_space<vmem>>
      %dma_start3A_120 = tpu.memref_squeeze %dma_start3A_119 : memref<1x128x16xf32, #tpu.memory_space<vmem>> -> memref<128x16xf32, #tpu.memory_space<vmem>>
      %dma_start3A_121 = arith.constant 896 : i32
      %dma_start3A_122 = tpu.memref_slice %arg6[%dma_start3A_121] : memref<1024xi32, #tpu.memory_space<vmem>> -> memref<128xi32, #tpu.memory_space<vmem>>
      %dma_start3A_123 = arith.constant 0 : i32
      %dma_start3A_124 = arith.constant 0 : i32
      %dma_start3A_125 = tpu.memref_slice %arg2[%dma_start3A_123, %dma_start3A_124] : memref<200000x16xf32, #tpu.memory_space<hbm>> -> memref<200000x16xf32, #tpu.memory_space<hbm>>
      tpu.enqueue_indirect_dma source(%dma_start3A_125 : memref<200000x16xf32, #tpu.memory_space<hbm>>) target(%dma_start3A_120 : memref<128x16xf32, #tpu.memory_space<vmem>>) offsets(%dma_start3A_122 : memref<128xi32, #tpu.memory_space<vmem>>) semaphore(%arg11 : memref<!tpu.dma_semaphore, #tpu.memory_space<semaphore_mem>>)
      %dma_wait3A = arith.constant 0 : i32
      %dma_wait3A_126 = arith.constant 0 : i32
      %dma_wait3A_127 = arith.constant 0 : i32
      %dma_wait3A_128 = tpu.memref_slice %arg8[%dma_wait3A, %dma_wait3A_126, %dma_wait3A_127] : memref<8x128x16xf32, #tpu.memory_space<vmem>> -> memref<1x128x16xf32, #tpu.memory_space<vmem>>
      %dma_wait3A_129 = tpu.memref_squeeze %dma_wait3A_128 : memref<1x128x16xf32, #tpu.memory_space<vmem>> -> memref<128x16xf32, #tpu.memory_space<vmem>>
      %dma_wait3A_130 = arith.constant 0 : i32
      %dma_wait3A_131 = tpu.memref_slice %arg6[%dma_wait3A_130] : memref<1024xi32, #tpu.memory_space<vmem>> -> memref<128xi32, #tpu.memory_space<vmem>>
      %dma_wait3A_132 = arith.constant 0 : i32
      %dma_wait3A_133 = arith.constant 0 : i32
      %dma_wait3A_134 = tpu.memref_slice %arg2[%dma_wait3A_132, %dma_wait3A_133] : memref<200000x16xf32, #tpu.memory_space<hbm>> -> memref<200000x16xf32, #tpu.memory_space<hbm>>
      tpu.wait_indirect_dma semaphore(%arg11 : memref<!tpu.dma_semaphore, #tpu.memory_space<semaphore_mem>>) src(%dma_wait3A_134 : memref<200000x16xf32, #tpu.memory_space<hbm>>) dst(%dma_wait3A_129 : memref<128x16xf32, #tpu.memory_space<vmem>>)
      %dma_wait3A_135 = arith.constant 1 : i32
      %dma_wait3A_136 = arith.constant 0 : i32
      %dma_wait3A_137 = arith.constant 0 : i32
      %dma_wait3A_138 = tpu.memref_slice %arg8[%dma_wait3A_135, %dma_wait3A_136, %dma_wait3A_137] : memref<8x128x16xf32, #tpu.memory_space<vmem>> -> memref<1x128x16xf32, #tpu.memory_space<vmem>>
      %dma_wait3A_139 = tpu.memref_squeeze %dma_wait3A_138 : memref<1x128x16xf32, #tpu.memory_space<vmem>> -> memref<128x16xf32, #tpu.memory_space<vmem>>
      %dma_wait3A_140 = arith.constant 128 : i32
      %dma_wait3A_141 = tpu.memref_slice %arg6[%dma_wait3A_140] : memref<1024xi32, #tpu.memory_space<vmem>> -> memref<128xi32, #tpu.memory_space<vmem>>
      %dma_wait3A_142 = arith.constant 0 : i32
      %dma_wait3A_143 = arith.constant 0 : i32
      %dma_wait3A_144 = tpu.memref_slice %arg2[%dma_wait3A_142, %dma_wait3A_143] : memref<200000x16xf32, #tpu.memory_space<hbm>> -> memref<200000x16xf32, #tpu.memory_space<hbm>>
      tpu.wait_indirect_dma semaphore(%arg11 : memref<!tpu.dma_semaphore, #tpu.memory_space<semaphore_mem>>) src(%dma_wait3A_144 : memref<200000x16xf32, #tpu.memory_space<hbm>>) dst(%dma_wait3A_139 : memref<128x16xf32, #tpu.memory_space<vmem>>)
      %dma_wait3A_145 = arith.constant 2 : i32
      %dma_wait3A_146 = arith.constant 0 : i32
      %dma_wait3A_147 = arith.constant 0 : i32
      %dma_wait3A_148 = tpu.memref_slice %arg8[%dma_wait3A_145, %dma_wait3A_146, %dma_wait3A_147] : memref<8x128x16xf32, #tpu.memory_space<vmem>> -> memref<1x128x16xf32, #tpu.memory_space<vmem>>
      %dma_wait3A_149 = tpu.memref_squeeze %dma_wait3A_148 : memref<1x128x16xf32, #tpu.memory_space<vmem>> -> memref<128x16xf32, #tpu.memory_space<vmem>>
      %dma_wait3A_150 = arith.constant 256 : i32
      %dma_wait3A_151 = tpu.memref_slice %arg6[%dma_wait3A_150] : memref<1024xi32, #tpu.memory_space<vmem>> -> memref<128xi32, #tpu.memory_space<vmem>>
      %dma_wait3A_152 = arith.constant 0 : i32
      %dma_wait3A_153 = arith.constant 0 : i32
      %dma_wait3A_154 = tpu.memref_slice %arg2[%dma_wait3A_152, %dma_wait3A_153] : memref<200000x16xf32, #tpu.memory_space<hbm>> -> memref<200000x16xf32, #tpu.memory_space<hbm>>
      tpu.wait_indirect_dma semaphore(%arg11 : memref<!tpu.dma_semaphore, #tpu.memory_space<semaphore_mem>>) src(%dma_wait3A_154 : memref<200000x16xf32, #tpu.memory_space<hbm>>) dst(%dma_wait3A_149 : memref<128x16xf32, #tpu.memory_space<vmem>>)
      %dma_wait3A_155 = arith.constant 3 : i32
      %dma_wait3A_156 = arith.constant 0 : i32
      %dma_wait3A_157 = arith.constant 0 : i32
      %dma_wait3A_158 = tpu.memref_slice %arg8[%dma_wait3A_155, %dma_wait3A_156, %dma_wait3A_157] : memref<8x128x16xf32, #tpu.memory_space<vmem>> -> memref<1x128x16xf32, #tpu.memory_space<vmem>>
      %dma_wait3A_159 = tpu.memref_squeeze %dma_wait3A_158 : memref<1x128x16xf32, #tpu.memory_space<vmem>> -> memref<128x16xf32, #tpu.memory_space<vmem>>
      %dma_wait3A_160 = arith.constant 384 : i32
      %dma_wait3A_161 = tpu.memref_slice %arg6[%dma_wait3A_160] : memref<1024xi32, #tpu.memory_space<vmem>> -> memref<128xi32, #tpu.memory_space<vmem>>
      %dma_wait3A_162 = arith.constant 0 : i32
      %dma_wait3A_163 = arith.constant 0 : i32
      %dma_wait3A_164 = tpu.memref_slice %arg2[%dma_wait3A_162, %dma_wait3A_163] : memref<200000x16xf32, #tpu.memory_space<hbm>> -> memref<200000x16xf32, #tpu.memory_space<hbm>>
      tpu.wait_indirect_dma semaphore(%arg11 : memref<!tpu.dma_semaphore, #tpu.memory_space<semaphore_mem>>) src(%dma_wait3A_164 : memref<200000x16xf32, #tpu.memory_space<hbm>>) dst(%dma_wait3A_159 : memref<128x16xf32, #tpu.memory_space<vmem>>)
      %dma_wait3A_165 = arith.constant 4 : i32
      %dma_wait3A_166 = arith.constant 0 : i32
      %dma_wait3A_167 = arith.constant 0 : i32
      %dma_wait3A_168 = tpu.memref_slice %arg8[%dma_wait3A_165, %dma_wait3A_166, %dma_wait3A_167] : memref<8x128x16xf32, #tpu.memory_space<vmem>> -> memref<1x128x16xf32, #tpu.memory_space<vmem>>
      %dma_wait3A_169 = tpu.memref_squeeze %dma_wait3A_168 : memref<1x128x16xf32, #tpu.memory_space<vmem>> -> memref<128x16xf32, #tpu.memory_space<vmem>>
      %dma_wait3A_170 = arith.constant 512 : i32
      %dma_wait3A_171 = tpu.memref_slice %arg6[%dma_wait3A_170] : memref<1024xi32, #tpu.memory_space<vmem>> -> memref<128xi32, #tpu.memory_space<vmem>>
      %dma_wait3A_172 = arith.constant 0 : i32
      %dma_wait3A_173 = arith.constant 0 : i32
      %dma_wait3A_174 = tpu.memref_slice %arg2[%dma_wait3A_172, %dma_wait3A_173] : memref<200000x16xf32, #tpu.memory_space<hbm>> -> memref<200000x16xf32, #tpu.memory_space<hbm>>
      tpu.wait_indirect_dma semaphore(%arg11 : memref<!tpu.dma_semaphore, #tpu.memory_space<semaphore_mem>>) src(%dma_wait3A_174 : memref<200000x16xf32, #tpu.memory_space<hbm>>) dst(%dma_wait3A_169 : memref<128x16xf32, #tpu.memory_space<vmem>>)
      %dma_wait3A_175 = arith.constant 5 : i32
      %dma_wait3A_176 = arith.constant 0 : i32
      %dma_wait3A_177 = arith.constant 0 : i32
      %dma_wait3A_178 = tpu.memref_slice %arg8[%dma_wait3A_175, %dma_wait3A_176, %dma_wait3A_177] : memref<8x128x16xf32, #tpu.memory_space<vmem>> -> memref<1x128x16xf32, #tpu.memory_space<vmem>>
      %dma_wait3A_179 = tpu.memref_squeeze %dma_wait3A_178 : memref<1x128x16xf32, #tpu.memory_space<vmem>> -> memref<128x16xf32, #tpu.memory_space<vmem>>
      %dma_wait3A_180 = arith.constant 640 : i32
      %dma_wait3A_181 = tpu.memref_slice %arg6[%dma_wait3A_180] : memref<1024xi32, #tpu.memory_space<vmem>> -> memref<128xi32, #tpu.memory_space<vmem>>
      %dma_wait3A_182 = arith.constant 0 : i32
      %dma_wait3A_183 = arith.constant 0 : i32
      %dma_wait3A_184 = tpu.memref_slice %arg2[%dma_wait3A_182, %dma_wait3A_183] : memref<200000x16xf32, #tpu.memory_space<hbm>> -> memref<200000x16xf32, #tpu.memory_space<hbm>>
      tpu.wait_indirect_dma semaphore(%arg11 : memref<!tpu.dma_semaphore, #tpu.memory_space<semaphore_mem>>) src(%dma_wait3A_184 : memref<200000x16xf32, #tpu.memory_space<hbm>>) dst(%dma_wait3A_179 : memref<128x16xf32, #tpu.memory_space<vmem>>)
      %dma_wait3A_185 = arith.constant 6 : i32
      %dma_wait3A_186 = arith.constant 0 : i32
      %dma_wait3A_187 = arith.constant 0 : i32
      %dma_wait3A_188 = tpu.memref_slice %arg8[%dma_wait3A_185, %dma_wait3A_186, %dma_wait3A_187] : memref<8x128x16xf32, #tpu.memory_space<vmem>> -> memref<1x128x16xf32, #tpu.memory_space<vmem>>
      %dma_wait3A_189 = tpu.memref_squeeze %dma_wait3A_188 : memref<1x128x16xf32, #tpu.memory_space<vmem>> -> memref<128x16xf32, #tpu.memory_space<vmem>>
      %dma_wait3A_190 = arith.constant 768 : i32
      %dma_wait3A_191 = tpu.memref_slice %arg6[%dma_wait3A_190] : memref<1024xi32, #tpu.memory_space<vmem>> -> memref<128xi32, #tpu.memory_space<vmem>>
      %dma_wait3A_192 = arith.constant 0 : i32
      %dma_wait3A_193 = arith.constant 0 : i32
      %dma_wait3A_194 = tpu.memref_slice %arg2[%dma_wait3A_192, %dma_wait3A_193] : memref<200000x16xf32, #tpu.memory_space<hbm>> -> memref<200000x16xf32, #tpu.memory_space<hbm>>
      tpu.wait_indirect_dma semaphore(%arg11 : memref<!tpu.dma_semaphore, #tpu.memory_space<semaphore_mem>>) src(%dma_wait3A_194 : memref<200000x16xf32, #tpu.memory_space<hbm>>) dst(%dma_wait3A_189 : memref<128x16xf32, #tpu.memory_space<vmem>>)
      %dma_wait3A_195 = arith.constant 7 : i32
      %dma_wait3A_196 = arith.constant 0 : i32
      %dma_wait3A_197 = arith.constant 0 : i32
      %dma_wait3A_198 = tpu.memref_slice %arg8[%dma_wait3A_195, %dma_wait3A_196, %dma_wait3A_197] : memref<8x128x16xf32, #tpu.memory_space<vmem>> -> memref<1x128x16xf32, #tpu.memory_space<vmem>>
      %dma_wait3A_199 = tpu.memref_squeeze %dma_wait3A_198 : memref<1x128x16xf32, #tpu.memory_space<vmem>> -> memref<128x16xf32, #tpu.memory_space<vmem>>
      %dma_wait3A_200 = arith.constant 896 : i32
      %dma_wait3A_201 = tpu.memref_slice %arg6[%dma_wait3A_200] : memref<1024xi32, #tpu.memory_space<vmem>> -> memref<128xi32, #tpu.memory_space<vmem>>
      %dma_wait3A_202 = arith.constant 0 : i32
      %dma_wait3A_203 = arith.constant 0 : i32
      %dma_wait3A_204 = tpu.memref_slice %arg2[%dma_wait3A_202, %dma_wait3A_203] : memref<200000x16xf32, #tpu.memory_space<hbm>> -> memref<200000x16xf32, #tpu.memory_space<hbm>>
      tpu.wait_indirect_dma semaphore(%arg11 : memref<!tpu.dma_semaphore, #tpu.memory_space<semaphore_mem>>) src(%dma_wait3A_204 : memref<200000x16xf32, #tpu.memory_space<hbm>>) dst(%dma_wait3A_199 : memref<128x16xf32, #tpu.memory_space<vmem>>)
      %run_scoped3A = arith.constant 0 : i32
      %run_scoped3A_205 = arith.constant 0 : i32
      "tpu.region"() ({
        %run_scoped3A_220 = tpu.sem_alloc : memref<!tpu.dma_semaphore, #tpu.memory_space<semaphore_mem>>
        %dma_start3A_221 = arith.constant 0 : i32
        %dma_start3A_222 = arith.constant 0 : i32
        %dma_start3A_223 = tpu.memref_slice %arg8[%run_scoped3A, %dma_start3A_221, %dma_start3A_222] : memref<8x128x16xf32, #tpu.memory_space<vmem>> -> memref<1x128x16xf32, #tpu.memory_space<vmem>>
        %dma_start3A_224 = tpu.memref_squeeze %dma_start3A_223 : memref<1x128x16xf32, #tpu.memory_space<vmem>> -> memref<128x16xf32, #tpu.memory_space<vmem>>
        %dma_start3A_225 = arith.constant 0 : i32
        %dma_start3A_226 = tpu.memref_slice %arg7[%run_scoped3A_205, %dma_start3A_225] : memref<8x128xi32, #tpu.memory_space<vmem>> -> memref<1x128xi32, #tpu.memory_space<vmem>>
        %dma_start3A_227 = tpu.memref_squeeze %dma_start3A_226 : memref<1x128xi32, #tpu.memory_space<vmem>> -> memref<128xi32, #tpu.memory_space<vmem>>
        %dma_start3A_228 = arith.constant 0 : i32
        %dma_start3A_229 = arith.constant 0 : i32
        %dma_start3A_230 = tpu.memref_slice %arg10[%dma_start3A_228, %dma_start3A_229] : memref<100352x16xf32, #tpu.memory_space<vmem_shared>> -> memref<100352x16xf32, #tpu.memory_space<vmem_shared>>
        tpu.enqueue_indirect_dma source(%dma_start3A_224 : memref<128x16xf32, #tpu.memory_space<vmem>>) target(%dma_start3A_230 : memref<100352x16xf32, #tpu.memory_space<vmem_shared>>) offsets(%dma_start3A_227 : memref<128xi32, #tpu.memory_space<vmem>>) semaphore(%run_scoped3A_220 : memref<!tpu.dma_semaphore, #tpu.memory_space<semaphore_mem>>) {add = true}
        %dma_wait3A_231 = arith.constant 0 : i32
        %dma_wait3A_232 = arith.constant 0 : i32
        %dma_wait3A_233 = tpu.memref_slice %arg8[%run_scoped3A, %dma_wait3A_231, %dma_wait3A_232] : memref<8x128x16xf32, #tpu.memory_space<vmem>> -> memref<1x128x16xf32, #tpu.memory_space<vmem>>
        %dma_wait3A_234 = tpu.memref_squeeze %dma_wait3A_233 : memref<1x128x16xf32, #tpu.memory_space<vmem>> -> memref<128x16xf32, #tpu.memory_space<vmem>>
        %dma_wait3A_235 = arith.constant 0 : i32
        %dma_wait3A_236 = tpu.memref_slice %arg7[%run_scoped3A_205, %dma_wait3A_235] : memref<8x128xi32, #tpu.memory_space<vmem>> -> memref<1x128xi32, #tpu.memory_space<vmem>>
        %dma_wait3A_237 = tpu.memref_squeeze %dma_wait3A_236 : memref<1x128xi32, #tpu.memory_space<vmem>> -> memref<128xi32, #tpu.memory_space<vmem>>
        %dma_wait3A_238 = arith.constant 0 : i32
        %dma_wait3A_239 = arith.constant 0 : i32
        %dma_wait3A_240 = tpu.memref_slice %arg10[%dma_wait3A_238, %dma_wait3A_239] : memref<100352x16xf32, #tpu.memory_space<vmem_shared>> -> memref<100352x16xf32, #tpu.memory_space<vmem_shared>>
        tpu.wait_indirect_dma semaphore(%run_scoped3A_220 : memref<!tpu.dma_semaphore, #tpu.memory_space<semaphore_mem>>) src(%dma_wait3A_234 : memref<128x16xf32, #tpu.memory_space<vmem>>) dst(%dma_wait3A_240 : memref<100352x16xf32, #tpu.memory_space<vmem_shared>>)
        tpu.yield
      }) : () -> ()
      %run_scoped3A_206 = arith.constant 1 : i32
      %run_scoped3A_207 = arith.constant 1 : i32
      "tpu.region"() ({
        %run_scoped3A_220 = tpu.sem_alloc : memref<!tpu.dma_semaphore, #tpu.memory_space<semaphore_mem>>
        %dma_start3A_221 = arith.constant 0 : i32
        %dma_start3A_222 = arith.constant 0 : i32
        %dma_start3A_223 = tpu.memref_slice %arg8[%run_scoped3A_206, %dma_start3A_221, %dma_start3A_222] : memref<8x128x16xf32, #tpu.memory_space<vmem>> -> memref<1x128x16xf32, #tpu.memory_space<vmem>>
        %dma_start3A_224 = tpu.memref_squeeze %dma_start3A_223 : memref<1x128x16xf32, #tpu.memory_space<vmem>> -> memref<128x16xf32, #tpu.memory_space<vmem>>
        %dma_start3A_225 = arith.constant 0 : i32
        %dma_start3A_226 = tpu.memref_slice %arg7[%run_scoped3A_207, %dma_start3A_225] : memref<8x128xi32, #tpu.memory_space<vmem>> -> memref<1x128xi32, #tpu.memory_space<vmem>>
        %dma_start3A_227 = tpu.memref_squeeze %dma_start3A_226 : memref<1x128xi32, #tpu.memory_space<vmem>> -> memref<128xi32, #tpu.memory_space<vmem>>
        %dma_start3A_228 = arith.constant 0 : i32
        %dma_start3A_229 = arith.constant 0 : i32
        %dma_start3A_230 = tpu.memref_slice %arg10[%dma_start3A_228, %dma_start3A_229] : memref<100352x16xf32, #tpu.memory_space<vmem_shared>> -> memref<100352x16xf32, #tpu.memory_space<vmem_shared>>
        tpu.enqueue_indirect_dma source(%dma_start3A_224 : memref<128x16xf32, #tpu.memory_space<vmem>>) target(%dma_start3A_230 : memref<100352x16xf32, #tpu.memory_space<vmem_shared>>) offsets(%dma_start3A_227 : memref<128xi32, #tpu.memory_space<vmem>>) semaphore(%run_scoped3A_220 : memref<!tpu.dma_semaphore, #tpu.memory_space<semaphore_mem>>) {add = true}
        %dma_wait3A_231 = arith.constant 0 : i32
        %dma_wait3A_232 = arith.constant 0 : i32
        %dma_wait3A_233 = tpu.memref_slice %arg8[%run_scoped3A_206, %dma_wait3A_231, %dma_wait3A_232] : memref<8x128x16xf32, #tpu.memory_space<vmem>> -> memref<1x128x16xf32, #tpu.memory_space<vmem>>
        %dma_wait3A_234 = tpu.memref_squeeze %dma_wait3A_233 : memref<1x128x16xf32, #tpu.memory_space<vmem>> -> memref<128x16xf32, #tpu.memory_space<vmem>>
        %dma_wait3A_235 = arith.constant 0 : i32
        %dma_wait3A_236 = tpu.memref_slice %arg7[%run_scoped3A_207, %dma_wait3A_235] : memref<8x128xi32, #tpu.memory_space<vmem>> -> memref<1x128xi32, #tpu.memory_space<vmem>>
        %dma_wait3A_237 = tpu.memref_squeeze %dma_wait3A_236 : memref<1x128xi32, #tpu.memory_space<vmem>> -> memref<128xi32, #tpu.memory_space<vmem>>
        %dma_wait3A_238 = arith.constant 0 : i32
        %dma_wait3A_239 = arith.constant 0 : i32
        %dma_wait3A_240 = tpu.memref_slice %arg10[%dma_wait3A_238, %dma_wait3A_239] : memref<100352x16xf32, #tpu.memory_space<vmem_shared>> -> memref<100352x16xf32, #tpu.memory_space<vmem_shared>>
        tpu.wait_indirect_dma semaphore(%run_scoped3A_220 : memref<!tpu.dma_semaphore, #tpu.memory_space<semaphore_mem>>) src(%dma_wait3A_234 : memref<128x16xf32, #tpu.memory_space<vmem>>) dst(%dma_wait3A_240 : memref<100352x16xf32, #tpu.memory_space<vmem_shared>>)
        tpu.yield
      }) : () -> ()
      %run_scoped3A_208 = arith.constant 2 : i32
      %run_scoped3A_209 = arith.constant 2 : i32
      "tpu.region"() ({
        %run_scoped3A_220 = tpu.sem_alloc : memref<!tpu.dma_semaphore, #tpu.memory_space<semaphore_mem>>
        %dma_start3A_221 = arith.constant 0 : i32
        %dma_start3A_222 = arith.constant 0 : i32
        %dma_start3A_223 = tpu.memref_slice %arg8[%run_scoped3A_208, %dma_start3A_221, %dma_start3A_222] : memref<8x128x16xf32, #tpu.memory_space<vmem>> -> memref<1x128x16xf32, #tpu.memory_space<vmem>>
        %dma_start3A_224 = tpu.memref_squeeze %dma_start3A_223 : memref<1x128x16xf32, #tpu.memory_space<vmem>> -> memref<128x16xf32, #tpu.memory_space<vmem>>
        %dma_start3A_225 = arith.constant 0 : i32
        %dma_start3A_226 = tpu.memref_slice %arg7[%run_scoped3A_209, %dma_start3A_225] : memref<8x128xi32, #tpu.memory_space<vmem>> -> memref<1x128xi32, #tpu.memory_space<vmem>>
        %dma_start3A_227 = tpu.memref_squeeze %dma_start3A_226 : memref<1x128xi32, #tpu.memory_space<vmem>> -> memref<128xi32, #tpu.memory_space<vmem>>
        %dma_start3A_228 = arith.constant 0 : i32
        %dma_start3A_229 = arith.constant 0 : i32
        %dma_start3A_230 = tpu.memref_slice %arg10[%dma_start3A_228, %dma_start3A_229] : memref<100352x16xf32, #tpu.memory_space<vmem_shared>> -> memref<100352x16xf32, #tpu.memory_space<vmem_shared>>
        tpu.enqueue_indirect_dma source(%dma_start3A_224 : memref<128x16xf32, #tpu.memory_space<vmem>>) target(%dma_start3A_230 : memref<100352x16xf32, #tpu.memory_space<vmem_shared>>) offsets(%dma_start3A_227 : memref<128xi32, #tpu.memory_space<vmem>>) semaphore(%run_scoped3A_220 : memref<!tpu.dma_semaphore, #tpu.memory_space<semaphore_mem>>) {add = true}
        %dma_wait3A_231 = arith.constant 0 : i32
        %dma_wait3A_232 = arith.constant 0 : i32
        %dma_wait3A_233 = tpu.memref_slice %arg8[%run_scoped3A_208, %dma_wait3A_231, %dma_wait3A_232] : memref<8x128x16xf32, #tpu.memory_space<vmem>> -> memref<1x128x16xf32, #tpu.memory_space<vmem>>
        %dma_wait3A_234 = tpu.memref_squeeze %dma_wait3A_233 : memref<1x128x16xf32, #tpu.memory_space<vmem>> -> memref<128x16xf32, #tpu.memory_space<vmem>>
        %dma_wait3A_235 = arith.constant 0 : i32
        %dma_wait3A_236 = tpu.memref_slice %arg7[%run_scoped3A_209, %dma_wait3A_235] : memref<8x128xi32, #tpu.memory_space<vmem>> -> memref<1x128xi32, #tpu.memory_space<vmem>>
        %dma_wait3A_237 = tpu.memref_squeeze %dma_wait3A_236 : memref<1x128xi32, #tpu.memory_space<vmem>> -> memref<128xi32, #tpu.memory_space<vmem>>
        %dma_wait3A_238 = arith.constant 0 : i32
        %dma_wait3A_239 = arith.constant 0 : i32
        %dma_wait3A_240 = tpu.memref_slice %arg10[%dma_wait3A_238, %dma_wait3A_239] : memref<100352x16xf32, #tpu.memory_space<vmem_shared>> -> memref<100352x16xf32, #tpu.memory_space<vmem_shared>>
        tpu.wait_indirect_dma semaphore(%run_scoped3A_220 : memref<!tpu.dma_semaphore, #tpu.memory_space<semaphore_mem>>) src(%dma_wait3A_234 : memref<128x16xf32, #tpu.memory_space<vmem>>) dst(%dma_wait3A_240 : memref<100352x16xf32, #tpu.memory_space<vmem_shared>>)
        tpu.yield
      }) : () -> ()
      %run_scoped3A_210 = arith.constant 3 : i32
      %run_scoped3A_211 = arith.constant 3 : i32
      "tpu.region"() ({
        %run_scoped3A_220 = tpu.sem_alloc : memref<!tpu.dma_semaphore, #tpu.memory_space<semaphore_mem>>
        %dma_start3A_221 = arith.constant 0 : i32
        %dma_start3A_222 = arith.constant 0 : i32
        %dma_start3A_223 = tpu.memref_slice %arg8[%run_scoped3A_210, %dma_start3A_221, %dma_start3A_222] : memref<8x128x16xf32, #tpu.memory_space<vmem>> -> memref<1x128x16xf32, #tpu.memory_space<vmem>>
        %dma_start3A_224 = tpu.memref_squeeze %dma_start3A_223 : memref<1x128x16xf32, #tpu.memory_space<vmem>> -> memref<128x16xf32, #tpu.memory_space<vmem>>
        %dma_start3A_225 = arith.constant 0 : i32
        %dma_start3A_226 = tpu.memref_slice %arg7[%run_scoped3A_211, %dma_start3A_225] : memref<8x128xi32, #tpu.memory_space<vmem>> -> memref<1x128xi32, #tpu.memory_space<vmem>>
        %dma_start3A_227 = tpu.memref_squeeze %dma_start3A_226 : memref<1x128xi32, #tpu.memory_space<vmem>> -> memref<128xi32, #tpu.memory_space<vmem>>
        %dma_start3A_228 = arith.constant 0 : i32
        %dma_start3A_229 = arith.constant 0 : i32
        %dma_start3A_230 = tpu.memref_slice %arg10[%dma_start3A_228, %dma_start3A_229] : memref<100352x16xf32, #tpu.memory_space<vmem_shared>> -> memref<100352x16xf32, #tpu.memory_space<vmem_shared>>
        tpu.enqueue_indirect_dma source(%dma_start3A_224 : memref<128x16xf32, #tpu.memory_space<vmem>>) target(%dma_start3A_230 : memref<100352x16xf32, #tpu.memory_space<vmem_shared>>) offsets(%dma_start3A_227 : memref<128xi32, #tpu.memory_space<vmem>>) semaphore(%run_scoped3A_220 : memref<!tpu.dma_semaphore, #tpu.memory_space<semaphore_mem>>) {add = true}
        %dma_wait3A_231 = arith.constant 0 : i32
        %dma_wait3A_232 = arith.constant 0 : i32
        %dma_wait3A_233 = tpu.memref_slice %arg8[%run_scoped3A_210, %dma_wait3A_231, %dma_wait3A_232] : memref<8x128x16xf32, #tpu.memory_space<vmem>> -> memref<1x128x16xf32, #tpu.memory_space<vmem>>
        %dma_wait3A_234 = tpu.memref_squeeze %dma_wait3A_233 : memref<1x128x16xf32, #tpu.memory_space<vmem>> -> memref<128x16xf32, #tpu.memory_space<vmem>>
        %dma_wait3A_235 = arith.constant 0 : i32
        %dma_wait3A_236 = tpu.memref_slice %arg7[%run_scoped3A_211, %dma_wait3A_235] : memref<8x128xi32, #tpu.memory_space<vmem>> -> memref<1x128xi32, #tpu.memory_space<vmem>>
        %dma_wait3A_237 = tpu.memref_squeeze %dma_wait3A_236 : memref<1x128xi32, #tpu.memory_space<vmem>> -> memref<128xi32, #tpu.memory_space<vmem>>
        %dma_wait3A_238 = arith.constant 0 : i32
        %dma_wait3A_239 = arith.constant 0 : i32
        %dma_wait3A_240 = tpu.memref_slice %arg10[%dma_wait3A_238, %dma_wait3A_239] : memref<100352x16xf32, #tpu.memory_space<vmem_shared>> -> memref<100352x16xf32, #tpu.memory_space<vmem_shared>>
        tpu.wait_indirect_dma semaphore(%run_scoped3A_220 : memref<!tpu.dma_semaphore, #tpu.memory_space<semaphore_mem>>) src(%dma_wait3A_234 : memref<128x16xf32, #tpu.memory_space<vmem>>) dst(%dma_wait3A_240 : memref<100352x16xf32, #tpu.memory_space<vmem_shared>>)
        tpu.yield
      }) : () -> ()
      %run_scoped3A_212 = arith.constant 4 : i32
      %run_scoped3A_213 = arith.constant 4 : i32
      "tpu.region"() ({
        %run_scoped3A_220 = tpu.sem_alloc : memref<!tpu.dma_semaphore, #tpu.memory_space<semaphore_mem>>
        %dma_start3A_221 = arith.constant 0 : i32
        %dma_start3A_222 = arith.constant 0 : i32
        %dma_start3A_223 = tpu.memref_slice %arg8[%run_scoped3A_212, %dma_start3A_221, %dma_start3A_222] : memref<8x128x16xf32, #tpu.memory_space<vmem>> -> memref<1x128x16xf32, #tpu.memory_space<vmem>>
        %dma_start3A_224 = tpu.memref_squeeze %dma_start3A_223 : memref<1x128x16xf32, #tpu.memory_space<vmem>> -> memref<128x16xf32, #tpu.memory_space<vmem>>
        %dma_start3A_225 = arith.constant 0 : i32
        %dma_start3A_226 = tpu.memref_slice %arg7[%run_scoped3A_213, %dma_start3A_225] : memref<8x128xi32, #tpu.memory_space<vmem>> -> memref<1x128xi32, #tpu.memory_space<vmem>>
        %dma_start3A_227 = tpu.memref_squeeze %dma_start3A_226 : memref<1x128xi32, #tpu.memory_space<vmem>> -> memref<128xi32, #tpu.memory_space<vmem>>
        %dma_start3A_228 = arith.constant 0 : i32
        %dma_start3A_229 = arith.constant 0 : i32
        %dma_start3A_230 = tpu.memref_slice %arg10[%dma_start3A_228, %dma_start3A_229] : memref<100352x16xf32, #tpu.memory_space<vmem_shared>> -> memref<100352x16xf32, #tpu.memory_space<vmem_shared>>
        tpu.enqueue_indirect_dma source(%dma_start3A_224 : memref<128x16xf32, #tpu.memory_space<vmem>>) target(%dma_start3A_230 : memref<100352x16xf32, #tpu.memory_space<vmem_shared>>) offsets(%dma_start3A_227 : memref<128xi32, #tpu.memory_space<vmem>>) semaphore(%run_scoped3A_220 : memref<!tpu.dma_semaphore, #tpu.memory_space<semaphore_mem>>) {add = true}
        %dma_wait3A_231 = arith.constant 0 : i32
        %dma_wait3A_232 = arith.constant 0 : i32
        %dma_wait3A_233 = tpu.memref_slice %arg8[%run_scoped3A_212, %dma_wait3A_231, %dma_wait3A_232] : memref<8x128x16xf32, #tpu.memory_space<vmem>> -> memref<1x128x16xf32, #tpu.memory_space<vmem>>
        %dma_wait3A_234 = tpu.memref_squeeze %dma_wait3A_233 : memref<1x128x16xf32, #tpu.memory_space<vmem>> -> memref<128x16xf32, #tpu.memory_space<vmem>>
        %dma_wait3A_235 = arith.constant 0 : i32
        %dma_wait3A_236 = tpu.memref_slice %arg7[%run_scoped3A_213, %dma_wait3A_235] : memref<8x128xi32, #tpu.memory_space<vmem>> -> memref<1x128xi32, #tpu.memory_space<vmem>>
        %dma_wait3A_237 = tpu.memref_squeeze %dma_wait3A_236 : memref<1x128xi32, #tpu.memory_space<vmem>> -> memref<128xi32, #tpu.memory_space<vmem>>
        %dma_wait3A_238 = arith.constant 0 : i32
        %dma_wait3A_239 = arith.constant 0 : i32
        %dma_wait3A_240 = tpu.memref_slice %arg10[%dma_wait3A_238, %dma_wait3A_239] : memref<100352x16xf32, #tpu.memory_space<vmem_shared>> -> memref<100352x16xf32, #tpu.memory_space<vmem_shared>>
        tpu.wait_indirect_dma semaphore(%run_scoped3A_220 : memref<!tpu.dma_semaphore, #tpu.memory_space<semaphore_mem>>) src(%dma_wait3A_234 : memref<128x16xf32, #tpu.memory_space<vmem>>) dst(%dma_wait3A_240 : memref<100352x16xf32, #tpu.memory_space<vmem_shared>>)
        tpu.yield
      }) : () -> ()
      %run_scoped3A_214 = arith.constant 5 : i32
      %run_scoped3A_215 = arith.constant 5 : i32
      "tpu.region"() ({
        %run_scoped3A_220 = tpu.sem_alloc : memref<!tpu.dma_semaphore, #tpu.memory_space<semaphore_mem>>
        %dma_start3A_221 = arith.constant 0 : i32
        %dma_start3A_222 = arith.constant 0 : i32
        %dma_start3A_223 = tpu.memref_slice %arg8[%run_scoped3A_214, %dma_start3A_221, %dma_start3A_222] : memref<8x128x16xf32, #tpu.memory_space<vmem>> -> memref<1x128x16xf32, #tpu.memory_space<vmem>>
        %dma_start3A_224 = tpu.memref_squeeze %dma_start3A_223 : memref<1x128x16xf32, #tpu.memory_space<vmem>> -> memref<128x16xf32, #tpu.memory_space<vmem>>
        %dma_start3A_225 = arith.constant 0 : i32
        %dma_start3A_226 = tpu.memref_slice %arg7[%run_scoped3A_215, %dma_start3A_225] : memref<8x128xi32, #tpu.memory_space<vmem>> -> memref<1x128xi32, #tpu.memory_space<vmem>>
        %dma_start3A_227 = tpu.memref_squeeze %dma_start3A_226 : memref<1x128xi32, #tpu.memory_space<vmem>> -> memref<128xi32, #tpu.memory_space<vmem>>
        %dma_start3A_228 = arith.constant 0 : i32
        %dma_start3A_229 = arith.constant 0 : i32
        %dma_start3A_230 = tpu.memref_slice %arg10[%dma_start3A_228, %dma_start3A_229] : memref<100352x16xf32, #tpu.memory_space<vmem_shared>> -> memref<100352x16xf32, #tpu.memory_space<vmem_shared>>
        tpu.enqueue_indirect_dma source(%dma_start3A_224 : memref<128x16xf32, #tpu.memory_space<vmem>>) target(%dma_start3A_230 : memref<100352x16xf32, #tpu.memory_space<vmem_shared>>) offsets(%dma_start3A_227 : memref<128xi32, #tpu.memory_space<vmem>>) semaphore(%run_scoped3A_220 : memref<!tpu.dma_semaphore, #tpu.memory_space<semaphore_mem>>) {add = true}
        %dma_wait3A_231 = arith.constant 0 : i32
        %dma_wait3A_232 = arith.constant 0 : i32
        %dma_wait3A_233 = tpu.memref_slice %arg8[%run_scoped3A_214, %dma_wait3A_231, %dma_wait3A_232] : memref<8x128x16xf32, #tpu.memory_space<vmem>> -> memref<1x128x16xf32, #tpu.memory_space<vmem>>
        %dma_wait3A_234 = tpu.memref_squeeze %dma_wait3A_233 : memref<1x128x16xf32, #tpu.memory_space<vmem>> -> memref<128x16xf32, #tpu.memory_space<vmem>>
        %dma_wait3A_235 = arith.constant 0 : i32
        %dma_wait3A_236 = tpu.memref_slice %arg7[%run_scoped3A_215, %dma_wait3A_235] : memref<8x128xi32, #tpu.memory_space<vmem>> -> memref<1x128xi32, #tpu.memory_space<vmem>>
        %dma_wait3A_237 = tpu.memref_squeeze %dma_wait3A_236 : memref<1x128xi32, #tpu.memory_space<vmem>> -> memref<128xi32, #tpu.memory_space<vmem>>
        %dma_wait3A_238 = arith.constant 0 : i32
        %dma_wait3A_239 = arith.constant 0 : i32
        %dma_wait3A_240 = tpu.memref_slice %arg10[%dma_wait3A_238, %dma_wait3A_239] : memref<100352x16xf32, #tpu.memory_space<vmem_shared>> -> memref<100352x16xf32, #tpu.memory_space<vmem_shared>>
        tpu.wait_indirect_dma semaphore(%run_scoped3A_220 : memref<!tpu.dma_semaphore, #tpu.memory_space<semaphore_mem>>) src(%dma_wait3A_234 : memref<128x16xf32, #tpu.memory_space<vmem>>) dst(%dma_wait3A_240 : memref<100352x16xf32, #tpu.memory_space<vmem_shared>>)
        tpu.yield
      }) : () -> ()
      %run_scoped3A_216 = arith.constant 6 : i32
      %run_scoped3A_217 = arith.constant 6 : i32
      "tpu.region"() ({
        %run_scoped3A_220 = tpu.sem_alloc : memref<!tpu.dma_semaphore, #tpu.memory_space<semaphore_mem>>
        %dma_start3A_221 = arith.constant 0 : i32
        %dma_start3A_222 = arith.constant 0 : i32
        %dma_start3A_223 = tpu.memref_slice %arg8[%run_scoped3A_216, %dma_start3A_221, %dma_start3A_222] : memref<8x128x16xf32, #tpu.memory_space<vmem>> -> memref<1x128x16xf32, #tpu.memory_space<vmem>>
        %dma_start3A_224 = tpu.memref_squeeze %dma_start3A_223 : memref<1x128x16xf32, #tpu.memory_space<vmem>> -> memref<128x16xf32, #tpu.memory_space<vmem>>
        %dma_start3A_225 = arith.constant 0 : i32
        %dma_start3A_226 = tpu.memref_slice %arg7[%run_scoped3A_217, %dma_start3A_225] : memref<8x128xi32, #tpu.memory_space<vmem>> -> memref<1x128xi32, #tpu.memory_space<vmem>>
        %dma_start3A_227 = tpu.memref_squeeze %dma_start3A_226 : memref<1x128xi32, #tpu.memory_space<vmem>> -> memref<128xi32, #tpu.memory_space<vmem>>
        %dma_start3A_228 = arith.constant 0 : i32
        %dma_start3A_229 = arith.constant 0 : i32
        %dma_start3A_230 = tpu.memref_slice %arg10[%dma_start3A_228, %dma_start3A_229] : memref<100352x16xf32, #tpu.memory_space<vmem_shared>> -> memref<100352x16xf32, #tpu.memory_space<vmem_shared>>
        tpu.enqueue_indirect_dma source(%dma_start3A_224 : memref<128x16xf32, #tpu.memory_space<vmem>>) target(%dma_start3A_230 : memref<100352x16xf32, #tpu.memory_space<vmem_shared>>) offsets(%dma_start3A_227 : memref<128xi32, #tpu.memory_space<vmem>>) semaphore(%run_scoped3A_220 : memref<!tpu.dma_semaphore, #tpu.memory_space<semaphore_mem>>) {add = true}
        %dma_wait3A_231 = arith.constant 0 : i32
        %dma_wait3A_232 = arith.constant 0 : i32
        %dma_wait3A_233 = tpu.memref_slice %arg8[%run_scoped3A_216, %dma_wait3A_231, %dma_wait3A_232] : memref<8x128x16xf32, #tpu.memory_space<vmem>> -> memref<1x128x16xf32, #tpu.memory_space<vmem>>
        %dma_wait3A_234 = tpu.memref_squeeze %dma_wait3A_233 : memref<1x128x16xf32, #tpu.memory_space<vmem>> -> memref<128x16xf32, #tpu.memory_space<vmem>>
        %dma_wait3A_235 = arith.constant 0 : i32
        %dma_wait3A_236 = tpu.memref_slice %arg7[%run_scoped3A_217, %dma_wait3A_235] : memref<8x128xi32, #tpu.memory_space<vmem>> -> memref<1x128xi32, #tpu.memory_space<vmem>>
        %dma_wait3A_237 = tpu.memref_squeeze %dma_wait3A_236 : memref<1x128xi32, #tpu.memory_space<vmem>> -> memref<128xi32, #tpu.memory_space<vmem>>
        %dma_wait3A_238 = arith.constant 0 : i32
        %dma_wait3A_239 = arith.constant 0 : i32
        %dma_wait3A_240 = tpu.memref_slice %arg10[%dma_wait3A_238, %dma_wait3A_239] : memref<100352x16xf32, #tpu.memory_space<vmem_shared>> -> memref<100352x16xf32, #tpu.memory_space<vmem_shared>>
        tpu.wait_indirect_dma semaphore(%run_scoped3A_220 : memref<!tpu.dma_semaphore, #tpu.memory_space<semaphore_mem>>) src(%dma_wait3A_234 : memref<128x16xf32, #tpu.memory_space<vmem>>) dst(%dma_wait3A_240 : memref<100352x16xf32, #tpu.memory_space<vmem_shared>>)
        tpu.yield
      }) : () -> ()
      %run_scoped3A_218 = arith.constant 7 : i32
      %run_scoped3A_219 = arith.constant 7 : i32
      "tpu.region"() ({
        %run_scoped3A_220 = tpu.sem_alloc : memref<!tpu.dma_semaphore, #tpu.memory_space<semaphore_mem>>
        %dma_start3A_221 = arith.constant 0 : i32
        %dma_start3A_222 = arith.constant 0 : i32
        %dma_start3A_223 = tpu.memref_slice %arg8[%run_scoped3A_218, %dma_start3A_221, %dma_start3A_222] : memref<8x128x16xf32, #tpu.memory_space<vmem>> -> memref<1x128x16xf32, #tpu.memory_space<vmem>>
        %dma_start3A_224 = tpu.memref_squeeze %dma_start3A_223 : memref<1x128x16xf32, #tpu.memory_space<vmem>> -> memref<128x16xf32, #tpu.memory_space<vmem>>
        %dma_start3A_225 = arith.constant 0 : i32
        %dma_start3A_226 = tpu.memref_slice %arg7[%run_scoped3A_219, %dma_start3A_225] : memref<8x128xi32, #tpu.memory_space<vmem>> -> memref<1x128xi32, #tpu.memory_space<vmem>>
        %dma_start3A_227 = tpu.memref_squeeze %dma_start3A_226 : memref<1x128xi32, #tpu.memory_space<vmem>> -> memref<128xi32, #tpu.memory_space<vmem>>
        %dma_start3A_228 = arith.constant 0 : i32
        %dma_start3A_229 = arith.constant 0 : i32
        %dma_start3A_230 = tpu.memref_slice %arg10[%dma_start3A_228, %dma_start3A_229] : memref<100352x16xf32, #tpu.memory_space<vmem_shared>> -> memref<100352x16xf32, #tpu.memory_space<vmem_shared>>
        tpu.enqueue_indirect_dma source(%dma_start3A_224 : memref<128x16xf32, #tpu.memory_space<vmem>>) target(%dma_start3A_230 : memref<100352x16xf32, #tpu.memory_space<vmem_shared>>) offsets(%dma_start3A_227 : memref<128xi32, #tpu.memory_space<vmem>>) semaphore(%run_scoped3A_220 : memref<!tpu.dma_semaphore, #tpu.memory_space<semaphore_mem>>) {add = true}
        %dma_wait3A_231 = arith.constant 0 : i32
        %dma_wait3A_232 = arith.constant 0 : i32
        %dma_wait3A_233 = tpu.memref_slice %arg8[%run_scoped3A_218, %dma_wait3A_231, %dma_wait3A_232] : memref<8x128x16xf32, #tpu.memory_space<vmem>> -> memref<1x128x16xf32, #tpu.memory_space<vmem>>
        %dma_wait3A_234 = tpu.memref_squeeze %dma_wait3A_233 : memref<1x128x16xf32, #tpu.memory_space<vmem>> -> memref<128x16xf32, #tpu.memory_space<vmem>>
        %dma_wait3A_235 = arith.constant 0 : i32
        %dma_wait3A_236 = tpu.memref_slice %arg7[%run_scoped3A_219, %dma_wait3A_235] : memref<8x128xi32, #tpu.memory_space<vmem>> -> memref<1x128xi32, #tpu.memory_space<vmem>>
        %dma_wait3A_237 = tpu.memref_squeeze %dma_wait3A_236 : memref<1x128xi32, #tpu.memory_space<vmem>> -> memref<128xi32, #tpu.memory_space<vmem>>
        %dma_wait3A_238 = arith.constant 0 : i32
        %dma_wait3A_239 = arith.constant 0 : i32
        %dma_wait3A_240 = tpu.memref_slice %arg10[%dma_wait3A_238, %dma_wait3A_239] : memref<100352x16xf32, #tpu.memory_space<vmem_shared>> -> memref<100352x16xf32, #tpu.memory_space<vmem_shared>>
        tpu.wait_indirect_dma semaphore(%run_scoped3A_220 : memref<!tpu.dma_semaphore, #tpu.memory_space<semaphore_mem>>) src(%dma_wait3A_234 : memref<128x16xf32, #tpu.memory_space<vmem>>) dst(%dma_wait3A_240 : memref<100352x16xf32, #tpu.memory_space<vmem_shared>>)
        tpu.yield
      }) : () -> ()
    }
    %scan3A_14 = arith.constant 100 : i32
    %barrier3A_15 = arith.constant 0 : index
    tpu.barrier barrier_id(%barrier3A_15)
    %lt3A = arith.constant 15 : i32
    %lt3A_16 = arith.cmpi slt, %arg1, %lt3A : i32
    %convert_element_type3A = arith.extui %lt3A_16 : i1 to i32
    %cond3A = arith.constant 0 : i32
    %cond3A_17 = arith.cmpi ne, %convert_element_type3A, %cond3A : i32
    scf.if %cond3A_17 {
      %mul3A_32 = arith.constant 6272 : i32
      %mul3A_33 = arith.muli %arg1, %mul3A_32 : i32
      %mul3A_34 = arith.constant 100000 : i32
      %mul3A_35 = arith.muli %arg0, %mul3A_34 : i32
      %mul3A_36 = arith.constant 6272 : i32
      %mul3A_37 = arith.muli %arg1, %mul3A_36 : i32
      %add3A = arith.addi %mul3A_35, %mul3A_37 : i32
      "tpu.region"() ({
        %run_scoped3A = tpu.sem_alloc : memref<!tpu.dma_semaphore, #tpu.memory_space<semaphore_mem>>
        %dma_start3A = arith.constant 0 : i32
        %dma_start3A_38 = tpu.memref_slice %arg5[%add3A, %dma_start3A] : memref<200000x16xf32, #tpu.memory_space<hbm>> -> memref<6272x16xf32, #tpu.memory_space<hbm>>
        %dma_start3A_39 = arith.constant 0 : i32
        %dma_start3A_40 = tpu.memref_slice %arg10[%mul3A_33, %dma_start3A_39] : memref<100352x16xf32, #tpu.memory_space<vmem_shared>> -> memref<6272x16xf32, #tpu.memory_space<vmem_shared>>
        tpu.enqueue_dma source(%dma_start3A_40 : memref<6272x16xf32, #tpu.memory_space<vmem_shared>>) target(%dma_start3A_38 : memref<6272x16xf32, #tpu.memory_space<hbm>>) target_semaphore(%run_scoped3A : memref<!tpu.dma_semaphore, #tpu.memory_space<semaphore_mem>>)
        %dma_wait3A = arith.constant 0 : i32
        %dma_wait3A_41 = tpu.memref_slice %arg5[%add3A, %dma_wait3A] : memref<200000x16xf32, #tpu.memory_space<hbm>> -> memref<6272x16xf32, #tpu.memory_space<hbm>>
        %dma_wait3A_42 = arith.constant 0 : i32
        %dma_wait3A_43 = tpu.memref_slice %arg10[%mul3A_33, %dma_wait3A_42] : memref<100352x16xf32, #tpu.memory_space<vmem_shared>> -> memref<6272x16xf32, #tpu.memory_space<vmem_shared>>
        tpu.wait_dma2 semaphore(%run_scoped3A : memref<!tpu.dma_semaphore, #tpu.memory_space<semaphore_mem>>) src(%dma_wait3A_43 : memref<6272x16xf32, #tpu.memory_space<vmem_shared>>) dst(%dma_wait3A_41 : memref<6272x16xf32, #tpu.memory_space<hbm>>)
        tpu.yield
      }) : () -> ()
    } else {
    }
    %eq3A = arith.constant 15 : i32
    %eq3A_18 = arith.cmpi eq, %arg1, %eq3A : i32
    %convert_element_type3A_19 = arith.extui %eq3A_18 : i1 to i32
    %cond3A_20 = arith.constant 0 : i32
    %cond3A_21 = arith.cmpi ne, %convert_element_type3A_19, %cond3A_20 : i32
    scf.if %cond3A_21 {
      %mul3A_32 = arith.constant 100000 : i32
      %mul3A_33 = arith.muli %arg0, %mul3A_32 : i32
      %add3A = arith.constant 94080 : i32
      %add3A_34 = arith.addi %mul3A_33, %add3A : i32
      "tpu.region"() ({
        %run_scoped3A = tpu.sem_alloc : memref<!tpu.dma_semaphore, #tpu.memory_space<semaphore_mem>>
        %dma_start3A = arith.constant 0 : i32
        %dma_start3A_35 = tpu.memref_slice %arg5[%add3A_34, %dma_start3A] : memref<200000x16xf32, #tpu.memory_space<hbm>> -> memref<5920x16xf32, #tpu.memory_space<hbm>>
        %dma_start3A_36 = arith.constant 94080 : i32
        %dma_start3A_37 = arith.constant 0 : i32
        %dma_start3A_38 = tpu.memref_slice %arg10[%dma_start3A_36, %dma_start3A_37] : memref<100352x16xf32, #tpu.memory_space<vmem_shared>> -> memref<5920x16xf32, #tpu.memory_space<vmem_shared>>
        tpu.enqueue_dma source(%dma_start3A_38 : memref<5920x16xf32, #tpu.memory_space<vmem_shared>>) target(%dma_start3A_35 : memref<5920x16xf32, #tpu.memory_space<hbm>>) target_semaphore(%run_scoped3A : memref<!tpu.dma_semaphore, #tpu.memory_space<semaphore_mem>>)
        %dma_wait3A = arith.constant 0 : i32
        %dma_wait3A_39 = tpu.memref_slice %arg5[%add3A_34, %dma_wait3A] : memref<200000x16xf32, #tpu.memory_space<hbm>> -> memref<5920x16xf32, #tpu.memory_space<hbm>>
        %dma_wait3A_40 = arith.constant 94080 : i32
        %dma_wait3A_41 = arith.constant 0 : i32
        %dma_wait3A_42 = tpu.memref_slice %arg10[%dma_wait3A_40, %dma_wait3A_41] : memref<100352x16xf32, #tpu.memory_space<vmem_shared>> -> memref<5920x16xf32, #tpu.memory_space<vmem_shared>>
        tpu.wait_dma2 semaphore(%run_scoped3A : memref<!tpu.dma_semaphore, #tpu.memory_space<semaphore_mem>>) src(%dma_wait3A_42 : memref<5920x16xf32, #tpu.memory_space<vmem_shared>>) dst(%dma_wait3A_39 : memref<5920x16xf32, #tpu.memory_space<hbm>>)
        tpu.yield
      }) : () -> ()
    } else {
    }
    %lt3A_22 = arith.constant 15 : i32
    %lt3A_23 = arith.cmpi slt, %arg1, %lt3A_22 : i32
    %convert_element_type3A_24 = arith.extui %lt3A_23 : i1 to i32
    %cond3A_25 = arith.constant 0 : i32
    %cond3A_26 = arith.cmpi ne, %convert_element_type3A_24, %cond3A_25 : i32
    scf.if %cond3A_26 {
      %scan3A_32 = arith.constant 0 : i32
      %scan3A_33 = arith.constant 49 : i32
      %scan3A_34 = arith.addi %scan3A_32, %scan3A_33 : i32
      %scan3A_35 = arith.constant 1 : i32
      scf.for %scan3A_37 = %scan3A_32 to %scan3A_34 step %scan3A_35  : i32 {
        %mul3A_38 = arith.constant 100000 : i32
        %mul3A_39 = arith.muli %arg0, %mul3A_38 : i32
        %mul3A_40 = arith.constant 6272 : i32
        %mul3A_41 = arith.muli %arg1, %mul3A_40 : i32
        %add3A = arith.addi %mul3A_39, %mul3A_41 : i32
        %mul3A_42 = arith.constant 128 : i32
        %mul3A_43 = arith.muli %scan3A_37, %mul3A_42 : i32
        %add3A_44 = arith.addi %add3A, %mul3A_43 : i32
        "tpu.region"() ({
          %run_scoped3A = tpu.sem_alloc : memref<!tpu.dma_semaphore, #tpu.memory_space<semaphore_mem>>
          %dma_start3A = arith.constant 0 : i32
          %dma_start3A_45 = tpu.memref_slice %arg5[%add3A_44, %dma_start3A] : memref<200000x16xf32, #tpu.memory_space<hbm>> -> memref<128x16xf32, #tpu.memory_space<hbm>>
          %dma_start3A_46 = arith.constant 0 : i32
          %dma_start3A_47 = tpu.memref_slice %arg5[%add3A_44, %dma_start3A_46] : memref<200000x16xf32, #tpu.memory_space<hbm>> -> memref<128x16xf32, #tpu.memory_space<hbm>>
          tpu.enqueue_dma source(%dma_start3A_47 : memref<128x16xf32, #tpu.memory_space<hbm>>) target(%arg9 : memref<128x16xf32, #tpu.memory_space<vmem>>) target_semaphore(%run_scoped3A : memref<!tpu.dma_semaphore, #tpu.memory_space<semaphore_mem>>)
          %dma_wait3A = arith.constant 0 : i32
          %dma_wait3A_48 = tpu.memref_slice %arg5[%add3A_44, %dma_wait3A] : memref<200000x16xf32, #tpu.memory_space<hbm>> -> memref<128x16xf32, #tpu.memory_space<hbm>>
          %dma_wait3A_49 = arith.constant 0 : i32
          %dma_wait3A_50 = tpu.memref_slice %arg5[%add3A_44, %dma_wait3A_49] : memref<200000x16xf32, #tpu.memory_space<hbm>> -> memref<128x16xf32, #tpu.memory_space<hbm>>
          tpu.wait_dma2 semaphore(%run_scoped3A : memref<!tpu.dma_semaphore, #tpu.memory_space<semaphore_mem>>) src(%dma_wait3A_50 : memref<128x16xf32, #tpu.memory_space<hbm>>) dst(%arg9 : memref<128x16xf32, #tpu.memory_space<vmem>>)
          tpu.yield
        }) : () -> ()
      }
      %scan3A_36 = arith.constant 49 : i32
    } else {
    }
    %eq3A_27 = arith.constant 15 : i32
    %eq3A_28 = arith.cmpi eq, %arg1, %eq3A_27 : i32
    %convert_element_type3A_29 = arith.extui %eq3A_28 : i1 to i32
    %cond3A_30 = arith.constant 0 : i32
    %cond3A_31 = arith.cmpi ne, %convert_element_type3A_29, %cond3A_30 : i32
    scf.if %cond3A_31 {
      %scan3A_32 = arith.constant 0 : i32
      %scan3A_33 = arith.constant 46 : i32
      %scan3A_34 = arith.addi %scan3A_32, %scan3A_33 : i32
      %scan3A_35 = arith.constant 1 : i32
      scf.for %scan3A_42 = %scan3A_32 to %scan3A_34 step %scan3A_35  : i32 {
        %mul3A_43 = arith.constant 100000 : i32
        %mul3A_44 = arith.muli %arg0, %mul3A_43 : i32
        %mul3A_45 = arith.constant 6272 : i32
        %mul3A_46 = arith.muli %arg1, %mul3A_45 : i32
        %add3A_47 = arith.addi %mul3A_44, %mul3A_46 : i32
        %mul3A_48 = arith.constant 128 : i32
        %mul3A_49 = arith.muli %scan3A_42, %mul3A_48 : i32
        %add3A_50 = arith.addi %add3A_47, %mul3A_49 : i32
        "tpu.region"() ({
          %run_scoped3A = tpu.sem_alloc : memref<!tpu.dma_semaphore, #tpu.memory_space<semaphore_mem>>
          %dma_start3A = arith.constant 0 : i32
          %dma_start3A_51 = tpu.memref_slice %arg5[%add3A_50, %dma_start3A] : memref<200000x16xf32, #tpu.memory_space<hbm>> -> memref<128x16xf32, #tpu.memory_space<hbm>>
          %dma_start3A_52 = arith.constant 0 : i32
          %dma_start3A_53 = tpu.memref_slice %arg5[%add3A_50, %dma_start3A_52] : memref<200000x16xf32, #tpu.memory_space<hbm>> -> memref<128x16xf32, #tpu.memory_space<hbm>>
          tpu.enqueue_dma source(%dma_start3A_53 : memref<128x16xf32, #tpu.memory_space<hbm>>) target(%arg9 : memref<128x16xf32, #tpu.memory_space<vmem>>) target_semaphore(%run_scoped3A : memref<!tpu.dma_semaphore, #tpu.memory_space<semaphore_mem>>)
          %dma_wait3A = arith.constant 0 : i32
          %dma_wait3A_54 = tpu.memref_slice %arg5[%add3A_50, %dma_wait3A] : memref<200000x16xf32, #tpu.memory_space<hbm>> -> memref<128x16xf32, #tpu.memory_space<hbm>>
          %dma_wait3A_55 = arith.constant 0 : i32
          %dma_wait3A_56 = tpu.memref_slice %arg5[%add3A_50, %dma_wait3A_55] : memref<200000x16xf32, #tpu.memory_space<hbm>> -> memref<128x16xf32, #tpu.memory_space<hbm>>
          tpu.wait_dma2 semaphore(%run_scoped3A : memref<!tpu.dma_semaphore, #tpu.memory_space<semaphore_mem>>) src(%dma_wait3A_56 : memref<128x16xf32, #tpu.memory_space<hbm>>) dst(%arg9 : memref<128x16xf32, #tpu.memory_space<vmem>>)
          tpu.yield
        }) : () -> ()
      }
      %scan3A_36 = arith.constant 46 : i32
      %mul3A_37 = arith.constant 100000 : i32
      %mul3A_38 = arith.muli %arg0, %mul3A_37 : i32
      %add3A = arith.constant 94080 : i32
      %add3A_39 = arith.addi %mul3A_38, %add3A : i32
      %add3A_40 = arith.constant 5888 : i32
      %add3A_41 = arith.addi %add3A_39, %add3A_40 : i32
      "tpu.region"() ({
        %run_scoped3A = tpu.sem_alloc : memref<!tpu.dma_semaphore, #tpu.memory_space<semaphore_mem>>
        %dma_start3A = arith.constant 0 : i32
        %dma_start3A_42 = arith.constant 0 : i32
        %dma_start3A_43 = tpu.memref_slice %arg9[%dma_start3A, %dma_start3A_42] : memref<128x16xf32, #tpu.memory_space<vmem>> -> memref<32x16xf32, #tpu.memory_space<vmem>>
        %dma_start3A_44 = arith.constant 0 : i32
        %dma_start3A_45 = tpu.memref_slice %arg5[%add3A_41, %dma_start3A_44] : memref<200000x16xf32, #tpu.memory_space<hbm>> -> memref<32x16xf32, #tpu.memory_space<hbm>>
        %dma_start3A_46 = arith.constant 0 : i32
        %dma_start3A_47 = arith.constant 0 : i32
        %dma_start3A_48 = tpu.memref_slice %arg9[%dma_start3A_46, %dma_start3A_47] : memref<128x16xf32, #tpu.memory_space<vmem>> -> memref<32x16xf32, #tpu.memory_space<vmem>>
        %dma_start3A_49 = arith.constant 0 : i32
        %dma_start3A_50 = tpu.memref_slice %arg5[%add3A_41, %dma_start3A_49] : memref<200000x16xf32, #tpu.memory_space<hbm>> -> memref<32x16xf32, #tpu.memory_space<hbm>>
        tpu.enqueue_dma source(%dma_start3A_50 : memref<32x16xf32, #tpu.memory_space<hbm>>) target(%dma_start3A_48 : memref<32x16xf32, #tpu.memory_space<vmem>>) target_semaphore(%run_scoped3A : memref<!tpu.dma_semaphore, #tpu.memory_space<semaphore_mem>>)
        %dma_wait3A = arith.constant 0 : i32
        %dma_wait3A_51 = arith.constant 0 : i32
        %dma_wait3A_52 = tpu.memref_slice %arg9[%dma_wait3A, %dma_wait3A_51] : memref<128x16xf32, #tpu.memory_space<vmem>> -> memref<32x16xf32, #tpu.memory_space<vmem>>
        %dma_wait3A_53 = arith.constant 0 : i32
        %dma_wait3A_54 = tpu.memref_slice %arg5[%add3A_41, %dma_wait3A_53] : memref<200000x16xf32, #tpu.memory_space<hbm>> -> memref<32x16xf32, #tpu.memory_space<hbm>>
        %dma_wait3A_55 = arith.constant 0 : i32
        %dma_wait3A_56 = arith.constant 0 : i32
        %dma_wait3A_57 = tpu.memref_slice %arg9[%dma_wait3A_55, %dma_wait3A_56] : memref<128x16xf32, #tpu.memory_space<vmem>> -> memref<32x16xf32, #tpu.memory_space<vmem>>
        %dma_wait3A_58 = arith.constant 0 : i32
        %dma_wait3A_59 = tpu.memref_slice %arg5[%add3A_41, %dma_wait3A_58] : memref<200000x16xf32, #tpu.memory_space<hbm>> -> memref<32x16xf32, #tpu.memory_space<hbm>>
        tpu.wait_dma2 semaphore(%run_scoped3A : memref<!tpu.dma_semaphore, #tpu.memory_space<semaphore_mem>>) src(%dma_wait3A_59 : memref<32x16xf32, #tpu.memory_space<hbm>>) dst(%dma_wait3A_57 : memref<32x16xf32, #tpu.memory_space<vmem>>)
        tpu.yield
      }) : () -> ()
    } else {
    }
    return
  }
}

module attributes {stable_mosaic.version = 14 : i64} {
  func.func @_pre_body(%arg0: i32, %arg1: memref<2000x128xf32, #tpu.memory_space<vmem>>, %arg2: memref<128x32xf32, #tpu.memory_space<vmem>>, %arg3: memref<1x32xf32, #tpu.memory_space<vmem>>, %arg4: memref<2000x32xf32, #tpu.memory_space<vmem>>, %arg5: memref<8x32xf32, #tpu.memory_space<vmem>>, %arg6: memref<8x32xf32, #tpu.memory_space<vmem>>) attributes {dimension_semantics = [#tpu.dimension_semantics<arbitrary>], iteration_bounds = array<i64: 50>, scalar_prefetch = 0 : i64, scratch_operands = 0 : i64, tpu.core_type = #tpu.core_type<tc>, window_params = [{transform_indices = @transform_0, window_bounds = array<i64: 2000, 128>}, {pipeline_mode = #tpu.pipeline_mode<synchronous>, transform_indices = @transform_1, window_bounds = array<i64: 128, 32>}, {pipeline_mode = #tpu.pipeline_mode<synchronous>, transform_indices = @transform_2, window_bounds = array<i64: 1, 32>}, {transform_indices = @transform_3, window_bounds = array<i64: 2000, 32>}, {pipeline_mode = #tpu.pipeline_mode<synchronous>, transform_indices = @transform_4, window_bounds = array<i64: 8, 32>}, {pipeline_mode = #tpu.pipeline_mode<synchronous>, transform_indices = @transform_5, window_bounds = array<i64: 8, 32>}]} {
    %get3A = arith.constant 0 : index
    %get3A_0 = arith.constant 0 : index
    %get3A_1 = vector.load %arg1[%get3A, %get3A_0] : memref<2000x128xf32, #tpu.memory_space<vmem>>, vector<2000x128xf32>
    %get3A_2 = arith.constant 0 : index
    %get3A_3 = arith.constant 0 : index
    %get3A_4 = vector.load %arg2[%get3A_2, %get3A_3] : memref<128x32xf32, #tpu.memory_space<vmem>>, vector<128x32xf32>
    %dot_general3A = arith.constant dense<0.000000e+00> : vector<2000x32xf32>
    %dot_general3A_5 = tpu.matmul %get3A_1, %get3A_4, %dot_general3A {dimension_numbers = #tpu.dot_dimension_numbers<[1], [0], [0], [1], [0, 0, 1, 1], [], []>, transpose_lhs_hint = false} : vector<2000x128xf32>, vector<128x32xf32>, vector<2000x32xf32> -> vector<2000x32xf32>
    %get3A_6 = arith.constant 0 : index
    %get3A_7 = arith.constant 0 : index
    %get3A_8 = vector.load %arg3[%get3A_6, %get3A_7] : memref<1x32xf32, #tpu.memory_space<vmem>>, vector<1x32xf32>
    %add3A = vector.broadcast %get3A_8 : vector<1x32xf32> to vector<2000x32xf32>
    %add3A_9 = arith.addf %dot_general3A_5, %add3A : vector<2000x32xf32>
    %swap3A = arith.constant 0 : index
    %swap3A_10 = arith.constant 0 : index
    %swap3A_11 = vector.load %arg4[%swap3A, %swap3A_10] : memref<2000x32xf32, #tpu.memory_space<vmem>>, vector<2000x32xf32>
    tpu.vector_store %arg4[%swap3A, %swap3A_10], %add3A_9 {strides = array<i32>} : memref<2000x32xf32, #tpu.memory_space<vmem>>, vector<2000x32xf32>,
    %eq3A = arith.constant 0 : i32
    %eq3A_12 = arith.cmpi eq, %arg0, %eq3A : i32
    %convert_element_type3A = arith.extui %eq3A_12 : i1 to i32
    %cond3A = arith.constant 0 : i32
    %cond3A_13 = arith.cmpi ne, %convert_element_type3A, %cond3A : i32
    scf.if %cond3A_13 {
      %broadcast_in_dim3A_36 = arith.constant 0.000000e+00 : f32
      %broadcast_in_dim3A_37 = vector.broadcast %broadcast_in_dim3A_36 : f32 to vector<8x32xf32>
      %swap3A_38 = arith.constant 0 : index
      %swap3A_39 = arith.constant 0 : index
      %swap3A_40 = vector.load %arg5[%swap3A_38, %swap3A_39] : memref<8x32xf32, #tpu.memory_space<vmem>>, vector<8x32xf32>
      tpu.vector_store %arg5[%swap3A_38, %swap3A_39], %broadcast_in_dim3A_37 {strides = array<i32>} : memref<8x32xf32, #tpu.memory_space<vmem>>, vector<8x32xf32>,
      %broadcast_in_dim3A_41 = arith.constant 0.000000e+00 : f32
      %broadcast_in_dim3A_42 = vector.broadcast %broadcast_in_dim3A_41 : f32 to vector<8x32xf32>
      %swap3A_43 = arith.constant 0 : index
      %swap3A_44 = arith.constant 0 : index
      %swap3A_45 = vector.load %arg6[%swap3A_43, %swap3A_44] : memref<8x32xf32, #tpu.memory_space<vmem>>, vector<8x32xf32>
      tpu.vector_store %arg6[%swap3A_43, %swap3A_44], %broadcast_in_dim3A_42 {strides = array<i32>} : memref<8x32xf32, #tpu.memory_space<vmem>>, vector<8x32xf32>,
    } else {
    }
    %reduce_sum3A = arith.constant dense<0.000000e+00> : vector<32xf32>
    %reduce_sum3A_14 = vector.multi_reduction <add>, %add3A_9, %reduce_sum3A [0] : vector<2000x32xf32> to vector<32xf32>
    %broadcast_in_dim3A = vector.shape_cast %reduce_sum3A_14 : vector<32xf32> to vector<1x32xf32>
    %mul3A = arith.mulf %add3A_9, %add3A_9 : vector<2000x32xf32>
    %reduce_sum3A_15 = arith.constant dense<0.000000e+00> : vector<32xf32>
    %reduce_sum3A_16 = vector.multi_reduction <add>, %mul3A, %reduce_sum3A_15 [0] : vector<2000x32xf32> to vector<32xf32>
    %broadcast_in_dim3A_17 = vector.shape_cast %reduce_sum3A_16 : vector<32xf32> to vector<1x32xf32>
    %get3A_18 = arith.constant 0 : index
    %get3A_19 = arith.constant 0 : index
    %get3A_20 = vector.load %arg5[%get3A_18, %get3A_19] : memref<8x32xf32, #tpu.memory_space<vmem>>, vector<8x32xf32>
    %broadcast_in_dim3A_21 = vector.shape_cast %broadcast_in_dim3A : vector<1x32xf32> to vector<1x32xf32>
    %broadcast_in_dim3A_22 = vector.broadcast %broadcast_in_dim3A_21 : vector<1x32xf32> to vector<8x32xf32>
    %add3A_23 = arith.addf %get3A_20, %broadcast_in_dim3A_22 : vector<8x32xf32>
    %swap3A_24 = arith.constant 0 : index
    %swap3A_25 = arith.constant 0 : index
    %swap3A_26 = vector.load %arg5[%swap3A_24, %swap3A_25] : memref<8x32xf32, #tpu.memory_space<vmem>>, vector<8x32xf32>
    tpu.vector_store %arg5[%swap3A_24, %swap3A_25], %add3A_23 {strides = array<i32>} : memref<8x32xf32, #tpu.memory_space<vmem>>, vector<8x32xf32>,
    %get3A_27 = arith.constant 0 : index
    %get3A_28 = arith.constant 0 : index
    %get3A_29 = vector.load %arg6[%get3A_27, %get3A_28] : memref<8x32xf32, #tpu.memory_space<vmem>>, vector<8x32xf32>
    %broadcast_in_dim3A_30 = vector.shape_cast %broadcast_in_dim3A_17 : vector<1x32xf32> to vector<1x32xf32>
    %broadcast_in_dim3A_31 = vector.broadcast %broadcast_in_dim3A_30 : vector<1x32xf32> to vector<8x32xf32>
    %add3A_32 = arith.addf %get3A_29, %broadcast_in_dim3A_31 : vector<8x32xf32>
    %swap3A_33 = arith.constant 0 : index
    %swap3A_34 = arith.constant 0 : index
    %swap3A_35 = vector.load %arg6[%swap3A_33, %swap3A_34] : memref<8x32xf32, #tpu.memory_space<vmem>>, vector<8x32xf32>
    tpu.vector_store %arg6[%swap3A_33, %swap3A_34], %add3A_32 {strides = array<i32>} : memref<8x32xf32, #tpu.memory_space<vmem>>, vector<8x32xf32>,
    return
  }
  func.func @transform_0(%arg0: i32) -> (i32, i32) {
    %c0_i32 = arith.constant 0 : i32
    %c0_i32_0 = arith.constant 0 : i32
    return %arg0, %c0_i32 : i32, i32
  }
  func.func @transform_1(%arg0: i32) -> (i32, i32) {
    %c0_i32 = arith.constant 0 : i32
    %c0_i32_0 = arith.constant 0 : i32
    %c0_i32_1 = arith.constant 0 : i32
    return %c0_i32, %c0_i32_0 : i32, i32
  }
  func.func @transform_2(%arg0: i32) -> (i32, i32) {
    %c0_i32 = arith.constant 0 : i32
    %c0_i32_0 = arith.constant 0 : i32
    %c0_i32_1 = arith.constant 0 : i32
    return %c0_i32, %c0_i32_0 : i32, i32
  }
  func.func @transform_3(%arg0: i32) -> (i32, i32) {
    %c0_i32 = arith.constant 0 : i32
    %c0_i32_0 = arith.constant 0 : i32
    return %arg0, %c0_i32 : i32, i32
  }
  func.func @transform_4(%arg0: i32) -> (i32, i32) {
    %c0_i32 = arith.constant 0 : i32
    %c0_i32_0 = arith.constant 0 : i32
    %c0_i32_1 = arith.constant 0 : i32
    return %c0_i32, %c0_i32_0 : i32, i32
  }
  func.func @transform_5(%arg0: i32) -> (i32, i32) {
    %c0_i32 = arith.constant 0 : i32
    %c0_i32_0 = arith.constant 0 : i32
    %c0_i32_1 = arith.constant 0 : i32
    return %c0_i32, %c0_i32_0 : i32, i32
  }
}

module attributes {stable_mosaic.version = 14 : i64} {
  func.func @_norm_body(%arg0: i32, %arg1: memref<2000x32xf32, #tpu.memory_space<vmem>>, %arg2: memref<1x32xf32, #tpu.memory_space<vmem>>, %arg3: memref<1x32xf32, #tpu.memory_space<vmem>>, %arg4: memref<2x2000x16xf32, #tpu.memory_space<vmem>>) attributes {dimension_semantics = [#tpu.dimension_semantics<arbitrary>], iteration_bounds = array<i64: 50>, scalar_prefetch = 0 : i64, scratch_operands = 0 : i64, tpu.core_type = #tpu.core_type<tc>, window_params = [{transform_indices = @transform_0, window_bounds = array<i64: 2000, 32>}, {pipeline_mode = #tpu.pipeline_mode<synchronous>, transform_indices = @transform_1, window_bounds = array<i64: 1, 32>}, {pipeline_mode = #tpu.pipeline_mode<synchronous>, transform_indices = @transform_2, window_bounds = array<i64: 1, 32>}, {transform_indices = @transform_3, window_bounds = array<i64: 2, 2000, 16>}]} {
    %get3A = arith.constant 0 : index
    %get3A_0 = arith.constant 0 : index
    %get3A_1 = vector.load %arg1[%get3A, %get3A_0] : memref<2000x32xf32, #tpu.memory_space<vmem>>, vector<2000x32xf32>
    %get3A_2 = arith.constant 0 : index
    %get3A_3 = arith.constant 0 : index
    %get3A_4 = vector.load %arg2[%get3A_2, %get3A_3] : memref<1x32xf32, #tpu.memory_space<vmem>>, vector<1x32xf32>
    %mul3A = vector.broadcast %get3A_4 : vector<1x32xf32> to vector<2000x32xf32>
    %mul3A_5 = arith.mulf %get3A_1, %mul3A : vector<2000x32xf32>
    %get3A_6 = arith.constant 0 : index
    %get3A_7 = arith.constant 0 : index
    %get3A_8 = vector.load %arg3[%get3A_6, %get3A_7] : memref<1x32xf32, #tpu.memory_space<vmem>>, vector<1x32xf32>
    %add3A = vector.broadcast %get3A_8 : vector<1x32xf32> to vector<2000x32xf32>
    %add3A_9 = arith.addf %mul3A_5, %add3A : vector<2000x32xf32>
    %max3A = arith.constant 0.000000e+00 : f32
    %max3A_10 = vector.broadcast %max3A : f32 to vector<2000x32xf32>
    %max3A_11 = arith.maximumf %add3A_9, %max3A_10 : vector<2000x32xf32>
    %slice3A = vector.extract_strided_slice %max3A_11 {offsets = [0, 0], sizes = [2000, 16], strides = [1, 1]} : vector<2000x32xf32> to vector<2000x16xf32>
    %slice3A_12 = vector.extract_strided_slice %max3A_11 {offsets = [0, 16], sizes = [2000, 16], strides = [1, 1]} : vector<2000x32xf32> to vector<2000x16xf32>
    %stack3A = vector.shape_cast %slice3A : vector<2000x16xf32> to vector<1x2000x16xf32>
    %stack3A_13 = vector.shape_cast %slice3A_12 : vector<2000x16xf32> to vector<1x2000x16xf32>
    %stack3A_14 = tpu.concatenate %stack3A, %stack3A_13 in 0 : vector<1x2000x16xf32>, vector<1x2000x16xf32> -> vector<2x2000x16xf32>
    %swap3A = arith.constant 0 : index
    %swap3A_15 = arith.constant 0 : index
    %swap3A_16 = arith.constant 0 : index
    %swap3A_17 = vector.load %arg4[%swap3A, %swap3A_15, %swap3A_16] : memref<2x2000x16xf32, #tpu.memory_space<vmem>>, vector<2x2000x16xf32>
    tpu.vector_store %arg4[%swap3A, %swap3A_15, %swap3A_16], %stack3A_14 {strides = array<i32>} : memref<2x2000x16xf32, #tpu.memory_space<vmem>>, vector<2x2000x16xf32>,
    return
  }
  func.func @transform_0(%arg0: i32) -> (i32, i32) {
    %c0_i32 = arith.constant 0 : i32
    %c0_i32_0 = arith.constant 0 : i32
    return %arg0, %c0_i32 : i32, i32
  }
  func.func @transform_1(%arg0: i32) -> (i32, i32) {
    %c0_i32 = arith.constant 0 : i32
    %c0_i32_0 = arith.constant 0 : i32
    %c0_i32_1 = arith.constant 0 : i32
    return %c0_i32, %c0_i32_0 : i32, i32
  }
  func.func @transform_2(%arg0: i32) -> (i32, i32) {
    %c0_i32 = arith.constant 0 : i32
    %c0_i32_0 = arith.constant 0 : i32
    %c0_i32_1 = arith.constant 0 : i32
    return %c0_i32, %c0_i32_0 : i32, i32
  }
  func.func @transform_3(%arg0: i32) -> (i32, i32, i32) {
    %c0_i32 = arith.constant 0 : i32
    %c0_i32_0 = arith.constant 0 : i32
    %c0_i32_1 = arith.constant 0 : i32
    return %c0_i32, %arg0, %c0_i32_0 : i32, i32, i32
  }
}

module attributes {stable_mosaic.version = 14 : i64} {
  func.func @_gin0_body(%arg0: i32, %arg1: memref<1x2000x16xf32, #tpu.memory_space<vmem>>, %arg2: memref<1x2000x16xf32, #tpu.memory_space<vmem>>, %arg3: memref<1x2000x16xf32, #tpu.memory_space<vmem>>, %arg4: memref<1x2000x16xf32, #tpu.memory_space<vmem>>, %arg5: memref<32x32xf32, #tpu.memory_space<vmem>>, %arg6: memref<1x32xf32, #tpu.memory_space<vmem>>, %arg7: memref<32x32xf32, #tpu.memory_space<vmem>>, %arg8: memref<1x32xf32, #tpu.memory_space<vmem>>, %arg9: memref<2000x32xf32, #tpu.memory_space<vmem>>, %arg10: memref<8x32xf32, #tpu.memory_space<vmem>>, %arg11: memref<8x32xf32, #tpu.memory_space<vmem>>) attributes {dimension_semantics = [#tpu.dimension_semantics<arbitrary>], iteration_bounds = array<i64: 50>, scalar_prefetch = 0 : i64, scratch_operands = 0 : i64, tpu.core_type = #tpu.core_type<tc>, window_params = [{transform_indices = @transform_0, window_bounds = array<i64: 1, 2000, 16>}, {transform_indices = @transform_1, window_bounds = array<i64: 1, 2000, 16>}, {transform_indices = @transform_2, window_bounds = array<i64: 1, 2000, 16>}, {transform_indices = @transform_3, window_bounds = array<i64: 1, 2000, 16>}, {pipeline_mode = #tpu.pipeline_mode<synchronous>, transform_indices = @transform_4, window_bounds = array<i64: 32, 32>}, {pipeline_mode = #tpu.pipeline_mode<synchronous>, transform_indices = @transform_5, window_bounds = array<i64: 1, 32>}, {pipeline_mode = #tpu.pipeline_mode<synchronous>, transform_indices = @transform_6, window_bounds = array<i64: 32, 32>}, {pipeline_mode = #tpu.pipeline_mode<synchronous>, transform_indices = @transform_7, window_bounds = array<i64: 1, 32>}, {transform_indices = @transform_8, window_bounds = array<i64: 2000, 32>}, {pipeline_mode = #tpu.pipeline_mode<synchronous>, transform_indices = @transform_9, window_bounds = array<i64: 8, 32>}, {pipeline_mode = #tpu.pipeline_mode<synchronous>, transform_indices = @transform_10, window_bounds = array<i64: 8, 32>}]} {
    %get3A = arith.constant 0 : index
    %get3A_0 = arith.constant 0 : index
    %get3A_1 = arith.constant 0 : index
    %get3A_2 = vector.load %arg1[%get3A, %get3A_0, %get3A_1] : memref<1x2000x16xf32, #tpu.memory_space<vmem>>, vector<1x2000x16xf32>
    %get3A_3 = vector.shape_cast %get3A_2 : vector<1x2000x16xf32> to vector<2000x16xf32>
    %get3A_4 = arith.constant 0 : index
    %get3A_5 = arith.constant 0 : index
    %get3A_6 = arith.constant 0 : index
    %get3A_7 = vector.load %arg3[%get3A_4, %get3A_5, %get3A_6] : memref<1x2000x16xf32, #tpu.memory_space<vmem>>, vector<1x2000x16xf32>
    %get3A_8 = vector.shape_cast %get3A_7 : vector<1x2000x16xf32> to vector<2000x16xf32>
    %add3A = arith.addf %get3A_3, %get3A_8 : vector<2000x16xf32>
    %get3A_9 = arith.constant 0 : index
    %get3A_10 = arith.constant 0 : index
    %get3A_11 = arith.constant 0 : index
    %get3A_12 = vector.load %arg2[%get3A_9, %get3A_10, %get3A_11] : memref<1x2000x16xf32, #tpu.memory_space<vmem>>, vector<1x2000x16xf32>
    %get3A_13 = vector.shape_cast %get3A_12 : vector<1x2000x16xf32> to vector<2000x16xf32>
    %get3A_14 = arith.constant 0 : index
    %get3A_15 = arith.constant 0 : index
    %get3A_16 = arith.constant 0 : index
    %get3A_17 = vector.load %arg4[%get3A_14, %get3A_15, %get3A_16] : memref<1x2000x16xf32, #tpu.memory_space<vmem>>, vector<1x2000x16xf32>
    %get3A_18 = vector.shape_cast %get3A_17 : vector<1x2000x16xf32> to vector<2000x16xf32>
    %add3A_19 = arith.addf %get3A_13, %get3A_18 : vector<2000x16xf32>
    %get3A_20 = arith.constant 0 : index
    %get3A_21 = arith.constant 0 : index
    %get3A_22 = vector.load %arg5[%get3A_20, %get3A_21] : memref<32x32xf32, #tpu.memory_space<vmem>>, vector<16x32xf32>
    %dot_general3A = arith.constant dense<0.000000e+00> : vector<2000x32xf32>
    %dot_general3A_23 = tpu.matmul %add3A, %get3A_22, %dot_general3A {dimension_numbers = #tpu.dot_dimension_numbers<[1], [0], [0], [1], [0, 0, 1, 1], [], []>, transpose_lhs_hint = false} : vector<2000x16xf32>, vector<16x32xf32>, vector<2000x32xf32> -> vector<2000x32xf32>
    %get3A_24 = arith.constant 16 : index
    %get3A_25 = arith.constant 0 : index
    %get3A_26 = vector.load %arg5[%get3A_24, %get3A_25] : memref<32x32xf32, #tpu.memory_space<vmem>>, vector<16x32xf32>
    %dot_general3A_27 = arith.constant dense<0.000000e+00> : vector<2000x32xf32>
    %dot_general3A_28 = tpu.matmul %add3A_19, %get3A_26, %dot_general3A_27 {dimension_numbers = #tpu.dot_dimension_numbers<[1], [0], [0], [1], [0, 0, 1, 1], [], []>, transpose_lhs_hint = false} : vector<2000x16xf32>, vector<16x32xf32>, vector<2000x32xf32> -> vector<2000x32xf32>
    %add3A_29 = arith.addf %dot_general3A_23, %dot_general3A_28 : vector<2000x32xf32>
    %get3A_30 = arith.constant 0 : index
    %get3A_31 = arith.constant 0 : index
    %get3A_32 = vector.load %arg6[%get3A_30, %get3A_31] : memref<1x32xf32, #tpu.memory_space<vmem>>, vector<1x32xf32>
    %add3A_33 = vector.broadcast %get3A_32 : vector<1x32xf32> to vector<2000x32xf32>
    %add3A_34 = arith.addf %add3A_29, %add3A_33 : vector<2000x32xf32>
    %max3A = arith.constant 0.000000e+00 : f32
    %max3A_35 = vector.broadcast %max3A : f32 to vector<2000x32xf32>
    %max3A_36 = arith.maximumf %add3A_34, %max3A_35 : vector<2000x32xf32>
    %get3A_37 = arith.constant 0 : index
    %get3A_38 = arith.constant 0 : index
    %get3A_39 = vector.load %arg7[%get3A_37, %get3A_38] : memref<32x32xf32, #tpu.memory_space<vmem>>, vector<32x32xf32>
    %dot_general3A_40 = arith.constant dense<0.000000e+00> : vector<2000x32xf32>
    %dot_general3A_41 = tpu.matmul %max3A_36, %get3A_39, %dot_general3A_40 {dimension_numbers = #tpu.dot_dimension_numbers<[1], [0], [0], [1], [0, 0, 1, 1], [], []>, transpose_lhs_hint = false} : vector<2000x32xf32>, vector<32x32xf32>, vector<2000x32xf32> -> vector<2000x32xf32>
    %get3A_42 = arith.constant 0 : index
    %get3A_43 = arith.constant 0 : index
    %get3A_44 = vector.load %arg8[%get3A_42, %get3A_43] : memref<1x32xf32, #tpu.memory_space<vmem>>, vector<1x32xf32>
    %add3A_45 = vector.broadcast %get3A_44 : vector<1x32xf32> to vector<2000x32xf32>
    %add3A_46 = arith.addf %dot_general3A_41, %add3A_45 : vector<2000x32xf32>
    %swap3A = arith.constant 0 : index
    %swap3A_47 = arith.constant 0 : index
    %swap3A_48 = vector.load %arg9[%swap3A, %swap3A_47] : memref<2000x32xf32, #tpu.memory_space<vmem>>, vector<2000x32xf32>
    tpu.vector_store %arg9[%swap3A, %swap3A_47], %add3A_46 {strides = array<i32>} : memref<2000x32xf32, #tpu.memory_space<vmem>>, vector<2000x32xf32>,
    %eq3A = arith.constant 0 : i32
    %eq3A_49 = arith.cmpi eq, %arg0, %eq3A : i32
    %convert_element_type3A = arith.extui %eq3A_49 : i1 to i32
    %cond3A = arith.constant 0 : i32
    %cond3A_50 = arith.cmpi ne, %convert_element_type3A, %cond3A : i32
    scf.if %cond3A_50 {
      %broadcast_in_dim3A_73 = arith.constant 0.000000e+00 : f32
      %broadcast_in_dim3A_74 = vector.broadcast %broadcast_in_dim3A_73 : f32 to vector<8x32xf32>
      %swap3A_75 = arith.constant 0 : index
      %swap3A_76 = arith.constant 0 : index
      %swap3A_77 = vector.load %arg10[%swap3A_75, %swap3A_76] : memref<8x32xf32, #tpu.memory_space<vmem>>, vector<8x32xf32>
      tpu.vector_store %arg10[%swap3A_75, %swap3A_76], %broadcast_in_dim3A_74 {strides = array<i32>} : memref<8x32xf32, #tpu.memory_space<vmem>>, vector<8x32xf32>,
      %broadcast_in_dim3A_78 = arith.constant 0.000000e+00 : f32
      %broadcast_in_dim3A_79 = vector.broadcast %broadcast_in_dim3A_78 : f32 to vector<8x32xf32>
      %swap3A_80 = arith.constant 0 : index
      %swap3A_81 = arith.constant 0 : index
      %swap3A_82 = vector.load %arg11[%swap3A_80, %swap3A_81] : memref<8x32xf32, #tpu.memory_space<vmem>>, vector<8x32xf32>
      tpu.vector_store %arg11[%swap3A_80, %swap3A_81], %broadcast_in_dim3A_79 {strides = array<i32>} : memref<8x32xf32, #tpu.memory_space<vmem>>, vector<8x32xf32>,
    } else {
    }
    %reduce_sum3A = arith.constant dense<0.000000e+00> : vector<32xf32>
    %reduce_sum3A_51 = vector.multi_reduction <add>, %add3A_46, %reduce_sum3A [0] : vector<2000x32xf32> to vector<32xf32>
    %broadcast_in_dim3A = vector.shape_cast %reduce_sum3A_51 : vector<32xf32> to vector<1x32xf32>
    %mul3A = arith.mulf %add3A_46, %add3A_46 : vector<2000x32xf32>
    %reduce_sum3A_52 = arith.constant dense<0.000000e+00> : vector<32xf32>
    %reduce_sum3A_53 = vector.multi_reduction <add>, %mul3A, %reduce_sum3A_52 [0] : vector<2000x32xf32> to vector<32xf32>
    %broadcast_in_dim3A_54 = vector.shape_cast %reduce_sum3A_53 : vector<32xf32> to vector<1x32xf32>
    %get3A_55 = arith.constant 0 : index
    %get3A_56 = arith.constant 0 : index
    %get3A_57 = vector.load %arg10[%get3A_55, %get3A_56] : memref<8x32xf32, #tpu.memory_space<vmem>>, vector<8x32xf32>
    %broadcast_in_dim3A_58 = vector.shape_cast %broadcast_in_dim3A : vector<1x32xf32> to vector<1x32xf32>
    %broadcast_in_dim3A_59 = vector.broadcast %broadcast_in_dim3A_58 : vector<1x32xf32> to vector<8x32xf32>
    %add3A_60 = arith.addf %get3A_57, %broadcast_in_dim3A_59 : vector<8x32xf32>
    %swap3A_61 = arith.constant 0 : index
    %swap3A_62 = arith.constant 0 : index
    %swap3A_63 = vector.load %arg10[%swap3A_61, %swap3A_62] : memref<8x32xf32, #tpu.memory_space<vmem>>, vector<8x32xf32>
    tpu.vector_store %arg10[%swap3A_61, %swap3A_62], %add3A_60 {strides = array<i32>} : memref<8x32xf32, #tpu.memory_space<vmem>>, vector<8x32xf32>,
    %get3A_64 = arith.constant 0 : index
    %get3A_65 = arith.constant 0 : index
    %get3A_66 = vector.load %arg11[%get3A_64, %get3A_65] : memref<8x32xf32, #tpu.memory_space<vmem>>, vector<8x32xf32>
    %broadcast_in_dim3A_67 = vector.shape_cast %broadcast_in_dim3A_54 : vector<1x32xf32> to vector<1x32xf32>
    %broadcast_in_dim3A_68 = vector.broadcast %broadcast_in_dim3A_67 : vector<1x32xf32> to vector<8x32xf32>
    %add3A_69 = arith.addf %get3A_66, %broadcast_in_dim3A_68 : vector<8x32xf32>
    %swap3A_70 = arith.constant 0 : index
    %swap3A_71 = arith.constant 0 : index
    %swap3A_72 = vector.load %arg11[%swap3A_70, %swap3A_71] : memref<8x32xf32, #tpu.memory_space<vmem>>, vector<8x32xf32>
    tpu.vector_store %arg11[%swap3A_70, %swap3A_71], %add3A_69 {strides = array<i32>} : memref<8x32xf32, #tpu.memory_space<vmem>>, vector<8x32xf32>,
    return
  }
  func.func @transform_0(%arg0: i32) -> (i32, i32, i32) {
    %c0_i32 = arith.constant 0 : i32
    %c0_i32_0 = arith.constant 0 : i32
    %c0_i32_1 = arith.constant 0 : i32
    return %c0_i32, %arg0, %c0_i32_0 : i32, i32, i32
  }
  func.func @transform_1(%arg0: i32) -> (i32, i32, i32) {
    %c1_i32 = arith.constant 1 : i32
    %c0_i32 = arith.constant 0 : i32
    %c0_i32_0 = arith.constant 0 : i32
    return %c1_i32, %arg0, %c0_i32 : i32, i32, i32
  }
  func.func @transform_2(%arg0: i32) -> (i32, i32, i32) {
    %c0_i32 = arith.constant 0 : i32
    %c0_i32_0 = arith.constant 0 : i32
    %c0_i32_1 = arith.constant 0 : i32
    return %c0_i32, %arg0, %c0_i32_0 : i32, i32, i32
  }
  func.func @transform_3(%arg0: i32) -> (i32, i32, i32) {
    %c1_i32 = arith.constant 1 : i32
    %c0_i32 = arith.constant 0 : i32
    %c0_i32_0 = arith.constant 0 : i32
    return %c1_i32, %arg0, %c0_i32 : i32, i32, i32
  }
  func.func @transform_4(%arg0: i32) -> (i32, i32) {
    %c0_i32 = arith.constant 0 : i32
    %c0_i32_0 = arith.constant 0 : i32
    %c0_i32_1 = arith.constant 0 : i32
    return %c0_i32, %c0_i32_0 : i32, i32
  }
  func.func @transform_5(%arg0: i32) -> (i32, i32) {
    %c0_i32 = arith.constant 0 : i32
    %c0_i32_0 = arith.constant 0 : i32
    %c0_i32_1 = arith.constant 0 : i32
    return %c0_i32, %c0_i32_0 : i32, i32
  }
  func.func @transform_6(%arg0: i32) -> (i32, i32) {
    %c0_i32 = arith.constant 0 : i32
    %c0_i32_0 = arith.constant 0 : i32
    %c0_i32_1 = arith.constant 0 : i32
    return %c0_i32, %c0_i32_0 : i32, i32
  }
  func.func @transform_7(%arg0: i32) -> (i32, i32) {
    %c0_i32 = arith.constant 0 : i32
    %c0_i32_0 = arith.constant 0 : i32
    %c0_i32_1 = arith.constant 0 : i32
    return %c0_i32, %c0_i32_0 : i32, i32
  }
  func.func @transform_8(%arg0: i32) -> (i32, i32) {
    %c0_i32 = arith.constant 0 : i32
    %c0_i32_0 = arith.constant 0 : i32
    return %arg0, %c0_i32 : i32, i32
  }
  func.func @transform_9(%arg0: i32) -> (i32, i32) {
    %c0_i32 = arith.constant 0 : i32
    %c0_i32_0 = arith.constant 0 : i32
    %c0_i32_1 = arith.constant 0 : i32
    return %c0_i32, %c0_i32_0 : i32, i32
  }
  func.func @transform_10(%arg0: i32) -> (i32, i32) {
    %c0_i32 = arith.constant 0 : i32
    %c0_i32_0 = arith.constant 0 : i32
    %c0_i32_1 = arith.constant 0 : i32
    return %c0_i32, %c0_i32_0 : i32, i32
  }
}

module attributes {stable_mosaic.version = 14 : i64} {
  func.func @_mm1_body(%arg0: i32, %arg1: memref<1x2000x16xf32, #tpu.memory_space<vmem>>, %arg2: memref<1x2000x16xf32, #tpu.memory_space<vmem>>, %arg3: memref<1x2000x16xf32, #tpu.memory_space<vmem>>, %arg4: memref<1x2000x16xf32, #tpu.memory_space<vmem>>, %arg5: memref<32x32xf32, #tpu.memory_space<vmem>>, %arg6: memref<1x32xf32, #tpu.memory_space<vmem>>, %arg7: memref<2000x32xf32, #tpu.memory_space<vmem>>, %arg8: memref<8x32xf32, #tpu.memory_space<vmem>>, %arg9: memref<8x32xf32, #tpu.memory_space<vmem>>) attributes {dimension_semantics = [#tpu.dimension_semantics<arbitrary>], iteration_bounds = array<i64: 50>, scalar_prefetch = 0 : i64, scratch_operands = 0 : i64, tpu.core_type = #tpu.core_type<tc>, window_params = [{transform_indices = @transform_0, window_bounds = array<i64: 1, 2000, 16>}, {transform_indices = @transform_1, window_bounds = array<i64: 1, 2000, 16>}, {transform_indices = @transform_2, window_bounds = array<i64: 1, 2000, 16>}, {transform_indices = @transform_3, window_bounds = array<i64: 1, 2000, 16>}, {pipeline_mode = #tpu.pipeline_mode<synchronous>, transform_indices = @transform_4, window_bounds = array<i64: 32, 32>}, {pipeline_mode = #tpu.pipeline_mode<synchronous>, transform_indices = @transform_5, window_bounds = array<i64: 1, 32>}, {transform_indices = @transform_6, window_bounds = array<i64: 2000, 32>}, {pipeline_mode = #tpu.pipeline_mode<synchronous>, transform_indices = @transform_7, window_bounds = array<i64: 8, 32>}, {pipeline_mode = #tpu.pipeline_mode<synchronous>, transform_indices = @transform_8, window_bounds = array<i64: 8, 32>}]} {
    %get3A = arith.constant 0 : index
    %get3A_0 = arith.constant 0 : index
    %get3A_1 = arith.constant 0 : index
    %get3A_2 = vector.load %arg1[%get3A, %get3A_0, %get3A_1] : memref<1x2000x16xf32, #tpu.memory_space<vmem>>, vector<1x2000x16xf32>
    %get3A_3 = vector.shape_cast %get3A_2 : vector<1x2000x16xf32> to vector<2000x16xf32>
    %get3A_4 = arith.constant 0 : index
    %get3A_5 = arith.constant 0 : index
    %get3A_6 = arith.constant 0 : index
    %get3A_7 = vector.load %arg3[%get3A_4, %get3A_5, %get3A_6] : memref<1x2000x16xf32, #tpu.memory_space<vmem>>, vector<1x2000x16xf32>
    %get3A_8 = vector.shape_cast %get3A_7 : vector<1x2000x16xf32> to vector<2000x16xf32>
    %add3A = arith.addf %get3A_3, %get3A_8 : vector<2000x16xf32>
    %get3A_9 = arith.constant 0 : index
    %get3A_10 = arith.constant 0 : index
    %get3A_11 = arith.constant 0 : index
    %get3A_12 = vector.load %arg2[%get3A_9, %get3A_10, %get3A_11] : memref<1x2000x16xf32, #tpu.memory_space<vmem>>, vector<1x2000x16xf32>
    %get3A_13 = vector.shape_cast %get3A_12 : vector<1x2000x16xf32> to vector<2000x16xf32>
    %get3A_14 = arith.constant 0 : index
    %get3A_15 = arith.constant 0 : index
    %get3A_16 = arith.constant 0 : index
    %get3A_17 = vector.load %arg4[%get3A_14, %get3A_15, %get3A_16] : memref<1x2000x16xf32, #tpu.memory_space<vmem>>, vector<1x2000x16xf32>
    %get3A_18 = vector.shape_cast %get3A_17 : vector<1x2000x16xf32> to vector<2000x16xf32>
    %add3A_19 = arith.addf %get3A_13, %get3A_18 : vector<2000x16xf32>
    %get3A_20 = arith.constant 0 : index
    %get3A_21 = arith.constant 0 : index
    %get3A_22 = vector.load %arg5[%get3A_20, %get3A_21] : memref<32x32xf32, #tpu.memory_space<vmem>>, vector<16x32xf32>
    %dot_general3A = arith.constant dense<0.000000e+00> : vector<2000x32xf32>
    %dot_general3A_23 = tpu.matmul %add3A, %get3A_22, %dot_general3A {dimension_numbers = #tpu.dot_dimension_numbers<[1], [0], [0], [1], [0, 0, 1, 1], [], []>, transpose_lhs_hint = false} : vector<2000x16xf32>, vector<16x32xf32>, vector<2000x32xf32> -> vector<2000x32xf32>
    %get3A_24 = arith.constant 16 : index
    %get3A_25 = arith.constant 0 : index
    %get3A_26 = vector.load %arg5[%get3A_24, %get3A_25] : memref<32x32xf32, #tpu.memory_space<vmem>>, vector<16x32xf32>
    %dot_general3A_27 = arith.constant dense<0.000000e+00> : vector<2000x32xf32>
    %dot_general3A_28 = tpu.matmul %add3A_19, %get3A_26, %dot_general3A_27 {dimension_numbers = #tpu.dot_dimension_numbers<[1], [0], [0], [1], [0, 0, 1, 1], [], []>, transpose_lhs_hint = false} : vector<2000x16xf32>, vector<16x32xf32>, vector<2000x32xf32> -> vector<2000x32xf32>
    %add3A_29 = arith.addf %dot_general3A_23, %dot_general3A_28 : vector<2000x32xf32>
    %get3A_30 = arith.constant 0 : index
    %get3A_31 = arith.constant 0 : index
    %get3A_32 = vector.load %arg6[%get3A_30, %get3A_31] : memref<1x32xf32, #tpu.memory_space<vmem>>, vector<1x32xf32>
    %add3A_33 = vector.broadcast %get3A_32 : vector<1x32xf32> to vector<2000x32xf32>
    %add3A_34 = arith.addf %add3A_29, %add3A_33 : vector<2000x32xf32>
    %swap3A = arith.constant 0 : index
    %swap3A_35 = arith.constant 0 : index
    %swap3A_36 = vector.load %arg7[%swap3A, %swap3A_35] : memref<2000x32xf32, #tpu.memory_space<vmem>>, vector<2000x32xf32>
    tpu.vector_store %arg7[%swap3A, %swap3A_35], %add3A_34 {strides = array<i32>} : memref<2000x32xf32, #tpu.memory_space<vmem>>, vector<2000x32xf32>,
    %eq3A = arith.constant 0 : i32
    %eq3A_37 = arith.cmpi eq, %arg0, %eq3A : i32
    %convert_element_type3A = arith.extui %eq3A_37 : i1 to i32
    %cond3A = arith.constant 0 : i32
    %cond3A_38 = arith.cmpi ne, %convert_element_type3A, %cond3A : i32
    scf.if %cond3A_38 {
      %broadcast_in_dim3A_61 = arith.constant 0.000000e+00 : f32
      %broadcast_in_dim3A_62 = vector.broadcast %broadcast_in_dim3A_61 : f32 to vector<8x32xf32>
      %swap3A_63 = arith.constant 0 : index
      %swap3A_64 = arith.constant 0 : index
      %swap3A_65 = vector.load %arg8[%swap3A_63, %swap3A_64] : memref<8x32xf32, #tpu.memory_space<vmem>>, vector<8x32xf32>
      tpu.vector_store %arg8[%swap3A_63, %swap3A_64], %broadcast_in_dim3A_62 {strides = array<i32>} : memref<8x32xf32, #tpu.memory_space<vmem>>, vector<8x32xf32>,
      %broadcast_in_dim3A_66 = arith.constant 0.000000e+00 : f32
      %broadcast_in_dim3A_67 = vector.broadcast %broadcast_in_dim3A_66 : f32 to vector<8x32xf32>
      %swap3A_68 = arith.constant 0 : index
      %swap3A_69 = arith.constant 0 : index
      %swap3A_70 = vector.load %arg9[%swap3A_68, %swap3A_69] : memref<8x32xf32, #tpu.memory_space<vmem>>, vector<8x32xf32>
      tpu.vector_store %arg9[%swap3A_68, %swap3A_69], %broadcast_in_dim3A_67 {strides = array<i32>} : memref<8x32xf32, #tpu.memory_space<vmem>>, vector<8x32xf32>,
    } else {
    }
    %reduce_sum3A = arith.constant dense<0.000000e+00> : vector<32xf32>
    %reduce_sum3A_39 = vector.multi_reduction <add>, %add3A_34, %reduce_sum3A [0] : vector<2000x32xf32> to vector<32xf32>
    %broadcast_in_dim3A = vector.shape_cast %reduce_sum3A_39 : vector<32xf32> to vector<1x32xf32>
    %mul3A = arith.mulf %add3A_34, %add3A_34 : vector<2000x32xf32>
    %reduce_sum3A_40 = arith.constant dense<0.000000e+00> : vector<32xf32>
    %reduce_sum3A_41 = vector.multi_reduction <add>, %mul3A, %reduce_sum3A_40 [0] : vector<2000x32xf32> to vector<32xf32>
    %broadcast_in_dim3A_42 = vector.shape_cast %reduce_sum3A_41 : vector<32xf32> to vector<1x32xf32>
    %get3A_43 = arith.constant 0 : index
    %get3A_44 = arith.constant 0 : index
    %get3A_45 = vector.load %arg8[%get3A_43, %get3A_44] : memref<8x32xf32, #tpu.memory_space<vmem>>, vector<8x32xf32>
    %broadcast_in_dim3A_46 = vector.shape_cast %broadcast_in_dim3A : vector<1x32xf32> to vector<1x32xf32>
    %broadcast_in_dim3A_47 = vector.broadcast %broadcast_in_dim3A_46 : vector<1x32xf32> to vector<8x32xf32>
    %add3A_48 = arith.addf %get3A_45, %broadcast_in_dim3A_47 : vector<8x32xf32>
    %swap3A_49 = arith.constant 0 : index
    %swap3A_50 = arith.constant 0 : index
    %swap3A_51 = vector.load %arg8[%swap3A_49, %swap3A_50] : memref<8x32xf32, #tpu.memory_space<vmem>>, vector<8x32xf32>
    tpu.vector_store %arg8[%swap3A_49, %swap3A_50], %add3A_48 {strides = array<i32>} : memref<8x32xf32, #tpu.memory_space<vmem>>, vector<8x32xf32>,
    %get3A_52 = arith.constant 0 : index
    %get3A_53 = arith.constant 0 : index
    %get3A_54 = vector.load %arg9[%get3A_52, %get3A_53] : memref<8x32xf32, #tpu.memory_space<vmem>>, vector<8x32xf32>
    %broadcast_in_dim3A_55 = vector.shape_cast %broadcast_in_dim3A_42 : vector<1x32xf32> to vector<1x32xf32>
    %broadcast_in_dim3A_56 = vector.broadcast %broadcast_in_dim3A_55 : vector<1x32xf32> to vector<8x32xf32>
    %add3A_57 = arith.addf %get3A_54, %broadcast_in_dim3A_56 : vector<8x32xf32>
    %swap3A_58 = arith.constant 0 : index
    %swap3A_59 = arith.constant 0 : index
    %swap3A_60 = vector.load %arg9[%swap3A_58, %swap3A_59] : memref<8x32xf32, #tpu.memory_space<vmem>>, vector<8x32xf32>
    tpu.vector_store %arg9[%swap3A_58, %swap3A_59], %add3A_57 {strides = array<i32>} : memref<8x32xf32, #tpu.memory_space<vmem>>, vector<8x32xf32>,
    return
  }
  func.func @transform_0(%arg0: i32) -> (i32, i32, i32) {
    %c0_i32 = arith.constant 0 : i32
    %c0_i32_0 = arith.constant 0 : i32
    %c0_i32_1 = arith.constant 0 : i32
    return %c0_i32, %arg0, %c0_i32_0 : i32, i32, i32
  }
  func.func @transform_1(%arg0: i32) -> (i32, i32, i32) {
    %c1_i32 = arith.constant 1 : i32
    %c0_i32 = arith.constant 0 : i32
    %c0_i32_0 = arith.constant 0 : i32
    return %c1_i32, %arg0, %c0_i32 : i32, i32, i32
  }
  func.func @transform_2(%arg0: i32) -> (i32, i32, i32) {
    %c0_i32 = arith.constant 0 : i32
    %c0_i32_0 = arith.constant 0 : i32
    %c0_i32_1 = arith.constant 0 : i32
    return %c0_i32, %arg0, %c0_i32_0 : i32, i32, i32
  }
  func.func @transform_3(%arg0: i32) -> (i32, i32, i32) {
    %c1_i32 = arith.constant 1 : i32
    %c0_i32 = arith.constant 0 : i32
    %c0_i32_0 = arith.constant 0 : i32
    return %c1_i32, %arg0, %c0_i32 : i32, i32, i32
  }
  func.func @transform_4(%arg0: i32) -> (i32, i32) {
    %c0_i32 = arith.constant 0 : i32
    %c0_i32_0 = arith.constant 0 : i32
    %c0_i32_1 = arith.constant 0 : i32
    return %c0_i32, %c0_i32_0 : i32, i32
  }
  func.func @transform_5(%arg0: i32) -> (i32, i32) {
    %c0_i32 = arith.constant 0 : i32
    %c0_i32_0 = arith.constant 0 : i32
    %c0_i32_1 = arith.constant 0 : i32
    return %c0_i32, %c0_i32_0 : i32, i32
  }
  func.func @transform_6(%arg0: i32) -> (i32, i32) {
    %c0_i32 = arith.constant 0 : i32
    %c0_i32_0 = arith.constant 0 : i32
    return %arg0, %c0_i32 : i32, i32
  }
  func.func @transform_7(%arg0: i32) -> (i32, i32) {
    %c0_i32 = arith.constant 0 : i32
    %c0_i32_0 = arith.constant 0 : i32
    %c0_i32_1 = arith.constant 0 : i32
    return %c0_i32, %c0_i32_0 : i32, i32
  }
  func.func @transform_8(%arg0: i32) -> (i32, i32) {
    %c0_i32 = arith.constant 0 : i32
    %c0_i32_0 = arith.constant 0 : i32
    %c0_i32_1 = arith.constant 0 : i32
    return %c0_i32, %c0_i32_0 : i32, i32
  }
}

module attributes {stable_mosaic.version = 14 : i64} {
  func.func @_mm2_body(%arg0: i32, %arg1: memref<2000x32xf32, #tpu.memory_space<vmem>>, %arg2: memref<1x32xf32, #tpu.memory_space<vmem>>, %arg3: memref<1x32xf32, #tpu.memory_space<vmem>>, %arg4: memref<32x32xf32, #tpu.memory_space<vmem>>, %arg5: memref<1x32xf32, #tpu.memory_space<vmem>>, %arg6: memref<2000x32xf32, #tpu.memory_space<vmem>>, %arg7: memref<8x32xf32, #tpu.memory_space<vmem>>, %arg8: memref<8x32xf32, #tpu.memory_space<vmem>>) attributes {dimension_semantics = [#tpu.dimension_semantics<arbitrary>], iteration_bounds = array<i64: 50>, scalar_prefetch = 0 : i64, scratch_operands = 0 : i64, tpu.core_type = #tpu.core_type<tc>, window_params = [{transform_indices = @transform_0, window_bounds = array<i64: 2000, 32>}, {pipeline_mode = #tpu.pipeline_mode<synchronous>, transform_indices = @transform_1, window_bounds = array<i64: 1, 32>}, {pipeline_mode = #tpu.pipeline_mode<synchronous>, transform_indices = @transform_2, window_bounds = array<i64: 1, 32>}, {pipeline_mode = #tpu.pipeline_mode<synchronous>, transform_indices = @transform_3, window_bounds = array<i64: 32, 32>}, {pipeline_mode = #tpu.pipeline_mode<synchronous>, transform_indices = @transform_4, window_bounds = array<i64: 1, 32>}, {transform_indices = @transform_5, window_bounds = array<i64: 2000, 32>}, {pipeline_mode = #tpu.pipeline_mode<synchronous>, transform_indices = @transform_6, window_bounds = array<i64: 8, 32>}, {pipeline_mode = #tpu.pipeline_mode<synchronous>, transform_indices = @transform_7, window_bounds = array<i64: 8, 32>}]} {
    %get3A = arith.constant 0 : index
    %get3A_0 = arith.constant 0 : index
    %get3A_1 = vector.load %arg1[%get3A, %get3A_0] : memref<2000x32xf32, #tpu.memory_space<vmem>>, vector<2000x32xf32>
    %get3A_2 = arith.constant 0 : index
    %get3A_3 = arith.constant 0 : index
    %get3A_4 = vector.load %arg2[%get3A_2, %get3A_3] : memref<1x32xf32, #tpu.memory_space<vmem>>, vector<1x32xf32>
    %mul3A = vector.broadcast %get3A_4 : vector<1x32xf32> to vector<2000x32xf32>
    %mul3A_5 = arith.mulf %get3A_1, %mul3A : vector<2000x32xf32>
    %get3A_6 = arith.constant 0 : index
    %get3A_7 = arith.constant 0 : index
    %get3A_8 = vector.load %arg3[%get3A_6, %get3A_7] : memref<1x32xf32, #tpu.memory_space<vmem>>, vector<1x32xf32>
    %add3A = vector.broadcast %get3A_8 : vector<1x32xf32> to vector<2000x32xf32>
    %add3A_9 = arith.addf %mul3A_5, %add3A : vector<2000x32xf32>
    %max3A = arith.constant 0.000000e+00 : f32
    %max3A_10 = vector.broadcast %max3A : f32 to vector<2000x32xf32>
    %max3A_11 = arith.maximumf %add3A_9, %max3A_10 : vector<2000x32xf32>
    %get3A_12 = arith.constant 0 : index
    %get3A_13 = arith.constant 0 : index
    %get3A_14 = vector.load %arg4[%get3A_12, %get3A_13] : memref<32x32xf32, #tpu.memory_space<vmem>>, vector<32x32xf32>
    %dot_general3A = arith.constant dense<0.000000e+00> : vector<2000x32xf32>
    %dot_general3A_15 = tpu.matmul %max3A_11, %get3A_14, %dot_general3A {dimension_numbers = #tpu.dot_dimension_numbers<[1], [0], [0], [1], [0, 0, 1, 1], [], []>, transpose_lhs_hint = false} : vector<2000x32xf32>, vector<32x32xf32>, vector<2000x32xf32> -> vector<2000x32xf32>
    %get3A_16 = arith.constant 0 : index
    %get3A_17 = arith.constant 0 : index
    %get3A_18 = vector.load %arg5[%get3A_16, %get3A_17] : memref<1x32xf32, #tpu.memory_space<vmem>>, vector<1x32xf32>
    %add3A_19 = vector.broadcast %get3A_18 : vector<1x32xf32> to vector<2000x32xf32>
    %add3A_20 = arith.addf %dot_general3A_15, %add3A_19 : vector<2000x32xf32>
    %swap3A = arith.constant 0 : index
    %swap3A_21 = arith.constant 0 : index
    %swap3A_22 = vector.load %arg6[%swap3A, %swap3A_21] : memref<2000x32xf32, #tpu.memory_space<vmem>>, vector<2000x32xf32>
    tpu.vector_store %arg6[%swap3A, %swap3A_21], %add3A_20 {strides = array<i32>} : memref<2000x32xf32, #tpu.memory_space<vmem>>, vector<2000x32xf32>,
    %eq3A = arith.constant 0 : i32
    %eq3A_23 = arith.cmpi eq, %arg0, %eq3A : i32
    %convert_element_type3A = arith.extui %eq3A_23 : i1 to i32
    %cond3A = arith.constant 0 : i32
    %cond3A_24 = arith.cmpi ne, %convert_element_type3A, %cond3A : i32
    scf.if %cond3A_24 {
      %broadcast_in_dim3A_48 = arith.constant 0.000000e+00 : f32
      %broadcast_in_dim3A_49 = vector.broadcast %broadcast_in_dim3A_48 : f32 to vector<8x32xf32>
      %swap3A_50 = arith.constant 0 : index
      %swap3A_51 = arith.constant 0 : index
      %swap3A_52 = vector.load %arg7[%swap3A_50, %swap3A_51] : memref<8x32xf32, #tpu.memory_space<vmem>>, vector<8x32xf32>
      tpu.vector_store %arg7[%swap3A_50, %swap3A_51], %broadcast_in_dim3A_49 {strides = array<i32>} : memref<8x32xf32, #tpu.memory_space<vmem>>, vector<8x32xf32>,
      %broadcast_in_dim3A_53 = arith.constant 0.000000e+00 : f32
      %broadcast_in_dim3A_54 = vector.broadcast %broadcast_in_dim3A_53 : f32 to vector<8x32xf32>
      %swap3A_55 = arith.constant 0 : index
      %swap3A_56 = arith.constant 0 : index
      %swap3A_57 = vector.load %arg8[%swap3A_55, %swap3A_56] : memref<8x32xf32, #tpu.memory_space<vmem>>, vector<8x32xf32>
      tpu.vector_store %arg8[%swap3A_55, %swap3A_56], %broadcast_in_dim3A_54 {strides = array<i32>} : memref<8x32xf32, #tpu.memory_space<vmem>>, vector<8x32xf32>,
    } else {
    }
    %reduce_sum3A = arith.constant dense<0.000000e+00> : vector<32xf32>
    %reduce_sum3A_25 = vector.multi_reduction <add>, %add3A_20, %reduce_sum3A [0] : vector<2000x32xf32> to vector<32xf32>
    %broadcast_in_dim3A = vector.shape_cast %reduce_sum3A_25 : vector<32xf32> to vector<1x32xf32>
    %mul3A_26 = arith.mulf %add3A_20, %add3A_20 : vector<2000x32xf32>
    %reduce_sum3A_27 = arith.constant dense<0.000000e+00> : vector<32xf32>
    %reduce_sum3A_28 = vector.multi_reduction <add>, %mul3A_26, %reduce_sum3A_27 [0] : vector<2000x32xf32> to vector<32xf32>
    %broadcast_in_dim3A_29 = vector.shape_cast %reduce_sum3A_28 : vector<32xf32> to vector<1x32xf32>
    %get3A_30 = arith.constant 0 : index
    %get3A_31 = arith.constant 0 : index
    %get3A_32 = vector.load %arg7[%get3A_30, %get3A_31] : memref<8x32xf32, #tpu.memory_space<vmem>>, vector<8x32xf32>
    %broadcast_in_dim3A_33 = vector.shape_cast %broadcast_in_dim3A : vector<1x32xf32> to vector<1x32xf32>
    %broadcast_in_dim3A_34 = vector.broadcast %broadcast_in_dim3A_33 : vector<1x32xf32> to vector<8x32xf32>
    %add3A_35 = arith.addf %get3A_32, %broadcast_in_dim3A_34 : vector<8x32xf32>
    %swap3A_36 = arith.constant 0 : index
    %swap3A_37 = arith.constant 0 : index
    %swap3A_38 = vector.load %arg7[%swap3A_36, %swap3A_37] : memref<8x32xf32, #tpu.memory_space<vmem>>, vector<8x32xf32>
    tpu.vector_store %arg7[%swap3A_36, %swap3A_37], %add3A_35 {strides = array<i32>} : memref<8x32xf32, #tpu.memory_space<vmem>>, vector<8x32xf32>,
    %get3A_39 = arith.constant 0 : index
    %get3A_40 = arith.constant 0 : index
    %get3A_41 = vector.load %arg8[%get3A_39, %get3A_40] : memref<8x32xf32, #tpu.memory_space<vmem>>, vector<8x32xf32>
    %broadcast_in_dim3A_42 = vector.shape_cast %broadcast_in_dim3A_29 : vector<1x32xf32> to vector<1x32xf32>
    %broadcast_in_dim3A_43 = vector.broadcast %broadcast_in_dim3A_42 : vector<1x32xf32> to vector<8x32xf32>
    %add3A_44 = arith.addf %get3A_41, %broadcast_in_dim3A_43 : vector<8x32xf32>
    %swap3A_45 = arith.constant 0 : index
    %swap3A_46 = arith.constant 0 : index
    %swap3A_47 = vector.load %arg8[%swap3A_45, %swap3A_46] : memref<8x32xf32, #tpu.memory_space<vmem>>, vector<8x32xf32>
    tpu.vector_store %arg8[%swap3A_45, %swap3A_46], %add3A_44 {strides = array<i32>} : memref<8x32xf32, #tpu.memory_space<vmem>>, vector<8x32xf32>,
    return
  }
  func.func @transform_0(%arg0: i32) -> (i32, i32) {
    %c0_i32 = arith.constant 0 : i32
    %c0_i32_0 = arith.constant 0 : i32
    return %arg0, %c0_i32 : i32, i32
  }
  func.func @transform_1(%arg0: i32) -> (i32, i32) {
    %c0_i32 = arith.constant 0 : i32
    %c0_i32_0 = arith.constant 0 : i32
    %c0_i32_1 = arith.constant 0 : i32
    return %c0_i32, %c0_i32_0 : i32, i32
  }
  func.func @transform_2(%arg0: i32) -> (i32, i32) {
    %c0_i32 = arith.constant 0 : i32
    %c0_i32_0 = arith.constant 0 : i32
    %c0_i32_1 = arith.constant 0 : i32
    return %c0_i32, %c0_i32_0 : i32, i32
  }
  func.func @transform_3(%arg0: i32) -> (i32, i32) {
    %c0_i32 = arith.constant 0 : i32
    %c0_i32_0 = arith.constant 0 : i32
    %c0_i32_1 = arith.constant 0 : i32
    return %c0_i32, %c0_i32_0 : i32, i32
  }
  func.func @transform_4(%arg0: i32) -> (i32, i32) {
    %c0_i32 = arith.constant 0 : i32
    %c0_i32_0 = arith.constant 0 : i32
    %c0_i32_1 = arith.constant 0 : i32
    return %c0_i32, %c0_i32_0 : i32, i32
  }
  func.func @transform_5(%arg0: i32) -> (i32, i32) {
    %c0_i32 = arith.constant 0 : i32
    %c0_i32_0 = arith.constant 0 : i32
    return %arg0, %c0_i32 : i32, i32
  }
  func.func @transform_6(%arg0: i32) -> (i32, i32) {
    %c0_i32 = arith.constant 0 : i32
    %c0_i32_0 = arith.constant 0 : i32
    %c0_i32_1 = arith.constant 0 : i32
    return %c0_i32, %c0_i32_0 : i32, i32
  }
  func.func @transform_7(%arg0: i32) -> (i32, i32) {
    %c0_i32 = arith.constant 0 : i32
    %c0_i32_0 = arith.constant 0 : i32
    %c0_i32_1 = arith.constant 0 : i32
    return %c0_i32, %c0_i32_0 : i32, i32
  }
}

module attributes {stable_mosaic.version = 14 : i64} {
  func.func @_pool_body(%arg0: i32, %arg1: memref<1x2000x16xf32, #tpu.memory_space<vmem>>, %arg2: memref<1x2000x16xf32, #tpu.memory_space<vmem>>, %arg3: memref<2000x1xi32, #tpu.memory_space<vmem>>, %arg4: memref<128x16xf32, #tpu.memory_space<vmem>>, %arg5: memref<128x16xf32, #tpu.memory_space<vmem>>) attributes {dimension_semantics = [#tpu.dimension_semantics<arbitrary>], iteration_bounds = array<i64: 50>, scalar_prefetch = 0 : i64, scratch_operands = 0 : i64, tpu.core_type = #tpu.core_type<tc>, window_params = [{transform_indices = @transform_0, window_bounds = array<i64: 1, 2000, 16>}, {transform_indices = @transform_1, window_bounds = array<i64: 1, 2000, 16>}, {transform_indices = @transform_2, window_bounds = array<i64: 2000, 1>}, {pipeline_mode = #tpu.pipeline_mode<synchronous>, transform_indices = @transform_3, window_bounds = array<i64: 128, 16>}, {pipeline_mode = #tpu.pipeline_mode<synchronous>, transform_indices = @transform_4, window_bounds = array<i64: 128, 16>}]} {
    %get3A = arith.constant 0 : index
    %get3A_0 = arith.constant 0 : index
    %get3A_1 = vector.load %arg3[%get3A, %get3A_0] : memref<2000x1xi32, #tpu.memory_space<vmem>>, vector<2000x1xi32>
    %iota3A = tpu.iota {dimensions = array<i32: 1>} : vector<2000x128xi32>
    %eq3A = vector.broadcast %get3A_1 : vector<2000x1xi32> to vector<2000x128xi32>
    %eq3A_2 = arith.cmpi eq, %eq3A, %iota3A : vector<2000x128xi32>
    %convert_element_type3A = arith.extui %eq3A_2 : vector<2000x128xi1> to vector<2000x128xi32>
    %convert_element_type3A_3 = arith.sitofp %convert_element_type3A : vector<2000x128xi32> to vector<2000x128xf32>
    %get3A_4 = arith.constant 0 : index
    %get3A_5 = arith.constant 0 : index
    %get3A_6 = arith.constant 0 : index
    %get3A_7 = vector.load %arg1[%get3A_4, %get3A_5, %get3A_6] : memref<1x2000x16xf32, #tpu.memory_space<vmem>>, vector<1x2000x16xf32>
    %get3A_8 = vector.shape_cast %get3A_7 : vector<1x2000x16xf32> to vector<2000x16xf32>
    %dot_general3A = arith.constant dense<0.000000e+00> : vector<128x16xf32>
    %dot_general3A_9 = tpu.matmul %convert_element_type3A_3, %get3A_8, %dot_general3A {dimension_numbers = #tpu.dot_dimension_numbers<[0], [0], [1], [1], [0, 1, 1, 1], [], []>, transpose_lhs_hint = false} : vector<2000x128xf32>, vector<2000x16xf32>, vector<128x16xf32> -> vector<128x16xf32>
    %get3A_10 = arith.constant 0 : index
    %get3A_11 = arith.constant 0 : index
    %get3A_12 = arith.constant 0 : index
    %get3A_13 = vector.load %arg2[%get3A_10, %get3A_11, %get3A_12] : memref<1x2000x16xf32, #tpu.memory_space<vmem>>, vector<1x2000x16xf32>
    %get3A_14 = vector.shape_cast %get3A_13 : vector<1x2000x16xf32> to vector<2000x16xf32>
    %dot_general3A_15 = arith.constant dense<0.000000e+00> : vector<128x16xf32>
    %dot_general3A_16 = tpu.matmul %convert_element_type3A_3, %get3A_14, %dot_general3A_15 {dimension_numbers = #tpu.dot_dimension_numbers<[0], [0], [1], [1], [0, 1, 1, 1], [], []>, transpose_lhs_hint = false} : vector<2000x128xf32>, vector<2000x16xf32>, vector<128x16xf32> -> vector<128x16xf32>
    %eq3A_17 = arith.constant 0 : i32
    %eq3A_18 = arith.cmpi eq, %arg0, %eq3A_17 : i32
    %convert_element_type3A_19 = arith.extui %eq3A_18 : i1 to i32
    %cond3A = arith.constant 0 : i32
    %cond3A_20 = arith.cmpi ne, %convert_element_type3A_19, %cond3A : i32
    scf.if %cond3A_20 {
      %broadcast_in_dim3A = arith.constant 0.000000e+00 : f32
      %broadcast_in_dim3A_33 = vector.broadcast %broadcast_in_dim3A : f32 to vector<128x16xf32>
      %swap3A_34 = arith.constant 0 : index
      %swap3A_35 = arith.constant 0 : index
      %swap3A_36 = vector.load %arg4[%swap3A_34, %swap3A_35] : memref<128x16xf32, #tpu.memory_space<vmem>>, vector<128x16xf32>
      tpu.vector_store %arg4[%swap3A_34, %swap3A_35], %broadcast_in_dim3A_33 {strides = array<i32>} : memref<128x16xf32, #tpu.memory_space<vmem>>, vector<128x16xf32>,
      %broadcast_in_dim3A_37 = arith.constant 0.000000e+00 : f32
      %broadcast_in_dim3A_38 = vector.broadcast %broadcast_in_dim3A_37 : f32 to vector<128x16xf32>
      %swap3A_39 = arith.constant 0 : index
      %swap3A_40 = arith.constant 0 : index
      %swap3A_41 = vector.load %arg5[%swap3A_39, %swap3A_40] : memref<128x16xf32, #tpu.memory_space<vmem>>, vector<128x16xf32>
      tpu.vector_store %arg5[%swap3A_39, %swap3A_40], %broadcast_in_dim3A_38 {strides = array<i32>} : memref<128x16xf32, #tpu.memory_space<vmem>>, vector<128x16xf32>,
    } else {
    }
    %get3A_21 = arith.constant 0 : index
    %get3A_22 = arith.constant 0 : index
    %get3A_23 = vector.load %arg4[%get3A_21, %get3A_22] : memref<128x16xf32, #tpu.memory_space<vmem>>, vector<128x16xf32>
    %add3A = arith.addf %get3A_23, %dot_general3A_9 : vector<128x16xf32>
    %swap3A = arith.constant 0 : index
    %swap3A_24 = arith.constant 0 : index
    %swap3A_25 = vector.load %arg4[%swap3A, %swap3A_24] : memref<128x16xf32, #tpu.memory_space<vmem>>, vector<128x16xf32>
    tpu.vector_store %arg4[%swap3A, %swap3A_24], %add3A {strides = array<i32>} : memref<128x16xf32, #tpu.memory_space<vmem>>, vector<128x16xf32>,
    %get3A_26 = arith.constant 0 : index
    %get3A_27 = arith.constant 0 : index
    %get3A_28 = vector.load %arg5[%get3A_26, %get3A_27] : memref<128x16xf32, #tpu.memory_space<vmem>>, vector<128x16xf32>
    %add3A_29 = arith.addf %get3A_28, %dot_general3A_16 : vector<128x16xf32>
    %swap3A_30 = arith.constant 0 : index
    %swap3A_31 = arith.constant 0 : index
    %swap3A_32 = vector.load %arg5[%swap3A_30, %swap3A_31] : memref<128x16xf32, #tpu.memory_space<vmem>>, vector<128x16xf32>
    tpu.vector_store %arg5[%swap3A_30, %swap3A_31], %add3A_29 {strides = array<i32>} : memref<128x16xf32, #tpu.memory_space<vmem>>, vector<128x16xf32>,
    return
  }
  func.func @transform_0(%arg0: i32) -> (i32, i32, i32) {
    %c0_i32 = arith.constant 0 : i32
    %c0_i32_0 = arith.constant 0 : i32
    %c0_i32_1 = arith.constant 0 : i32
    return %c0_i32, %arg0, %c0_i32_0 : i32, i32, i32
  }
  func.func @transform_1(%arg0: i32) -> (i32, i32, i32) {
    %c1_i32 = arith.constant 1 : i32
    %c0_i32 = arith.constant 0 : i32
    %c0_i32_0 = arith.constant 0 : i32
    return %c1_i32, %arg0, %c0_i32 : i32, i32, i32
  }
  func.func @transform_2(%arg0: i32) -> (i32, i32) {
    %c0_i32 = arith.constant 0 : i32
    %c0_i32_0 = arith.constant 0 : i32
    return %arg0, %c0_i32 : i32, i32
  }
  func.func @transform_3(%arg0: i32) -> (i32, i32) {
    %c0_i32 = arith.constant 0 : i32
    %c0_i32_0 = arith.constant 0 : i32
    %c0_i32_1 = arith.constant 0 : i32
    return %c0_i32, %c0_i32_0 : i32, i32
  }
  func.func @transform_4(%arg0: i32) -> (i32, i32) {
    %c0_i32 = arith.constant 0 : i32
    %c0_i32_0 = arith.constant 0 : i32
    %c0_i32_1 = arith.constant 0 : i32
    return %c0_i32, %c0_i32_0 : i32, i32
  }
}

module attributes {stable_mosaic.version = 14 : i64} {
  func.func @_head_body(%arg0: memref<128x16xf32, #tpu.memory_space<vmem>>, %arg1: memref<128x16xf32, #tpu.memory_space<vmem>>, %arg2: memref<32x32xf32, #tpu.memory_space<vmem>>, %arg3: memref<1x32xf32, #tpu.memory_space<vmem>>, %arg4: memref<1x32xf32, #tpu.memory_space<vmem>>, %arg5: memref<1x32xf32, #tpu.memory_space<vmem>>, %arg6: memref<32x10xf32, #tpu.memory_space<vmem>>, %arg7: memref<1x10xf32, #tpu.memory_space<vmem>>, %arg8: memref<128x10xf32, #tpu.memory_space<vmem>>) attributes {dimension_semantics = [], scalar_prefetch = 0 : i64, scratch_operands = 0 : i64, tpu.core_type = #tpu.core_type<tc>} {
    %get3A = arith.constant 0 : index
    %get3A_0 = arith.constant 0 : index
    %get3A_1 = vector.load %arg0[%get3A, %get3A_0] : memref<128x16xf32, #tpu.memory_space<vmem>>, vector<128x16xf32>
    %get3A_2 = arith.constant 0 : index
    %get3A_3 = arith.constant 0 : index
    %get3A_4 = vector.load %arg2[%get3A_2, %get3A_3] : memref<32x32xf32, #tpu.memory_space<vmem>>, vector<16x32xf32>
    %dot_general3A = arith.constant dense<0.000000e+00> : vector<128x32xf32>
    %dot_general3A_5 = tpu.matmul %get3A_1, %get3A_4, %dot_general3A {dimension_numbers = #tpu.dot_dimension_numbers<[1], [0], [0], [1], [0, 0, 1, 1], [], []>, transpose_lhs_hint = false} : vector<128x16xf32>, vector<16x32xf32>, vector<128x32xf32> -> vector<128x32xf32>
    %get3A_6 = arith.constant 0 : index
    %get3A_7 = arith.constant 0 : index
    %get3A_8 = vector.load %arg1[%get3A_6, %get3A_7] : memref<128x16xf32, #tpu.memory_space<vmem>>, vector<128x16xf32>
    %get3A_9 = arith.constant 16 : index
    %get3A_10 = arith.constant 0 : index
    %get3A_11 = vector.load %arg2[%get3A_9, %get3A_10] : memref<32x32xf32, #tpu.memory_space<vmem>>, vector<16x32xf32>
    %dot_general3A_12 = arith.constant dense<0.000000e+00> : vector<128x32xf32>
    %dot_general3A_13 = tpu.matmul %get3A_8, %get3A_11, %dot_general3A_12 {dimension_numbers = #tpu.dot_dimension_numbers<[1], [0], [0], [1], [0, 0, 1, 1], [], []>, transpose_lhs_hint = false} : vector<128x16xf32>, vector<16x32xf32>, vector<128x32xf32> -> vector<128x32xf32>
    %add3A = arith.addf %dot_general3A_5, %dot_general3A_13 : vector<128x32xf32>
    %get3A_14 = arith.constant 0 : index
    %get3A_15 = arith.constant 0 : index
    %get3A_16 = vector.load %arg3[%get3A_14, %get3A_15] : memref<1x32xf32, #tpu.memory_space<vmem>>, vector<1x32xf32>
    %add3A_17 = vector.broadcast %get3A_16 : vector<1x32xf32> to vector<128x32xf32>
    %add3A_18 = arith.addf %add3A, %add3A_17 : vector<128x32xf32>
    %reduce_sum3A = arith.constant dense<0.000000e+00> : vector<32xf32>
    %reduce_sum3A_19 = vector.multi_reduction <add>, %add3A_18, %reduce_sum3A [0] : vector<128x32xf32> to vector<32xf32>
    %broadcast_in_dim3A = vector.shape_cast %reduce_sum3A_19 : vector<32xf32> to vector<1x32xf32>
    %div3A = arith.constant 1.280000e+02 : f32
    %div3A_20 = vector.broadcast %div3A : f32 to vector<1x32xf32>
    %div3A_21 = arith.divf %broadcast_in_dim3A, %div3A_20 : vector<1x32xf32>
    %mul3A = arith.mulf %add3A_18, %add3A_18 : vector<128x32xf32>
    %reduce_sum3A_22 = arith.constant dense<0.000000e+00> : vector<32xf32>
    %reduce_sum3A_23 = vector.multi_reduction <add>, %mul3A, %reduce_sum3A_22 [0] : vector<128x32xf32> to vector<32xf32>
    %broadcast_in_dim3A_24 = vector.shape_cast %reduce_sum3A_23 : vector<32xf32> to vector<1x32xf32>
    %div3A_25 = arith.constant 1.280000e+02 : f32
    %div3A_26 = vector.broadcast %div3A_25 : f32 to vector<1x32xf32>
    %div3A_27 = arith.divf %broadcast_in_dim3A_24, %div3A_26 : vector<1x32xf32>
    %mul3A_28 = arith.mulf %div3A_21, %div3A_21 : vector<1x32xf32>
    %sub3A = arith.subf %div3A_27, %mul3A_28 : vector<1x32xf32>
    %get3A_29 = arith.constant 0 : index
    %get3A_30 = arith.constant 0 : index
    %get3A_31 = vector.load %arg4[%get3A_29, %get3A_30] : memref<1x32xf32, #tpu.memory_space<vmem>>, vector<1x32xf32>
    %sub3A_32 = vector.broadcast %div3A_21 : vector<1x32xf32> to vector<128x32xf32>
    %sub3A_33 = arith.subf %add3A_18, %sub3A_32 : vector<128x32xf32>
    %mul3A_34 = vector.broadcast %get3A_31 : vector<1x32xf32> to vector<128x32xf32>
    %mul3A_35 = arith.mulf %mul3A_34, %sub3A_33 : vector<128x32xf32>
    %add3A_36 = arith.constant 9.99999974E-6 : f32
    %add3A_37 = vector.broadcast %add3A_36 : f32 to vector<1x32xf32>
    %add3A_38 = arith.addf %sub3A, %add3A_37 : vector<1x32xf32>
    %sqrt3A = math.sqrt %add3A_38 : vector<1x32xf32>
    %div3A_39 = vector.broadcast %sqrt3A : vector<1x32xf32> to vector<128x32xf32>
    %div3A_40 = arith.divf %mul3A_35, %div3A_39 : vector<128x32xf32>
    %get3A_41 = arith.constant 0 : index
    %get3A_42 = arith.constant 0 : index
    %get3A_43 = vector.load %arg5[%get3A_41, %get3A_42] : memref<1x32xf32, #tpu.memory_space<vmem>>, vector<1x32xf32>
    %add3A_44 = vector.broadcast %get3A_43 : vector<1x32xf32> to vector<128x32xf32>
    %add3A_45 = arith.addf %div3A_40, %add3A_44 : vector<128x32xf32>
    %max3A = arith.constant 0.000000e+00 : f32
    %max3A_46 = vector.broadcast %max3A : f32 to vector<128x32xf32>
    %max3A_47 = arith.maximumf %add3A_45, %max3A_46 : vector<128x32xf32>
    %get3A_48 = arith.constant 0 : index
    %get3A_49 = arith.constant 0 : index
    %get3A_50 = vector.load %arg6[%get3A_48, %get3A_49] : memref<32x10xf32, #tpu.memory_space<vmem>>, vector<32x10xf32>
    %dot_general3A_51 = arith.constant dense<0.000000e+00> : vector<128x10xf32>
    %dot_general3A_52 = tpu.matmul %max3A_47, %get3A_50, %dot_general3A_51 {dimension_numbers = #tpu.dot_dimension_numbers<[1], [0], [0], [1], [0, 0, 1, 1], [], []>, transpose_lhs_hint = false} : vector<128x32xf32>, vector<32x10xf32>, vector<128x10xf32> -> vector<128x10xf32>
    %get3A_53 = arith.constant 0 : index
    %get3A_54 = arith.constant 0 : index
    %get3A_55 = vector.load %arg7[%get3A_53, %get3A_54] : memref<1x10xf32, #tpu.memory_space<vmem>>, vector<1x10xf32>
    %add3A_56 = vector.broadcast %get3A_55 : vector<1x10xf32> to vector<128x10xf32>
    %add3A_57 = arith.addf %dot_general3A_52, %add3A_56 : vector<128x10xf32>
    %swap3A = arith.constant 0 : index
    %swap3A_58 = arith.constant 0 : index
    %swap3A_59 = vector.load %arg8[%swap3A, %swap3A_58] : memref<128x10xf32, #tpu.memory_space<vmem>>, vector<128x10xf32>
    tpu.vector_store %arg8[%swap3A, %swap3A_58], %add3A_57 {strides = array<i32>} : memref<128x10xf32, #tpu.memory_space<vmem>>, vector<128x10xf32>,
    return
  }
}

</mosaic_0001>

<sc_bundles>
// kernel: kernel.21.cloned.1.call-start
scs
__scs_entry_jumppad:
0x0: {  	(pc) =	sbr.rel $0x88, $3  }
0x1: {  	(tag) =	ssettag $0x0;
	lr =	simm.s32 $0x1  }
0x2: {  	[smem:$0x3F76] =	sst lr;
	_ =	strace $0xD0000000  }
0x3: {  	_ = 	snop  }
0x4: {  	_ = 	snop  }
0x5: {  	_ = 	snop  }
0x6: {  	_ = 	snop  }
0x7: {  	_ = 	snop  }
__scs_overlays_trampoline_lowered:
0x8: {  	[smem:$0x3F85] =	sst s0  }
0x9: {  	[smem:$0x3F86] =	sst s1  }
0xa: {  	[smem:$0x3F87] =	sst s2  }
0xb: {  	[smem:$0x3F88] =	sst s3  }
0xc: {  	[smem:$0x3F89] =	sst s4  }
0xd: {  	[smem:$0x3F8A] =	sst s5  }
0xe: {  	[smem:$0x3F8B] =	sst s6  }
0xf: {  	[smem:$0x3F8C] =	sst s7  }
0x10: {  	[smem:$0x3F8D] =	sst s8  }
0x11: {  	[smem:$0x3F8E] =	sst s9;
	s0 =	simm.s32 @!p0 $0x0  }
0x12: {  	s1 =	sld [smem:$0x3F74];
	s0 =	simm.s32 @p0 $0x1  }
0x13: {  	[smem:$0x3F8F] =	sst s0;
	s0 =	simm.s32 @!p1 $0x0  }
0x14: {  	s2 =	sld [smem:$0x3F73];
	s0 =	simm.s32 @p1 $0x1  }
0x15: {  	[smem:$0x3F90] =	sst s0;
	s0 =	simm.s32 @!p2 $0x0  }
0x16: {  	s3 =	sld [smem:$0x3FDB];
	s0 =	simm.s32 @p2 $0x1  }
0x17: {  	s4 =	simm.s32 $0x1BF5;
	[smem:$0x3F92] =	sst s0  }
0x18: {  	s0 =	sld [smem:$0x3F75];
	_ =	swait.ge [sflag:s4], $0x0  }
0x19: {  	s7 =	sld [smem:$0x3F76]  }
0x1a: {  	s8 =	sadd.s32 $0xFFFFE003, lr  }
0x1b: {  	s9 =	sadd.s32 $0xFFFFFEF7, lr;
	s5 =	simm.s32 $0xFFFFFFFF;
	p2 =	slt.u32 s8, $0xFFFFF086  }
0x1c: {  	p1 =	slt.u32 s9, $0xF7A;
	s5 =	simm.s32 @!p2 $0x0  }
0x1d: {  	s5 =	simm.s32 @p1 $0x1;
	p0 =	seq.s32 s7, s2  }
0x1e: {  	s7 =	smul.u32 @!p0 $0xF7A, s2;
	p2 =	seq.s32 @!p0 s5, $0x0  }
0x1f: {  	s9 =	smul.u32 $0xF7A, s1;
	s8 =	simm.s32 @!p0 $0x1BF5;
	p2 =	por !p2, p0  }
0x20: {  	[sflag:s8] =	ssyncset.s32 @!p0 $0xFFFFF086;
	s6 =	sadd.s32 @!p0 s3, s7;
	s7 =	simm.s32 @!p0 $0x108  }
0x21: {  	s3 =	sadd.s32 s3, s9;
	s6 =	sadd.s32 @!p0 $0x88, s6;
	s7 =	simm.s32 @p2 $0x1082  }
0x22: {  	[simem:s7], [sflag:s8] =	dma.local @!p0 [hbm:s6], $0xF7A  }
0x23: {  	s9 =	sor.u32 $0xD0000000, s2;
	s6 =	simm.s32 $0x108;
	_ =	swait.ge @!p0 [sflag:s8], $0x0  }
0x24: {  	s3 =	sadd.s32 $0x88, s3;
	s6 =	simm.s32 @!p1 $0x1082;
	[sflag:s4] =	ssyncset.s32 $0xFFFFF086  }
0x25: {  	[simem:s6], [sflag:s4] =	dma.local [hbm:s3], $0xF7A  }
0x26: {  	[smem:$0x3F76] =	sst s1;
	(tag) =	ssettag s2;
	_ =	strace s9  }
0x27: {  	s1 =	sld [smem:$0x3F86]  }
0x28: {  	s2 =	sld [smem:$0x3F87]  }
0x29: {  	s4 =	sld [smem:$0x3F89]  }
0x2a: {  	p0 =	seq.s32 s5, $0x0;
	s5 =	sld [smem:$0x3F8A]  }
0x2b: {  	s6 =	sld [smem:$0x3F8B]  }
0x2c: {  	s7 =	sld [smem:$0x3F8C]  }
0x2d: {  	s3 =	simm.s32 $0x108;
	s8 =	sld [smem:$0x3F8D]  }
0x2e: {  	s3 =	simm.s32 @!p0 $0x1082;
	s9 =	sld [smem:$0x3F8E]  }
0x2f: {  	lr =	sadd.s32 s0, s3;
	s0 =	sld [smem:$0x3F85]  }
0x30: {  	s3 =	sld [smem:$0x3F88]  }
0x31: {  	[smem:$0x3F91] =	sst s10  }
0x32: {  	s10 =	sld [smem:$0x3F8F];
	_ =	sdelay $0x3  }
0x33: {  	p0 =	seq.s32 s10, $0x1;
	s10 =	sld [smem:$0x3F91];
	_ =	sdelay $0x3  }
0x34: {  	[smem:$0x3F91] =	sst s10  }
0x35: {  	s10 =	sld [smem:$0x3F90];
	_ =	sdelay $0x3  }
0x36: {  	p1 =	seq.s32 s10, $0x1;
	s10 =	sld [smem:$0x3F91];
	_ =	sdelay $0x3  }
0x37: {  	[smem:$0x3F91] =	sst s10  }
0x38: {  	s10 =	sld [smem:$0x3F92]  }
0x39: {  	_ = 	snop;
	(pc) =	sbr.ind lr, $3  }
0x3a: {  	_ = 	snop  }
0x3b: {  	_ = 	snop  }
0x3c: {  	p2 =	seq.s32 s10, $0x1;
	s10 =	sld [smem:$0x3F91]  }
0x3d: {  	_ =	shalt  }
0x3e: {  	_ =	shalt  }
0x3f: {  	_ =	shalt  }
0x40: {  	_ =	shalt  }
0x41: {  	_ =	shalt  }
0x42: {  	_ =	shalt  }
0x43: {  	_ =	shalt  }
0x44: {  	_ =	shalt  }
0x45: {  	_ =	shalt  }
0x46: {  	_ =	shalt  }
0x47: {  	_ =	shalt  }
0x48: {  	_ =	shalt  }
0x49: {  	_ =	shalt  }
0x4a: {  	_ =	shalt  }
0x4b: {  	_ =	shalt  }
0x4c: {  	_ =	shalt  }
0x4d: {  	_ =	shalt  }
0x4e: {  	_ =	shalt  }
0x4f: {  	_ =	shalt  }
0x50: {  	_ =	shalt  }
0x51: {  	_ =	shalt  }
0x52: {  	_ =	shalt  }
0x53: {  	_ =	shalt  }
0x54: {  	_ =	shalt  }
0x55: {  	_ =	shalt  }
0x56: {  	_ =	shalt  }
0x57: {  	_ =	shalt  }
0x58: {  	_ =	shalt  }
0x59: {  	_ =	shalt  }
0x5a: {  	_ =	shalt  }
0x5b: {  	_ =	shalt  }
0x5c: {  	_ =	shalt  }
0x5d: {  	_ =	shalt  }
0x5e: {  	_ =	shalt  }
0x5f: {  	_ =	shalt  }
0x60: {  	_ =	shalt  }
0x61: {  	_ =	shalt  }
0x62: {  	_ =	shalt  }
0x63: {  	_ =	shalt  }
0x64: {  	_ =	shalt  }
0x65: {  	_ =	shalt  }
0x66: {  	_ =	shalt  }
0x67: {  	_ =	shalt  }
0x68: {  	_ =	shalt  }
0x69: {  	_ =	shalt  }
0x6a: {  	_ =	shalt  }
0x6b: {  	_ =	shalt  }
0x6c: {  	_ =	shalt  }
0x6d: {  	_ =	shalt  }
0x6e: {  	_ =	shalt  }
0x6f: {  	_ =	shalt  }
0x70: {  	_ =	shalt  }
0x71: {  	_ =	shalt  }
0x72: {  	_ =	shalt  }
0x73: {  	_ =	shalt  }
0x74: {  	_ =	shalt  }
0x75: {  	_ =	shalt  }
0x76: {  	_ =	shalt  }
0x77: {  	_ =	shalt  }
0x78: {  	_ =	shalt  }
0x79: {  	_ =	shalt  }
0x7a: {  	_ =	shalt  }
0x7b: {  	_ =	shalt  }
0x7c: {  	_ =	shalt  }
0x7d: {  	_ =	shalt  }
0x7e: {  	_ =	shalt  }
0x7f: {  	_ =	shalt  }
0x80: {  	_ =	shalt  }
0x81: {  	_ =	shalt  }
0x82: {  	_ =	shalt  }
0x83: {  	_ =	shalt  }
0x84: {  	_ =	shalt  }
0x85: {  	_ =	shalt  }
0x86: {  	_ =	shalt  }
0x87: {  	_ =	shalt  }
.Lfunc_end0:
.L_simem_size_0:
called_computation_lowered:
.L_overlay_start_0:
0x88: {  	s2 =	sld [smem:$0x3FD9]  }
0x89: {  	s3 =	sld [smem:$0x3FFE];
	_ =	sdelay $0x1  }
0x8a: {  	s1 =	srdreg.scid  }
0x8b: {  	s0 =	sand.u32 $0x1, s1  }
0x8c: {  	s16 =	sshll.u32 s0, $0xA;
	s2 =	sadd.s32 s3, s2  }
0x8d: {  	s2 =	sadd.s32 s2, s16  }
0x8e: {  	[smem:$0x3F9D] =	sst s2  }
0x8f: {  	_ = 	snop  }
0x90: {  	(tm) =	ssettm $0x1  }
0x91: {  	s17 =	sld [smem:$0x3FFB];
	_ =	sdelay $0x3  }
0x92: {  	_ =	strace s17  }
0x93: {  	s2 =	sld [smem:$0x3FFC];
	_ =	sdelay $0x3  }
0x94: {  	_ =	strace s2  }
0x95: {  	s2 =	sld [smem:$0x3FFD];
	_ =	sdelay $0x3  }
0x96: {  	_ =	strace s2  }
0x97: {  	_ =	strace $0x8FFFFFFF  }
0x98: {  	s18 =	sld [smem:$0x3FDB];
	_ =	sdelay $0x1  }
0x99: {  	s19 =	simm.s32 $_scs_section_size  }
0x9a: {  	s4 =	simm.s32 $_size__tile_overlayer_lowered;
	s5 =	simm.s32 $_tile_overlayer_lowered  }
0x9b: {  	s22 =	simm.s32 $0x1BFF;
	s21 =	sshll.u32 s5, $0x1;
	s2 =	sadd.s32 s19, s18  }
0x9c: {  	s6 =	simm.s32 $0x0;
	s20 =	sshll.u32 s4, $0x1;
	s4 =	sadd.s32 s21, s2  }
0x9d: {  	[timem:s6], [sflag:s22] =	dma.local [hbm:s4], s20  }
0x9e: {  	_ =	swait.ge [sflag:s22], s20  }
0x9f: {  	s3 =	ssub.s32 $0x0, s20;
	[sflag:s22] =	ssyncset.done $0x0  }
0xa0: {  	[sflag:s22] =	ssyncadd.s32 s3;
	_ =	sdelay $0x1  }
0xa1: {  	s23 =	simm.s32 $0x1B8B  }
0xa2: {  	_ =	swait.ge [sflag:s23], $0x1  }
0xa3: {  	[sflag:s23] =	ssyncset.done $0x0  }
0xa4: {  	s25 =	simm.s32 $0x1B8E;
	s24 =	sld [smem:$0x3FFE];
	[sflag:s23] =	ssyncadd.s32 $0xFFFFFFFF  }
0xa5: {  	s26 =	simm.s32 $execute0_lowered;
	[smem:$0x3FD2] =	sst s25  }
0xa6: {  	s4 =	sshll.u32 s26, $0x1;
	_ =	strace $0x80000046;
	[dreg:$0x1] =	wrdreg $0xFFFFFFFF  }
0xa7: {  	s28 =	simm.s32 $_size_execute0_lowered;
	s2 =	sadd.s32 s2, s4;
	[dreg:$0x0] =	wrdreg $0x0  }
0xa8: {  	s4 =	sshll.u32 s28, $0x1;
	[dreg:$0x2] =	wrdreg s2  }
0xa9: {  	[dreg:$0x3] =	wrdreg s4  }
0xaa: {  	[dreg:$0x4] =	wrdreg $0xC0  }
0xab: {  	_ =	task [dreg:s6], $0x5FFFF  }
0xac: {  	[dreg:$0x1] =	wrdreg $0xFFFFFFFF  }
0xad: {  	[dreg:$0x0] =	wrdreg $0x60  }
0xae: {  	[dreg:$0x2] =	wrdreg s24  }
0xaf: {  	[dreg:$0x3] =	wrdreg $0x50000  }
0xb0: {  	[dreg:$0x4] =	wrdreg $0x9  }
0xb1: {  	_ =	task.clear_ibuf [dreg:s6], $0x5FFFF;
	_ =	strace $0x90000046  }
0xb2: {  	s29 =	simm.s32 $0x9;
	_ =	strace $0x80000048  }
0xb3: {  	_ =	swait.ge [sflag:s29], $0x1  }
0xb4: {  	[sflag:s29] =	ssyncadd.s32 $0xFFFFFFFF  }
0xb5: {  	_ =	strace $0x90000048  }
0xb6: {  	_ =	sfence  }
0xb7: {  	s30 =	sld [smem:$0x0];
	_ =	sdelay $0x2  }
0xb8: {  	s31 =	sshll.u32 s1, $0xD;
	s1 =	sshrl.u32 s1, $0x2  }
0xb9: {  	s3 =	sand.u32 $0x4000, s31;
	s1 =	sadd.s32 s1, s30  }
0xba: {  	s0 =	sor.u32 s3, s0;
	s1 =	sshll.u32 s1, $0x11  }
0xbb: {  	s0 =	sor.u32 s1, s0  }
0xbc: {  	s0 =	sadd.s32 $0x8F2B, s0  }
0xbd: {  	[sflag:s0] =	ssyncadd.remote.s32 $0x1  }
0xbe: {  	_ =	sfence.sel $0xFFFF  }
0xbf: {  	[dreg:$0x0] =	wrdreg $0xFFFFFFFF;
	(pc) =	sbr.abs _section_cstart, $3  }
0xc0: {  	[dreg:$0x1] =	wrdreg $0xFFFFFFFF  }
0xc1: {  	_ =	task.clear_ibuf [dreg:s6], $0x2FFFF;
	_ =	strace $0x9FFFFFFF  }
0xc2: {  	(tm) =	ssettm $0x7FFFFFFF  }
0xc3: {  	_ =	shalt  }
tec
execute0_lowered:
.L_overlay_start_1:
0x0: {  	(tag) =	ssettag $0x1  }
0x1: {  	s0 =	rddreg [dreg:$0x0]  }
0x2: {  	s1 =	rddreg [dreg:$0x1];
	s2 =	simm.s32 $0x0;
	s3 =	srdreg.scid  }
0x3: {  	s23 =	stileid.u32;
	s15 =	simm.s32 $0x4800;
	s16 =	simm.s32 $0x2  }
0x4: {  	s28 =	simm.s32 $0x2800;
	s30 =	simm.s32 $0x3000;
	s29 =	simm.s32 $0x780  }
0x5: {  	[smem:$0x7FF] =	sst s2;
	s3 =	sand.u32 $0x1, s3;
	s7 =	smul.u32 $0x1880, s23  }
0x6: {  	s4 =	sadd.s32 $0x9400, s0;
	s5 =	sadd.s32 $0x9D000, s0;
	s12 =	smul.u32 $0x62000, s23  }
0x7: {  	s6 =	sadd.s32 $0x6B000, s0;
	s0 =	sadd.s32 $0xCF000, s0;
	s24 =	smul.u32 $0x3100, s23  }
0x8: {  	s21 =	sadd.s32 $0x16F800, s1;
	p0 =	seq.s32 s23, $0xF;
	s11 =	smul.u32 $0x186A0, s3  }
0x9: {  	s31 =	simm.s32 $0x0;
	_ =	strace $0x80000047;
	s10 =	smul.u32 $0x186A00, s3  }
0xa: {  	s8 =	ssub.s32 $0x2, s3;
	s3 =	smul.u32 $0x30D40, s3;
	s26 =	sshrl.u32 s21, $0x3  }
0xb: {  	s21 =	simm.s32 $0x600;
	s9 =	sshrl.u32 s8, $0x1;
	s19 =	sshrl.u32 s12, $0x2  }
0xc: {  	[dreg:$0x7] =	wrdreg s26;
	s26 =	simm.s32 $0x700;
	s7 =	sadd.s32 s7, s11  }
0xd: {  	s8 =	ssub.s32 s8, s9;
	s18 =	sshrl.u32 s10, $0x3;
	s10 =	simm.s32 $0x1  }
0xe: {  	v0 =	vmov s11;
	s11 =	simm.s32 $0x0;
	s17 =	sshll.u32 s7, $0x1;
	s7 =	smul.u32 $0x19000, s23  }
0xf: {  	s20 =	sadd.s32 s0, s18;
	s25 =	smax.u32 s8, $0x1;
	s18 =	simm.s32 $0x80  }
0x10: {  	s8 =	simm.s32 $0x4000;
	s23 =	simm.s32 $0x680;
	s9 =	sadd.s32 s0, s17  }
0x11: {  	s22 =	sadd.s32 $0x2DF00, s20;
	s12 =	sadd.s32 $0x30D00, s20;
	[dreg:$0x6] =	wrdreg s25  }
.Ltmp0:
0x12: {  	s0 =	sadd.s32 s3, s0;
	[dreg:$0x3] =	wrdreg s9;
	(pc) =	sbr.rel .LBB2_1-.Ltmp0, $4  }
0x13: {  	s17 =	simm.s32 $0x400;
	s20 =	simm.s32 $0x1000;
	[dreg:$0x4] =	wrdreg s22  }
0x14: {  	s25 =	simm.s32 $0x2000;
	s9 =	sadd.s32 s19, s1;
	[dreg:$0x5] =	wrdreg s12  }
0x15: {  	s13 =	sadd.s32 s24, s0;
	s14 =	sadd.s32 $0x2DF00, s0;
	s19 =	simm.s32 $0x800  }
0x16: {  	v1 =	vimm.f32 $0.0e+00;
	s22 =	simm.s32 $0x1800;
	s0 =	simm.s32 $0x3800;
	s12 =	simm.s32 $0x580  }
.LBB2_16:
0x17: {  	s11 =	sadd.s32 $0x1, s11;
	s3 =	rddreg [dreg:$0x6]  }
0x18: {  	p1 =	sne.s32 s11, s3  }
.Ltmp1:
0x19: {  	_ = 	snop;
	(pc) =	sbr.rel @!p1 .LBB2_17-.Ltmp1, $1  }
0x1a: {  	_ =	sdelay $0x3  }
.LBB2_1:
0x1b: {  	[dreg:$0x8] =	wrdreg s11;
	s3 =	simm.s32 $0x0  }
.LBB2_2:
0x1c: {  	p1 =	sne.s32 s3, $0x1FC0  }
.Ltmp2:
0x1d: {  	_ = 	snop;
	(pc) =	sbr.rel @p1 .LBB2_2-.Ltmp2, $3  }
0x1e: {  	_ =	sdelay $0x1  }
0x1f: {  	s11 =	sshra.s32 s3, $0x2  }
0x20: {  	s3 =	sadd.s32 $0x40, s3;
	[tilespmem:s11+$0x4800] =	vst v1  }
0x21: {  	s3 =	sadd.s32 $0x0, s9  }
0x22: {  	[spmem:s3] =	stream.linear.scatter [tilespmem:s15], [sflag:$0x2], $0x800, $0x38;
	[tilespmem:$0x1D800] =	vst v63  }
0x23: {  	s3 =	simm.s32 $0x2000;
	_ =	swait.ge [sflag:s16], $0x800  }
.LBB2_4:
0x24: {  	s11 =	sshra.s32 s3, $0x2;
	[sflag:s16] =	ssyncset.done $0x0;
	p1 =	sne.s32 s3, $0x60000  }
.Ltmp3:
0x25: {  	s11 =	sadd.s32 s11, s9;
	[sflag:s16] =	ssyncadd.s32 $0xFFFFF800;
	(pc) =	sbr.rel @p1 .LBB2_4-.Ltmp3, $3  }
0x26: {  	[spmem:s11] =	stream.linear.scatter [tilespmem:s15], [sflag:$0x2], $0x800, $0x38;
	[tilespmem:$0x1D800] =	vst v63  }
0x27: {  	s3 =	sadd.s32 $0x2000, s3;
	_ =	sdelay $0x1  }
0x28: {  	_ =	swait.ge [sflag:s16], $0x800  }
0x29: {  	[sflag:s16] =	ssyncset.done $0x0  }
0x2a: {  	[sflag:s16] =	ssyncadd.s32 $0xFFFFF800  }
0x2b: {  	s3 =	simm.s32 $0x0;
	[bflag:$0x0] =	sbarrier.arrive $0xFFFF  }
.LBB2_6:
0x2c: {  	s11 =	sshll.u32 s3, $0xA  }
0x2d: {  	s11 =	sadd.s32 s7, s11  }
0x2e: {  	s11 =	sshrl.u32 s11, $0x3  }
0x2f: {  	s24 =	sadd.s32 s5, s11  }
0x30: {  	[tilespmem:s31], [sflag:$0x2] =	stream.linear.gather [hbm4b:s24+s31], $0x400, $0x38;
	[tilespmem:$0x1D800] =	vst v63  }
0x31: {  	_ =	swait.ge [sflag:s16], $0x400  }
0x32: {  	[sflag:s16] =	ssyncset.done $0x0  }
0x33: {  	s11 =	sadd.s32 s6, s11;
	[sflag:s16] =	ssyncadd.s32 $0xFFFFFC00  }
0x34: {  	[tilespmem:s17], [sflag:$0x2] =	stream.linear.gather [hbm4b:s11+s31], $0x400, $0x38;
	[tilespmem:$0x1D800] =	vst v63  }
0x35: {  	_ =	swait.ge [sflag:s16], $0x400  }
0x36: {  	[sflag:s16] =	ssyncset.done $0x0  }
0x37: {  	s24 =	simm.s32 $0x40;
	s11 =	simm.s32 $0x0;
	[sflag:s16] =	ssyncadd.s32 $0xFFFFFC00  }
.LBB2_7:
0x38: {  	p1 =	sne.s32 s24, $0xFC0;
	v2 =	vld [tilespmem:s11+$0x0];
	_ =	sdelay $0x1  }
.Ltmp4:
0x39: {  	(pc) =	sbr.rel @p1 .LBB2_7-.Ltmp4, $3  }
0x3a: {  	_ =	sdelay $0x1  }
0x3b: {  	v2 =	vadd.s32 v0, v2  }
0x3c: {  	[tilespmem:s11+$0x0] =	vst v2;
	s11 =	sshra.s32 s24, $0x2;
	s24 =	sadd.s32 $0x40, s24  }
0x3d: {  	v2 =	vld [tilespmem:s11+$0x0];
	_ =	sdelay $0x4  }
0x3e: {  	v2 =	vadd.s32 v0, v2  }
0x3f: {  	[tilespmem:s11+$0x0] =	vst v2  }
0x40: {  	[tilespmem:s19], [sflag:$0x1] =	stream.indirect.gather [hbm4b:s4+s18], $0x10, s2, s18, $0xb8;
	[tilespmem:$0x1D800] =	vst v63  }
0x41: {  	_ = 	snop  }
0x42: {  	[tilespmem:s20], [sflag:$0x1] =	stream.indirect.gather [hbm4b:s4+s18], $0x10, s18, s18, $0xb8;
	[tilespmem:$0x1D800] =	vst v63  }
0x43: {  	s24 =	simm.s32 $0x100  }
0x44: {  	[tilespmem:s22], [sflag:$0x1] =	stream.indirect.gather [hbm4b:s4+s18], $0x10, s24, s18, $0xb8;
	[tilespmem:$0x1D800] =	vst v63  }
0x45: {  	s24 =	simm.s32 $0x180  }
0x46: {  	[tilespmem:s25], [sflag:$0x1] =	stream.indirect.gather [hbm4b:s4+s18], $0x10, s24, s18, $0xb8;
	[tilespmem:$0x1D800] =	vst v63  }
0x47: {  	s24 =	simm.s32 $0x200  }
0x48: {  	[tilespmem:s28], [sflag:$0x1] =	stream.indirect.gather [hbm4b:s4+s18], $0x10, s24, s18, $0xb8;
	[tilespmem:$0x1D800] =	vst v63  }
0x49: {  	s24 =	simm.s32 $0x280  }
0x4a: {  	[tilespmem:s30], [sflag:$0x1] =	stream.indirect.gather [hbm4b:s4+s18], $0x10, s24, s18, $0xb8;
	[tilespmem:$0x1D800] =	vst v63  }
0x4b: {  	s24 =	simm.s32 $0x300  }
0x4c: {  	[tilespmem:s0], [sflag:$0x1] =	stream.indirect.gather [hbm4b:s4+s18], $0x10, s24, s18, $0xb8;
	[tilespmem:$0x1D800] =	vst v63  }
0x4d: {  	s24 =	simm.s32 $0x380  }
0x4e: {  	[tilespmem:s8], [sflag:$0x1] =	stream.indirect.gather [hbm4b:s4+s18], $0x10, s24, s18, $0xb8;
	[tilespmem:$0x1D800] =	vst v63  }
0x4f: {  	_ =	swait.ge [sflag:s10], $0x800  }
0x50: {  	[sflag:s10] =	ssyncset.done $0x0  }
0x51: {  	[sflag:s10] =	ssyncadd.s32 $0xFFFFF800  }
0x52: {  	_ =	swait.ge [sflag:s10], $0x800  }
0x53: {  	[sflag:s10] =	ssyncset.done $0x0  }
0x54: {  	[sflag:s10] =	ssyncadd.s32 $0xFFFFF800  }
0x55: {  	_ =	swait.ge [sflag:s10], $0x800  }
0x56: {  	[sflag:s10] =	ssyncset.done $0x0  }
0x57: {  	[sflag:s10] =	ssyncadd.s32 $0xFFFFF800  }
0x58: {  	_ =	swait.ge [sflag:s10], $0x800  }
0x59: {  	[sflag:s10] =	ssyncset.done $0x0  }
0x5a: {  	[sflag:s10] =	ssyncadd.s32 $0xFFFFF800  }
0x5b: {  	_ =	swait.ge [sflag:s10], $0x800  }
0x5c: {  	[sflag:s10] =	ssyncset.done $0x0  }
0x5d: {  	[sflag:s10] =	ssyncadd.s32 $0xFFFFF800  }
0x5e: {  	_ =	swait.ge [sflag:s10], $0x800  }
0x5f: {  	[sflag:s10] =	ssyncset.done $0x0  }
0x60: {  	[sflag:s10] =	ssyncadd.s32 $0xFFFFF800  }
0x61: {  	_ =	swait.ge [sflag:s10], $0x800  }
0x62: {  	[sflag:s10] =	ssyncset.done $0x0  }
0x63: {  	[sflag:s10] =	ssyncadd.s32 $0xFFFFF800  }
0x64: {  	_ =	swait.ge [sflag:s10], $0x800  }
0x65: {  	[sflag:s10] =	ssyncset.done $0x0  }
0x66: {  	[sflag:s10] =	ssyncadd.s32 $0xFFFFF800  }
0x67: {  	[spmem:s1] =	stream.indirect.scatter.add.f32 [tilespmem:s19], [sflag:$0x2], $0x10, s17, s18, $0xb8;
	[tilespmem:$0x1D800] =	vst v63  }
0x68: {  	_ =	swait.ge [sflag:s16], $0x800  }
0x69: {  	[sflag:s16] =	ssyncset.done $0x0  }
0x6a: {  	s24 =	simm.s32 $0x480;
	[sflag:s16] =	ssyncadd.s32 $0xFFFFF800  }
0x6b: {  	[spmem:s1] =	stream.indirect.scatter.add.f32 [tilespmem:s20], [sflag:$0x2], $0x10, s24, s18, $0xb8;
	[tilespmem:$0x1D800] =	vst v63  }
0x6c: {  	_ =	swait.ge [sflag:s16], $0x800  }
0x6d: {  	[sflag:s16] =	ssyncset.done $0x0  }
0x6e: {  	s24 =	simm.s32 $0x500;
	[sflag:s16] =	ssyncadd.s32 $0xFFFFF800  }
0x6f: {  	[spmem:s1] =	stream.indirect.scatter.add.f32 [tilespmem:s22], [sflag:$0x2], $0x10, s24, s18, $0xb8;
	[tilespmem:$0x1D800] =	vst v63  }
0x70: {  	_ =	swait.ge [sflag:s16], $0x800  }
0x71: {  	[sflag:s16] =	ssyncset.done $0x0  }
0x72: {  	[sflag:s16] =	ssyncadd.s32 $0xFFFFF800  }
0x73: {  	[spmem:s1] =	stream.indirect.scatter.add.f32 [tilespmem:s25], [sflag:$0x2], $0x10, s12, s18, $0xb8;
	[tilespmem:$0x1D800] =	vst v63  }
0x74: {  	_ =	swait.ge [sflag:s16], $0x800  }
0x75: {  	[sflag:s16] =	ssyncset.done $0x0  }
0x76: {  	[sflag:s16] =	ssyncadd.s32 $0xFFFFF800  }
0x77: {  	[spmem:s1] =	stream.indirect.scatter.add.f32 [tilespmem:s28], [sflag:$0x2], $0x10, s21, s18, $0xb8;
	[tilespmem:$0x1D800] =	vst v63  }
0x78: {  	_ =	swait.ge [sflag:s16], $0x800  }
0x79: {  	[sflag:s16] =	ssyncset.done $0x0  }
0x7a: {  	[sflag:s16] =	ssyncadd.s32 $0xFFFFF800  }
0x7b: {  	[spmem:s1] =	stream.indirect.scatter.add.f32 [tilespmem:s30], [sflag:$0x2], $0x10, s23, s18, $0xb8;
	[tilespmem:$0x1D800] =	vst v63  }
0x7c: {  	_ =	swait.ge [sflag:s16], $0x800  }
0x7d: {  	[sflag:s16] =	ssyncset.done $0x0  }
0x7e: {  	[sflag:s16] =	ssyncadd.s32 $0xFFFFF800  }
0x7f: {  	[spmem:s1] =	stream.indirect.scatter.add.f32 [tilespmem:s0], [sflag:$0x2], $0x10, s26, s18, $0xb8;
	[tilespmem:$0x1D800] =	vst v63  }
0x80: {  	s3 =	sadd.s32 $0x1, s3;
	_ =	swait.ge [sflag:s16], $0x800  }
0x81: {  	p1 =	sne.s32 s3, $0x64;
	[sflag:s16] =	ssyncset.done $0x0  }
.Ltmp5:
0x82: {  	[sflag:s16] =	ssyncadd.s32 $0xFFFFF800;
	(pc) =	sbr.rel @p1 .LBB2_6-.Ltmp5, $4  }
0x83: {  	[spmem:s1] =	stream.indirect.scatter.add.f32 [tilespmem:s8], [sflag:$0x2], $0x10, s29, s18, $0xb8;
	[tilespmem:$0x1D800] =	vst v63  }
0x84: {  	_ =	swait.ge [sflag:s16], $0x800  }
0x85: {  	[sflag:s16] =	ssyncset.done $0x0  }
0x86: {  	[sflag:s16] =	ssyncadd.s32 $0xFFFFF800  }
.Ltmp6:
0x87: {  	(pc) =	sbr.rel @!p0 .LBB2_10-.Ltmp6, $2  }
0x88: {  	_ =	sdelay $0x1  }
0x89: {  	[bflag:$0x0] =	sbarrier.arrive $0xFFFF;
	_ =	sdelay $0x1  }
0x8a: {  	s3 =	rddreg [dreg:$0x4]  }
0x8b: {  	s11 =	rddreg [dreg:$0x7];
	s24 =	simm.s32 $0x1FC2  }
0x8c: {  	[hbm:s3], [sflag:s24] =	dma.local [spmem:s11], $0x2E40  }
0x8d: {  	_ =	swait.ge [sflag:s16], $0x2E40  }
0x8e: {  	[sflag:s16] =	ssyncset.done $0x0  }
0x8f: {  	s24 =	sadd.s32 $0x0, s14;
	[sflag:s16] =	ssyncadd.s32 $0xFFFFD1C0  }
0x90: {  	[tilespmem:s15], [sflag:$0x2] =	stream.linear.gather [hbm4b:s24+s2], $0x800, $0x38;
	[tilespmem:$0x1D800] =	vst v63  }
0x91: {  	_ =	swait.ge [sflag:s16], $0x800  }
0x92: {  	s3 =	simm.s32 $0x100;
	[sflag:s16] =	ssyncset.done $0x0  }
.LBB2_14:
0x93: {  	s11 =	sadd.s32 s3, s14;
	[sflag:s16] =	ssyncadd.s32 $0xFFFFF800;
	p1 =	sne.s32 s3, $0x2D00  }
0x94: {  	[tilespmem:s15], [sflag:$0x2] =	stream.linear.gather [hbm4b:s11+s2], $0x800, $0x38;
	[tilespmem:$0x1D800] =	vst v63  }
.Ltmp7:
0x95: {  	_ = 	snop;
	(pc) =	sbr.rel @p1 .LBB2_14-.Ltmp7, $4  }
0x96: {  	_ = 	snop  }
0x97: {  	s3 =	sadd.s32 $0x100, s3  }
0x98: {  	_ =	swait.ge [sflag:s16], $0x800  }
0x99: {  	[sflag:s16] =	ssyncset.done $0x0  }
.Ltmp8:
0x9a: {  	[sflag:s16] =	ssyncadd.s32 $0xFFFFF800;
	s3 =	rddreg [dreg:$0x5];
	(pc) =	sbr.rel .LBB2_16-.Ltmp8, $4  }
0x9b: {  	[tilespmem:s15], [sflag:$0x2] =	stream.linear.gather [hbm4b:s3+s2], $0x200, $0x38;
	[tilespmem:$0x1D800] =	vst v63  }
0x9c: {  	_ =	swait.ge [sflag:s16], $0x200  }
0x9d: {  	[sflag:s16] =	ssyncset.done $0x0  }
0x9e: {  	s11 =	rddreg [dreg:$0x8];
	[sflag:s16] =	ssyncadd.s32 $0xFFFFFE00  }
.LBB2_10:
0x9f: {  	s3 =	stileid.u32  }
0xa0: {  	s3 =	sshll.u32 s3, $0x6  }
0xa1: {  	s11 =	sshrl.u32 s9, $0x3;
	s24 =	rddreg [dreg:$0x3];
	s3 =	sor.u32 $0x1C02, s3  }
0xa2: {  	[hbm:s24], [sflag:s3] =	dma.local [spmem:s11], $0x3100  }
0xa3: {  	_ =	swait.ge [sflag:s16], $0x3100  }
0xa4: {  	[sflag:s16] =	ssyncset.done $0x0  }
0xa5: {  	s24 =	sadd.s32 $0x0, s13;
	[sflag:s16] =	ssyncadd.s32 $0xFFFFCF00  }
0xa6: {  	[tilespmem:s15], [sflag:$0x2] =	stream.linear.gather [hbm4b:s24+s2], $0x800, $0x38;
	[tilespmem:$0x1D800] =	vst v63  }
0xa7: {  	_ =	swait.ge [sflag:s16], $0x800  }
0xa8: {  	s3 =	simm.s32 $0x100;
	[sflag:s16] =	ssyncset.done $0x0  }
.LBB2_11:
0xa9: {  	s11 =	sadd.s32 s3, s13;
	[sflag:s16] =	ssyncadd.s32 $0xFFFFF800;
	p1 =	seq.s32 s3, $0x3000  }
0xaa: {  	[tilespmem:s15], [sflag:$0x2] =	stream.linear.gather [hbm4b:s11+s2], $0x800, $0x38;
	[tilespmem:$0x1D800] =	vst v63  }
.Ltmp9:
0xab: {  	_ = 	snop;
	(pc) =	sbr.rel @!p1 .LBB2_11-.Ltmp9, $4  }
0xac: {  	_ = 	snop  }
0xad: {  	s3 =	sadd.s32 $0x100, s3  }
0xae: {  	_ =	swait.ge [sflag:s16], $0x800  }
0xaf: {  	[sflag:s16] =	ssyncset.done $0x0  }
.Ltmp10:
0xb0: {  	(pc) =	sbr.rel .LBB2_16-.Ltmp10, $2  }
0xb1: {  	_ =	sdelay $0x2  }
0xb2: {  	[sflag:s16] =	ssyncadd.s32 $0xFFFFF800;
	s11 =	rddreg [dreg:$0x8]  }
.LBB2_17:
0xb3: {  	_ =	sfence.sel $0x180000  }
0xb4: {  	[bflag:$0x0] =	sbarrier.arrive $0xFFFF  }
0xb5: {  	_ =	strace $0x90000047  }
0xb6: {  	s0 =	stileid.u32;
	[bflag:$0x2] =	sbarrier.arrive $0xFFFF  }
0xb7: {  	p0 =	sne.s32 s0, $0x0;
	s0 =	rddreg [dreg:$0x2]  }
0xb8: {  	s0 =	sadd.s32 @!p0 $0x100000, s0  }
0xb9: {  	[sflag:s0] =	ssyncadd.tile.s32 @!p0 $0x1;
	_ =	shalt  }
.Lfunc_end2:
_tile_overlayer_lowered:
.L_overlay_start_2:
0xba: {  	(tag) =	ssettag $0x2  }
0xbb: {  	s0 =	rddreg [dreg:$0x0];
	s2 =	stileid.u32  }
0xbc: {  	s1 =	rddreg [dreg:$0x1];
	p0 =	sne.s32 s2, $0x0  }
0xbd: {  	s3 =	rddreg [dreg:$0x2];
	[bflag:$0x3] =	sbarrier.arrive $0xFFFF;
	s2 =	simm.s32 @!p0 $0x1C02  }
0xbe: {  	[timem:s3], [sflag:s2] =	dma.local @!p0 [hbm:s0], s1  }
0xbf: {  	s0 =	simm.s32 @!p0 $0x2  }
0xc0: {  	_ =	swait.ge @!p0 [sflag:s0], s1  }
0xc1: {  	s1 =	ssub.s32 @!p0 $0x0, s1;
	[sflag:s0] =	ssyncset.done @!p0 $0x0  }
0xc2: {  	[sflag:s0] =	ssyncadd.s32 @!p0 s1  }
0xc3: {  	[bflag:$0x3] =	sbarrier.arrive $0xFFFF  }
0xc4: {  	_ =	shalt  }

// kernel: kernel.24.cloned.1.call-start
scs
__scs_entry_jumppad:
0x0: {  	(pc) =	sbr.rel $0x88, $3  }
0x1: {  	(tag) =	ssettag $0x0;
	lr =	simm.s32 $0x1  }
0x2: {  	[smem:$0x3F76] =	sst lr;
	_ =	strace $0xD0000000  }
0x3: {  	_ = 	snop  }
0x4: {  	_ = 	snop  }
0x5: {  	_ = 	snop  }
0x6: {  	_ = 	snop  }
0x7: {  	_ = 	snop  }
__scs_overlays_trampoline_lowered:
0x8: {  	[smem:$0x3F85] =	sst s0  }
0x9: {  	[smem:$0x3F86] =	sst s1  }
0xa: {  	[smem:$0x3F87] =	sst s2  }
0xb: {  	[smem:$0x3F88] =	sst s3  }
0xc: {  	[smem:$0x3F89] =	sst s4  }
0xd: {  	[smem:$0x3F8A] =	sst s5  }
0xe: {  	[smem:$0x3F8B] =	sst s6  }
0xf: {  	[smem:$0x3F8C] =	sst s7  }
0x10: {  	[smem:$0x3F8D] =	sst s8  }
0x11: {  	[smem:$0x3F8E] =	sst s9;
	s0 =	simm.s32 @!p0 $0x0  }
0x12: {  	s1 =	sld [smem:$0x3F74];
	s0 =	simm.s32 @p0 $0x1  }
0x13: {  	[smem:$0x3F8F] =	sst s0;
	s0 =	simm.s32 @!p1 $0x0  }
0x14: {  	s2 =	sld [smem:$0x3F73];
	s0 =	simm.s32 @p1 $0x1  }
0x15: {  	[smem:$0x3F90] =	sst s0;
	s0 =	simm.s32 @!p2 $0x0  }
0x16: {  	s3 =	sld [smem:$0x3FDB];
	s0 =	simm.s32 @p2 $0x1  }
0x17: {  	s4 =	simm.s32 $0x1BF5;
	[smem:$0x3F92] =	sst s0  }
0x18: {  	s0 =	sld [smem:$0x3F75];
	_ =	swait.ge [sflag:s4], $0x0  }
0x19: {  	s7 =	sld [smem:$0x3F76]  }
0x1a: {  	s8 =	sadd.s32 $0xFFFFE003, lr  }
0x1b: {  	s9 =	sadd.s32 $0xFFFFFEF7, lr;
	s5 =	simm.s32 $0xFFFFFFFF;
	p2 =	slt.u32 s8, $0xFFFFF086  }
0x1c: {  	p1 =	slt.u32 s9, $0xF7A;
	s5 =	simm.s32 @!p2 $0x0  }
0x1d: {  	s5 =	simm.s32 @p1 $0x1;
	p0 =	seq.s32 s7, s2  }
0x1e: {  	s7 =	smul.u32 @!p0 $0xF7A, s2;
	p2 =	seq.s32 @!p0 s5, $0x0  }
0x1f: {  	s9 =	smul.u32 $0xF7A, s1;
	s8 =	simm.s32 @!p0 $0x1BF5;
	p2 =	por !p2, p0  }
0x20: {  	[sflag:s8] =	ssyncset.s32 @!p0 $0xFFFFF086;
	s6 =	sadd.s32 @!p0 s3, s7;
	s7 =	simm.s32 @!p0 $0x108  }
0x21: {  	s3 =	sadd.s32 s3, s9;
	s6 =	sadd.s32 @!p0 $0x88, s6;
	s7 =	simm.s32 @p2 $0x1082  }
0x22: {  	[simem:s7], [sflag:s8] =	dma.local @!p0 [hbm:s6], $0xF7A  }
0x23: {  	s9 =	sor.u32 $0xD0000000, s2;
	s6 =	simm.s32 $0x108;
	_ =	swait.ge @!p0 [sflag:s8], $0x0  }
0x24: {  	s3 =	sadd.s32 $0x88, s3;
	s6 =	simm.s32 @!p1 $0x1082;
	[sflag:s4] =	ssyncset.s32 $0xFFFFF086  }
0x25: {  	[simem:s6], [sflag:s4] =	dma.local [hbm:s3], $0xF7A  }
0x26: {  	[smem:$0x3F76] =	sst s1;
	(tag) =	ssettag s2;
	_ =	strace s9  }
0x27: {  	s1 =	sld [smem:$0x3F86]  }
0x28: {  	s2 =	sld [smem:$0x3F87]  }
0x29: {  	s4 =	sld [smem:$0x3F89]  }
0x2a: {  	p0 =	seq.s32 s5, $0x0;
	s5 =	sld [smem:$0x3F8A]  }
0x2b: {  	s6 =	sld [smem:$0x3F8B]  }
0x2c: {  	s7 =	sld [smem:$0x3F8C]  }
0x2d: {  	s3 =	simm.s32 $0x108;
	s8 =	sld [smem:$0x3F8D]  }
0x2e: {  	s3 =	simm.s32 @!p0 $0x1082;
	s9 =	sld [smem:$0x3F8E]  }
0x2f: {  	lr =	sadd.s32 s0, s3;
	s0 =	sld [smem:$0x3F85]  }
0x30: {  	s3 =	sld [smem:$0x3F88]  }
0x31: {  	[smem:$0x3F91] =	sst s10  }
0x32: {  	s10 =	sld [smem:$0x3F8F];
	_ =	sdelay $0x3  }
0x33: {  	p0 =	seq.s32 s10, $0x1;
	s10 =	sld [smem:$0x3F91];
	_ =	sdelay $0x3  }
0x34: {  	[smem:$0x3F91] =	sst s10  }
0x35: {  	s10 =	sld [smem:$0x3F90];
	_ =	sdelay $0x3  }
0x36: {  	p1 =	seq.s32 s10, $0x1;
	s10 =	sld [smem:$0x3F91];
	_ =	sdelay $0x3  }
0x37: {  	[smem:$0x3F91] =	sst s10  }
0x38: {  	s10 =	sld [smem:$0x3F92]  }
0x39: {  	_ = 	snop;
	(pc) =	sbr.ind lr, $3  }
0x3a: {  	_ = 	snop  }
0x3b: {  	_ = 	snop  }
0x3c: {  	p2 =	seq.s32 s10, $0x1;
	s10 =	sld [smem:$0x3F91]  }
0x3d: {  	_ =	shalt  }
0x3e: {  	_ =	shalt  }
0x3f: {  	_ =	shalt  }
0x40: {  	_ =	shalt  }
0x41: {  	_ =	shalt  }
0x42: {  	_ =	shalt  }
0x43: {  	_ =	shalt  }
0x44: {  	_ =	shalt  }
0x45: {  	_ =	shalt  }
0x46: {  	_ =	shalt  }
0x47: {  	_ =	shalt  }
0x48: {  	_ =	shalt  }
0x49: {  	_ =	shalt  }
0x4a: {  	_ =	shalt  }
0x4b: {  	_ =	shalt  }
0x4c: {  	_ =	shalt  }
0x4d: {  	_ =	shalt  }
0x4e: {  	_ =	shalt  }
0x4f: {  	_ =	shalt  }
0x50: {  	_ =	shalt  }
0x51: {  	_ =	shalt  }
0x52: {  	_ =	shalt  }
0x53: {  	_ =	shalt  }
0x54: {  	_ =	shalt  }
0x55: {  	_ =	shalt  }
0x56: {  	_ =	shalt  }
0x57: {  	_ =	shalt  }
0x58: {  	_ =	shalt  }
0x59: {  	_ =	shalt  }
0x5a: {  	_ =	shalt  }
0x5b: {  	_ =	shalt  }
0x5c: {  	_ =	shalt  }
0x5d: {  	_ =	shalt  }
0x5e: {  	_ =	shalt  }
0x5f: {  	_ =	shalt  }
0x60: {  	_ =	shalt  }
0x61: {  	_ =	shalt  }
0x62: {  	_ =	shalt  }
0x63: {  	_ =	shalt  }
0x64: {  	_ =	shalt  }
0x65: {  	_ =	shalt  }
0x66: {  	_ =	shalt  }
0x67: {  	_ =	shalt  }
0x68: {  	_ =	shalt  }
0x69: {  	_ =	shalt  }
0x6a: {  	_ =	shalt  }
0x6b: {  	_ =	shalt  }
0x6c: {  	_ =	shalt  }
0x6d: {  	_ =	shalt  }
0x6e: {  	_ =	shalt  }
0x6f: {  	_ =	shalt  }
0x70: {  	_ =	shalt  }
0x71: {  	_ =	shalt  }
0x72: {  	_ =	shalt  }
0x73: {  	_ =	shalt  }
0x74: {  	_ =	shalt  }
0x75: {  	_ =	shalt  }
0x76: {  	_ =	shalt  }
0x77: {  	_ =	shalt  }
0x78: {  	_ =	shalt  }
0x79: {  	_ =	shalt  }
0x7a: {  	_ =	shalt  }
0x7b: {  	_ =	shalt  }
0x7c: {  	_ =	shalt  }
0x7d: {  	_ =	shalt  }
0x7e: {  	_ =	shalt  }
0x7f: {  	_ =	shalt  }
0x80: {  	_ =	shalt  }
0x81: {  	_ =	shalt  }
0x82: {  	_ =	shalt  }
0x83: {  	_ =	shalt  }
0x84: {  	_ =	shalt  }
0x85: {  	_ =	shalt  }
0x86: {  	_ =	shalt  }
0x87: {  	_ =	shalt  }
.Lfunc_end0:
.L_simem_size_0:
called_computation.1_lowered:
.L_overlay_start_0:
0x88: {  	s2 =	sld [smem:$0x3FD9]  }
0x89: {  	s3 =	sld [smem:$0x3FFE];
	_ =	sdelay $0x1  }
0x8a: {  	s1 =	srdreg.scid  }
0x8b: {  	s0 =	sand.u32 $0x1, s1  }
0x8c: {  	s16 =	sshll.u32 s0, $0xA;
	s2 =	sadd.s32 s3, s2  }
0x8d: {  	s2 =	sadd.s32 s2, s16  }
0x8e: {  	[smem:$0x3F9D] =	sst s2  }
0x8f: {  	_ = 	snop  }
0x90: {  	(tm) =	ssettm $0x1  }
0x91: {  	s17 =	sld [smem:$0x3FFB];
	_ =	sdelay $0x3  }
0x92: {  	_ =	strace s17  }
0x93: {  	s2 =	sld [smem:$0x3FFC];
	_ =	sdelay $0x3  }
0x94: {  	_ =	strace s2  }
0x95: {  	s2 =	sld [smem:$0x3FFD];
	_ =	sdelay $0x3  }
0x96: {  	_ =	strace s2  }
0x97: {  	_ =	strace $0x8FFFFFFF  }
0x98: {  	s18 =	sld [smem:$0x3FDB];
	_ =	sdelay $0x1  }
0x99: {  	s19 =	simm.s32 $_scs_section_size  }
0x9a: {  	s4 =	simm.s32 $_size__tile_overlayer_lowered;
	s5 =	simm.s32 $_tile_overlayer_lowered  }
0x9b: {  	s22 =	simm.s32 $0x1BFF;
	s21 =	sshll.u32 s5, $0x1;
	s2 =	sadd.s32 s19, s18  }
0x9c: {  	s6 =	simm.s32 $0x0;
	s20 =	sshll.u32 s4, $0x1;
	s4 =	sadd.s32 s21, s2  }
0x9d: {  	[timem:s6], [sflag:s22] =	dma.local [hbm:s4], s20  }
0x9e: {  	_ =	swait.ge [sflag:s22], s20  }
0x9f: {  	s3 =	ssub.s32 $0x0, s20;
	[sflag:s22] =	ssyncset.done $0x0  }
0xa0: {  	[sflag:s22] =	ssyncadd.s32 s3;
	_ =	sdelay $0x1  }
0xa1: {  	s23 =	simm.s32 $0x1B8B  }
0xa2: {  	_ =	swait.ge [sflag:s23], $0x1  }
0xa3: {  	[sflag:s23] =	ssyncset.done $0x0  }
0xa4: {  	s25 =	simm.s32 $0x1B8E;
	s24 =	sld [smem:$0x3FFE];
	[sflag:s23] =	ssyncadd.s32 $0xFFFFFFFF  }
0xa5: {  	s26 =	simm.s32 $execute0_lowered;
	[smem:$0x3FD2] =	sst s25  }
0xa6: {  	s4 =	sshll.u32 s26, $0x1;
	_ =	strace $0x80000049;
	[dreg:$0x1] =	wrdreg $0xFFFFFFFF  }
0xa7: {  	s28 =	simm.s32 $_size_execute0_lowered;
	s2 =	sadd.s32 s2, s4;
	[dreg:$0x0] =	wrdreg $0x0  }
0xa8: {  	s4 =	sshll.u32 s28, $0x1;
	[dreg:$0x2] =	wrdreg s2  }
0xa9: {  	[dreg:$0x3] =	wrdreg s4  }
0xaa: {  	[dreg:$0x4] =	wrdreg $0xC0  }
0xab: {  	_ =	task [dreg:s6], $0x5FFFF  }
0xac: {  	[dreg:$0x1] =	wrdreg $0xFFFFFFFF  }
0xad: {  	[dreg:$0x0] =	wrdreg $0x60  }
0xae: {  	[dreg:$0x2] =	wrdreg s24  }
0xaf: {  	[dreg:$0x3] =	wrdreg $0x50000  }
0xb0: {  	[dreg:$0x4] =	wrdreg $0x9  }
0xb1: {  	_ =	task.clear_ibuf [dreg:s6], $0x5FFFF;
	_ =	strace $0x90000049  }
0xb2: {  	s29 =	simm.s32 $0x9;
	_ =	strace $0x8000004B  }
0xb3: {  	_ =	swait.ge [sflag:s29], $0x1  }
0xb4: {  	[sflag:s29] =	ssyncadd.s32 $0xFFFFFFFF  }
0xb5: {  	_ =	strace $0x9000004B  }
0xb6: {  	_ =	sfence  }
0xb7: {  	s30 =	sld [smem:$0x0];
	_ =	sdelay $0x2  }
0xb8: {  	s31 =	sshll.u32 s1, $0xD;
	s1 =	sshrl.u32 s1, $0x2  }
0xb9: {  	s3 =	sand.u32 $0x4000, s31;
	s1 =	sadd.s32 s1, s30  }
0xba: {  	s0 =	sor.u32 s3, s0;
	s1 =	sshll.u32 s1, $0x11  }
0xbb: {  	s0 =	sor.u32 s1, s0  }
0xbc: {  	s0 =	sadd.s32 $0x8F2B, s0  }
0xbd: {  	[sflag:s0] =	ssyncadd.remote.s32 $0x1  }
0xbe: {  	_ =	sfence.sel $0xFFFF  }
0xbf: {  	[dreg:$0x0] =	wrdreg $0xFFFFFFFF;
	(pc) =	sbr.abs _section_cstart, $3  }
0xc0: {  	[dreg:$0x1] =	wrdreg $0xFFFFFFFF  }
0xc1: {  	_ =	task.clear_ibuf [dreg:s6], $0x2FFFF;
	_ =	strace $0x9FFFFFFF  }
0xc2: {  	(tm) =	ssettm $0x7FFFFFFF  }
0xc3: {  	_ =	shalt  }
tec
execute0_lowered:
.L_overlay_start_1:
0x0: {  	(tag) =	ssettag $0x1  }
0x1: {  	s0 =	rddreg [dreg:$0x0]  }
0x2: {  	s1 =	rddreg [dreg:$0x1];
	s2 =	simm.s32 $0x0;
	s3 =	srdreg.scid  }
0x3: {  	s23 =	stileid.u32;
	s15 =	simm.s32 $0x4800;
	s16 =	simm.s32 $0x2  }
0x4: {  	s28 =	simm.s32 $0x2800;
	s30 =	simm.s32 $0x3000;
	s29 =	simm.s32 $0x780  }
0x5: {  	[smem:$0x7FF] =	sst s2;
	s3 =	sand.u32 $0x1, s3;
	s7 =	smul.u32 $0x1880, s23  }
0x6: {  	s4 =	sadd.s32 $0x9400, s0;
	s5 =	sadd.s32 $0x9D000, s0;
	s12 =	smul.u32 $0x62000, s23  }
0x7: {  	s6 =	sadd.s32 $0x6B000, s0;
	s0 =	sadd.s32 $0x3DC400, s0;
	s24 =	smul.u32 $0x3100, s23  }
0x8: {  	s21 =	sadd.s32 $0x16F800, s1;
	p0 =	seq.s32 s23, $0xF;
	s11 =	smul.u32 $0x186A0, s3  }
0x9: {  	s31 =	simm.s32 $0x0;
	_ =	strace $0x8000004A;
	s10 =	smul.u32 $0x186A00, s3  }
0xa: {  	s8 =	ssub.s32 $0x2, s3;
	s3 =	smul.u32 $0x30D40, s3;
	s26 =	sshrl.u32 s21, $0x3  }
0xb: {  	s21 =	simm.s32 $0x600;
	s9 =	sshrl.u32 s8, $0x1;
	s19 =	sshrl.u32 s12, $0x2  }
0xc: {  	[dreg:$0x7] =	wrdreg s26;
	s26 =	simm.s32 $0x700;
	s7 =	sadd.s32 s7, s11  }
0xd: {  	s8 =	ssub.s32 s8, s9;
	s18 =	sshrl.u32 s10, $0x3;
	s10 =	simm.s32 $0x1  }
0xe: {  	v0 =	vmov s11;
	s11 =	simm.s32 $0x0;
	s17 =	sshll.u32 s7, $0x1;
	s7 =	smul.u32 $0x19000, s23  }
0xf: {  	s20 =	sadd.s32 s0, s18;
	s25 =	smax.u32 s8, $0x1;
	s18 =	simm.s32 $0x80  }
0x10: {  	s8 =	simm.s32 $0x4000;
	s23 =	simm.s32 $0x680;
	s9 =	sadd.s32 s0, s17  }
0x11: {  	s22 =	sadd.s32 $0x2DF00, s20;
	s12 =	sadd.s32 $0x30D00, s20;
	[dreg:$0x6] =	wrdreg s25  }
.Ltmp0:
0x12: {  	s0 =	sadd.s32 s3, s0;
	[dreg:$0x3] =	wrdreg s9;
	(pc) =	sbr.rel .LBB2_1-.Ltmp0, $4  }
0x13: {  	s17 =	simm.s32 $0x400;
	s20 =	simm.s32 $0x1000;
	[dreg:$0x4] =	wrdreg s22  }
0x14: {  	s25 =	simm.s32 $0x2000;
	s9 =	sadd.s32 s19, s1;
	[dreg:$0x5] =	wrdreg s12  }
0x15: {  	s13 =	sadd.s32 s24, s0;
	s14 =	sadd.s32 $0x2DF00, s0;
	s19 =	simm.s32 $0x800  }
0x16: {  	v1 =	vimm.f32 $0.0e+00;
	s22 =	simm.s32 $0x1800;
	s0 =	simm.s32 $0x3800;
	s12 =	simm.s32 $0x580  }
.LBB2_16:
0x17: {  	s11 =	sadd.s32 $0x1, s11;
	s3 =	rddreg [dreg:$0x6]  }
0x18: {  	p1 =	sne.s32 s11, s3  }
.Ltmp1:
0x19: {  	_ = 	snop;
	(pc) =	sbr.rel @!p1 .LBB2_17-.Ltmp1, $1  }
0x1a: {  	_ =	sdelay $0x3  }
.LBB2_1:
0x1b: {  	[dreg:$0x8] =	wrdreg s11;
	s3 =	simm.s32 $0x0  }
.LBB2_2:
0x1c: {  	p1 =	sne.s32 s3, $0x1FC0  }
.Ltmp2:
0x1d: {  	_ = 	snop;
	(pc) =	sbr.rel @p1 .LBB2_2-.Ltmp2, $3  }
0x1e: {  	_ =	sdelay $0x1  }
0x1f: {  	s11 =	sshra.s32 s3, $0x2  }
0x20: {  	s3 =	sadd.s32 $0x40, s3;
	[tilespmem:s11+$0x4800] =	vst v1  }
0x21: {  	s3 =	sadd.s32 $0x0, s9  }
0x22: {  	[spmem:s3] =	stream.linear.scatter [tilespmem:s15], [sflag:$0x2], $0x800, $0x38;
	[tilespmem:$0x1D800] =	vst v63  }
0x23: {  	s3 =	simm.s32 $0x2000;
	_ =	swait.ge [sflag:s16], $0x800  }
.LBB2_4:
0x24: {  	s11 =	sshra.s32 s3, $0x2;
	[sflag:s16] =	ssyncset.done $0x0;
	p1 =	sne.s32 s3, $0x60000  }
.Ltmp3:
0x25: {  	s11 =	sadd.s32 s11, s9;
	[sflag:s16] =	ssyncadd.s32 $0xFFFFF800;
	(pc) =	sbr.rel @p1 .LBB2_4-.Ltmp3, $3  }
0x26: {  	[spmem:s11] =	stream.linear.scatter [tilespmem:s15], [sflag:$0x2], $0x800, $0x38;
	[tilespmem:$0x1D800] =	vst v63  }
0x27: {  	s3 =	sadd.s32 $0x2000, s3;
	_ =	sdelay $0x1  }
0x28: {  	_ =	swait.ge [sflag:s16], $0x800  }
0x29: {  	[sflag:s16] =	ssyncset.done $0x0  }
0x2a: {  	[sflag:s16] =	ssyncadd.s32 $0xFFFFF800  }
0x2b: {  	s3 =	simm.s32 $0x0;
	[bflag:$0x0] =	sbarrier.arrive $0xFFFF  }
.LBB2_6:
0x2c: {  	s11 =	sshll.u32 s3, $0xA  }
0x2d: {  	s11 =	sadd.s32 s7, s11  }
0x2e: {  	s11 =	sshrl.u32 s11, $0x3  }
0x2f: {  	s24 =	sadd.s32 s5, s11  }
0x30: {  	[tilespmem:s31], [sflag:$0x2] =	stream.linear.gather [hbm4b:s24+s31], $0x400, $0x38;
	[tilespmem:$0x1D800] =	vst v63  }
0x31: {  	_ =	swait.ge [sflag:s16], $0x400  }
0x32: {  	[sflag:s16] =	ssyncset.done $0x0  }
0x33: {  	s11 =	sadd.s32 s6, s11;
	[sflag:s16] =	ssyncadd.s32 $0xFFFFFC00  }
0x34: {  	[tilespmem:s17], [sflag:$0x2] =	stream.linear.gather [hbm4b:s11+s31], $0x400, $0x38;
	[tilespmem:$0x1D800] =	vst v63  }
0x35: {  	_ =	swait.ge [sflag:s16], $0x400  }
0x36: {  	[sflag:s16] =	ssyncset.done $0x0  }
0x37: {  	s24 =	simm.s32 $0x40;
	s11 =	simm.s32 $0x0;
	[sflag:s16] =	ssyncadd.s32 $0xFFFFFC00  }
.LBB2_7:
0x38: {  	p1 =	sne.s32 s24, $0xFC0;
	v2 =	vld [tilespmem:s11+$0x0];
	_ =	sdelay $0x1  }
.Ltmp4:
0x39: {  	(pc) =	sbr.rel @p1 .LBB2_7-.Ltmp4, $3  }
0x3a: {  	_ =	sdelay $0x1  }
0x3b: {  	v2 =	vadd.s32 v0, v2  }
0x3c: {  	[tilespmem:s11+$0x0] =	vst v2;
	s11 =	sshra.s32 s24, $0x2;
	s24 =	sadd.s32 $0x40, s24  }
0x3d: {  	v2 =	vld [tilespmem:s11+$0x0];
	_ =	sdelay $0x4  }
0x3e: {  	v2 =	vadd.s32 v0, v2  }
0x3f: {  	[tilespmem:s11+$0x0] =	vst v2  }
0x40: {  	[tilespmem:s19], [sflag:$0x1] =	stream.indirect.gather [hbm4b:s4+s18], $0x10, s2, s18, $0xb8;
	[tilespmem:$0x1D800] =	vst v63  }
0x41: {  	_ = 	snop  }
0x42: {  	[tilespmem:s20], [sflag:$0x1] =	stream.indirect.gather [hbm4b:s4+s18], $0x10, s18, s18, $0xb8;
	[tilespmem:$0x1D800] =	vst v63  }
0x43: {  	s24 =	simm.s32 $0x100  }
0x44: {  	[tilespmem:s22], [sflag:$0x1] =	stream.indirect.gather [hbm4b:s4+s18], $0x10, s24, s18, $0xb8;
	[tilespmem:$0x1D800] =	vst v63  }
0x45: {  	s24 =	simm.s32 $0x180  }
0x46: {  	[tilespmem:s25], [sflag:$0x1] =	stream.indirect.gather [hbm4b:s4+s18], $0x10, s24, s18, $0xb8;
	[tilespmem:$0x1D800] =	vst v63  }
0x47: {  	s24 =	simm.s32 $0x200  }
0x48: {  	[tilespmem:s28], [sflag:$0x1] =	stream.indirect.gather [hbm4b:s4+s18], $0x10, s24, s18, $0xb8;
	[tilespmem:$0x1D800] =	vst v63  }
0x49: {  	s24 =	simm.s32 $0x280  }
0x4a: {  	[tilespmem:s30], [sflag:$0x1] =	stream.indirect.gather [hbm4b:s4+s18], $0x10, s24, s18, $0xb8;
	[tilespmem:$0x1D800] =	vst v63  }
0x4b: {  	s24 =	simm.s32 $0x300  }
0x4c: {  	[tilespmem:s0], [sflag:$0x1] =	stream.indirect.gather [hbm4b:s4+s18], $0x10, s24, s18, $0xb8;
	[tilespmem:$0x1D800] =	vst v63  }
0x4d: {  	s24 =	simm.s32 $0x380  }
0x4e: {  	[tilespmem:s8], [sflag:$0x1] =	stream.indirect.gather [hbm4b:s4+s18], $0x10, s24, s18, $0xb8;
	[tilespmem:$0x1D800] =	vst v63  }
0x4f: {  	_ =	swait.ge [sflag:s10], $0x800  }
0x50: {  	[sflag:s10] =	ssyncset.done $0x0  }
0x51: {  	[sflag:s10] =	ssyncadd.s32 $0xFFFFF800  }
0x52: {  	_ =	swait.ge [sflag:s10], $0x800  }
0x53: {  	[sflag:s10] =	ssyncset.done $0x0  }
0x54: {  	[sflag:s10] =	ssyncadd.s32 $0xFFFFF800  }
0x55: {  	_ =	swait.ge [sflag:s10], $0x800  }
0x56: {  	[sflag:s10] =	ssyncset.done $0x0  }
0x57: {  	[sflag:s10] =	ssyncadd.s32 $0xFFFFF800  }
0x58: {  	_ =	swait.ge [sflag:s10], $0x800  }
0x59: {  	[sflag:s10] =	ssyncset.done $0x0  }
0x5a: {  	[sflag:s10] =	ssyncadd.s32 $0xFFFFF800  }
0x5b: {  	_ =	swait.ge [sflag:s10], $0x800  }
0x5c: {  	[sflag:s10] =	ssyncset.done $0x0  }
0x5d: {  	[sflag:s10] =	ssyncadd.s32 $0xFFFFF800  }
0x5e: {  	_ =	swait.ge [sflag:s10], $0x800  }
0x5f: {  	[sflag:s10] =	ssyncset.done $0x0  }
0x60: {  	[sflag:s10] =	ssyncadd.s32 $0xFFFFF800  }
0x61: {  	_ =	swait.ge [sflag:s10], $0x800  }
0x62: {  	[sflag:s10] =	ssyncset.done $0x0  }
0x63: {  	[sflag:s10] =	ssyncadd.s32 $0xFFFFF800  }
0x64: {  	_ =	swait.ge [sflag:s10], $0x800  }
0x65: {  	[sflag:s10] =	ssyncset.done $0x0  }
0x66: {  	[sflag:s10] =	ssyncadd.s32 $0xFFFFF800  }
0x67: {  	[spmem:s1] =	stream.indirect.scatter.add.f32 [tilespmem:s19], [sflag:$0x2], $0x10, s17, s18, $0xb8;
	[tilespmem:$0x1D800] =	vst v63  }
0x68: {  	_ =	swait.ge [sflag:s16], $0x800  }
0x69: {  	[sflag:s16] =	ssyncset.done $0x0  }
0x6a: {  	s24 =	simm.s32 $0x480;
	[sflag:s16] =	ssyncadd.s32 $0xFFFFF800  }
0x6b: {  	[spmem:s1] =	stream.indirect.scatter.add.f32 [tilespmem:s20], [sflag:$0x2], $0x10, s24, s18, $0xb8;
	[tilespmem:$0x1D800] =	vst v63  }
0x6c: {  	_ =	swait.ge [sflag:s16], $0x800  }
0x6d: {  	[sflag:s16] =	ssyncset.done $0x0  }
0x6e: {  	s24 =	simm.s32 $0x500;
	[sflag:s16] =	ssyncadd.s32 $0xFFFFF800  }
0x6f: {  	[spmem:s1] =	stream.indirect.scatter.add.f32 [tilespmem:s22], [sflag:$0x2], $0x10, s24, s18, $0xb8;
	[tilespmem:$0x1D800] =	vst v63  }
0x70: {  	_ =	swait.ge [sflag:s16], $0x800  }
0x71: {  	[sflag:s16] =	ssyncset.done $0x0  }
0x72: {  	[sflag:s16] =	ssyncadd.s32 $0xFFFFF800  }
0x73: {  	[spmem:s1] =	stream.indirect.scatter.add.f32 [tilespmem:s25], [sflag:$0x2], $0x10, s12, s18, $0xb8;
	[tilespmem:$0x1D800] =	vst v63  }
0x74: {  	_ =	swait.ge [sflag:s16], $0x800  }
0x75: {  	[sflag:s16] =	ssyncset.done $0x0  }
0x76: {  	[sflag:s16] =	ssyncadd.s32 $0xFFFFF800  }
0x77: {  	[spmem:s1] =	stream.indirect.scatter.add.f32 [tilespmem:s28], [sflag:$0x2], $0x10, s21, s18, $0xb8;
	[tilespmem:$0x1D800] =	vst v63  }
0x78: {  	_ =	swait.ge [sflag:s16], $0x800  }
0x79: {  	[sflag:s16] =	ssyncset.done $0x0  }
0x7a: {  	[sflag:s16] =	ssyncadd.s32 $0xFFFFF800  }
0x7b: {  	[spmem:s1] =	stream.indirect.scatter.add.f32 [tilespmem:s30], [sflag:$0x2], $0x10, s23, s18, $0xb8;
	[tilespmem:$0x1D800] =	vst v63  }
0x7c: {  	_ =	swait.ge [sflag:s16], $0x800  }
0x7d: {  	[sflag:s16] =	ssyncset.done $0x0  }
0x7e: {  	[sflag:s16] =	ssyncadd.s32 $0xFFFFF800  }
0x7f: {  	[spmem:s1] =	stream.indirect.scatter.add.f32 [tilespmem:s0], [sflag:$0x2], $0x10, s26, s18, $0xb8;
	[tilespmem:$0x1D800] =	vst v63  }
0x80: {  	s3 =	sadd.s32 $0x1, s3;
	_ =	swait.ge [sflag:s16], $0x800  }
0x81: {  	p1 =	sne.s32 s3, $0x64;
	[sflag:s16] =	ssyncset.done $0x0  }
.Ltmp5:
0x82: {  	[sflag:s16] =	ssyncadd.s32 $0xFFFFF800;
	(pc) =	sbr.rel @p1 .LBB2_6-.Ltmp5, $4  }
0x83: {  	[spmem:s1] =	stream.indirect.scatter.add.f32 [tilespmem:s8], [sflag:$0x2], $0x10, s29, s18, $0xb8;
	[tilespmem:$0x1D800] =	vst v63  }
0x84: {  	_ =	swait.ge [sflag:s16], $0x800  }
0x85: {  	[sflag:s16] =	ssyncset.done $0x0  }
0x86: {  	[sflag:s16] =	ssyncadd.s32 $0xFFFFF800  }
.Ltmp6:
0x87: {  	(pc) =	sbr.rel @!p0 .LBB2_10-.Ltmp6, $2  }
0x88: {  	_ =	sdelay $0x1  }
0x89: {  	[bflag:$0x0] =	sbarrier.arrive $0xFFFF;
	_ =	sdelay $0x1  }
0x8a: {  	s3 =	rddreg [dreg:$0x4]  }
0x8b: {  	s11 =	rddreg [dreg:$0x7];
	s24 =	simm.s32 $0x1FC2  }
0x8c: {  	[hbm:s3], [sflag:s24] =	dma.local [spmem:s11], $0x2E40  }
0x8d: {  	_ =	swait.ge [sflag:s16], $0x2E40  }
0x8e: {  	[sflag:s16] =	ssyncset.done $0x0  }
0x8f: {  	s24 =	sadd.s32 $0x0, s14;
	[sflag:s16] =	ssyncadd.s32 $0xFFFFD1C0  }
0x90: {  	[tilespmem:s15], [sflag:$0x2] =	stream.linear.gather [hbm4b:s24+s2], $0x800, $0x38;
	[tilespmem:$0x1D800] =	vst v63  }
0x91: {  	_ =	swait.ge [sflag:s16], $0x800  }
0x92: {  	s3 =	simm.s32 $0x100;
	[sflag:s16] =	ssyncset.done $0x0  }
.LBB2_14:
0x93: {  	s11 =	sadd.s32 s3, s14;
	[sflag:s16] =	ssyncadd.s32 $0xFFFFF800;
	p1 =	sne.s32 s3, $0x2D00  }
0x94: {  	[tilespmem:s15], [sflag:$0x2] =	stream.linear.gather [hbm4b:s11+s2], $0x800, $0x38;
	[tilespmem:$0x1D800] =	vst v63  }
.Ltmp7:
0x95: {  	_ = 	snop;
	(pc) =	sbr.rel @p1 .LBB2_14-.Ltmp7, $4  }
0x96: {  	_ = 	snop  }
0x97: {  	s3 =	sadd.s32 $0x100, s3  }
0x98: {  	_ =	swait.ge [sflag:s16], $0x800  }
0x99: {  	[sflag:s16] =	ssyncset.done $0x0  }
.Ltmp8:
0x9a: {  	[sflag:s16] =	ssyncadd.s32 $0xFFFFF800;
	s3 =	rddreg [dreg:$0x5];
	(pc) =	sbr.rel .LBB2_16-.Ltmp8, $4  }
0x9b: {  	[tilespmem:s15], [sflag:$0x2] =	stream.linear.gather [hbm4b:s3+s2], $0x200, $0x38;
	[tilespmem:$0x1D800] =	vst v63  }
0x9c: {  	_ =	swait.ge [sflag:s16], $0x200  }
0x9d: {  	[sflag:s16] =	ssyncset.done $0x0  }
0x9e: {  	s11 =	rddreg [dreg:$0x8];
	[sflag:s16] =	ssyncadd.s32 $0xFFFFFE00  }
.LBB2_10:
0x9f: {  	s3 =	stileid.u32  }
0xa0: {  	s3 =	sshll.u32 s3, $0x6  }
0xa1: {  	s11 =	sshrl.u32 s9, $0x3;
	s24 =	rddreg [dreg:$0x3];
	s3 =	sor.u32 $0x1C02, s3  }
0xa2: {  	[hbm:s24], [sflag:s3] =	dma.local [spmem:s11], $0x3100  }
0xa3: {  	_ =	swait.ge [sflag:s16], $0x3100  }
0xa4: {  	[sflag:s16] =	ssyncset.done $0x0  }
0xa5: {  	s24 =	sadd.s32 $0x0, s13;
	[sflag:s16] =	ssyncadd.s32 $0xFFFFCF00  }
0xa6: {  	[tilespmem:s15], [sflag:$0x2] =	stream.linear.gather [hbm4b:s24+s2], $0x800, $0x38;
	[tilespmem:$0x1D800] =	vst v63  }
0xa7: {  	_ =	swait.ge [sflag:s16], $0x800  }
0xa8: {  	s3 =	simm.s32 $0x100;
	[sflag:s16] =	ssyncset.done $0x0  }
.LBB2_11:
0xa9: {  	s11 =	sadd.s32 s3, s13;
	[sflag:s16] =	ssyncadd.s32 $0xFFFFF800;
	p1 =	seq.s32 s3, $0x3000  }
0xaa: {  	[tilespmem:s15], [sflag:$0x2] =	stream.linear.gather [hbm4b:s11+s2], $0x800, $0x38;
	[tilespmem:$0x1D800] =	vst v63  }
.Ltmp9:
0xab: {  	_ = 	snop;
	(pc) =	sbr.rel @!p1 .LBB2_11-.Ltmp9, $4  }
0xac: {  	_ = 	snop  }
0xad: {  	s3 =	sadd.s32 $0x100, s3  }
0xae: {  	_ =	swait.ge [sflag:s16], $0x800  }
0xaf: {  	[sflag:s16] =	ssyncset.done $0x0  }
.Ltmp10:
0xb0: {  	(pc) =	sbr.rel .LBB2_16-.Ltmp10, $2  }
0xb1: {  	_ =	sdelay $0x2  }
0xb2: {  	[sflag:s16] =	ssyncadd.s32 $0xFFFFF800;
	s11 =	rddreg [dreg:$0x8]  }
.LBB2_17:
0xb3: {  	_ =	sfence.sel $0x180000  }
0xb4: {  	[bflag:$0x0] =	sbarrier.arrive $0xFFFF  }
0xb5: {  	_ =	strace $0x9000004A  }
0xb6: {  	s0 =	stileid.u32;
	[bflag:$0x2] =	sbarrier.arrive $0xFFFF  }
0xb7: {  	p0 =	sne.s32 s0, $0x0;
	s0 =	rddreg [dreg:$0x2]  }
0xb8: {  	s0 =	sadd.s32 @!p0 $0x100000, s0  }
0xb9: {  	[sflag:s0] =	ssyncadd.tile.s32 @!p0 $0x1;
	_ =	shalt  }
.Lfunc_end2:
_tile_overlayer_lowered:
.L_overlay_start_2:
0xba: {  	(tag) =	ssettag $0x2  }
0xbb: {  	s0 =	rddreg [dreg:$0x0];
	s2 =	stileid.u32  }
0xbc: {  	s1 =	rddreg [dreg:$0x1];
	p0 =	sne.s32 s2, $0x0  }
0xbd: {  	s3 =	rddreg [dreg:$0x2];
	[bflag:$0x3] =	sbarrier.arrive $0xFFFF;
	s2 =	simm.s32 @!p0 $0x1C02  }
0xbe: {  	[timem:s3], [sflag:s2] =	dma.local @!p0 [hbm:s0], s1  }
0xbf: {  	s0 =	simm.s32 @!p0 $0x2  }
0xc0: {  	_ =	swait.ge @!p0 [sflag:s0], s1  }
0xc1: {  	s1 =	ssub.s32 @!p0 $0x0, s1;
	[sflag:s0] =	ssyncset.done @!p0 $0x0  }
0xc2: {  	[sflag:s0] =	ssyncadd.s32 @!p0 s1  }
0xc3: {  	[bflag:$0x3] =	sbarrier.arrive $0xFFFF  }
0xc4: {  	_ =	shalt  }

// kernel: kernel.27.cloned.1.call-start
scs
__scs_entry_jumppad:
0x0: {  	(pc) =	sbr.rel $0x88, $3  }
0x1: {  	(tag) =	ssettag $0x0;
	lr =	simm.s32 $0x1  }
0x2: {  	[smem:$0x3F76] =	sst lr;
	_ =	strace $0xD0000000  }
0x3: {  	_ = 	snop  }
0x4: {  	_ = 	snop  }
0x5: {  	_ = 	snop  }
0x6: {  	_ = 	snop  }
0x7: {  	_ = 	snop  }
__scs_overlays_trampoline_lowered:
0x8: {  	[smem:$0x3F85] =	sst s0  }
0x9: {  	[smem:$0x3F86] =	sst s1  }
0xa: {  	[smem:$0x3F87] =	sst s2  }
0xb: {  	[smem:$0x3F88] =	sst s3  }
0xc: {  	[smem:$0x3F89] =	sst s4  }
0xd: {  	[smem:$0x3F8A] =	sst s5  }
0xe: {  	[smem:$0x3F8B] =	sst s6  }
0xf: {  	[smem:$0x3F8C] =	sst s7  }
0x10: {  	[smem:$0x3F8D] =	sst s8  }
0x11: {  	[smem:$0x3F8E] =	sst s9;
	s0 =	simm.s32 @!p0 $0x0  }
0x12: {  	s1 =	sld [smem:$0x3F74];
	s0 =	simm.s32 @p0 $0x1  }
0x13: {  	[smem:$0x3F8F] =	sst s0;
	s0 =	simm.s32 @!p1 $0x0  }
0x14: {  	s2 =	sld [smem:$0x3F73];
	s0 =	simm.s32 @p1 $0x1  }
0x15: {  	[smem:$0x3F90] =	sst s0;
	s0 =	simm.s32 @!p2 $0x0  }
0x16: {  	s3 =	sld [smem:$0x3FDB];
	s0 =	simm.s32 @p2 $0x1  }
0x17: {  	s4 =	simm.s32 $0x1BF5;
	[smem:$0x3F92] =	sst s0  }
0x18: {  	s0 =	sld [smem:$0x3F75];
	_ =	swait.ge [sflag:s4], $0x0  }
0x19: {  	s7 =	sld [smem:$0x3F76]  }
0x1a: {  	s8 =	sadd.s32 $0xFFFFE003, lr  }
0x1b: {  	s9 =	sadd.s32 $0xFFFFFEF7, lr;
	s5 =	simm.s32 $0xFFFFFFFF;
	p2 =	slt.u32 s8, $0xFFFFF086  }
0x1c: {  	p1 =	slt.u32 s9, $0xF7A;
	s5 =	simm.s32 @!p2 $0x0  }
0x1d: {  	s5 =	simm.s32 @p1 $0x1;
	p0 =	seq.s32 s7, s2  }
0x1e: {  	s7 =	smul.u32 @!p0 $0xF7A, s2;
	p2 =	seq.s32 @!p0 s5, $0x0  }
0x1f: {  	s9 =	smul.u32 $0xF7A, s1;
	s8 =	simm.s32 @!p0 $0x1BF5;
	p2 =	por !p2, p0  }
0x20: {  	[sflag:s8] =	ssyncset.s32 @!p0 $0xFFFFF086;
	s6 =	sadd.s32 @!p0 s3, s7;
	s7 =	simm.s32 @!p0 $0x108  }
0x21: {  	s3 =	sadd.s32 s3, s9;
	s6 =	sadd.s32 @!p0 $0x88, s6;
	s7 =	simm.s32 @p2 $0x1082  }
0x22: {  	[simem:s7], [sflag:s8] =	dma.local @!p0 [hbm:s6], $0xF7A  }
0x23: {  	s9 =	sor.u32 $0xD0000000, s2;
	s6 =	simm.s32 $0x108;
	_ =	swait.ge @!p0 [sflag:s8], $0x0  }
0x24: {  	s3 =	sadd.s32 $0x88, s3;
	s6 =	simm.s32 @!p1 $0x1082;
	[sflag:s4] =	ssyncset.s32 $0xFFFFF086  }
0x25: {  	[simem:s6], [sflag:s4] =	dma.local [hbm:s3], $0xF7A  }
0x26: {  	[smem:$0x3F76] =	sst s1;
	(tag) =	ssettag s2;
	_ =	strace s9  }
0x27: {  	s1 =	sld [smem:$0x3F86]  }
0x28: {  	s2 =	sld [smem:$0x3F87]  }
0x29: {  	s4 =	sld [smem:$0x3F89]  }
0x2a: {  	p0 =	seq.s32 s5, $0x0;
	s5 =	sld [smem:$0x3F8A]  }
0x2b: {  	s6 =	sld [smem:$0x3F8B]  }
0x2c: {  	s7 =	sld [smem:$0x3F8C]  }
0x2d: {  	s3 =	simm.s32 $0x108;
	s8 =	sld [smem:$0x3F8D]  }
0x2e: {  	s3 =	simm.s32 @!p0 $0x1082;
	s9 =	sld [smem:$0x3F8E]  }
0x2f: {  	lr =	sadd.s32 s0, s3;
	s0 =	sld [smem:$0x3F85]  }
0x30: {  	s3 =	sld [smem:$0x3F88]  }
0x31: {  	[smem:$0x3F91] =	sst s10  }
0x32: {  	s10 =	sld [smem:$0x3F8F];
	_ =	sdelay $0x3  }
0x33: {  	p0 =	seq.s32 s10, $0x1;
	s10 =	sld [smem:$0x3F91];
	_ =	sdelay $0x3  }
0x34: {  	[smem:$0x3F91] =	sst s10  }
0x35: {  	s10 =	sld [smem:$0x3F90];
	_ =	sdelay $0x3  }
0x36: {  	p1 =	seq.s32 s10, $0x1;
	s10 =	sld [smem:$0x3F91];
	_ =	sdelay $0x3  }
0x37: {  	[smem:$0x3F91] =	sst s10  }
0x38: {  	s10 =	sld [smem:$0x3F92]  }
0x39: {  	_ = 	snop;
	(pc) =	sbr.ind lr, $3  }
0x3a: {  	_ = 	snop  }
0x3b: {  	_ = 	snop  }
0x3c: {  	p2 =	seq.s32 s10, $0x1;
	s10 =	sld [smem:$0x3F91]  }
0x3d: {  	_ =	shalt  }
0x3e: {  	_ =	shalt  }
0x3f: {  	_ =	shalt  }
0x40: {  	_ =	shalt  }
0x41: {  	_ =	shalt  }
0x42: {  	_ =	shalt  }
0x43: {  	_ =	shalt  }
0x44: {  	_ =	shalt  }
0x45: {  	_ =	shalt  }
0x46: {  	_ =	shalt  }
0x47: {  	_ =	shalt  }
0x48: {  	_ =	shalt  }
0x49: {  	_ =	shalt  }
0x4a: {  	_ =	shalt  }
0x4b: {  	_ =	shalt  }
0x4c: {  	_ =	shalt  }
0x4d: {  	_ =	shalt  }
0x4e: {  	_ =	shalt  }
0x4f: {  	_ =	shalt  }
0x50: {  	_ =	shalt  }
0x51: {  	_ =	shalt  }
0x52: {  	_ =	shalt  }
0x53: {  	_ =	shalt  }
0x54: {  	_ =	shalt  }
0x55: {  	_ =	shalt  }
0x56: {  	_ =	shalt  }
0x57: {  	_ =	shalt  }
0x58: {  	_ =	shalt  }
0x59: {  	_ =	shalt  }
0x5a: {  	_ =	shalt  }
0x5b: {  	_ =	shalt  }
0x5c: {  	_ =	shalt  }
0x5d: {  	_ =	shalt  }
0x5e: {  	_ =	shalt  }
0x5f: {  	_ =	shalt  }
0x60: {  	_ =	shalt  }
0x61: {  	_ =	shalt  }
0x62: {  	_ =	shalt  }
0x63: {  	_ =	shalt  }
0x64: {  	_ =	shalt  }
0x65: {  	_ =	shalt  }
0x66: {  	_ =	shalt  }
0x67: {  	_ =	shalt  }
0x68: {  	_ =	shalt  }
0x69: {  	_ =	shalt  }
0x6a: {  	_ =	shalt  }
0x6b: {  	_ =	shalt  }
0x6c: {  	_ =	shalt  }
0x6d: {  	_ =	shalt  }
0x6e: {  	_ =	shalt  }
0x6f: {  	_ =	shalt  }
0x70: {  	_ =	shalt  }
0x71: {  	_ =	shalt  }
0x72: {  	_ =	shalt  }
0x73: {  	_ =	shalt  }
0x74: {  	_ =	shalt  }
0x75: {  	_ =	shalt  }
0x76: {  	_ =	shalt  }
0x77: {  	_ =	shalt  }
0x78: {  	_ =	shalt  }
0x79: {  	_ =	shalt  }
0x7a: {  	_ =	shalt  }
0x7b: {  	_ =	shalt  }
0x7c: {  	_ =	shalt  }
0x7d: {  	_ =	shalt  }
0x7e: {  	_ =	shalt  }
0x7f: {  	_ =	shalt  }
0x80: {  	_ =	shalt  }
0x81: {  	_ =	shalt  }
0x82: {  	_ =	shalt  }
0x83: {  	_ =	shalt  }
0x84: {  	_ =	shalt  }
0x85: {  	_ =	shalt  }
0x86: {  	_ =	shalt  }
0x87: {  	_ =	shalt  }
.Lfunc_end0:
.L_simem_size_0:
called_computation.2_lowered:
.L_overlay_start_0:
0x88: {  	s2 =	sld [smem:$0x3FD9]  }
0x89: {  	s3 =	sld [smem:$0x3FFE];
	_ =	sdelay $0x1  }
0x8a: {  	s1 =	srdreg.scid  }
0x8b: {  	s0 =	sand.u32 $0x1, s1  }
0x8c: {  	s16 =	sshll.u32 s0, $0xA;
	s2 =	sadd.s32 s3, s2  }
0x8d: {  	s2 =	sadd.s32 s2, s16  }
0x8e: {  	[smem:$0x3F9D] =	sst s2  }
0x8f: {  	_ = 	snop  }
0x90: {  	(tm) =	ssettm $0x1  }
0x91: {  	s17 =	sld [smem:$0x3FFB];
	_ =	sdelay $0x3  }
0x92: {  	_ =	strace s17  }
0x93: {  	s2 =	sld [smem:$0x3FFC];
	_ =	sdelay $0x3  }
0x94: {  	_ =	strace s2  }
0x95: {  	s2 =	sld [smem:$0x3FFD];
	_ =	sdelay $0x3  }
0x96: {  	_ =	strace s2  }
0x97: {  	_ =	strace $0x8FFFFFFF  }
0x98: {  	s18 =	sld [smem:$0x3FDB];
	_ =	sdelay $0x1  }
0x99: {  	s19 =	simm.s32 $_scs_section_size  }
0x9a: {  	s4 =	simm.s32 $_size__tile_overlayer_lowered;
	s5 =	simm.s32 $_tile_overlayer_lowered  }
0x9b: {  	s22 =	simm.s32 $0x1BFF;
	s21 =	sshll.u32 s5, $0x1;
	s2 =	sadd.s32 s19, s18  }
0x9c: {  	s6 =	simm.s32 $0x0;
	s20 =	sshll.u32 s4, $0x1;
	s4 =	sadd.s32 s21, s2  }
0x9d: {  	[timem:s6], [sflag:s22] =	dma.local [hbm:s4], s20  }
0x9e: {  	_ =	swait.ge [sflag:s22], s20  }
0x9f: {  	s3 =	ssub.s32 $0x0, s20;
	[sflag:s22] =	ssyncset.done $0x0  }
0xa0: {  	[sflag:s22] =	ssyncadd.s32 s3;
	_ =	sdelay $0x1  }
0xa1: {  	s23 =	simm.s32 $0x1B8B  }
0xa2: {  	_ =	swait.ge [sflag:s23], $0x1  }
0xa3: {  	[sflag:s23] =	ssyncset.done $0x0  }
0xa4: {  	s25 =	simm.s32 $0x1B8E;
	s24 =	sld [smem:$0x3FFE];
	[sflag:s23] =	ssyncadd.s32 $0xFFFFFFFF  }
0xa5: {  	s26 =	simm.s32 $execute0_lowered;
	[smem:$0x3FD2] =	sst s25  }
0xa6: {  	s4 =	sshll.u32 s26, $0x1;
	_ =	strace $0x8000004C;
	[dreg:$0x1] =	wrdreg $0xFFFFFFFF  }
0xa7: {  	s28 =	simm.s32 $_size_execute0_lowered;
	s2 =	sadd.s32 s2, s4;
	[dreg:$0x0] =	wrdreg $0x0  }
0xa8: {  	s4 =	sshll.u32 s28, $0x1;
	[dreg:$0x2] =	wrdreg s2  }
0xa9: {  	[dreg:$0x3] =	wrdreg s4  }
0xaa: {  	[dreg:$0x4] =	wrdreg $0xC0  }
0xab: {  	_ =	task [dreg:s6], $0x5FFFF  }
0xac: {  	[dreg:$0x1] =	wrdreg $0xFFFFFFFF  }
0xad: {  	[dreg:$0x0] =	wrdreg $0x60  }
0xae: {  	[dreg:$0x2] =	wrdreg s24  }
0xaf: {  	[dreg:$0x3] =	wrdreg $0x50000  }
0xb0: {  	[dreg:$0x4] =	wrdreg $0x9  }
0xb1: {  	_ =	task.clear_ibuf [dreg:s6], $0x5FFFF;
	_ =	strace $0x9000004C  }
0xb2: {  	s29 =	simm.s32 $0x9;
	_ =	strace $0x8000004E  }
0xb3: {  	_ =	swait.ge [sflag:s29], $0x1  }
0xb4: {  	[sflag:s29] =	ssyncadd.s32 $0xFFFFFFFF  }
0xb5: {  	_ =	strace $0x9000004E  }
0xb6: {  	_ =	sfence  }
0xb7: {  	s30 =	sld [smem:$0x0];
	_ =	sdelay $0x2  }
0xb8: {  	s31 =	sshll.u32 s1, $0xD;
	s1 =	sshrl.u32 s1, $0x2  }
0xb9: {  	s3 =	sand.u32 $0x4000, s31;
	s1 =	sadd.s32 s1, s30  }
0xba: {  	s0 =	sor.u32 s3, s0;
	s1 =	sshll.u32 s1, $0x11  }
0xbb: {  	s0 =	sor.u32 s1, s0  }
0xbc: {  	s0 =	sadd.s32 $0x8F2B, s0  }
0xbd: {  	[sflag:s0] =	ssyncadd.remote.s32 $0x1  }
0xbe: {  	_ =	sfence.sel $0xFFFF  }
0xbf: {  	[dreg:$0x0] =	wrdreg $0xFFFFFFFF;
	(pc) =	sbr.abs _section_cstart, $3  }
0xc0: {  	[dreg:$0x1] =	wrdreg $0xFFFFFFFF  }
0xc1: {  	_ =	task.clear_ibuf [dreg:s6], $0x2FFFF;
	_ =	strace $0x9FFFFFFF  }
0xc2: {  	(tm) =	ssettm $0x7FFFFFFF  }
0xc3: {  	_ =	shalt  }
tec
execute0_lowered:
.L_overlay_start_1:
0x0: {  	(tag) =	ssettag $0x1  }
0x1: {  	s0 =	rddreg [dreg:$0x0]  }
0x2: {  	s1 =	rddreg [dreg:$0x1];
	s2 =	simm.s32 $0x0;
	s3 =	srdreg.scid  }
0x3: {  	s23 =	stileid.u32;
	s15 =	simm.s32 $0x4800;
	s16 =	simm.s32 $0x2  }
0x4: {  	s28 =	simm.s32 $0x2800;
	s30 =	simm.s32 $0x3000;
	s29 =	simm.s32 $0x780  }
0x5: {  	[smem:$0x7FF] =	sst s2;
	s3 =	sand.u32 $0x1, s3;
	s7 =	smul.u32 $0x1880, s23  }
0x6: {  	s4 =	sadd.s32 $0x9400, s0;
	s5 =	sadd.s32 $0x9D000, s0;
	s12 =	smul.u32 $0x62000, s23  }
0x7: {  	s6 =	sadd.s32 $0x6B000, s0;
	s0 =	sadd.s32 $0xCF000, s0;
	s24 =	smul.u32 $0x3100, s23  }
0x8: {  	s21 =	sadd.s32 $0x16F800, s1;
	p0 =	seq.s32 s23, $0xF;
	s11 =	smul.u32 $0x186A0, s3  }
0x9: {  	s31 =	simm.s32 $0x0;
	_ =	strace $0x8000004D;
	s10 =	smul.u32 $0x186A00, s3  }
0xa: {  	s8 =	ssub.s32 $0x2, s3;
	s3 =	smul.u32 $0x30D40, s3;
	s26 =	sshrl.u32 s21, $0x3  }
0xb: {  	s21 =	simm.s32 $0x600;
	s9 =	sshrl.u32 s8, $0x1;
	s19 =	sshrl.u32 s12, $0x2  }
0xc: {  	[dreg:$0x7] =	wrdreg s26;
	s26 =	simm.s32 $0x700;
	s7 =	sadd.s32 s7, s11  }
0xd: {  	s8 =	ssub.s32 s8, s9;
	s18 =	sshrl.u32 s10, $0x3;
	s10 =	simm.s32 $0x1  }
0xe: {  	v0 =	vmov s11;
	s11 =	simm.s32 $0x0;
	s17 =	sshll.u32 s7, $0x1;
	s7 =	smul.u32 $0x19000, s23  }
0xf: {  	s20 =	sadd.s32 s0, s18;
	s25 =	smax.u32 s8, $0x1;
	s18 =	simm.s32 $0x80  }
0x10: {  	s8 =	simm.s32 $0x4000;
	s23 =	simm.s32 $0x680;
	s9 =	sadd.s32 s0, s17  }
0x11: {  	s22 =	sadd.s32 $0x2DF00, s20;
	s12 =	sadd.s32 $0x30D00, s20;
	[dreg:$0x6] =	wrdreg s25  }
.Ltmp0:
0x12: {  	s0 =	sadd.s32 s3, s0;
	[dreg:$0x3] =	wrdreg s9;
	(pc) =	sbr.rel .LBB2_1-.Ltmp0, $4  }
0x13: {  	s17 =	simm.s32 $0x400;
	s20 =	simm.s32 $0x1000;
	[dreg:$0x4] =	wrdreg s22  }
0x14: {  	s25 =	simm.s32 $0x2000;
	s9 =	sadd.s32 s19, s1;
	[dreg:$0x5] =	wrdreg s12  }
0x15: {  	s13 =	sadd.s32 s24, s0;
	s14 =	sadd.s32 $0x2DF00, s0;
	s19 =	simm.s32 $0x800  }
0x16: {  	v1 =	vimm.f32 $0.0e+00;
	s22 =	simm.s32 $0x1800;
	s0 =	simm.s32 $0x3800;
	s12 =	simm.s32 $0x580  }
.LBB2_16:
0x17: {  	s11 =	sadd.s32 $0x1, s11;
	s3 =	rddreg [dreg:$0x6]  }
0x18: {  	p1 =	sne.s32 s11, s3  }
.Ltmp1:
0x19: {  	_ = 	snop;
	(pc) =	sbr.rel @!p1 .LBB2_17-.Ltmp1, $1  }
0x1a: {  	_ =	sdelay $0x3  }
.LBB2_1:
0x1b: {  	[dreg:$0x8] =	wrdreg s11;
	s3 =	simm.s32 $0x0  }
.LBB2_2:
0x1c: {  	p1 =	sne.s32 s3, $0x1FC0  }
.Ltmp2:
0x1d: {  	_ = 	snop;
	(pc) =	sbr.rel @p1 .LBB2_2-.Ltmp2, $3  }
0x1e: {  	_ =	sdelay $0x1  }
0x1f: {  	s11 =	sshra.s32 s3, $0x2  }
0x20: {  	s3 =	sadd.s32 $0x40, s3;
	[tilespmem:s11+$0x4800] =	vst v1  }
0x21: {  	s3 =	sadd.s32 $0x0, s9  }
0x22: {  	[spmem:s3] =	stream.linear.scatter [tilespmem:s15], [sflag:$0x2], $0x800, $0x38;
	[tilespmem:$0x1D800] =	vst v63  }
0x23: {  	s3 =	simm.s32 $0x2000;
	_ =	swait.ge [sflag:s16], $0x800  }
.LBB2_4:
0x24: {  	s11 =	sshra.s32 s3, $0x2;
	[sflag:s16] =	ssyncset.done $0x0;
	p1 =	sne.s32 s3, $0x60000  }
.Ltmp3:
0x25: {  	s11 =	sadd.s32 s11, s9;
	[sflag:s16] =	ssyncadd.s32 $0xFFFFF800;
	(pc) =	sbr.rel @p1 .LBB2_4-.Ltmp3, $3  }
0x26: {  	[spmem:s11] =	stream.linear.scatter [tilespmem:s15], [sflag:$0x2], $0x800, $0x38;
	[tilespmem:$0x1D800] =	vst v63  }
0x27: {  	s3 =	sadd.s32 $0x2000, s3;
	_ =	sdelay $0x1  }
0x28: {  	_ =	swait.ge [sflag:s16], $0x800  }
0x29: {  	[sflag:s16] =	ssyncset.done $0x0  }
0x2a: {  	[sflag:s16] =	ssyncadd.s32 $0xFFFFF800  }
0x2b: {  	s3 =	simm.s32 $0x0;
	[bflag:$0x0] =	sbarrier.arrive $0xFFFF  }
.LBB2_6:
0x2c: {  	s11 =	sshll.u32 s3, $0xA  }
0x2d: {  	s11 =	sadd.s32 s7, s11  }
0x2e: {  	s11 =	sshrl.u32 s11, $0x3  }
0x2f: {  	s24 =	sadd.s32 s5, s11  }
0x30: {  	[tilespmem:s31], [sflag:$0x2] =	stream.linear.gather [hbm4b:s24+s31], $0x400, $0x38;
	[tilespmem:$0x1D800] =	vst v63  }
0x31: {  	_ =	swait.ge [sflag:s16], $0x400  }
0x32: {  	[sflag:s16] =	ssyncset.done $0x0  }
0x33: {  	s11 =	sadd.s32 s6, s11;
	[sflag:s16] =	ssyncadd.s32 $0xFFFFFC00  }
0x34: {  	[tilespmem:s17], [sflag:$0x2] =	stream.linear.gather [hbm4b:s11+s31], $0x400, $0x38;
	[tilespmem:$0x1D800] =	vst v63  }
0x35: {  	_ =	swait.ge [sflag:s16], $0x400  }
0x36: {  	[sflag:s16] =	ssyncset.done $0x0  }
0x37: {  	s24 =	simm.s32 $0x40;
	s11 =	simm.s32 $0x0;
	[sflag:s16] =	ssyncadd.s32 $0xFFFFFC00  }
.LBB2_7:
0x38: {  	p1 =	sne.s32 s24, $0xFC0;
	v2 =	vld [tilespmem:s11+$0x0];
	_ =	sdelay $0x1  }
.Ltmp4:
0x39: {  	(pc) =	sbr.rel @p1 .LBB2_7-.Ltmp4, $3  }
0x3a: {  	_ =	sdelay $0x1  }
0x3b: {  	v2 =	vadd.s32 v0, v2  }
0x3c: {  	[tilespmem:s11+$0x0] =	vst v2;
	s11 =	sshra.s32 s24, $0x2;
	s24 =	sadd.s32 $0x40, s24  }
0x3d: {  	v2 =	vld [tilespmem:s11+$0x0];
	_ =	sdelay $0x4  }
0x3e: {  	v2 =	vadd.s32 v0, v2  }
0x3f: {  	[tilespmem:s11+$0x0] =	vst v2  }
0x40: {  	[tilespmem:s19], [sflag:$0x1] =	stream.indirect.gather [hbm4b:s4+s18], $0x10, s2, s18, $0xb8;
	[tilespmem:$0x1D800] =	vst v63  }
0x41: {  	_ = 	snop  }
0x42: {  	[tilespmem:s20], [sflag:$0x1] =	stream.indirect.gather [hbm4b:s4+s18], $0x10, s18, s18, $0xb8;
	[tilespmem:$0x1D800] =	vst v63  }
0x43: {  	s24 =	simm.s32 $0x100  }
0x44: {  	[tilespmem:s22], [sflag:$0x1] =	stream.indirect.gather [hbm4b:s4+s18], $0x10, s24, s18, $0xb8;
	[tilespmem:$0x1D800] =	vst v63  }
0x45: {  	s24 =	simm.s32 $0x180  }
0x46: {  	[tilespmem:s25], [sflag:$0x1] =	stream.indirect.gather [hbm4b:s4+s18], $0x10, s24, s18, $0xb8;
	[tilespmem:$0x1D800] =	vst v63  }
0x47: {  	s24 =	simm.s32 $0x200  }
0x48: {  	[tilespmem:s28], [sflag:$0x1] =	stream.indirect.gather [hbm4b:s4+s18], $0x10, s24, s18, $0xb8;
	[tilespmem:$0x1D800] =	vst v63  }
0x49: {  	s24 =	simm.s32 $0x280  }
0x4a: {  	[tilespmem:s30], [sflag:$0x1] =	stream.indirect.gather [hbm4b:s4+s18], $0x10, s24, s18, $0xb8;
	[tilespmem:$0x1D800] =	vst v63  }
0x4b: {  	s24 =	simm.s32 $0x300  }
0x4c: {  	[tilespmem:s0], [sflag:$0x1] =	stream.indirect.gather [hbm4b:s4+s18], $0x10, s24, s18, $0xb8;
	[tilespmem:$0x1D800] =	vst v63  }
0x4d: {  	s24 =	simm.s32 $0x380  }
0x4e: {  	[tilespmem:s8], [sflag:$0x1] =	stream.indirect.gather [hbm4b:s4+s18], $0x10, s24, s18, $0xb8;
	[tilespmem:$0x1D800] =	vst v63  }
0x4f: {  	_ =	swait.ge [sflag:s10], $0x800  }
0x50: {  	[sflag:s10] =	ssyncset.done $0x0  }
0x51: {  	[sflag:s10] =	ssyncadd.s32 $0xFFFFF800  }
0x52: {  	_ =	swait.ge [sflag:s10], $0x800  }
0x53: {  	[sflag:s10] =	ssyncset.done $0x0  }
0x54: {  	[sflag:s10] =	ssyncadd.s32 $0xFFFFF800  }
0x55: {  	_ =	swait.ge [sflag:s10], $0x800  }
0x56: {  	[sflag:s10] =	ssyncset.done $0x0  }
0x57: {  	[sflag:s10] =	ssyncadd.s32 $0xFFFFF800  }
0x58: {  	_ =	swait.ge [sflag:s10], $0x800  }
0x59: {  	[sflag:s10] =	ssyncset.done $0x0  }
0x5a: {  	[sflag:s10] =	ssyncadd.s32 $0xFFFFF800  }
0x5b: {  	_ =	swait.ge [sflag:s10], $0x800  }
0x5c: {  	[sflag:s10] =	ssyncset.done $0x0  }
0x5d: {  	[sflag:s10] =	ssyncadd.s32 $0xFFFFF800  }
0x5e: {  	_ =	swait.ge [sflag:s10], $0x800  }
0x5f: {  	[sflag:s10] =	ssyncset.done $0x0  }
0x60: {  	[sflag:s10] =	ssyncadd.s32 $0xFFFFF800  }
0x61: {  	_ =	swait.ge [sflag:s10], $0x800  }
0x62: {  	[sflag:s10] =	ssyncset.done $0x0  }
0x63: {  	[sflag:s10] =	ssyncadd.s32 $0xFFFFF800  }
0x64: {  	_ =	swait.ge [sflag:s10], $0x800  }
0x65: {  	[sflag:s10] =	ssyncset.done $0x0  }
0x66: {  	[sflag:s10] =	ssyncadd.s32 $0xFFFFF800  }
0x67: {  	[spmem:s1] =	stream.indirect.scatter.add.f32 [tilespmem:s19], [sflag:$0x2], $0x10, s17, s18, $0xb8;
	[tilespmem:$0x1D800] =	vst v63  }
0x68: {  	_ =	swait.ge [sflag:s16], $0x800  }
0x69: {  	[sflag:s16] =	ssyncset.done $0x0  }
0x6a: {  	s24 =	simm.s32 $0x480;
	[sflag:s16] =	ssyncadd.s32 $0xFFFFF800  }
0x6b: {  	[spmem:s1] =	stream.indirect.scatter.add.f32 [tilespmem:s20], [sflag:$0x2], $0x10, s24, s18, $0xb8;
	[tilespmem:$0x1D800] =	vst v63  }
0x6c: {  	_ =	swait.ge [sflag:s16], $0x800  }
0x6d: {  	[sflag:s16] =	ssyncset.done $0x0  }
0x6e: {  	s24 =	simm.s32 $0x500;
	[sflag:s16] =	ssyncadd.s32 $0xFFFFF800  }
0x6f: {  	[spmem:s1] =	stream.indirect.scatter.add.f32 [tilespmem:s22], [sflag:$0x2], $0x10, s24, s18, $0xb8;
	[tilespmem:$0x1D800] =	vst v63  }
0x70: {  	_ =	swait.ge [sflag:s16], $0x800  }
0x71: {  	[sflag:s16] =	ssyncset.done $0x0  }
0x72: {  	[sflag:s16] =	ssyncadd.s32 $0xFFFFF800  }
0x73: {  	[spmem:s1] =	stream.indirect.scatter.add.f32 [tilespmem:s25], [sflag:$0x2], $0x10, s12, s18, $0xb8;
	[tilespmem:$0x1D800] =	vst v63  }
0x74: {  	_ =	swait.ge [sflag:s16], $0x800  }
0x75: {  	[sflag:s16] =	ssyncset.done $0x0  }
0x76: {  	[sflag:s16] =	ssyncadd.s32 $0xFFFFF800  }
0x77: {  	[spmem:s1] =	stream.indirect.scatter.add.f32 [tilespmem:s28], [sflag:$0x2], $0x10, s21, s18, $0xb8;
	[tilespmem:$0x1D800] =	vst v63  }
0x78: {  	_ =	swait.ge [sflag:s16], $0x800  }
0x79: {  	[sflag:s16] =	ssyncset.done $0x0  }
0x7a: {  	[sflag:s16] =	ssyncadd.s32 $0xFFFFF800  }
0x7b: {  	[spmem:s1] =	stream.indirect.scatter.add.f32 [tilespmem:s30], [sflag:$0x2], $0x10, s23, s18, $0xb8;
	[tilespmem:$0x1D800] =	vst v63  }
0x7c: {  	_ =	swait.ge [sflag:s16], $0x800  }
0x7d: {  	[sflag:s16] =	ssyncset.done $0x0  }
0x7e: {  	[sflag:s16] =	ssyncadd.s32 $0xFFFFF800  }
0x7f: {  	[spmem:s1] =	stream.indirect.scatter.add.f32 [tilespmem:s0], [sflag:$0x2], $0x10, s26, s18, $0xb8;
	[tilespmem:$0x1D800] =	vst v63  }
0x80: {  	s3 =	sadd.s32 $0x1, s3;
	_ =	swait.ge [sflag:s16], $0x800  }
0x81: {  	p1 =	sne.s32 s3, $0x64;
	[sflag:s16] =	ssyncset.done $0x0  }
.Ltmp5:
0x82: {  	[sflag:s16] =	ssyncadd.s32 $0xFFFFF800;
	(pc) =	sbr.rel @p1 .LBB2_6-.Ltmp5, $4  }
0x83: {  	[spmem:s1] =	stream.indirect.scatter.add.f32 [tilespmem:s8], [sflag:$0x2], $0x10, s29, s18, $0xb8;
	[tilespmem:$0x1D800] =	vst v63  }
0x84: {  	_ =	swait.ge [sflag:s16], $0x800  }
0x85: {  	[sflag:s16] =	ssyncset.done $0x0  }
0x86: {  	[sflag:s16] =	ssyncadd.s32 $0xFFFFF800  }
.Ltmp6:
0x87: {  	(pc) =	sbr.rel @!p0 .LBB2_10-.Ltmp6, $2  }
0x88: {  	_ =	sdelay $0x1  }
0x89: {  	[bflag:$0x0] =	sbarrier.arrive $0xFFFF;
	_ =	sdelay $0x1  }
0x8a: {  	s3 =	rddreg [dreg:$0x4]  }
0x8b: {  	s11 =	rddreg [dreg:$0x7];
	s24 =	simm.s32 $0x1FC2  }
0x8c: {  	[hbm:s3], [sflag:s24] =	dma.local [spmem:s11], $0x2E40  }
0x8d: {  	_ =	swait.ge [sflag:s16], $0x2E40  }
0x8e: {  	[sflag:s16] =	ssyncset.done $0x0  }
0x8f: {  	s24 =	sadd.s32 $0x0, s14;
	[sflag:s16] =	ssyncadd.s32 $0xFFFFD1C0  }
0x90: {  	[tilespmem:s15], [sflag:$0x2] =	stream.linear.gather [hbm4b:s24+s2], $0x800, $0x38;
	[tilespmem:$0x1D800] =	vst v63  }
0x91: {  	_ =	swait.ge [sflag:s16], $0x800  }
0x92: {  	s3 =	simm.s32 $0x100;
	[sflag:s16] =	ssyncset.done $0x0  }
.LBB2_14:
0x93: {  	s11 =	sadd.s32 s3, s14;
	[sflag:s16] =	ssyncadd.s32 $0xFFFFF800;
	p1 =	sne.s32 s3, $0x2D00  }
0x94: {  	[tilespmem:s15], [sflag:$0x2] =	stream.linear.gather [hbm4b:s11+s2], $0x800, $0x38;
	[tilespmem:$0x1D800] =	vst v63  }
.Ltmp7:
0x95: {  	_ = 	snop;
	(pc) =	sbr.rel @p1 .LBB2_14-.Ltmp7, $4  }
0x96: {  	_ = 	snop  }
0x97: {  	s3 =	sadd.s32 $0x100, s3  }
0x98: {  	_ =	swait.ge [sflag:s16], $0x800  }
0x99: {  	[sflag:s16] =	ssyncset.done $0x0  }
.Ltmp8:
0x9a: {  	[sflag:s16] =	ssyncadd.s32 $0xFFFFF800;
	s3 =	rddreg [dreg:$0x5];
	(pc) =	sbr.rel .LBB2_16-.Ltmp8, $4  }
0x9b: {  	[tilespmem:s15], [sflag:$0x2] =	stream.linear.gather [hbm4b:s3+s2], $0x200, $0x38;
	[tilespmem:$0x1D800] =	vst v63  }
0x9c: {  	_ =	swait.ge [sflag:s16], $0x200  }
0x9d: {  	[sflag:s16] =	ssyncset.done $0x0  }
0x9e: {  	s11 =	rddreg [dreg:$0x8];
	[sflag:s16] =	ssyncadd.s32 $0xFFFFFE00  }
.LBB2_10:
0x9f: {  	s3 =	stileid.u32  }
0xa0: {  	s3 =	sshll.u32 s3, $0x6  }
0xa1: {  	s11 =	sshrl.u32 s9, $0x3;
	s24 =	rddreg [dreg:$0x3];
	s3 =	sor.u32 $0x1C02, s3  }
0xa2: {  	[hbm:s24], [sflag:s3] =	dma.local [spmem:s11], $0x3100  }
0xa3: {  	_ =	swait.ge [sflag:s16], $0x3100  }
0xa4: {  	[sflag:s16] =	ssyncset.done $0x0  }
0xa5: {  	s24 =	sadd.s32 $0x0, s13;
	[sflag:s16] =	ssyncadd.s32 $0xFFFFCF00  }
0xa6: {  	[tilespmem:s15], [sflag:$0x2] =	stream.linear.gather [hbm4b:s24+s2], $0x800, $0x38;
	[tilespmem:$0x1D800] =	vst v63  }
0xa7: {  	_ =	swait.ge [sflag:s16], $0x800  }
0xa8: {  	s3 =	simm.s32 $0x100;
	[sflag:s16] =	ssyncset.done $0x0  }
.LBB2_11:
0xa9: {  	s11 =	sadd.s32 s3, s13;
	[sflag:s16] =	ssyncadd.s32 $0xFFFFF800;
	p1 =	seq.s32 s3, $0x3000  }
0xaa: {  	[tilespmem:s15], [sflag:$0x2] =	stream.linear.gather [hbm4b:s11+s2], $0x800, $0x38;
	[tilespmem:$0x1D800] =	vst v63  }
.Ltmp9:
0xab: {  	_ = 	snop;
	(pc) =	sbr.rel @!p1 .LBB2_11-.Ltmp9, $4  }
0xac: {  	_ = 	snop  }
0xad: {  	s3 =	sadd.s32 $0x100, s3  }
0xae: {  	_ =	swait.ge [sflag:s16], $0x800  }
0xaf: {  	[sflag:s16] =	ssyncset.done $0x0  }
.Ltmp10:
0xb0: {  	(pc) =	sbr.rel .LBB2_16-.Ltmp10, $2  }
0xb1: {  	_ =	sdelay $0x2  }
0xb2: {  	[sflag:s16] =	ssyncadd.s32 $0xFFFFF800;
	s11 =	rddreg [dreg:$0x8]  }
.LBB2_17:
0xb3: {  	_ =	sfence.sel $0x180000  }
0xb4: {  	[bflag:$0x0] =	sbarrier.arrive $0xFFFF  }
0xb5: {  	_ =	strace $0x9000004D  }
0xb6: {  	s0 =	stileid.u32;
	[bflag:$0x2] =	sbarrier.arrive $0xFFFF  }
0xb7: {  	p0 =	sne.s32 s0, $0x0;
	s0 =	rddreg [dreg:$0x2]  }
0xb8: {  	s0 =	sadd.s32 @!p0 $0x100000, s0  }
0xb9: {  	[sflag:s0] =	ssyncadd.tile.s32 @!p0 $0x1;
	_ =	shalt  }
.Lfunc_end2:
_tile_overlayer_lowered:
.L_overlay_start_2:
0xba: {  	(tag) =	ssettag $0x2  }
0xbb: {  	s0 =	rddreg [dreg:$0x0];
	s2 =	stileid.u32  }
0xbc: {  	s1 =	rddreg [dreg:$0x1];
	p0 =	sne.s32 s2, $0x0  }
0xbd: {  	s3 =	rddreg [dreg:$0x2];
	[bflag:$0x3] =	sbarrier.arrive $0xFFFF;
	s2 =	simm.s32 @!p0 $0x1C02  }
0xbe: {  	[timem:s3], [sflag:s2] =	dma.local @!p0 [hbm:s0], s1  }
0xbf: {  	s0 =	simm.s32 @!p0 $0x2  }
0xc0: {  	_ =	swait.ge @!p0 [sflag:s0], s1  }
0xc1: {  	s1 =	ssub.s32 @!p0 $0x0, s1;
	[sflag:s0] =	ssyncset.done @!p0 $0x0  }
0xc2: {  	[sflag:s0] =	ssyncadd.s32 @!p0 s1  }
0xc3: {  	[bflag:$0x3] =	sbarrier.arrive $0xFFFF  }
0xc4: {  	_ =	shalt  }

// kernel: kernel.30.cloned.1.call-start
scs
__scs_entry_jumppad:
0x0: {  	(pc) =	sbr.rel $0x88, $3  }
0x1: {  	(tag) =	ssettag $0x0;
	lr =	simm.s32 $0x1  }
0x2: {  	[smem:$0x3F76] =	sst lr;
	_ =	strace $0xD0000000  }
0x3: {  	_ = 	snop  }
0x4: {  	_ = 	snop  }
0x5: {  	_ = 	snop  }
0x6: {  	_ = 	snop  }
0x7: {  	_ = 	snop  }
__scs_overlays_trampoline_lowered:
0x8: {  	[smem:$0x3F85] =	sst s0  }
0x9: {  	[smem:$0x3F86] =	sst s1  }
0xa: {  	[smem:$0x3F87] =	sst s2  }
0xb: {  	[smem:$0x3F88] =	sst s3  }
0xc: {  	[smem:$0x3F89] =	sst s4  }
0xd: {  	[smem:$0x3F8A] =	sst s5  }
0xe: {  	[smem:$0x3F8B] =	sst s6  }
0xf: {  	[smem:$0x3F8C] =	sst s7  }
0x10: {  	[smem:$0x3F8D] =	sst s8  }
0x11: {  	[smem:$0x3F8E] =	sst s9;
	s0 =	simm.s32 @!p0 $0x0  }
0x12: {  	s1 =	sld [smem:$0x3F74];
	s0 =	simm.s32 @p0 $0x1  }
0x13: {  	[smem:$0x3F8F] =	sst s0;
	s0 =	simm.s32 @!p1 $0x0  }
0x14: {  	s2 =	sld [smem:$0x3F73];
	s0 =	simm.s32 @p1 $0x1  }
0x15: {  	[smem:$0x3F90] =	sst s0;
	s0 =	simm.s32 @!p2 $0x0  }
0x16: {  	s3 =	sld [smem:$0x3FDB];
	s0 =	simm.s32 @p2 $0x1  }
0x17: {  	s4 =	simm.s32 $0x1BF5;
	[smem:$0x3F92] =	sst s0  }
0x18: {  	s0 =	sld [smem:$0x3F75];
	_ =	swait.ge [sflag:s4], $0x0  }
0x19: {  	s7 =	sld [smem:$0x3F76]  }
0x1a: {  	s8 =	sadd.s32 $0xFFFFE003, lr  }
0x1b: {  	s9 =	sadd.s32 $0xFFFFFEF7, lr;
	s5 =	simm.s32 $0xFFFFFFFF;
	p2 =	slt.u32 s8, $0xFFFFF086  }
0x1c: {  	p1 =	slt.u32 s9, $0xF7A;
	s5 =	simm.s32 @!p2 $0x0  }
0x1d: {  	s5 =	simm.s32 @p1 $0x1;
	p0 =	seq.s32 s7, s2  }
0x1e: {  	s7 =	smul.u32 @!p0 $0xF7A, s2;
	p2 =	seq.s32 @!p0 s5, $0x0  }
0x1f: {  	s9 =	smul.u32 $0xF7A, s1;
	s8 =	simm.s32 @!p0 $0x1BF5;
	p2 =	por !p2, p0  }
0x20: {  	[sflag:s8] =	ssyncset.s32 @!p0 $0xFFFFF086;
	s6 =	sadd.s32 @!p0 s3, s7;
	s7 =	simm.s32 @!p0 $0x108  }
0x21: {  	s3 =	sadd.s32 s3, s9;
	s6 =	sadd.s32 @!p0 $0x88, s6;
	s7 =	simm.s32 @p2 $0x1082  }
0x22: {  	[simem:s7], [sflag:s8] =	dma.local @!p0 [hbm:s6], $0xF7A  }
0x23: {  	s9 =	sor.u32 $0xD0000000, s2;
	s6 =	simm.s32 $0x108;
	_ =	swait.ge @!p0 [sflag:s8], $0x0  }
0x24: {  	s3 =	sadd.s32 $0x88, s3;
	s6 =	simm.s32 @!p1 $0x1082;
	[sflag:s4] =	ssyncset.s32 $0xFFFFF086  }
0x25: {  	[simem:s6], [sflag:s4] =	dma.local [hbm:s3], $0xF7A  }
0x26: {  	[smem:$0x3F76] =	sst s1;
	(tag) =	ssettag s2;
	_ =	strace s9  }
0x27: {  	s1 =	sld [smem:$0x3F86]  }
0x28: {  	s2 =	sld [smem:$0x3F87]  }
0x29: {  	s4 =	sld [smem:$0x3F89]  }
0x2a: {  	p0 =	seq.s32 s5, $0x0;
	s5 =	sld [smem:$0x3F8A]  }
0x2b: {  	s6 =	sld [smem:$0x3F8B]  }
0x2c: {  	s7 =	sld [smem:$0x3F8C]  }
0x2d: {  	s3 =	simm.s32 $0x108;
	s8 =	sld [smem:$0x3F8D]  }
0x2e: {  	s3 =	simm.s32 @!p0 $0x1082;
	s9 =	sld [smem:$0x3F8E]  }
0x2f: {  	lr =	sadd.s32 s0, s3;
	s0 =	sld [smem:$0x3F85]  }
0x30: {  	s3 =	sld [smem:$0x3F88]  }
0x31: {  	[smem:$0x3F91] =	sst s10  }
0x32: {  	s10 =	sld [smem:$0x3F8F];
	_ =	sdelay $0x3  }
0x33: {  	p0 =	seq.s32 s10, $0x1;
	s10 =	sld [smem:$0x3F91];
	_ =	sdelay $0x3  }
0x34: {  	[smem:$0x3F91] =	sst s10  }
0x35: {  	s10 =	sld [smem:$0x3F90];
	_ =	sdelay $0x3  }
0x36: {  	p1 =	seq.s32 s10, $0x1;
	s10 =	sld [smem:$0x3F91];
	_ =	sdelay $0x3  }
0x37: {  	[smem:$0x3F91] =	sst s10  }
0x38: {  	s10 =	sld [smem:$0x3F92]  }
0x39: {  	_ = 	snop;
	(pc) =	sbr.ind lr, $3  }
0x3a: {  	_ = 	snop  }
0x3b: {  	_ = 	snop  }
0x3c: {  	p2 =	seq.s32 s10, $0x1;
	s10 =	sld [smem:$0x3F91]  }
0x3d: {  	_ =	shalt  }
0x3e: {  	_ =	shalt  }
0x3f: {  	_ =	shalt  }
0x40: {  	_ =	shalt  }
0x41: {  	_ =	shalt  }
0x42: {  	_ =	shalt  }
0x43: {  	_ =	shalt  }
0x44: {  	_ =	shalt  }
0x45: {  	_ =	shalt  }
0x46: {  	_ =	shalt  }
0x47: {  	_ =	shalt  }
0x48: {  	_ =	shalt  }
0x49: {  	_ =	shalt  }
0x4a: {  	_ =	shalt  }
0x4b: {  	_ =	shalt  }
0x4c: {  	_ =	shalt  }
0x4d: {  	_ =	shalt  }
0x4e: {  	_ =	shalt  }
0x4f: {  	_ =	shalt  }
0x50: {  	_ =	shalt  }
0x51: {  	_ =	shalt  }
0x52: {  	_ =	shalt  }
0x53: {  	_ =	shalt  }
0x54: {  	_ =	shalt  }
0x55: {  	_ =	shalt  }
0x56: {  	_ =	shalt  }
0x57: {  	_ =	shalt  }
0x58: {  	_ =	shalt  }
0x59: {  	_ =	shalt  }
0x5a: {  	_ =	shalt  }
0x5b: {  	_ =	shalt  }
0x5c: {  	_ =	shalt  }
0x5d: {  	_ =	shalt  }
0x5e: {  	_ =	shalt  }
0x5f: {  	_ =	shalt  }
0x60: {  	_ =	shalt  }
0x61: {  	_ =	shalt  }
0x62: {  	_ =	shalt  }
0x63: {  	_ =	shalt  }
0x64: {  	_ =	shalt  }
0x65: {  	_ =	shalt  }
0x66: {  	_ =	shalt  }
0x67: {  	_ =	shalt  }
0x68: {  	_ =	shalt  }
0x69: {  	_ =	shalt  }
0x6a: {  	_ =	shalt  }
0x6b: {  	_ =	shalt  }
0x6c: {  	_ =	shalt  }
0x6d: {  	_ =	shalt  }
0x6e: {  	_ =	shalt  }
0x6f: {  	_ =	shalt  }
0x70: {  	_ =	shalt  }
0x71: {  	_ =	shalt  }
0x72: {  	_ =	shalt  }
0x73: {  	_ =	shalt  }
0x74: {  	_ =	shalt  }
0x75: {  	_ =	shalt  }
0x76: {  	_ =	shalt  }
0x77: {  	_ =	shalt  }
0x78: {  	_ =	shalt  }
0x79: {  	_ =	shalt  }
0x7a: {  	_ =	shalt  }
0x7b: {  	_ =	shalt  }
0x7c: {  	_ =	shalt  }
0x7d: {  	_ =	shalt  }
0x7e: {  	_ =	shalt  }
0x7f: {  	_ =	shalt  }
0x80: {  	_ =	shalt  }
0x81: {  	_ =	shalt  }
0x82: {  	_ =	shalt  }
0x83: {  	_ =	shalt  }
0x84: {  	_ =	shalt  }
0x85: {  	_ =	shalt  }
0x86: {  	_ =	shalt  }
0x87: {  	_ =	shalt  }
.Lfunc_end0:
.L_simem_size_0:
called_computation.3_lowered:
.L_overlay_start_0:
0x88: {  	s2 =	sld [smem:$0x3FD9]  }
0x89: {  	s3 =	sld [smem:$0x3FFE];
	_ =	sdelay $0x1  }
0x8a: {  	s1 =	srdreg.scid  }
0x8b: {  	s0 =	sand.u32 $0x1, s1  }
0x8c: {  	s16 =	sshll.u32 s0, $0xA;
	s2 =	sadd.s32 s3, s2  }
0x8d: {  	s2 =	sadd.s32 s2, s16  }
0x8e: {  	[smem:$0x3F9D] =	sst s2  }
0x8f: {  	_ = 	snop  }
0x90: {  	(tm) =	ssettm $0x1  }
0x91: {  	s17 =	sld [smem:$0x3FFB];
	_ =	sdelay $0x3  }
0x92: {  	_ =	strace s17  }
0x93: {  	s2 =	sld [smem:$0x3FFC];
	_ =	sdelay $0x3  }
0x94: {  	_ =	strace s2  }
0x95: {  	s2 =	sld [smem:$0x3FFD];
	_ =	sdelay $0x3  }
0x96: {  	_ =	strace s2  }
0x97: {  	_ =	strace $0x8FFFFFFF  }
0x98: {  	s18 =	sld [smem:$0x3FDB];
	_ =	sdelay $0x1  }
0x99: {  	s19 =	simm.s32 $_scs_section_size  }
0x9a: {  	s4 =	simm.s32 $_size__tile_overlayer_lowered;
	s5 =	simm.s32 $_tile_overlayer_lowered  }
0x9b: {  	s22 =	simm.s32 $0x1BFF;
	s21 =	sshll.u32 s5, $0x1;
	s2 =	sadd.s32 s19, s18  }
0x9c: {  	s6 =	simm.s32 $0x0;
	s20 =	sshll.u32 s4, $0x1;
	s4 =	sadd.s32 s21, s2  }
0x9d: {  	[timem:s6], [sflag:s22] =	dma.local [hbm:s4], s20  }
0x9e: {  	_ =	swait.ge [sflag:s22], s20  }
0x9f: {  	s3 =	ssub.s32 $0x0, s20;
	[sflag:s22] =	ssyncset.done $0x0  }
0xa0: {  	[sflag:s22] =	ssyncadd.s32 s3;
	_ =	sdelay $0x1  }
0xa1: {  	s23 =	simm.s32 $0x1B8B  }
0xa2: {  	_ =	swait.ge [sflag:s23], $0x1  }
0xa3: {  	[sflag:s23] =	ssyncset.done $0x0  }
0xa4: {  	s25 =	simm.s32 $0x1B8E;
	s24 =	sld [smem:$0x3FFE];
	[sflag:s23] =	ssyncadd.s32 $0xFFFFFFFF  }
0xa5: {  	s26 =	simm.s32 $execute0_lowered;
	[smem:$0x3FD2] =	sst s25  }
0xa6: {  	s4 =	sshll.u32 s26, $0x1;
	_ =	strace $0x8000004F;
	[dreg:$0x1] =	wrdreg $0xFFFFFFFF  }
0xa7: {  	s28 =	simm.s32 $_size_execute0_lowered;
	s2 =	sadd.s32 s2, s4;
	[dreg:$0x0] =	wrdreg $0x0  }
0xa8: {  	s4 =	sshll.u32 s28, $0x1;
	[dreg:$0x2] =	wrdreg s2  }
0xa9: {  	[dreg:$0x3] =	wrdreg s4  }
0xaa: {  	[dreg:$0x4] =	wrdreg $0xC0  }
0xab: {  	_ =	task [dreg:s6], $0x5FFFF  }
0xac: {  	[dreg:$0x1] =	wrdreg $0xFFFFFFFF  }
0xad: {  	[dreg:$0x0] =	wrdreg $0x60  }
0xae: {  	[dreg:$0x2] =	wrdreg s24  }
0xaf: {  	[dreg:$0x3] =	wrdreg $0x50000  }
0xb0: {  	[dreg:$0x4] =	wrdreg $0x9  }
0xb1: {  	_ =	task.clear_ibuf [dreg:s6], $0x5FFFF;
	_ =	strace $0x9000004F  }
0xb2: {  	s29 =	simm.s32 $0x9;
	_ =	strace $0x80000051  }
0xb3: {  	_ =	swait.ge [sflag:s29], $0x1  }
0xb4: {  	[sflag:s29] =	ssyncadd.s32 $0xFFFFFFFF  }
0xb5: {  	_ =	strace $0x90000051  }
0xb6: {  	_ =	sfence  }
0xb7: {  	s30 =	sld [smem:$0x0];
	_ =	sdelay $0x2  }
0xb8: {  	s31 =	sshll.u32 s1, $0xD;
	s1 =	sshrl.u32 s1, $0x2  }
0xb9: {  	s3 =	sand.u32 $0x4000, s31;
	s1 =	sadd.s32 s1, s30  }
0xba: {  	s0 =	sor.u32 s3, s0;
	s1 =	sshll.u32 s1, $0x11  }
0xbb: {  	s0 =	sor.u32 s1, s0  }
0xbc: {  	s0 =	sadd.s32 $0x8F2B, s0  }
0xbd: {  	[sflag:s0] =	ssyncadd.remote.s32 $0x1  }
0xbe: {  	_ =	sfence.sel $0xFFFF  }
0xbf: {  	[dreg:$0x0] =	wrdreg $0xFFFFFFFF;
	(pc) =	sbr.abs _section_cstart, $3  }
0xc0: {  	[dreg:$0x1] =	wrdreg $0xFFFFFFFF  }
0xc1: {  	_ =	task.clear_ibuf [dreg:s6], $0x2FFFF;
	_ =	strace $0x9FFFFFFF  }
0xc2: {  	(tm) =	ssettm $0x7FFFFFFF  }
0xc3: {  	_ =	shalt  }
tec
execute0_lowered:
.L_overlay_start_1:
0x0: {  	(tag) =	ssettag $0x1  }
0x1: {  	s0 =	rddreg [dreg:$0x0]  }
0x2: {  	s1 =	rddreg [dreg:$0x1];
	s2 =	simm.s32 $0x0;
	s3 =	srdreg.scid  }
0x3: {  	s23 =	stileid.u32;
	s15 =	simm.s32 $0x4800;
	s16 =	simm.s32 $0x2  }
0x4: {  	s28 =	simm.s32 $0x2800;
	s30 =	simm.s32 $0x3000;
	s29 =	simm.s32 $0x780  }
0x5: {  	[smem:$0x7FF] =	sst s2;
	s3 =	sand.u32 $0x1, s3;
	s7 =	smul.u32 $0x1880, s23  }
0x6: {  	s4 =	sadd.s32 $0x9400, s0;
	s5 =	sadd.s32 $0x9D000, s0;
	s12 =	smul.u32 $0x62000, s23  }
0x7: {  	s6 =	sadd.s32 $0x6B000, s0;
	s0 =	sadd.s32 $0xCF000, s0;
	s24 =	smul.u32 $0x3100, s23  }
0x8: {  	s21 =	sadd.s32 $0x16F800, s1;
	p0 =	seq.s32 s23, $0xF;
	s11 =	smul.u32 $0x186A0, s3  }
0x9: {  	s31 =	simm.s32 $0x0;
	_ =	strace $0x80000050;
	s10 =	smul.u32 $0x186A00, s3  }
0xa: {  	s8 =	ssub.s32 $0x2, s3;
	s3 =	smul.u32 $0x30D40, s3;
	s26 =	sshrl.u32 s21, $0x3  }
0xb: {  	s21 =	simm.s32 $0x600;
	s9 =	sshrl.u32 s8, $0x1;
	s19 =	sshrl.u32 s12, $0x2  }
0xc: {  	[dreg:$0x7] =	wrdreg s26;
	s26 =	simm.s32 $0x700;
	s7 =	sadd.s32 s7, s11  }
0xd: {  	s8 =	ssub.s32 s8, s9;
	s18 =	sshrl.u32 s10, $0x3;
	s10 =	simm.s32 $0x1  }
0xe: {  	v0 =	vmov s11;
	s11 =	simm.s32 $0x0;
	s17 =	sshll.u32 s7, $0x1;
	s7 =	smul.u32 $0x19000, s23  }
0xf: {  	s20 =	sadd.s32 s0, s18;
	s25 =	smax.u32 s8, $0x1;
	s18 =	simm.s32 $0x80  }
0x10: {  	s8 =	simm.s32 $0x4000;
	s23 =	simm.s32 $0x680;
	s9 =	sadd.s32 s0, s17  }
0x11: {  	s22 =	sadd.s32 $0x2DF00, s20;
	s12 =	sadd.s32 $0x30D00, s20;
	[dreg:$0x6] =	wrdreg s25  }
.Ltmp0:
0x12: {  	s0 =	sadd.s32 s3, s0;
	[dreg:$0x3] =	wrdreg s9;
	(pc) =	sbr.rel .LBB2_1-.Ltmp0, $4  }
0x13: {  	s17 =	simm.s32 $0x400;
	s20 =	simm.s32 $0x1000;
	[dreg:$0x4] =	wrdreg s22  }
0x14: {  	s25 =	simm.s32 $0x2000;
	s9 =	sadd.s32 s19, s1;
	[dreg:$0x5] =	wrdreg s12  }
0x15: {  	s13 =	sadd.s32 s24, s0;
	s14 =	sadd.s32 $0x2DF00, s0;
	s19 =	simm.s32 $0x800  }
0x16: {  	v1 =	vimm.f32 $0.0e+00;
	s22 =	simm.s32 $0x1800;
	s0 =	simm.s32 $0x3800;
	s12 =	simm.s32 $0x580  }
.LBB2_16:
0x17: {  	s11 =	sadd.s32 $0x1, s11;
	s3 =	rddreg [dreg:$0x6]  }
0x18: {  	p1 =	sne.s32 s11, s3  }
.Ltmp1:
0x19: {  	_ = 	snop;
	(pc) =	sbr.rel @!p1 .LBB2_17-.Ltmp1, $1  }
0x1a: {  	_ =	sdelay $0x3  }
.LBB2_1:
0x1b: {  	[dreg:$0x8] =	wrdreg s11;
	s3 =	simm.s32 $0x0  }
.LBB2_2:
0x1c: {  	p1 =	sne.s32 s3, $0x1FC0  }
.Ltmp2:
0x1d: {  	_ = 	snop;
	(pc) =	sbr.rel @p1 .LBB2_2-.Ltmp2, $3  }
0x1e: {  	_ =	sdelay $0x1  }
0x1f: {  	s11 =	sshra.s32 s3, $0x2  }
0x20: {  	s3 =	sadd.s32 $0x40, s3;
	[tilespmem:s11+$0x4800] =	vst v1  }
0x21: {  	s3 =	sadd.s32 $0x0, s9  }
0x22: {  	[spmem:s3] =	stream.linear.scatter [tilespmem:s15], [sflag:$0x2], $0x800, $0x38;
	[tilespmem:$0x1D800] =	vst v63  }
0x23: {  	s3 =	simm.s32 $0x2000;
	_ =	swait.ge [sflag:s16], $0x800  }
.LBB2_4:
0x24: {  	s11 =	sshra.s32 s3, $0x2;
	[sflag:s16] =	ssyncset.done $0x0;
	p1 =	sne.s32 s3, $0x60000  }
.Ltmp3:
0x25: {  	s11 =	sadd.s32 s11, s9;
	[sflag:s16] =	ssyncadd.s32 $0xFFFFF800;
	(pc) =	sbr.rel @p1 .LBB2_4-.Ltmp3, $3  }
0x26: {  	[spmem:s11] =	stream.linear.scatter [tilespmem:s15], [sflag:$0x2], $0x800, $0x38;
	[tilespmem:$0x1D800] =	vst v63  }
0x27: {  	s3 =	sadd.s32 $0x2000, s3;
	_ =	sdelay $0x1  }
0x28: {  	_ =	swait.ge [sflag:s16], $0x800  }
0x29: {  	[sflag:s16] =	ssyncset.done $0x0  }
0x2a: {  	[sflag:s16] =	ssyncadd.s32 $0xFFFFF800  }
0x2b: {  	s3 =	simm.s32 $0x0;
	[bflag:$0x0] =	sbarrier.arrive $0xFFFF  }
.LBB2_6:
0x2c: {  	s11 =	sshll.u32 s3, $0xA  }
0x2d: {  	s11 =	sadd.s32 s7, s11  }
0x2e: {  	s11 =	sshrl.u32 s11, $0x3  }
0x2f: {  	s24 =	sadd.s32 s5, s11  }
0x30: {  	[tilespmem:s31], [sflag:$0x2] =	stream.linear.gather [hbm4b:s24+s31], $0x400, $0x38;
	[tilespmem:$0x1D800] =	vst v63  }
0x31: {  	_ =	swait.ge [sflag:s16], $0x400  }
0x32: {  	[sflag:s16] =	ssyncset.done $0x0  }
0x33: {  	s11 =	sadd.s32 s6, s11;
	[sflag:s16] =	ssyncadd.s32 $0xFFFFFC00  }
0x34: {  	[tilespmem:s17], [sflag:$0x2] =	stream.linear.gather [hbm4b:s11+s31], $0x400, $0x38;
	[tilespmem:$0x1D800] =	vst v63  }
0x35: {  	_ =	swait.ge [sflag:s16], $0x400  }
0x36: {  	[sflag:s16] =	ssyncset.done $0x0  }
0x37: {  	s24 =	simm.s32 $0x40;
	s11 =	simm.s32 $0x0;
	[sflag:s16] =	ssyncadd.s32 $0xFFFFFC00  }
.LBB2_7:
0x38: {  	p1 =	sne.s32 s24, $0xFC0;
	v2 =	vld [tilespmem:s11+$0x0];
	_ =	sdelay $0x1  }
.Ltmp4:
0x39: {  	(pc) =	sbr.rel @p1 .LBB2_7-.Ltmp4, $3  }
0x3a: {  	_ =	sdelay $0x1  }
0x3b: {  	v2 =	vadd.s32 v0, v2  }
0x3c: {  	[tilespmem:s11+$0x0] =	vst v2;
	s11 =	sshra.s32 s24, $0x2;
	s24 =	sadd.s32 $0x40, s24  }
0x3d: {  	v2 =	vld [tilespmem:s11+$0x0];
	_ =	sdelay $0x4  }
0x3e: {  	v2 =	vadd.s32 v0, v2  }
0x3f: {  	[tilespmem:s11+$0x0] =	vst v2  }
0x40: {  	[tilespmem:s19], [sflag:$0x1] =	stream.indirect.gather [hbm4b:s4+s18], $0x10, s2, s18, $0xb8;
	[tilespmem:$0x1D800] =	vst v63  }
0x41: {  	_ = 	snop  }
0x42: {  	[tilespmem:s20], [sflag:$0x1] =	stream.indirect.gather [hbm4b:s4+s18], $0x10, s18, s18, $0xb8;
	[tilespmem:$0x1D800] =	vst v63  }
0x43: {  	s24 =	simm.s32 $0x100  }
0x44: {  	[tilespmem:s22], [sflag:$0x1] =	stream.indirect.gather [hbm4b:s4+s18], $0x10, s24, s18, $0xb8;
	[tilespmem:$0x1D800] =	vst v63  }
0x45: {  	s24 =	simm.s32 $0x180  }
0x46: {  	[tilespmem:s25], [sflag:$0x1] =	stream.indirect.gather [hbm4b:s4+s18], $0x10, s24, s18, $0xb8;
	[tilespmem:$0x1D800] =	vst v63  }
0x47: {  	s24 =	simm.s32 $0x200  }
0x48: {  	[tilespmem:s28], [sflag:$0x1] =	stream.indirect.gather [hbm4b:s4+s18], $0x10, s24, s18, $0xb8;
	[tilespmem:$0x1D800] =	vst v63  }
0x49: {  	s24 =	simm.s32 $0x280  }
0x4a: {  	[tilespmem:s30], [sflag:$0x1] =	stream.indirect.gather [hbm4b:s4+s18], $0x10, s24, s18, $0xb8;
	[tilespmem:$0x1D800] =	vst v63  }
0x4b: {  	s24 =	simm.s32 $0x300  }
0x4c: {  	[tilespmem:s0], [sflag:$0x1] =	stream.indirect.gather [hbm4b:s4+s18], $0x10, s24, s18, $0xb8;
	[tilespmem:$0x1D800] =	vst v63  }
0x4d: {  	s24 =	simm.s32 $0x380  }
0x4e: {  	[tilespmem:s8], [sflag:$0x1] =	stream.indirect.gather [hbm4b:s4+s18], $0x10, s24, s18, $0xb8;
	[tilespmem:$0x1D800] =	vst v63  }
0x4f: {  	_ =	swait.ge [sflag:s10], $0x800  }
0x50: {  	[sflag:s10] =	ssyncset.done $0x0  }
0x51: {  	[sflag:s10] =	ssyncadd.s32 $0xFFFFF800  }
0x52: {  	_ =	swait.ge [sflag:s10], $0x800  }
0x53: {  	[sflag:s10] =	ssyncset.done $0x0  }
0x54: {  	[sflag:s10] =	ssyncadd.s32 $0xFFFFF800  }
0x55: {  	_ =	swait.ge [sflag:s10], $0x800  }
0x56: {  	[sflag:s10] =	ssyncset.done $0x0  }
0x57: {  	[sflag:s10] =	ssyncadd.s32 $0xFFFFF800  }
0x58: {  	_ =	swait.ge [sflag:s10], $0x800  }
0x59: {  	[sflag:s10] =	ssyncset.done $0x0  }
0x5a: {  	[sflag:s10] =	ssyncadd.s32 $0xFFFFF800  }
0x5b: {  	_ =	swait.ge [sflag:s10], $0x800  }
0x5c: {  	[sflag:s10] =	ssyncset.done $0x0  }
0x5d: {  	[sflag:s10] =	ssyncadd.s32 $0xFFFFF800  }
0x5e: {  	_ =	swait.ge [sflag:s10], $0x800  }
0x5f: {  	[sflag:s10] =	ssyncset.done $0x0  }
0x60: {  	[sflag:s10] =	ssyncadd.s32 $0xFFFFF800  }
0x61: {  	_ =	swait.ge [sflag:s10], $0x800  }
0x62: {  	[sflag:s10] =	ssyncset.done $0x0  }
0x63: {  	[sflag:s10] =	ssyncadd.s32 $0xFFFFF800  }
0x64: {  	_ =	swait.ge [sflag:s10], $0x800  }
0x65: {  	[sflag:s10] =	ssyncset.done $0x0  }
0x66: {  	[sflag:s10] =	ssyncadd.s32 $0xFFFFF800  }
0x67: {  	[spmem:s1] =	stream.indirect.scatter.add.f32 [tilespmem:s19], [sflag:$0x2], $0x10, s17, s18, $0xb8;
	[tilespmem:$0x1D800] =	vst v63  }
0x68: {  	_ =	swait.ge [sflag:s16], $0x800  }
0x69: {  	[sflag:s16] =	ssyncset.done $0x0  }
0x6a: {  	s24 =	simm.s32 $0x480;
	[sflag:s16] =	ssyncadd.s32 $0xFFFFF800  }
0x6b: {  	[spmem:s1] =	stream.indirect.scatter.add.f32 [tilespmem:s20], [sflag:$0x2], $0x10, s24, s18, $0xb8;
	[tilespmem:$0x1D800] =	vst v63  }
0x6c: {  	_ =	swait.ge [sflag:s16], $0x800  }
0x6d: {  	[sflag:s16] =	ssyncset.done $0x0  }
0x6e: {  	s24 =	simm.s32 $0x500;
	[sflag:s16] =	ssyncadd.s32 $0xFFFFF800  }
0x6f: {  	[spmem:s1] =	stream.indirect.scatter.add.f32 [tilespmem:s22], [sflag:$0x2], $0x10, s24, s18, $0xb8;
	[tilespmem:$0x1D800] =	vst v63  }
0x70: {  	_ =	swait.ge [sflag:s16], $0x800  }
0x71: {  	[sflag:s16] =	ssyncset.done $0x0  }
0x72: {  	[sflag:s16] =	ssyncadd.s32 $0xFFFFF800  }
0x73: {  	[spmem:s1] =	stream.indirect.scatter.add.f32 [tilespmem:s25], [sflag:$0x2], $0x10, s12, s18, $0xb8;
	[tilespmem:$0x1D800] =	vst v63  }
0x74: {  	_ =	swait.ge [sflag:s16], $0x800  }
0x75: {  	[sflag:s16] =	ssyncset.done $0x0  }
0x76: {  	[sflag:s16] =	ssyncadd.s32 $0xFFFFF800  }
0x77: {  	[spmem:s1] =	stream.indirect.scatter.add.f32 [tilespmem:s28], [sflag:$0x2], $0x10, s21, s18, $0xb8;
	[tilespmem:$0x1D800] =	vst v63  }
0x78: {  	_ =	swait.ge [sflag:s16], $0x800  }
0x79: {  	[sflag:s16] =	ssyncset.done $0x0  }
0x7a: {  	[sflag:s16] =	ssyncadd.s32 $0xFFFFF800  }
0x7b: {  	[spmem:s1] =	stream.indirect.scatter.add.f32 [tilespmem:s30], [sflag:$0x2], $0x10, s23, s18, $0xb8;
	[tilespmem:$0x1D800] =	vst v63  }
0x7c: {  	_ =	swait.ge [sflag:s16], $0x800  }
0x7d: {  	[sflag:s16] =	ssyncset.done $0x0  }
0x7e: {  	[sflag:s16] =	ssyncadd.s32 $0xFFFFF800  }
0x7f: {  	[spmem:s1] =	stream.indirect.scatter.add.f32 [tilespmem:s0], [sflag:$0x2], $0x10, s26, s18, $0xb8;
	[tilespmem:$0x1D800] =	vst v63  }
0x80: {  	s3 =	sadd.s32 $0x1, s3;
	_ =	swait.ge [sflag:s16], $0x800  }
0x81: {  	p1 =	sne.s32 s3, $0x64;
	[sflag:s16] =	ssyncset.done $0x0  }
.Ltmp5:
0x82: {  	[sflag:s16] =	ssyncadd.s32 $0xFFFFF800;
	(pc) =	sbr.rel @p1 .LBB2_6-.Ltmp5, $4  }
0x83: {  	[spmem:s1] =	stream.indirect.scatter.add.f32 [tilespmem:s8], [sflag:$0x2], $0x10, s29, s18, $0xb8;
	[tilespmem:$0x1D800] =	vst v63  }
0x84: {  	_ =	swait.ge [sflag:s16], $0x800  }
0x85: {  	[sflag:s16] =	ssyncset.done $0x0  }
0x86: {  	[sflag:s16] =	ssyncadd.s32 $0xFFFFF800  }
.Ltmp6:
0x87: {  	(pc) =	sbr.rel @!p0 .LBB2_10-.Ltmp6, $2  }
0x88: {  	_ =	sdelay $0x1  }
0x89: {  	[bflag:$0x0] =	sbarrier.arrive $0xFFFF;
	_ =	sdelay $0x1  }
0x8a: {  	s3 =	rddreg [dreg:$0x4]  }
0x8b: {  	s11 =	rddreg [dreg:$0x7];
	s24 =	simm.s32 $0x1FC2  }
0x8c: {  	[hbm:s3], [sflag:s24] =	dma.local [spmem:s11], $0x2E40  }
0x8d: {  	_ =	swait.ge [sflag:s16], $0x2E40  }
0x8e: {  	[sflag:s16] =	ssyncset.done $0x0  }
0x8f: {  	s24 =	sadd.s32 $0x0, s14;
	[sflag:s16] =	ssyncadd.s32 $0xFFFFD1C0  }
0x90: {  	[tilespmem:s15], [sflag:$0x2] =	stream.linear.gather [hbm4b:s24+s2], $0x800, $0x38;
	[tilespmem:$0x1D800] =	vst v63  }
0x91: {  	_ =	swait.ge [sflag:s16], $0x800  }
0x92: {  	s3 =	simm.s32 $0x100;
	[sflag:s16] =	ssyncset.done $0x0  }
.LBB2_14:
0x93: {  	s11 =	sadd.s32 s3, s14;
	[sflag:s16] =	ssyncadd.s32 $0xFFFFF800;
	p1 =	sne.s32 s3, $0x2D00  }
0x94: {  	[tilespmem:s15], [sflag:$0x2] =	stream.linear.gather [hbm4b:s11+s2], $0x800, $0x38;
	[tilespmem:$0x1D800] =	vst v63  }
.Ltmp7:
0x95: {  	_ = 	snop;
	(pc) =	sbr.rel @p1 .LBB2_14-.Ltmp7, $4  }
0x96: {  	_ = 	snop  }
0x97: {  	s3 =	sadd.s32 $0x100, s3  }
0x98: {  	_ =	swait.ge [sflag:s16], $0x800  }
0x99: {  	[sflag:s16] =	ssyncset.done $0x0  }
.Ltmp8:
0x9a: {  	[sflag:s16] =	ssyncadd.s32 $0xFFFFF800;
	s3 =	rddreg [dreg:$0x5];
	(pc) =	sbr.rel .LBB2_16-.Ltmp8, $4  }
0x9b: {  	[tilespmem:s15], [sflag:$0x2] =	stream.linear.gather [hbm4b:s3+s2], $0x200, $0x38;
	[tilespmem:$0x1D800] =	vst v63  }
0x9c: {  	_ =	swait.ge [sflag:s16], $0x200  }
0x9d: {  	[sflag:s16] =	ssyncset.done $0x0  }
0x9e: {  	s11 =	rddreg [dreg:$0x8];
	[sflag:s16] =	ssyncadd.s32 $0xFFFFFE00  }
.LBB2_10:
0x9f: {  	s3 =	stileid.u32  }
0xa0: {  	s3 =	sshll.u32 s3, $0x6  }
0xa1: {  	s11 =	sshrl.u32 s9, $0x3;
	s24 =	rddreg [dreg:$0x3];
	s3 =	sor.u32 $0x1C02, s3  }
0xa2: {  	[hbm:s24], [sflag:s3] =	dma.local [spmem:s11], $0x3100  }
0xa3: {  	_ =	swait.ge [sflag:s16], $0x3100  }
0xa4: {  	[sflag:s16] =	ssyncset.done $0x0  }
0xa5: {  	s24 =	sadd.s32 $0x0, s13;
	[sflag:s16] =	ssyncadd.s32 $0xFFFFCF00  }
0xa6: {  	[tilespmem:s15], [sflag:$0x2] =	stream.linear.gather [hbm4b:s24+s2], $0x800, $0x38;
	[tilespmem:$0x1D800] =	vst v63  }
0xa7: {  	_ =	swait.ge [sflag:s16], $0x800  }
0xa8: {  	s3 =	simm.s32 $0x100;
	[sflag:s16] =	ssyncset.done $0x0  }
.LBB2_11:
0xa9: {  	s11 =	sadd.s32 s3, s13;
	[sflag:s16] =	ssyncadd.s32 $0xFFFFF800;
	p1 =	seq.s32 s3, $0x3000  }
0xaa: {  	[tilespmem:s15], [sflag:$0x2] =	stream.linear.gather [hbm4b:s11+s2], $0x800, $0x38;
	[tilespmem:$0x1D800] =	vst v63  }
.Ltmp9:
0xab: {  	_ = 	snop;
	(pc) =	sbr.rel @!p1 .LBB2_11-.Ltmp9, $4  }
0xac: {  	_ = 	snop  }
0xad: {  	s3 =	sadd.s32 $0x100, s3  }
0xae: {  	_ =	swait.ge [sflag:s16], $0x800  }
0xaf: {  	[sflag:s16] =	ssyncset.done $0x0  }
.Ltmp10:
0xb0: {  	(pc) =	sbr.rel .LBB2_16-.Ltmp10, $2  }
0xb1: {  	_ =	sdelay $0x2  }
0xb2: {  	[sflag:s16] =	ssyncadd.s32 $0xFFFFF800;
	s11 =	rddreg [dreg:$0x8]  }
.LBB2_17:
0xb3: {  	_ =	sfence.sel $0x180000  }
0xb4: {  	[bflag:$0x0] =	sbarrier.arrive $0xFFFF  }
0xb5: {  	_ =	strace $0x90000050  }
0xb6: {  	s0 =	stileid.u32;
	[bflag:$0x2] =	sbarrier.arrive $0xFFFF  }
0xb7: {  	p0 =	sne.s32 s0, $0x0;
	s0 =	rddreg [dreg:$0x2]  }
0xb8: {  	s0 =	sadd.s32 @!p0 $0x100000, s0  }
0xb9: {  	[sflag:s0] =	ssyncadd.tile.s32 @!p0 $0x1;
	_ =	shalt  }
.Lfunc_end2:
_tile_overlayer_lowered:
.L_overlay_start_2:
0xba: {  	(tag) =	ssettag $0x2  }
0xbb: {  	s0 =	rddreg [dreg:$0x0];
	s2 =	stileid.u32  }
0xbc: {  	s1 =	rddreg [dreg:$0x1];
	p0 =	sne.s32 s2, $0x0  }
0xbd: {  	s3 =	rddreg [dreg:$0x2];
	[bflag:$0x3] =	sbarrier.arrive $0xFFFF;
	s2 =	simm.s32 @!p0 $0x1C02  }
0xbe: {  	[timem:s3], [sflag:s2] =	dma.local @!p0 [hbm:s0], s1  }
0xbf: {  	s0 =	simm.s32 @!p0 $0x2  }
0xc0: {  	_ =	swait.ge @!p0 [sflag:s0], s1  }
0xc1: {  	s1 =	ssub.s32 @!p0 $0x0, s1;
	[sflag:s0] =	ssyncset.done @!p0 $0x0  }
0xc2: {  	[sflag:s0] =	ssyncadd.s32 @!p0 s1  }
0xc3: {  	[bflag:$0x3] =	sbarrier.arrive $0xFFFF  }
0xc4: {  	_ =	shalt  }

</sc_bundles>
